<compile_context>
chip_gen: v7x
topology: tpu7x:2x2x1
jax: 0.10.2.dev20260603
libtpu: 0.0.44.dev20260713+nightly
codegen_flags: <defaults>
</compile_context>

<pallas_src>
import functools
import math

import jax
import jax.numpy as jnp
from jax import lax
from jax.experimental import pallas as pl
from jax.experimental.pallas import tpu as pltpu
from jax.experimental.pallas import tpu_sc as plsc

SMOOTH = 0.1
CONF = 1.0 - SMOOTH
NC, NS, L = 2, 16, 16
NW = NC * NS
R = 40
TCROWS = 840
RCH = 280


def _make_tc_part(batch, v, toks):
    nr = TCROWS // RCH

    def tc_kernel(q_ref, t_ref, m_ref, a_ref, g_ref):
        r = pl.program_id(1)
        x = q_ref[0]
        tb = t_ref[0, 0]
        mb = m_ref[0, 0]
        s = jnp.sum(x, axis=0)
        rid = lax.broadcasted_iota(jnp.int32, (RCH, toks), 0) + r * RCH
        gmask = rid == tb[None, :]
        g = jnp.sum(jnp.where(gmask, x, 0.0), axis=0)
        wf = jnp.where(mb > 0, 1.0, 0.0)

        @pl.when(r == 0)
        def _():
            a_ref[0, 0] = wf * s
            g_ref[0, 0] = wf * g

        @pl.when(r > 0)
        def _():
            a_ref[0, 0] = a_ref[0, 0] + wf * s
            g_ref[0, 0] = g_ref[0, 0] + wf * g

    return pl.pallas_call(
        tc_kernel,
        grid=(batch, nr),
        in_specs=[
            pl.BlockSpec((1, RCH, toks), lambda b, r: (b, r, 0)),
            pl.BlockSpec((1, 1, toks), lambda b, r: (b, 0, 0)),
            pl.BlockSpec((1, 1, toks), lambda b, r: (b, 0, 0)),
        ],
        out_specs=[
            pl.BlockSpec((1, 1, toks), lambda b, r: (b, 0, 0)),
            pl.BlockSpec((1, 1, toks), lambda b, r: (b, 0, 0)),
        ],
        out_shape=[
            jax.ShapeDtypeStruct((batch, 1, toks), jnp.float32),
            jax.ShapeDtypeStruct((batch, 1, toks), jnp.float32),
        ],
    )


def _make_sc_part(batch, v, toks):
    stripe = toks // NW
    kv = stripe // L
    scrows = v - TCROWS
    cpb = scrows // R
    nch = batch * cpb
    assert nch % 2 == 0 and scrows % R == 0 and R % 8 == 0
    eps = SMOOTH / (v - 1)
    c_const = CONF * math.log(CONF) + (v - 1) * eps * math.log(eps)

    mesh = plsc.VectorSubcoreMesh(
        core_axis_name="c", subcore_axis_name="s",
        num_cores=NC, num_subcores=NS)

    @functools.partial(
        pl.kernel,
        out_type=(
            jax.ShapeDtypeStruct((NW * L,), jnp.float32),
            jax.ShapeDtypeStruct((NW * L,), jnp.float32),
        ),
        mesh=mesh,
        compiler_params=pltpu.CompilerParams(needs_layout_passes=False),
        scratch_types=[
            pltpu.VMEM((batch * stripe,), jnp.int32),
            pltpu.VMEM((batch * stripe,), jnp.int32),
            pltpu.VMEM((R, stripe), jnp.float32),
            pltpu.VMEM((R, stripe), jnp.float32),
            pltpu.VMEM((L,), jnp.float32),
            pltpu.VMEM((L,), jnp.float32),
            pltpu.SemaphoreType.DMA,
            pltpu.SemaphoreType.DMA,
        ],
    )
    def k(q_hbm, tgt_hbm, msk_hbm, out_hbm, out2_hbm,
          mvec, tvec, buf0, buf1, stage, stage2, sem0, sem1):
        wid = lax.axis_index("s") * NC + lax.axis_index("c")
        col0 = wid * stripe
        iota = lax.iota(jnp.int32, L)

        def bc(x, dtype):
            return lax.broadcast(jnp.asarray(x, dtype), (L,))

        for b in range(batch):
            pltpu.sync_copy(msk_hbm.at[pl.ds(b * toks + col0, stripe)],
                            mvec.at[pl.ds(b * stripe, stripe)])
            pltpu.sync_copy(tgt_hbm.at[pl.ds(b * toks + col0, stripe)],
                            tvec.at[pl.ds(b * stripe, stripe)])

        zv = jnp.zeros((L,), jnp.float32)

        nacc = zv
        for kk in range(batch * kv):
            nacc = nacc + jnp.where(mvec[pl.ds(kk * L, L)] > 0, 1.0, 0.0)

        def start(ci, buf, sem):
            b = ci // cpb
            c = ci - b * cpb
            src = q_hbm.at[pl.ds(b * v + TCROWS + c * R, R),
                           pl.ds(col0, stripe)]
            return pltpu.async_copy(src, buf, sem)

        def process(ci, buf, sem, carry):
            pltpu.make_async_copy(
                q_hbm.at[pl.ds(0, R), pl.ds(col0, stripe)], buf, sem).wait()
            b = ci // cpb
            c = ci - b * cpb
            accs = carry

            def row_body(r2, cc):
                cc = list(cc)
                for rr in range(4):
                    for kk in range(kv):
                        cc[kk] = cc[kk] + buf[r2 * 4 + rr, pl.ds(kk * L, L)]
                return tuple(cc)

            local = lax.fori_loop(0, R // 4, row_body, tuple([zv] * kv))

            out = []
            for kk in range(kv):
                mk = mvec[pl.ds(b * stripe + kk * L, L)]
                wf = jnp.where(mk > 0, 1.0, 0.0)
                tk = tvec[pl.ds(b * stripe + kk * L, L)]
                rowidx = tk - bc(TCROWS + c * R, jnp.int32)
                inb = (rowidx >= 0) & (rowidx < R)
                srow = jnp.where(inb, rowidx, 0)
                val = plsc.load_gather(buf, [srow, kk * L + iota])
                g_add = jnp.where(inb, wf * val, 0.0)
                s_k = accs[kk] + wf * local[kk]
                g_k = accs[kv + kk] + g_add
                out.append((s_k, g_k))
            return tuple(x[0] for x in out) + tuple(x[1] for x in out)

        carry = tuple([zv] * (2 * kv))
        start(0, buf0, sem0)
        start(1, buf1, sem1)

        def pair_body(u, carry):
            ci0 = u * 2
            carry = process(ci0, buf0, sem0, carry)
            start(ci0 + 2, buf0, sem0)
            carry = process(ci0 + 1, buf1, sem1, carry)
            start(ci0 + 3, buf1, sem1)
            return carry

        carry = lax.fori_loop(0, nch // 2 - 1, pair_body, carry)
        carry = process(nch - 2, buf0, sem0, carry)
        carry = process(nch - 1, buf1, sem1, carry)

        stot = carry[0]
        for kk in range(1, kv):
            stot = stot + carry[kk]
        gtot = carry[kv]
        for kk in range(1, kv):
            gtot = gtot + carry[kv + kk]

        numer = -eps * stot - (CONF - eps) * gtot + c_const * nacc
        stage[...] = numer
        pltpu.sync_copy(stage, out_hbm.at[pl.ds(wid * L, L)])
        stage2[...] = nacc
        pltpu.sync_copy(stage2, out2_hbm.at[pl.ds(wid * L, L)])

    return k


def kernel(prediction, target, mask):
    batch, toks, v = prediction.shape
    q3 = prediction.transpose(0, 2, 1)
    q2 = q3.reshape(batch * v, toks)
    t2 = target.astype(jnp.int32)
    m2 = mask.astype(jnp.int32)
    t1 = t2.reshape(-1)
    m1 = m2.reshape(-1)
    eps = SMOOTH / (v - 1)
    numer_sc, cnt = _make_sc_part(batch, v, toks)(q2, t1, m1)
    a_tc, g_tc = _make_tc_part(batch, v, toks)(
        q3, t2.reshape(batch, 1, toks), m2.reshape(batch, 1, toks))
    numer = (jnp.sum(numer_sc)
             - eps * jnp.sum(a_tc)
             - (CONF - eps) * jnp.sum(g_tc))
    return numer / jnp.sum(cnt)

# --- scband reference (transcript-rebuilt; emitter-appended) ---
"""Pipeline reference for scband-loss-with-ls-39032662786141 (READ-ONLY COPY).

The authoritative reference and input builder live on the scoring server;
editing this copy changes nothing except your own understanding.
"""

import jax, jax.numpy as jnp
import numpy as np

SIZE = 1000
SMOOTH = 0.1
CONFIDENCE = 1.0 - SMOOTH


def setup_inputs(seed: int = 0) -> dict:
    key = jax.random.key(seed)
    k1, k2, k3 = jax.random.split(key, 3)
    prediction = jax.random.normal(k1, (4, 4096, SIZE), dtype=jnp.float32)
    # prediction is expected to be log-probabilities; normalize for realism
    prediction = jax.nn.log_softmax(prediction, axis=-1)
    target = jax.random.randint(k2, (4, 4096), 0, SIZE, dtype=jnp.int64)
    mask = jax.random.randint(k3, (4, 4096), 0, 2, dtype=jnp.int32)
    return {"prediction": prediction, "target": target, "mask": mask}


def reference(prediction, target, mask):
    # prediction: (B, T, V) log-probs; target: (B, T) int; mask: (B, T)
    p = prediction.reshape(-1, prediction.shape[-1])
    t = target.reshape(-1)
    m = mask.astype(jnp.float32).reshape(-1)
    n = p.shape[0]
    # label-smoothed target distribution (detached, like prediction.data.clone())
    labels = jnp.full((n, SIZE), SMOOTH / (SIZE - 1), dtype=p.dtype)
    labels = labels.at[jnp.arange(n), t].set(CONFIDENCE)
    # KLDivLoss pointwise: target * (log(target) - input), input = log-probs
    kl = labels * (jnp.log(labels) - p)
    loss_per_token = kl.sum(axis=1)
    loss = (loss_per_token * m).sum() / m.sum()
    return loss

if __name__ == "__main__":
    import jax
    _d = setup_inputs()
    print(jax.jit(kernel)(*tuple(_d.values())))

</pallas_src>

<mosaic_0001>
#map = affine_map<(d0, d1) -> (0, 0)>
#map1 = affine_map<(d0, d1) -> (0)>
module attributes {stable_mosaic.version = 14 : i64} {
  func.func @k(%arg0: i32, %arg1: i32, %arg2: memref<4000x4096xf32, #tpu.memory_space<hbm>>, %arg3: memref<16384xi32, #tpu.memory_space<hbm>>, %arg4: memref<16384xi32, #tpu.memory_space<hbm>>, %arg5: memref<512xf32, #tpu.memory_space<hbm>>, %arg6: memref<512xf32, #tpu.memory_space<hbm>>, %arg7: memref<512xi32, #tpu.memory_space<vmem>>, %arg8: memref<512xi32, #tpu.memory_space<vmem>>, %arg9: memref<40x128xf32, #tpu.memory_space<vmem>>, %arg10: memref<40x128xf32, #tpu.memory_space<vmem>>, %arg11: memref<16xf32, #tpu.memory_space<vmem>>, %arg12: memref<16xf32, #tpu.memory_space<vmem>>, %arg13: memref<!tpu.dma_semaphore, #tpu.memory_space<semaphore_mem>>, %arg14: memref<!tpu.dma_semaphore, #tpu.memory_space<semaphore_mem>>) attributes {dimension_semantics = [#tpu.dimension_semantics<core_parallel>, #tpu.dimension_semantics<subcore_parallel>], iteration_bounds = array<i64: 2, 16>, scalar_prefetch = 0 : i64, scratch_operands = 8 : i64, tpu.core_type = #tpu.core_type<sc_vector_subcore>, window_params = [{transform_indices = #map}, {transform_indices = #map1}, {transform_indices = #map1}, {transform_indices = #map1}, {transform_indices = #map1}]} {
    %mul3A = arith.constant 2 : i32
    %mul3A_0 = arith.muli %arg1, %mul3A : i32
    %add3A = arith.addi %mul3A_0, %arg0 : i32
    %mul3A_1 = arith.constant 128 : i32
    %mul3A_2 = arith.muli %add3A, %mul3A_1 : i32
    %iota3A = tpu.iota {dimensions = array<i32: 0>} : vector<16xi32>
    %add3A_3 = arith.constant 0 : i32
    %add3A_4 = arith.addi %add3A_3, %mul3A_2 : i32
    "tpu.region"() ({
      %run_scoped3A = tpu.sem_alloc : memref<!tpu.dma_semaphore, #tpu.memory_space<semaphore_mem>>
      %dma_start3A_1002 = arith.constant 0 : i32
      %dma_start3A_1003 = tpu.memref_slice %arg7[%dma_start3A_1002] : memref<512xi32, #tpu.memory_space<vmem>> -> memref<128xi32, #tpu.memory_space<vmem>>
      %dma_start3A_1004 = tpu.memref_slice %arg4[%add3A_4] : memref<16384xi32, #tpu.memory_space<hbm>> -> memref<128xi32, #tpu.memory_space<hbm>>
      %dma_start3A_1005 = arith.constant 0 : i32
      %dma_start3A_1006 = tpu.memref_slice %arg7[%dma_start3A_1005] : memref<512xi32, #tpu.memory_space<vmem>> -> memref<128xi32, #tpu.memory_space<vmem>>
      %dma_start3A_1007 = tpu.memref_slice %arg4[%add3A_4] : memref<16384xi32, #tpu.memory_space<hbm>> -> memref<128xi32, #tpu.memory_space<hbm>>
      tpu.enqueue_dma source(%dma_start3A_1007 : memref<128xi32, #tpu.memory_space<hbm>>) target(%dma_start3A_1006 : memref<128xi32, #tpu.memory_space<vmem>>) target_semaphore(%run_scoped3A : memref<!tpu.dma_semaphore, #tpu.memory_space<semaphore_mem>>)
      %dma_wait3A_1008 = arith.constant 0 : i32
      %dma_wait3A_1009 = tpu.memref_slice %arg7[%dma_wait3A_1008] : memref<512xi32, #tpu.memory_space<vmem>> -> memref<128xi32, #tpu.memory_space<vmem>>
      %dma_wait3A_1010 = tpu.memref_slice %arg4[%add3A_4] : memref<16384xi32, #tpu.memory_space<hbm>> -> memref<128xi32, #tpu.memory_space<hbm>>
      %dma_wait3A_1011 = arith.constant 0 : i32
      %dma_wait3A_1012 = tpu.memref_slice %arg7[%dma_wait3A_1011] : memref<512xi32, #tpu.memory_space<vmem>> -> memref<128xi32, #tpu.memory_space<vmem>>
      %dma_wait3A_1013 = tpu.memref_slice %arg4[%add3A_4] : memref<16384xi32, #tpu.memory_space<hbm>> -> memref<128xi32, #tpu.memory_space<hbm>>
      tpu.wait_dma2 semaphore(%run_scoped3A : memref<!tpu.dma_semaphore, #tpu.memory_space<semaphore_mem>>) src(%dma_wait3A_1013 : memref<128xi32, #tpu.memory_space<hbm>>) dst(%dma_wait3A_1012 : memref<128xi32, #tpu.memory_space<vmem>>)
      tpu.yield
    }) : () -> ()
    %add3A_5 = arith.constant 0 : i32
    %add3A_6 = arith.addi %add3A_5, %mul3A_2 : i32
    "tpu.region"() ({
      %run_scoped3A = tpu.sem_alloc : memref<!tpu.dma_semaphore, #tpu.memory_space<semaphore_mem>>
      %dma_start3A_1002 = arith.constant 0 : i32
      %dma_start3A_1003 = tpu.memref_slice %arg8[%dma_start3A_1002] : memref<512xi32, #tpu.memory_space<vmem>> -> memref<128xi32, #tpu.memory_space<vmem>>
      %dma_start3A_1004 = tpu.memref_slice %arg3[%add3A_6] : memref<16384xi32, #tpu.memory_space<hbm>> -> memref<128xi32, #tpu.memory_space<hbm>>
      %dma_start3A_1005 = arith.constant 0 : i32
      %dma_start3A_1006 = tpu.memref_slice %arg8[%dma_start3A_1005] : memref<512xi32, #tpu.memory_space<vmem>> -> memref<128xi32, #tpu.memory_space<vmem>>
      %dma_start3A_1007 = tpu.memref_slice %arg3[%add3A_6] : memref<16384xi32, #tpu.memory_space<hbm>> -> memref<128xi32, #tpu.memory_space<hbm>>
      tpu.enqueue_dma source(%dma_start3A_1007 : memref<128xi32, #tpu.memory_space<hbm>>) target(%dma_start3A_1006 : memref<128xi32, #tpu.memory_space<vmem>>) target_semaphore(%run_scoped3A : memref<!tpu.dma_semaphore, #tpu.memory_space<semaphore_mem>>)
      %dma_wait3A_1008 = arith.constant 0 : i32
      %dma_wait3A_1009 = tpu.memref_slice %arg8[%dma_wait3A_1008] : memref<512xi32, #tpu.memory_space<vmem>> -> memref<128xi32, #tpu.memory_space<vmem>>
      %dma_wait3A_1010 = tpu.memref_slice %arg3[%add3A_6] : memref<16384xi32, #tpu.memory_space<hbm>> -> memref<128xi32, #tpu.memory_space<hbm>>
      %dma_wait3A_1011 = arith.constant 0 : i32
      %dma_wait3A_1012 = tpu.memref_slice %arg8[%dma_wait3A_1011] : memref<512xi32, #tpu.memory_space<vmem>> -> memref<128xi32, #tpu.memory_space<vmem>>
      %dma_wait3A_1013 = tpu.memref_slice %arg3[%add3A_6] : memref<16384xi32, #tpu.memory_space<hbm>> -> memref<128xi32, #tpu.memory_space<hbm>>
      tpu.wait_dma2 semaphore(%run_scoped3A : memref<!tpu.dma_semaphore, #tpu.memory_space<semaphore_mem>>) src(%dma_wait3A_1013 : memref<128xi32, #tpu.memory_space<hbm>>) dst(%dma_wait3A_1012 : memref<128xi32, #tpu.memory_space<vmem>>)
      tpu.yield
    }) : () -> ()
    %add3A_7 = arith.constant 4096 : i32
    %add3A_8 = arith.addi %add3A_7, %mul3A_2 : i32
    "tpu.region"() ({
      %run_scoped3A = tpu.sem_alloc : memref<!tpu.dma_semaphore, #tpu.memory_space<semaphore_mem>>
      %dma_start3A_1002 = arith.constant 128 : i32
      %dma_start3A_1003 = tpu.memref_slice %arg7[%dma_start3A_1002] : memref<512xi32, #tpu.memory_space<vmem>> -> memref<128xi32, #tpu.memory_space<vmem>>
      %dma_start3A_1004 = tpu.memref_slice %arg4[%add3A_8] : memref<16384xi32, #tpu.memory_space<hbm>> -> memref<128xi32, #tpu.memory_space<hbm>>
      %dma_start3A_1005 = arith.constant 128 : i32
      %dma_start3A_1006 = tpu.memref_slice %arg7[%dma_start3A_1005] : memref<512xi32, #tpu.memory_space<vmem>> -> memref<128xi32, #tpu.memory_space<vmem>>
      %dma_start3A_1007 = tpu.memref_slice %arg4[%add3A_8] : memref<16384xi32, #tpu.memory_space<hbm>> -> memref<128xi32, #tpu.memory_space<hbm>>
      tpu.enqueue_dma source(%dma_start3A_1007 : memref<128xi32, #tpu.memory_space<hbm>>) target(%dma_start3A_1006 : memref<128xi32, #tpu.memory_space<vmem>>) target_semaphore(%run_scoped3A : memref<!tpu.dma_semaphore, #tpu.memory_space<semaphore_mem>>)
      %dma_wait3A_1008 = arith.constant 128 : i32
      %dma_wait3A_1009 = tpu.memref_slice %arg7[%dma_wait3A_1008] : memref<512xi32, #tpu.memory_space<vmem>> -> memref<128xi32, #tpu.memory_space<vmem>>
      %dma_wait3A_1010 = tpu.memref_slice %arg4[%add3A_8] : memref<16384xi32, #tpu.memory_space<hbm>> -> memref<128xi32, #tpu.memory_space<hbm>>
      %dma_wait3A_1011 = arith.constant 128 : i32
      %dma_wait3A_1012 = tpu.memref_slice %arg7[%dma_wait3A_1011] : memref<512xi32, #tpu.memory_space<vmem>> -> memref<128xi32, #tpu.memory_space<vmem>>
      %dma_wait3A_1013 = tpu.memref_slice %arg4[%add3A_8] : memref<16384xi32, #tpu.memory_space<hbm>> -> memref<128xi32, #tpu.memory_space<hbm>>
      tpu.wait_dma2 semaphore(%run_scoped3A : memref<!tpu.dma_semaphore, #tpu.memory_space<semaphore_mem>>) src(%dma_wait3A_1013 : memref<128xi32, #tpu.memory_space<hbm>>) dst(%dma_wait3A_1012 : memref<128xi32, #tpu.memory_space<vmem>>)
      tpu.yield
    }) : () -> ()
    %add3A_9 = arith.constant 4096 : i32
    %add3A_10 = arith.addi %add3A_9, %mul3A_2 : i32
    "tpu.region"() ({
      %run_scoped3A = tpu.sem_alloc : memref<!tpu.dma_semaphore, #tpu.memory_space<semaphore_mem>>
      %dma_start3A_1002 = arith.constant 128 : i32
      %dma_start3A_1003 = tpu.memref_slice %arg8[%dma_start3A_1002] : memref<512xi32, #tpu.memory_space<vmem>> -> memref<128xi32, #tpu.memory_space<vmem>>
      %dma_start3A_1004 = tpu.memref_slice %arg3[%add3A_10] : memref<16384xi32, #tpu.memory_space<hbm>> -> memref<128xi32, #tpu.memory_space<hbm>>
      %dma_start3A_1005 = arith.constant 128 : i32
      %dma_start3A_1006 = tpu.memref_slice %arg8[%dma_start3A_1005] : memref<512xi32, #tpu.memory_space<vmem>> -> memref<128xi32, #tpu.memory_space<vmem>>
      %dma_start3A_1007 = tpu.memref_slice %arg3[%add3A_10] : memref<16384xi32, #tpu.memory_space<hbm>> -> memref<128xi32, #tpu.memory_space<hbm>>
      tpu.enqueue_dma source(%dma_start3A_1007 : memref<128xi32, #tpu.memory_space<hbm>>) target(%dma_start3A_1006 : memref<128xi32, #tpu.memory_space<vmem>>) target_semaphore(%run_scoped3A : memref<!tpu.dma_semaphore, #tpu.memory_space<semaphore_mem>>)
      %dma_wait3A_1008 = arith.constant 128 : i32
      %dma_wait3A_1009 = tpu.memref_slice %arg8[%dma_wait3A_1008] : memref<512xi32, #tpu.memory_space<vmem>> -> memref<128xi32, #tpu.memory_space<vmem>>
      %dma_wait3A_1010 = tpu.memref_slice %arg3[%add3A_10] : memref<16384xi32, #tpu.memory_space<hbm>> -> memref<128xi32, #tpu.memory_space<hbm>>
      %dma_wait3A_1011 = arith.constant 128 : i32
      %dma_wait3A_1012 = tpu.memref_slice %arg8[%dma_wait3A_1011] : memref<512xi32, #tpu.memory_space<vmem>> -> memref<128xi32, #tpu.memory_space<vmem>>
      %dma_wait3A_1013 = tpu.memref_slice %arg3[%add3A_10] : memref<16384xi32, #tpu.memory_space<hbm>> -> memref<128xi32, #tpu.memory_space<hbm>>
      tpu.wait_dma2 semaphore(%run_scoped3A : memref<!tpu.dma_semaphore, #tpu.memory_space<semaphore_mem>>) src(%dma_wait3A_1013 : memref<128xi32, #tpu.memory_space<hbm>>) dst(%dma_wait3A_1012 : memref<128xi32, #tpu.memory_space<vmem>>)
      tpu.yield
    }) : () -> ()
    %add3A_11 = arith.constant 8192 : i32
    %add3A_12 = arith.addi %add3A_11, %mul3A_2 : i32
    "tpu.region"() ({
      %run_scoped3A = tpu.sem_alloc : memref<!tpu.dma_semaphore, #tpu.memory_space<semaphore_mem>>
      %dma_start3A_1002 = arith.constant 256 : i32
      %dma_start3A_1003 = tpu.memref_slice %arg7[%dma_start3A_1002] : memref<512xi32, #tpu.memory_space<vmem>> -> memref<128xi32, #tpu.memory_space<vmem>>
      %dma_start3A_1004 = tpu.memref_slice %arg4[%add3A_12] : memref<16384xi32, #tpu.memory_space<hbm>> -> memref<128xi32, #tpu.memory_space<hbm>>
      %dma_start3A_1005 = arith.constant 256 : i32
      %dma_start3A_1006 = tpu.memref_slice %arg7[%dma_start3A_1005] : memref<512xi32, #tpu.memory_space<vmem>> -> memref<128xi32, #tpu.memory_space<vmem>>
      %dma_start3A_1007 = tpu.memref_slice %arg4[%add3A_12] : memref<16384xi32, #tpu.memory_space<hbm>> -> memref<128xi32, #tpu.memory_space<hbm>>
      tpu.enqueue_dma source(%dma_start3A_1007 : memref<128xi32, #tpu.memory_space<hbm>>) target(%dma_start3A_1006 : memref<128xi32, #tpu.memory_space<vmem>>) target_semaphore(%run_scoped3A : memref<!tpu.dma_semaphore, #tpu.memory_space<semaphore_mem>>)
      %dma_wait3A_1008 = arith.constant 256 : i32
      %dma_wait3A_1009 = tpu.memref_slice %arg7[%dma_wait3A_1008] : memref<512xi32, #tpu.memory_space<vmem>> -> memref<128xi32, #tpu.memory_space<vmem>>
      %dma_wait3A_1010 = tpu.memref_slice %arg4[%add3A_12] : memref<16384xi32, #tpu.memory_space<hbm>> -> memref<128xi32, #tpu.memory_space<hbm>>
      %dma_wait3A_1011 = arith.constant 256 : i32
      %dma_wait3A_1012 = tpu.memref_slice %arg7[%dma_wait3A_1011] : memref<512xi32, #tpu.memory_space<vmem>> -> memref<128xi32, #tpu.memory_space<vmem>>
      %dma_wait3A_1013 = tpu.memref_slice %arg4[%add3A_12] : memref<16384xi32, #tpu.memory_space<hbm>> -> memref<128xi32, #tpu.memory_space<hbm>>
      tpu.wait_dma2 semaphore(%run_scoped3A : memref<!tpu.dma_semaphore, #tpu.memory_space<semaphore_mem>>) src(%dma_wait3A_1013 : memref<128xi32, #tpu.memory_space<hbm>>) dst(%dma_wait3A_1012 : memref<128xi32, #tpu.memory_space<vmem>>)
      tpu.yield
    }) : () -> ()
    %add3A_13 = arith.constant 8192 : i32
    %add3A_14 = arith.addi %add3A_13, %mul3A_2 : i32
    "tpu.region"() ({
      %run_scoped3A = tpu.sem_alloc : memref<!tpu.dma_semaphore, #tpu.memory_space<semaphore_mem>>
      %dma_start3A_1002 = arith.constant 256 : i32
      %dma_start3A_1003 = tpu.memref_slice %arg8[%dma_start3A_1002] : memref<512xi32, #tpu.memory_space<vmem>> -> memref<128xi32, #tpu.memory_space<vmem>>
      %dma_start3A_1004 = tpu.memref_slice %arg3[%add3A_14] : memref<16384xi32, #tpu.memory_space<hbm>> -> memref<128xi32, #tpu.memory_space<hbm>>
      %dma_start3A_1005 = arith.constant 256 : i32
      %dma_start3A_1006 = tpu.memref_slice %arg8[%dma_start3A_1005] : memref<512xi32, #tpu.memory_space<vmem>> -> memref<128xi32, #tpu.memory_space<vmem>>
      %dma_start3A_1007 = tpu.memref_slice %arg3[%add3A_14] : memref<16384xi32, #tpu.memory_space<hbm>> -> memref<128xi32, #tpu.memory_space<hbm>>
      tpu.enqueue_dma source(%dma_start3A_1007 : memref<128xi32, #tpu.memory_space<hbm>>) target(%dma_start3A_1006 : memref<128xi32, #tpu.memory_space<vmem>>) target_semaphore(%run_scoped3A : memref<!tpu.dma_semaphore, #tpu.memory_space<semaphore_mem>>)
      %dma_wait3A_1008 = arith.constant 256 : i32
      %dma_wait3A_1009 = tpu.memref_slice %arg8[%dma_wait3A_1008] : memref<512xi32, #tpu.memory_space<vmem>> -> memref<128xi32, #tpu.memory_space<vmem>>
      %dma_wait3A_1010 = tpu.memref_slice %arg3[%add3A_14] : memref<16384xi32, #tpu.memory_space<hbm>> -> memref<128xi32, #tpu.memory_space<hbm>>
      %dma_wait3A_1011 = arith.constant 256 : i32
      %dma_wait3A_1012 = tpu.memref_slice %arg8[%dma_wait3A_1011] : memref<512xi32, #tpu.memory_space<vmem>> -> memref<128xi32, #tpu.memory_space<vmem>>
      %dma_wait3A_1013 = tpu.memref_slice %arg3[%add3A_14] : memref<16384xi32, #tpu.memory_space<hbm>> -> memref<128xi32, #tpu.memory_space<hbm>>
      tpu.wait_dma2 semaphore(%run_scoped3A : memref<!tpu.dma_semaphore, #tpu.memory_space<semaphore_mem>>) src(%dma_wait3A_1013 : memref<128xi32, #tpu.memory_space<hbm>>) dst(%dma_wait3A_1012 : memref<128xi32, #tpu.memory_space<vmem>>)
      tpu.yield
    }) : () -> ()
    %add3A_15 = arith.constant 12288 : i32
    %add3A_16 = arith.addi %add3A_15, %mul3A_2 : i32
    "tpu.region"() ({
      %run_scoped3A = tpu.sem_alloc : memref<!tpu.dma_semaphore, #tpu.memory_space<semaphore_mem>>
      %dma_start3A_1002 = arith.constant 384 : i32
      %dma_start3A_1003 = tpu.memref_slice %arg7[%dma_start3A_1002] : memref<512xi32, #tpu.memory_space<vmem>> -> memref<128xi32, #tpu.memory_space<vmem>>
      %dma_start3A_1004 = tpu.memref_slice %arg4[%add3A_16] : memref<16384xi32, #tpu.memory_space<hbm>> -> memref<128xi32, #tpu.memory_space<hbm>>
      %dma_start3A_1005 = arith.constant 384 : i32
      %dma_start3A_1006 = tpu.memref_slice %arg7[%dma_start3A_1005] : memref<512xi32, #tpu.memory_space<vmem>> -> memref<128xi32, #tpu.memory_space<vmem>>
      %dma_start3A_1007 = tpu.memref_slice %arg4[%add3A_16] : memref<16384xi32, #tpu.memory_space<hbm>> -> memref<128xi32, #tpu.memory_space<hbm>>
      tpu.enqueue_dma source(%dma_start3A_1007 : memref<128xi32, #tpu.memory_space<hbm>>) target(%dma_start3A_1006 : memref<128xi32, #tpu.memory_space<vmem>>) target_semaphore(%run_scoped3A : memref<!tpu.dma_semaphore, #tpu.memory_space<semaphore_mem>>)
      %dma_wait3A_1008 = arith.constant 384 : i32
      %dma_wait3A_1009 = tpu.memref_slice %arg7[%dma_wait3A_1008] : memref<512xi32, #tpu.memory_space<vmem>> -> memref<128xi32, #tpu.memory_space<vmem>>
      %dma_wait3A_1010 = tpu.memref_slice %arg4[%add3A_16] : memref<16384xi32, #tpu.memory_space<hbm>> -> memref<128xi32, #tpu.memory_space<hbm>>
      %dma_wait3A_1011 = arith.constant 384 : i32
      %dma_wait3A_1012 = tpu.memref_slice %arg7[%dma_wait3A_1011] : memref<512xi32, #tpu.memory_space<vmem>> -> memref<128xi32, #tpu.memory_space<vmem>>
      %dma_wait3A_1013 = tpu.memref_slice %arg4[%add3A_16] : memref<16384xi32, #tpu.memory_space<hbm>> -> memref<128xi32, #tpu.memory_space<hbm>>
      tpu.wait_dma2 semaphore(%run_scoped3A : memref<!tpu.dma_semaphore, #tpu.memory_space<semaphore_mem>>) src(%dma_wait3A_1013 : memref<128xi32, #tpu.memory_space<hbm>>) dst(%dma_wait3A_1012 : memref<128xi32, #tpu.memory_space<vmem>>)
      tpu.yield
    }) : () -> ()
    %add3A_17 = arith.constant 12288 : i32
    %add3A_18 = arith.addi %add3A_17, %mul3A_2 : i32
    "tpu.region"() ({
      %run_scoped3A = tpu.sem_alloc : memref<!tpu.dma_semaphore, #tpu.memory_space<semaphore_mem>>
      %dma_start3A_1002 = arith.constant 384 : i32
      %dma_start3A_1003 = tpu.memref_slice %arg8[%dma_start3A_1002] : memref<512xi32, #tpu.memory_space<vmem>> -> memref<128xi32, #tpu.memory_space<vmem>>
      %dma_start3A_1004 = tpu.memref_slice %arg3[%add3A_18] : memref<16384xi32, #tpu.memory_space<hbm>> -> memref<128xi32, #tpu.memory_space<hbm>>
      %dma_start3A_1005 = arith.constant 384 : i32
      %dma_start3A_1006 = tpu.memref_slice %arg8[%dma_start3A_1005] : memref<512xi32, #tpu.memory_space<vmem>> -> memref<128xi32, #tpu.memory_space<vmem>>
      %dma_start3A_1007 = tpu.memref_slice %arg3[%add3A_18] : memref<16384xi32, #tpu.memory_space<hbm>> -> memref<128xi32, #tpu.memory_space<hbm>>
      tpu.enqueue_dma source(%dma_start3A_1007 : memref<128xi32, #tpu.memory_space<hbm>>) target(%dma_start3A_1006 : memref<128xi32, #tpu.memory_space<vmem>>) target_semaphore(%run_scoped3A : memref<!tpu.dma_semaphore, #tpu.memory_space<semaphore_mem>>)
      %dma_wait3A_1008 = arith.constant 384 : i32
      %dma_wait3A_1009 = tpu.memref_slice %arg8[%dma_wait3A_1008] : memref<512xi32, #tpu.memory_space<vmem>> -> memref<128xi32, #tpu.memory_space<vmem>>
      %dma_wait3A_1010 = tpu.memref_slice %arg3[%add3A_18] : memref<16384xi32, #tpu.memory_space<hbm>> -> memref<128xi32, #tpu.memory_space<hbm>>
      %dma_wait3A_1011 = arith.constant 384 : i32
      %dma_wait3A_1012 = tpu.memref_slice %arg8[%dma_wait3A_1011] : memref<512xi32, #tpu.memory_space<vmem>> -> memref<128xi32, #tpu.memory_space<vmem>>
      %dma_wait3A_1013 = tpu.memref_slice %arg3[%add3A_18] : memref<16384xi32, #tpu.memory_space<hbm>> -> memref<128xi32, #tpu.memory_space<hbm>>
      tpu.wait_dma2 semaphore(%run_scoped3A : memref<!tpu.dma_semaphore, #tpu.memory_space<semaphore_mem>>) src(%dma_wait3A_1013 : memref<128xi32, #tpu.memory_space<hbm>>) dst(%dma_wait3A_1012 : memref<128xi32, #tpu.memory_space<vmem>>)
      tpu.yield
    }) : () -> ()
    %broadcast_in_dim3A = arith.constant 0.000000e+00 : f32
    %broadcast_in_dim3A_19 = vector.broadcast %broadcast_in_dim3A : f32 to vector<16xf32>
    %get3A = arith.constant 0 : index
    %get3A_20 = tpu.vector_load %arg7[%get3A] {strides = array<i32>} : memref<512xi32, #tpu.memory_space<vmem>>, vector<16xi32>,
    %gt3A = arith.constant 0 : i32
    %gt3A_21 = vector.broadcast %gt3A : i32 to vector<16xi32>
    %gt3A_22 = arith.cmpi sgt, %get3A_20, %gt3A_21 : vector<16xi32>
    %jit3A = arith.constant 1.000000e+00 : f32
    %jit3A_23 = arith.constant 0.000000e+00 : f32
    %broadcast_in_dim3A_24 = vector.broadcast %jit3A : f32 to vector<16xf32>
    %broadcast_in_dim3A_25 = vector.broadcast %jit3A_23 : f32 to vector<16xf32>
    %select_n3A = arith.select %gt3A_22, %broadcast_in_dim3A_24, %broadcast_in_dim3A_25 : vector<16xi1>, vector<16xf32>
    %add3A_26 = arith.addf %broadcast_in_dim3A_19, %select_n3A : vector<16xf32>
    %get3A_27 = arith.constant 16 : index
    %get3A_28 = tpu.vector_load %arg7[%get3A_27] {strides = array<i32>} : memref<512xi32, #tpu.memory_space<vmem>>, vector<16xi32>,
    %gt3A_29 = arith.constant 0 : i32
    %gt3A_30 = vector.broadcast %gt3A_29 : i32 to vector<16xi32>
    %gt3A_31 = arith.cmpi sgt, %get3A_28, %gt3A_30 : vector<16xi32>
    %jit3A_32 = arith.constant 1.000000e+00 : f32
    %jit3A_33 = arith.constant 0.000000e+00 : f32
    %broadcast_in_dim3A_34 = vector.broadcast %jit3A_32 : f32 to vector<16xf32>
    %broadcast_in_dim3A_35 = vector.broadcast %jit3A_33 : f32 to vector<16xf32>
    %select_n3A_36 = arith.select %gt3A_31, %broadcast_in_dim3A_34, %broadcast_in_dim3A_35 : vector<16xi1>, vector<16xf32>
    %add3A_37 = arith.addf %add3A_26, %select_n3A_36 : vector<16xf32>
    %get3A_38 = arith.constant 32 : index
    %get3A_39 = tpu.vector_load %arg7[%get3A_38] {strides = array<i32>} : memref<512xi32, #tpu.memory_space<vmem>>, vector<16xi32>,
    %gt3A_40 = arith.constant 0 : i32
    %gt3A_41 = vector.broadcast %gt3A_40 : i32 to vector<16xi32>
    %gt3A_42 = arith.cmpi sgt, %get3A_39, %gt3A_41 : vector<16xi32>
    %jit3A_43 = arith.constant 1.000000e+00 : f32
    %jit3A_44 = arith.constant 0.000000e+00 : f32
    %broadcast_in_dim3A_45 = vector.broadcast %jit3A_43 : f32 to vector<16xf32>
    %broadcast_in_dim3A_46 = vector.broadcast %jit3A_44 : f32 to vector<16xf32>
    %select_n3A_47 = arith.select %gt3A_42, %broadcast_in_dim3A_45, %broadcast_in_dim3A_46 : vector<16xi1>, vector<16xf32>
    %add3A_48 = arith.addf %add3A_37, %select_n3A_47 : vector<16xf32>
    %get3A_49 = arith.constant 48 : index
    %get3A_50 = tpu.vector_load %arg7[%get3A_49] {strides = array<i32>} : memref<512xi32, #tpu.memory_space<vmem>>, vector<16xi32>,
    %gt3A_51 = arith.constant 0 : i32
    %gt3A_52 = vector.broadcast %gt3A_51 : i32 to vector<16xi32>
    %gt3A_53 = arith.cmpi sgt, %get3A_50, %gt3A_52 : vector<16xi32>
    %jit3A_54 = arith.constant 1.000000e+00 : f32
    %jit3A_55 = arith.constant 0.000000e+00 : f32
    %broadcast_in_dim3A_56 = vector.broadcast %jit3A_54 : f32 to vector<16xf32>
    %broadcast_in_dim3A_57 = vector.broadcast %jit3A_55 : f32 to vector<16xf32>
    %select_n3A_58 = arith.select %gt3A_53, %broadcast_in_dim3A_56, %broadcast_in_dim3A_57 : vector<16xi1>, vector<16xf32>
    %add3A_59 = arith.addf %add3A_48, %select_n3A_58 : vector<16xf32>
    %get3A_60 = arith.constant 64 : index
    %get3A_61 = tpu.vector_load %arg7[%get3A_60] {strides = array<i32>} : memref<512xi32, #tpu.memory_space<vmem>>, vector<16xi32>,
    %gt3A_62 = arith.constant 0 : i32
    %gt3A_63 = vector.broadcast %gt3A_62 : i32 to vector<16xi32>
    %gt3A_64 = arith.cmpi sgt, %get3A_61, %gt3A_63 : vector<16xi32>
    %jit3A_65 = arith.constant 1.000000e+00 : f32
    %jit3A_66 = arith.constant 0.000000e+00 : f32
    %broadcast_in_dim3A_67 = vector.broadcast %jit3A_65 : f32 to vector<16xf32>
    %broadcast_in_dim3A_68 = vector.broadcast %jit3A_66 : f32 to vector<16xf32>
    %select_n3A_69 = arith.select %gt3A_64, %broadcast_in_dim3A_67, %broadcast_in_dim3A_68 : vector<16xi1>, vector<16xf32>
    %add3A_70 = arith.addf %add3A_59, %select_n3A_69 : vector<16xf32>
    %get3A_71 = arith.constant 80 : index
    %get3A_72 = tpu.vector_load %arg7[%get3A_71] {strides = array<i32>} : memref<512xi32, #tpu.memory_space<vmem>>, vector<16xi32>,
    %gt3A_73 = arith.constant 0 : i32
    %gt3A_74 = vector.broadcast %gt3A_73 : i32 to vector<16xi32>
    %gt3A_75 = arith.cmpi sgt, %get3A_72, %gt3A_74 : vector<16xi32>
    %jit3A_76 = arith.constant 1.000000e+00 : f32
    %jit3A_77 = arith.constant 0.000000e+00 : f32
    %broadcast_in_dim3A_78 = vector.broadcast %jit3A_76 : f32 to vector<16xf32>
    %broadcast_in_dim3A_79 = vector.broadcast %jit3A_77 : f32 to vector<16xf32>
    %select_n3A_80 = arith.select %gt3A_75, %broadcast_in_dim3A_78, %broadcast_in_dim3A_79 : vector<16xi1>, vector<16xf32>
    %add3A_81 = arith.addf %add3A_70, %select_n3A_80 : vector<16xf32>
    %get3A_82 = arith.constant 96 : index
    %get3A_83 = tpu.vector_load %arg7[%get3A_82] {strides = array<i32>} : memref<512xi32, #tpu.memory_space<vmem>>, vector<16xi32>,
    %gt3A_84 = arith.constant 0 : i32
    %gt3A_85 = vector.broadcast %gt3A_84 : i32 to vector<16xi32>
    %gt3A_86 = arith.cmpi sgt, %get3A_83, %gt3A_85 : vector<16xi32>
    %jit3A_87 = arith.constant 1.000000e+00 : f32
    %jit3A_88 = arith.constant 0.000000e+00 : f32
    %broadcast_in_dim3A_89 = vector.broadcast %jit3A_87 : f32 to vector<16xf32>
    %broadcast_in_dim3A_90 = vector.broadcast %jit3A_88 : f32 to vector<16xf32>
    %select_n3A_91 = arith.select %gt3A_86, %broadcast_in_dim3A_89, %broadcast_in_dim3A_90 : vector<16xi1>, vector<16xf32>
    %add3A_92 = arith.addf %add3A_81, %select_n3A_91 : vector<16xf32>
    %get3A_93 = arith.constant 112 : index
    %get3A_94 = tpu.vector_load %arg7[%get3A_93] {strides = array<i32>} : memref<512xi32, #tpu.memory_space<vmem>>, vector<16xi32>,
    %gt3A_95 = arith.constant 0 : i32
    %gt3A_96 = vector.broadcast %gt3A_95 : i32 to vector<16xi32>
    %gt3A_97 = arith.cmpi sgt, %get3A_94, %gt3A_96 : vector<16xi32>
    %jit3A_98 = arith.constant 1.000000e+00 : f32
    %jit3A_99 = arith.constant 0.000000e+00 : f32
    %broadcast_in_dim3A_100 = vector.broadcast %jit3A_98 : f32 to vector<16xf32>
    %broadcast_in_dim3A_101 = vector.broadcast %jit3A_99 : f32 to vector<16xf32>
    %select_n3A_102 = arith.select %gt3A_97, %broadcast_in_dim3A_100, %broadcast_in_dim3A_101 : vector<16xi1>, vector<16xf32>
    %add3A_103 = arith.addf %add3A_92, %select_n3A_102 : vector<16xf32>
    %get3A_104 = arith.constant 128 : index
    %get3A_105 = tpu.vector_load %arg7[%get3A_104] {strides = array<i32>} : memref<512xi32, #tpu.memory_space<vmem>>, vector<16xi32>,
    %gt3A_106 = arith.constant 0 : i32
    %gt3A_107 = vector.broadcast %gt3A_106 : i32 to vector<16xi32>
    %gt3A_108 = arith.cmpi sgt, %get3A_105, %gt3A_107 : vector<16xi32>
    %jit3A_109 = arith.constant 1.000000e+00 : f32
    %jit3A_110 = arith.constant 0.000000e+00 : f32
    %broadcast_in_dim3A_111 = vector.broadcast %jit3A_109 : f32 to vector<16xf32>
    %broadcast_in_dim3A_112 = vector.broadcast %jit3A_110 : f32 to vector<16xf32>
    %select_n3A_113 = arith.select %gt3A_108, %broadcast_in_dim3A_111, %broadcast_in_dim3A_112 : vector<16xi1>, vector<16xf32>
    %add3A_114 = arith.addf %add3A_103, %select_n3A_113 : vector<16xf32>
    %get3A_115 = arith.constant 144 : index
    %get3A_116 = tpu.vector_load %arg7[%get3A_115] {strides = array<i32>} : memref<512xi32, #tpu.memory_space<vmem>>, vector<16xi32>,
    %gt3A_117 = arith.constant 0 : i32
    %gt3A_118 = vector.broadcast %gt3A_117 : i32 to vector<16xi32>
    %gt3A_119 = arith.cmpi sgt, %get3A_116, %gt3A_118 : vector<16xi32>
    %jit3A_120 = arith.constant 1.000000e+00 : f32
    %jit3A_121 = arith.constant 0.000000e+00 : f32
    %broadcast_in_dim3A_122 = vector.broadcast %jit3A_120 : f32 to vector<16xf32>
    %broadcast_in_dim3A_123 = vector.broadcast %jit3A_121 : f32 to vector<16xf32>
    %select_n3A_124 = arith.select %gt3A_119, %broadcast_in_dim3A_122, %broadcast_in_dim3A_123 : vector<16xi1>, vector<16xf32>
    %add3A_125 = arith.addf %add3A_114, %select_n3A_124 : vector<16xf32>
    %get3A_126 = arith.constant 160 : index
    %get3A_127 = tpu.vector_load %arg7[%get3A_126] {strides = array<i32>} : memref<512xi32, #tpu.memory_space<vmem>>, vector<16xi32>,
    %gt3A_128 = arith.constant 0 : i32
    %gt3A_129 = vector.broadcast %gt3A_128 : i32 to vector<16xi32>
    %gt3A_130 = arith.cmpi sgt, %get3A_127, %gt3A_129 : vector<16xi32>
    %jit3A_131 = arith.constant 1.000000e+00 : f32
    %jit3A_132 = arith.constant 0.000000e+00 : f32
    %broadcast_in_dim3A_133 = vector.broadcast %jit3A_131 : f32 to vector<16xf32>
    %broadcast_in_dim3A_134 = vector.broadcast %jit3A_132 : f32 to vector<16xf32>
    %select_n3A_135 = arith.select %gt3A_130, %broadcast_in_dim3A_133, %broadcast_in_dim3A_134 : vector<16xi1>, vector<16xf32>
    %add3A_136 = arith.addf %add3A_125, %select_n3A_135 : vector<16xf32>
    %get3A_137 = arith.constant 176 : index
    %get3A_138 = tpu.vector_load %arg7[%get3A_137] {strides = array<i32>} : memref<512xi32, #tpu.memory_space<vmem>>, vector<16xi32>,
    %gt3A_139 = arith.constant 0 : i32
    %gt3A_140 = vector.broadcast %gt3A_139 : i32 to vector<16xi32>
    %gt3A_141 = arith.cmpi sgt, %get3A_138, %gt3A_140 : vector<16xi32>
    %jit3A_142 = arith.constant 1.000000e+00 : f32
    %jit3A_143 = arith.constant 0.000000e+00 : f32
    %broadcast_in_dim3A_144 = vector.broadcast %jit3A_142 : f32 to vector<16xf32>
    %broadcast_in_dim3A_145 = vector.broadcast %jit3A_143 : f32 to vector<16xf32>
    %select_n3A_146 = arith.select %gt3A_141, %broadcast_in_dim3A_144, %broadcast_in_dim3A_145 : vector<16xi1>, vector<16xf32>
    %add3A_147 = arith.addf %add3A_136, %select_n3A_146 : vector<16xf32>
    %get3A_148 = arith.constant 192 : index
    %get3A_149 = tpu.vector_load %arg7[%get3A_148] {strides = array<i32>} : memref<512xi32, #tpu.memory_space<vmem>>, vector<16xi32>,
    %gt3A_150 = arith.constant 0 : i32
    %gt3A_151 = vector.broadcast %gt3A_150 : i32 to vector<16xi32>
    %gt3A_152 = arith.cmpi sgt, %get3A_149, %gt3A_151 : vector<16xi32>
    %jit3A_153 = arith.constant 1.000000e+00 : f32
    %jit3A_154 = arith.constant 0.000000e+00 : f32
    %broadcast_in_dim3A_155 = vector.broadcast %jit3A_153 : f32 to vector<16xf32>
    %broadcast_in_dim3A_156 = vector.broadcast %jit3A_154 : f32 to vector<16xf32>
    %select_n3A_157 = arith.select %gt3A_152, %broadcast_in_dim3A_155, %broadcast_in_dim3A_156 : vector<16xi1>, vector<16xf32>
    %add3A_158 = arith.addf %add3A_147, %select_n3A_157 : vector<16xf32>
    %get3A_159 = arith.constant 208 : index
    %get3A_160 = tpu.vector_load %arg7[%get3A_159] {strides = array<i32>} : memref<512xi32, #tpu.memory_space<vmem>>, vector<16xi32>,
    %gt3A_161 = arith.constant 0 : i32
    %gt3A_162 = vector.broadcast %gt3A_161 : i32 to vector<16xi32>
    %gt3A_163 = arith.cmpi sgt, %get3A_160, %gt3A_162 : vector<16xi32>
    %jit3A_164 = arith.constant 1.000000e+00 : f32
    %jit3A_165 = arith.constant 0.000000e+00 : f32
    %broadcast_in_dim3A_166 = vector.broadcast %jit3A_164 : f32 to vector<16xf32>
    %broadcast_in_dim3A_167 = vector.broadcast %jit3A_165 : f32 to vector<16xf32>
    %select_n3A_168 = arith.select %gt3A_163, %broadcast_in_dim3A_166, %broadcast_in_dim3A_167 : vector<16xi1>, vector<16xf32>
    %add3A_169 = arith.addf %add3A_158, %select_n3A_168 : vector<16xf32>
    %get3A_170 = arith.constant 224 : index
    %get3A_171 = tpu.vector_load %arg7[%get3A_170] {strides = array<i32>} : memref<512xi32, #tpu.memory_space<vmem>>, vector<16xi32>,
    %gt3A_172 = arith.constant 0 : i32
    %gt3A_173 = vector.broadcast %gt3A_172 : i32 to vector<16xi32>
    %gt3A_174 = arith.cmpi sgt, %get3A_171, %gt3A_173 : vector<16xi32>
    %jit3A_175 = arith.constant 1.000000e+00 : f32
    %jit3A_176 = arith.constant 0.000000e+00 : f32
    %broadcast_in_dim3A_177 = vector.broadcast %jit3A_175 : f32 to vector<16xf32>
    %broadcast_in_dim3A_178 = vector.broadcast %jit3A_176 : f32 to vector<16xf32>
    %select_n3A_179 = arith.select %gt3A_174, %broadcast_in_dim3A_177, %broadcast_in_dim3A_178 : vector<16xi1>, vector<16xf32>
    %add3A_180 = arith.addf %add3A_169, %select_n3A_179 : vector<16xf32>
    %get3A_181 = arith.constant 240 : index
    %get3A_182 = tpu.vector_load %arg7[%get3A_181] {strides = array<i32>} : memref<512xi32, #tpu.memory_space<vmem>>, vector<16xi32>,
    %gt3A_183 = arith.constant 0 : i32
    %gt3A_184 = vector.broadcast %gt3A_183 : i32 to vector<16xi32>
    %gt3A_185 = arith.cmpi sgt, %get3A_182, %gt3A_184 : vector<16xi32>
    %jit3A_186 = arith.constant 1.000000e+00 : f32
    %jit3A_187 = arith.constant 0.000000e+00 : f32
    %broadcast_in_dim3A_188 = vector.broadcast %jit3A_186 : f32 to vector<16xf32>
    %broadcast_in_dim3A_189 = vector.broadcast %jit3A_187 : f32 to vector<16xf32>
    %select_n3A_190 = arith.select %gt3A_185, %broadcast_in_dim3A_188, %broadcast_in_dim3A_189 : vector<16xi1>, vector<16xf32>
    %add3A_191 = arith.addf %add3A_180, %select_n3A_190 : vector<16xf32>
    %get3A_192 = arith.constant 256 : index
    %get3A_193 = tpu.vector_load %arg7[%get3A_192] {strides = array<i32>} : memref<512xi32, #tpu.memory_space<vmem>>, vector<16xi32>,
    %gt3A_194 = arith.constant 0 : i32
    %gt3A_195 = vector.broadcast %gt3A_194 : i32 to vector<16xi32>
    %gt3A_196 = arith.cmpi sgt, %get3A_193, %gt3A_195 : vector<16xi32>
    %jit3A_197 = arith.constant 1.000000e+00 : f32
    %jit3A_198 = arith.constant 0.000000e+00 : f32
    %broadcast_in_dim3A_199 = vector.broadcast %jit3A_197 : f32 to vector<16xf32>
    %broadcast_in_dim3A_200 = vector.broadcast %jit3A_198 : f32 to vector<16xf32>
    %select_n3A_201 = arith.select %gt3A_196, %broadcast_in_dim3A_199, %broadcast_in_dim3A_200 : vector<16xi1>, vector<16xf32>
    %add3A_202 = arith.addf %add3A_191, %select_n3A_201 : vector<16xf32>
    %get3A_203 = arith.constant 272 : index
    %get3A_204 = tpu.vector_load %arg7[%get3A_203] {strides = array<i32>} : memref<512xi32, #tpu.memory_space<vmem>>, vector<16xi32>,
    %gt3A_205 = arith.constant 0 : i32
    %gt3A_206 = vector.broadcast %gt3A_205 : i32 to vector<16xi32>
    %gt3A_207 = arith.cmpi sgt, %get3A_204, %gt3A_206 : vector<16xi32>
    %jit3A_208 = arith.constant 1.000000e+00 : f32
    %jit3A_209 = arith.constant 0.000000e+00 : f32
    %broadcast_in_dim3A_210 = vector.broadcast %jit3A_208 : f32 to vector<16xf32>
    %broadcast_in_dim3A_211 = vector.broadcast %jit3A_209 : f32 to vector<16xf32>
    %select_n3A_212 = arith.select %gt3A_207, %broadcast_in_dim3A_210, %broadcast_in_dim3A_211 : vector<16xi1>, vector<16xf32>
    %add3A_213 = arith.addf %add3A_202, %select_n3A_212 : vector<16xf32>
    %get3A_214 = arith.constant 288 : index
    %get3A_215 = tpu.vector_load %arg7[%get3A_214] {strides = array<i32>} : memref<512xi32, #tpu.memory_space<vmem>>, vector<16xi32>,
    %gt3A_216 = arith.constant 0 : i32
    %gt3A_217 = vector.broadcast %gt3A_216 : i32 to vector<16xi32>
    %gt3A_218 = arith.cmpi sgt, %get3A_215, %gt3A_217 : vector<16xi32>
    %jit3A_219 = arith.constant 1.000000e+00 : f32
    %jit3A_220 = arith.constant 0.000000e+00 : f32
    %broadcast_in_dim3A_221 = vector.broadcast %jit3A_219 : f32 to vector<16xf32>
    %broadcast_in_dim3A_222 = vector.broadcast %jit3A_220 : f32 to vector<16xf32>
    %select_n3A_223 = arith.select %gt3A_218, %broadcast_in_dim3A_221, %broadcast_in_dim3A_222 : vector<16xi1>, vector<16xf32>
    %add3A_224 = arith.addf %add3A_213, %select_n3A_223 : vector<16xf32>
    %get3A_225 = arith.constant 304 : index
    %get3A_226 = tpu.vector_load %arg7[%get3A_225] {strides = array<i32>} : memref<512xi32, #tpu.memory_space<vmem>>, vector<16xi32>,
    %gt3A_227 = arith.constant 0 : i32
    %gt3A_228 = vector.broadcast %gt3A_227 : i32 to vector<16xi32>
    %gt3A_229 = arith.cmpi sgt, %get3A_226, %gt3A_228 : vector<16xi32>
    %jit3A_230 = arith.constant 1.000000e+00 : f32
    %jit3A_231 = arith.constant 0.000000e+00 : f32
    %broadcast_in_dim3A_232 = vector.broadcast %jit3A_230 : f32 to vector<16xf32>
    %broadcast_in_dim3A_233 = vector.broadcast %jit3A_231 : f32 to vector<16xf32>
    %select_n3A_234 = arith.select %gt3A_229, %broadcast_in_dim3A_232, %broadcast_in_dim3A_233 : vector<16xi1>, vector<16xf32>
    %add3A_235 = arith.addf %add3A_224, %select_n3A_234 : vector<16xf32>
    %get3A_236 = arith.constant 320 : index
    %get3A_237 = tpu.vector_load %arg7[%get3A_236] {strides = array<i32>} : memref<512xi32, #tpu.memory_space<vmem>>, vector<16xi32>,
    %gt3A_238 = arith.constant 0 : i32
    %gt3A_239 = vector.broadcast %gt3A_238 : i32 to vector<16xi32>
    %gt3A_240 = arith.cmpi sgt, %get3A_237, %gt3A_239 : vector<16xi32>
    %jit3A_241 = arith.constant 1.000000e+00 : f32
    %jit3A_242 = arith.constant 0.000000e+00 : f32
    %broadcast_in_dim3A_243 = vector.broadcast %jit3A_241 : f32 to vector<16xf32>
    %broadcast_in_dim3A_244 = vector.broadcast %jit3A_242 : f32 to vector<16xf32>
    %select_n3A_245 = arith.select %gt3A_240, %broadcast_in_dim3A_243, %broadcast_in_dim3A_244 : vector<16xi1>, vector<16xf32>
    %add3A_246 = arith.addf %add3A_235, %select_n3A_245 : vector<16xf32>
    %get3A_247 = arith.constant 336 : index
    %get3A_248 = tpu.vector_load %arg7[%get3A_247] {strides = array<i32>} : memref<512xi32, #tpu.memory_space<vmem>>, vector<16xi32>,
    %gt3A_249 = arith.constant 0 : i32
    %gt3A_250 = vector.broadcast %gt3A_249 : i32 to vector<16xi32>
    %gt3A_251 = arith.cmpi sgt, %get3A_248, %gt3A_250 : vector<16xi32>
    %jit3A_252 = arith.constant 1.000000e+00 : f32
    %jit3A_253 = arith.constant 0.000000e+00 : f32
    %broadcast_in_dim3A_254 = vector.broadcast %jit3A_252 : f32 to vector<16xf32>
    %broadcast_in_dim3A_255 = vector.broadcast %jit3A_253 : f32 to vector<16xf32>
    %select_n3A_256 = arith.select %gt3A_251, %broadcast_in_dim3A_254, %broadcast_in_dim3A_255 : vector<16xi1>, vector<16xf32>
    %add3A_257 = arith.addf %add3A_246, %select_n3A_256 : vector<16xf32>
    %get3A_258 = arith.constant 352 : index
    %get3A_259 = tpu.vector_load %arg7[%get3A_258] {strides = array<i32>} : memref<512xi32, #tpu.memory_space<vmem>>, vector<16xi32>,
    %gt3A_260 = arith.constant 0 : i32
    %gt3A_261 = vector.broadcast %gt3A_260 : i32 to vector<16xi32>
    %gt3A_262 = arith.cmpi sgt, %get3A_259, %gt3A_261 : vector<16xi32>
    %jit3A_263 = arith.constant 1.000000e+00 : f32
    %jit3A_264 = arith.constant 0.000000e+00 : f32
    %broadcast_in_dim3A_265 = vector.broadcast %jit3A_263 : f32 to vector<16xf32>
    %broadcast_in_dim3A_266 = vector.broadcast %jit3A_264 : f32 to vector<16xf32>
    %select_n3A_267 = arith.select %gt3A_262, %broadcast_in_dim3A_265, %broadcast_in_dim3A_266 : vector<16xi1>, vector<16xf32>
    %add3A_268 = arith.addf %add3A_257, %select_n3A_267 : vector<16xf32>
    %get3A_269 = arith.constant 368 : index
    %get3A_270 = tpu.vector_load %arg7[%get3A_269] {strides = array<i32>} : memref<512xi32, #tpu.memory_space<vmem>>, vector<16xi32>,
    %gt3A_271 = arith.constant 0 : i32
    %gt3A_272 = vector.broadcast %gt3A_271 : i32 to vector<16xi32>
    %gt3A_273 = arith.cmpi sgt, %get3A_270, %gt3A_272 : vector<16xi32>
    %jit3A_274 = arith.constant 1.000000e+00 : f32
    %jit3A_275 = arith.constant 0.000000e+00 : f32
    %broadcast_in_dim3A_276 = vector.broadcast %jit3A_274 : f32 to vector<16xf32>
    %broadcast_in_dim3A_277 = vector.broadcast %jit3A_275 : f32 to vector<16xf32>
    %select_n3A_278 = arith.select %gt3A_273, %broadcast_in_dim3A_276, %broadcast_in_dim3A_277 : vector<16xi1>, vector<16xf32>
    %add3A_279 = arith.addf %add3A_268, %select_n3A_278 : vector<16xf32>
    %get3A_280 = arith.constant 384 : index
    %get3A_281 = tpu.vector_load %arg7[%get3A_280] {strides = array<i32>} : memref<512xi32, #tpu.memory_space<vmem>>, vector<16xi32>,
    %gt3A_282 = arith.constant 0 : i32
    %gt3A_283 = vector.broadcast %gt3A_282 : i32 to vector<16xi32>
    %gt3A_284 = arith.cmpi sgt, %get3A_281, %gt3A_283 : vector<16xi32>
    %jit3A_285 = arith.constant 1.000000e+00 : f32
    %jit3A_286 = arith.constant 0.000000e+00 : f32
    %broadcast_in_dim3A_287 = vector.broadcast %jit3A_285 : f32 to vector<16xf32>
    %broadcast_in_dim3A_288 = vector.broadcast %jit3A_286 : f32 to vector<16xf32>
    %select_n3A_289 = arith.select %gt3A_284, %broadcast_in_dim3A_287, %broadcast_in_dim3A_288 : vector<16xi1>, vector<16xf32>
    %add3A_290 = arith.addf %add3A_279, %select_n3A_289 : vector<16xf32>
    %get3A_291 = arith.constant 400 : index
    %get3A_292 = tpu.vector_load %arg7[%get3A_291] {strides = array<i32>} : memref<512xi32, #tpu.memory_space<vmem>>, vector<16xi32>,
    %gt3A_293 = arith.constant 0 : i32
    %gt3A_294 = vector.broadcast %gt3A_293 : i32 to vector<16xi32>
    %gt3A_295 = arith.cmpi sgt, %get3A_292, %gt3A_294 : vector<16xi32>
    %jit3A_296 = arith.constant 1.000000e+00 : f32
    %jit3A_297 = arith.constant 0.000000e+00 : f32
    %broadcast_in_dim3A_298 = vector.broadcast %jit3A_296 : f32 to vector<16xf32>
    %broadcast_in_dim3A_299 = vector.broadcast %jit3A_297 : f32 to vector<16xf32>
    %select_n3A_300 = arith.select %gt3A_295, %broadcast_in_dim3A_298, %broadcast_in_dim3A_299 : vector<16xi1>, vector<16xf32>
    %add3A_301 = arith.addf %add3A_290, %select_n3A_300 : vector<16xf32>
    %get3A_302 = arith.constant 416 : index
    %get3A_303 = tpu.vector_load %arg7[%get3A_302] {strides = array<i32>} : memref<512xi32, #tpu.memory_space<vmem>>, vector<16xi32>,
    %gt3A_304 = arith.constant 0 : i32
    %gt3A_305 = vector.broadcast %gt3A_304 : i32 to vector<16xi32>
    %gt3A_306 = arith.cmpi sgt, %get3A_303, %gt3A_305 : vector<16xi32>
    %jit3A_307 = arith.constant 1.000000e+00 : f32
    %jit3A_308 = arith.constant 0.000000e+00 : f32
    %broadcast_in_dim3A_309 = vector.broadcast %jit3A_307 : f32 to vector<16xf32>
    %broadcast_in_dim3A_310 = vector.broadcast %jit3A_308 : f32 to vector<16xf32>
    %select_n3A_311 = arith.select %gt3A_306, %broadcast_in_dim3A_309, %broadcast_in_dim3A_310 : vector<16xi1>, vector<16xf32>
    %add3A_312 = arith.addf %add3A_301, %select_n3A_311 : vector<16xf32>
    %get3A_313 = arith.constant 432 : index
    %get3A_314 = tpu.vector_load %arg7[%get3A_313] {strides = array<i32>} : memref<512xi32, #tpu.memory_space<vmem>>, vector<16xi32>,
    %gt3A_315 = arith.constant 0 : i32
    %gt3A_316 = vector.broadcast %gt3A_315 : i32 to vector<16xi32>
    %gt3A_317 = arith.cmpi sgt, %get3A_314, %gt3A_316 : vector<16xi32>
    %jit3A_318 = arith.constant 1.000000e+00 : f32
    %jit3A_319 = arith.constant 0.000000e+00 : f32
    %broadcast_in_dim3A_320 = vector.broadcast %jit3A_318 : f32 to vector<16xf32>
    %broadcast_in_dim3A_321 = vector.broadcast %jit3A_319 : f32 to vector<16xf32>
    %select_n3A_322 = arith.select %gt3A_317, %broadcast_in_dim3A_320, %broadcast_in_dim3A_321 : vector<16xi1>, vector<16xf32>
    %add3A_323 = arith.addf %add3A_312, %select_n3A_322 : vector<16xf32>
    %get3A_324 = arith.constant 448 : index
    %get3A_325 = tpu.vector_load %arg7[%get3A_324] {strides = array<i32>} : memref<512xi32, #tpu.memory_space<vmem>>, vector<16xi32>,
    %gt3A_326 = arith.constant 0 : i32
    %gt3A_327 = vector.broadcast %gt3A_326 : i32 to vector<16xi32>
    %gt3A_328 = arith.cmpi sgt, %get3A_325, %gt3A_327 : vector<16xi32>
    %jit3A_329 = arith.constant 1.000000e+00 : f32
    %jit3A_330 = arith.constant 0.000000e+00 : f32
    %broadcast_in_dim3A_331 = vector.broadcast %jit3A_329 : f32 to vector<16xf32>
    %broadcast_in_dim3A_332 = vector.broadcast %jit3A_330 : f32 to vector<16xf32>
    %select_n3A_333 = arith.select %gt3A_328, %broadcast_in_dim3A_331, %broadcast_in_dim3A_332 : vector<16xi1>, vector<16xf32>
    %add3A_334 = arith.addf %add3A_323, %select_n3A_333 : vector<16xf32>
    %get3A_335 = arith.constant 464 : index
    %get3A_336 = tpu.vector_load %arg7[%get3A_335] {strides = array<i32>} : memref<512xi32, #tpu.memory_space<vmem>>, vector<16xi32>,
    %gt3A_337 = arith.constant 0 : i32
    %gt3A_338 = vector.broadcast %gt3A_337 : i32 to vector<16xi32>
    %gt3A_339 = arith.cmpi sgt, %get3A_336, %gt3A_338 : vector<16xi32>
    %jit3A_340 = arith.constant 1.000000e+00 : f32
    %jit3A_341 = arith.constant 0.000000e+00 : f32
    %broadcast_in_dim3A_342 = vector.broadcast %jit3A_340 : f32 to vector<16xf32>
    %broadcast_in_dim3A_343 = vector.broadcast %jit3A_341 : f32 to vector<16xf32>
    %select_n3A_344 = arith.select %gt3A_339, %broadcast_in_dim3A_342, %broadcast_in_dim3A_343 : vector<16xi1>, vector<16xf32>
    %add3A_345 = arith.addf %add3A_334, %select_n3A_344 : vector<16xf32>
    %get3A_346 = arith.constant 480 : index
    %get3A_347 = tpu.vector_load %arg7[%get3A_346] {strides = array<i32>} : memref<512xi32, #tpu.memory_space<vmem>>, vector<16xi32>,
    %gt3A_348 = arith.constant 0 : i32
    %gt3A_349 = vector.broadcast %gt3A_348 : i32 to vector<16xi32>
    %gt3A_350 = arith.cmpi sgt, %get3A_347, %gt3A_349 : vector<16xi32>
    %jit3A_351 = arith.constant 1.000000e+00 : f32
    %jit3A_352 = arith.constant 0.000000e+00 : f32
    %broadcast_in_dim3A_353 = vector.broadcast %jit3A_351 : f32 to vector<16xf32>
    %broadcast_in_dim3A_354 = vector.broadcast %jit3A_352 : f32 to vector<16xf32>
    %select_n3A_355 = arith.select %gt3A_350, %broadcast_in_dim3A_353, %broadcast_in_dim3A_354 : vector<16xi1>, vector<16xf32>
    %add3A_356 = arith.addf %add3A_345, %select_n3A_355 : vector<16xf32>
    %get3A_357 = arith.constant 496 : index
    %get3A_358 = tpu.vector_load %arg7[%get3A_357] {strides = array<i32>} : memref<512xi32, #tpu.memory_space<vmem>>, vector<16xi32>,
    %gt3A_359 = arith.constant 0 : i32
    %gt3A_360 = vector.broadcast %gt3A_359 : i32 to vector<16xi32>
    %gt3A_361 = arith.cmpi sgt, %get3A_358, %gt3A_360 : vector<16xi32>
    %jit3A_362 = arith.constant 1.000000e+00 : f32
    %jit3A_363 = arith.constant 0.000000e+00 : f32
    %broadcast_in_dim3A_364 = vector.broadcast %jit3A_362 : f32 to vector<16xf32>
    %broadcast_in_dim3A_365 = vector.broadcast %jit3A_363 : f32 to vector<16xf32>
    %select_n3A_366 = arith.select %gt3A_361, %broadcast_in_dim3A_364, %broadcast_in_dim3A_365 : vector<16xi1>, vector<16xf32>
    %add3A_367 = arith.addf %add3A_356, %select_n3A_366 : vector<16xf32>
    %dma_start3A = arith.constant 840 : i32
    %dma_start3A_368 = tpu.memref_slice %arg2[%dma_start3A, %mul3A_2] : memref<4000x4096xf32, #tpu.memory_space<hbm>> -> memref<40x128xf32, #tpu.memory_space<hbm>>
    %dma_start3A_369 = arith.constant 840 : i32
    %dma_start3A_370 = tpu.memref_slice %arg2[%dma_start3A_369, %mul3A_2] : memref<4000x4096xf32, #tpu.memory_space<hbm>> -> memref<40x128xf32, #tpu.memory_space<hbm>>
    tpu.enqueue_dma source(%dma_start3A_370 : memref<40x128xf32, #tpu.memory_space<hbm>>) target(%arg9 : memref<40x128xf32, #tpu.memory_space<vmem>>) target_semaphore(%arg13 : memref<!tpu.dma_semaphore, #tpu.memory_space<semaphore_mem>>)
    %dma_start3A_371 = arith.constant 880 : i32
    %dma_start3A_372 = tpu.memref_slice %arg2[%dma_start3A_371, %mul3A_2] : memref<4000x4096xf32, #tpu.memory_space<hbm>> -> memref<40x128xf32, #tpu.memory_space<hbm>>
    %dma_start3A_373 = arith.constant 880 : i32
    %dma_start3A_374 = tpu.memref_slice %arg2[%dma_start3A_373, %mul3A_2] : memref<4000x4096xf32, #tpu.memory_space<hbm>> -> memref<40x128xf32, #tpu.memory_space<hbm>>
    tpu.enqueue_dma source(%dma_start3A_374 : memref<40x128xf32, #tpu.memory_space<hbm>>) target(%arg10 : memref<40x128xf32, #tpu.memory_space<vmem>>) target_semaphore(%arg14 : memref<!tpu.dma_semaphore, #tpu.memory_space<semaphore_mem>>)
    %scan3A = arith.constant 0 : i32
    %scan3A_375 = arith.constant 7 : i32
    %scan3A_376 = arith.addi %scan3A, %scan3A_375 : i32
    %scan3A_377 = arith.constant 1 : i32
    %scan3A_378:16 = scf.for %scan3A_1002 = %scan3A to %scan3A_376 step %scan3A_377 iter_args(%scan3A_1003 = %broadcast_in_dim3A_19, %scan3A_1004 = %broadcast_in_dim3A_19, %scan3A_1005 = %broadcast_in_dim3A_19, %scan3A_1006 = %broadcast_in_dim3A_19, %scan3A_1007 = %broadcast_in_dim3A_19, %scan3A_1008 = %broadcast_in_dim3A_19, %scan3A_1009 = %broadcast_in_dim3A_19, %scan3A_1010 = %broadcast_in_dim3A_19, %scan3A_1011 = %broadcast_in_dim3A_19, %scan3A_1012 = %broadcast_in_dim3A_19, %scan3A_1013 = %broadcast_in_dim3A_19, %scan3A_1014 = %broadcast_in_dim3A_19, %scan3A_1015 = %broadcast_in_dim3A_19, %scan3A_1016 = %broadcast_in_dim3A_19, %scan3A_1017 = %broadcast_in_dim3A_19, %scan3A_1018 = %broadcast_in_dim3A_19) -> (vector<16xf32>, vector<16xf32>, vector<16xf32>, vector<16xf32>, vector<16xf32>, vector<16xf32>, vector<16xf32>, vector<16xf32>, vector<16xf32>, vector<16xf32>, vector<16xf32>, vector<16xf32>, vector<16xf32>, vector<16xf32>, vector<16xf32>, vector<16xf32>)  : i32 {
      %mul3A_1019 = arith.constant 2 : i32
      %mul3A_1020 = arith.muli %scan3A_1002, %mul3A_1019 : i32
      %dma_wait3A_1021 = arith.constant 0 : i32
      %dma_wait3A_1022 = tpu.memref_slice %arg2[%dma_wait3A_1021, %mul3A_2] : memref<4000x4096xf32, #tpu.memory_space<hbm>> -> memref<40x128xf32, #tpu.memory_space<hbm>>
      %dma_wait3A_1023 = arith.constant 0 : i32
      %dma_wait3A_1024 = tpu.memref_slice %arg2[%dma_wait3A_1023, %mul3A_2] : memref<4000x4096xf32, #tpu.memory_space<hbm>> -> memref<40x128xf32, #tpu.memory_space<hbm>>
      tpu.wait_dma2 semaphore(%arg13 : memref<!tpu.dma_semaphore, #tpu.memory_space<semaphore_mem>>) src(%dma_wait3A_1024 : memref<40x128xf32, #tpu.memory_space<hbm>>) dst(%arg9 : memref<40x128xf32, #tpu.memory_space<vmem>>)
      %jit3A_1025 = arith.constant 4 : i32
      %div3A = arith.divsi %mul3A_1020, %jit3A_1025 : i32
      %sign3A = arith.constant 0 : i32
      %sign3A_1026 = arith.cmpi sgt, %mul3A_1020, %sign3A : i32
      %sign3A_1027 = arith.extui %sign3A_1026 : i1 to i32
      %sign3A_1028 = arith.constant 0 : i32
      %sign3A_1029 = arith.cmpi slt, %mul3A_1020, %sign3A_1028 : i32
      %sign3A_1030 = arith.extui %sign3A_1029 : i1 to i32
      %sign3A_1031 = arith.subi %sign3A_1027, %sign3A_1030 : i32
      %sign3A_1032 = arith.constant 0 : i32
      %sign3A_1033 = arith.cmpi sgt, %jit3A_1025, %sign3A_1032 : i32
      %sign3A_1034 = arith.extui %sign3A_1033 : i1 to i32
      %sign3A_1035 = arith.constant 0 : i32
      %sign3A_1036 = arith.cmpi slt, %jit3A_1025, %sign3A_1035 : i32
      %sign3A_1037 = arith.extui %sign3A_1036 : i1 to i32
      %sign3A_1038 = arith.subi %sign3A_1034, %sign3A_1037 : i32
      %ne3A = arith.cmpi ne, %sign3A_1031, %sign3A_1038 : i32
      %rem3A = arith.remsi %mul3A_1020, %jit3A_1025 : i32
      %ne3A_1039 = arith.constant 0 : i32
      %ne3A_1040 = arith.cmpi ne, %rem3A, %ne3A_1039 : i32
      %and3A_1041 = arith.andi %ne3A, %ne3A_1040 : i1
      %sub3A_1042 = arith.constant 1 : i32
      %sub3A_1043 = arith.subi %div3A, %sub3A_1042 : i32
      %select_n3A_1044 = arith.select %and3A_1041, %sub3A_1043, %div3A : i32
      %mul3A_1045 = arith.constant 4 : i32
      %mul3A_1046 = arith.muli %select_n3A_1044, %mul3A_1045 : i32
      %sub3A_1047 = arith.subi %mul3A_1020, %mul3A_1046 : i32
      %scan3A_1048 = arith.constant 0 : i32
      %scan3A_1049 = arith.constant 10 : i32
      %scan3A_1050 = arith.addi %scan3A_1048, %scan3A_1049 : i32
      %scan3A_1051 = arith.constant 1 : i32
      %scan3A_1052:8 = scf.for %scan3A_1921 = %scan3A_1048 to %scan3A_1050 step %scan3A_1051 iter_args(%scan3A_1922 = %broadcast_in_dim3A_19, %scan3A_1923 = %broadcast_in_dim3A_19, %scan3A_1924 = %broadcast_in_dim3A_19, %scan3A_1925 = %broadcast_in_dim3A_19, %scan3A_1926 = %broadcast_in_dim3A_19, %scan3A_1927 = %broadcast_in_dim3A_19, %scan3A_1928 = %broadcast_in_dim3A_19, %scan3A_1929 = %broadcast_in_dim3A_19) -> (vector<16xf32>, vector<16xf32>, vector<16xf32>, vector<16xf32>, vector<16xf32>, vector<16xf32>, vector<16xf32>, vector<16xf32>)  : i32 {
        %mul3A_1930 = arith.constant 4 : i32
        %mul3A_1931 = arith.muli %scan3A_1921, %mul3A_1930 : i32
        %add3A_1932 = arith.constant 0 : i32
        %add3A_1933 = arith.addi %mul3A_1931, %add3A_1932 : i32
        %get3A_1934 = arith.index_cast %add3A_1933 : i32 to index
        %get3A_1935 = arith.constant 0 : index
        %get3A_1936 = tpu.vector_load %arg9[%get3A_1934, %get3A_1935] {strides = array<i32>} : memref<40x128xf32, #tpu.memory_space<vmem>>, vector<16xf32>,
        %add3A_1937 = arith.addf %scan3A_1922, %get3A_1936 : vector<16xf32>
        %mul3A_1938 = arith.constant 4 : i32
        %mul3A_1939 = arith.muli %scan3A_1921, %mul3A_1938 : i32
        %add3A_1940 = arith.constant 0 : i32
        %add3A_1941 = arith.addi %mul3A_1939, %add3A_1940 : i32
        %get3A_1942 = arith.index_cast %add3A_1941 : i32 to index
        %get3A_1943 = arith.constant 16 : index
        %get3A_1944 = tpu.vector_load %arg9[%get3A_1942, %get3A_1943] {strides = array<i32>} : memref<40x128xf32, #tpu.memory_space<vmem>>, vector<16xf32>,
        %add3A_1945 = arith.addf %scan3A_1923, %get3A_1944 : vector<16xf32>
        %mul3A_1946 = arith.constant 4 : i32
        %mul3A_1947 = arith.muli %scan3A_1921, %mul3A_1946 : i32
        %add3A_1948 = arith.constant 0 : i32
        %add3A_1949 = arith.addi %mul3A_1947, %add3A_1948 : i32
        %get3A_1950 = arith.index_cast %add3A_1949 : i32 to index
        %get3A_1951 = arith.constant 32 : index
        %get3A_1952 = tpu.vector_load %arg9[%get3A_1950, %get3A_1951] {strides = array<i32>} : memref<40x128xf32, #tpu.memory_space<vmem>>, vector<16xf32>,
        %add3A_1953 = arith.addf %scan3A_1924, %get3A_1952 : vector<16xf32>
        %mul3A_1954 = arith.constant 4 : i32
        %mul3A_1955 = arith.muli %scan3A_1921, %mul3A_1954 : i32
        %add3A_1956 = arith.constant 0 : i32
        %add3A_1957 = arith.addi %mul3A_1955, %add3A_1956 : i32
        %get3A_1958 = arith.index_cast %add3A_1957 : i32 to index
        %get3A_1959 = arith.constant 48 : index
        %get3A_1960 = tpu.vector_load %arg9[%get3A_1958, %get3A_1959] {strides = array<i32>} : memref<40x128xf32, #tpu.memory_space<vmem>>, vector<16xf32>,
        %add3A_1961 = arith.addf %scan3A_1925, %get3A_1960 : vector<16xf32>
        %mul3A_1962 = arith.constant 4 : i32
        %mul3A_1963 = arith.muli %scan3A_1921, %mul3A_1962 : i32
        %add3A_1964 = arith.constant 0 : i32
        %add3A_1965 = arith.addi %mul3A_1963, %add3A_1964 : i32
        %get3A_1966 = arith.index_cast %add3A_1965 : i32 to index
        %get3A_1967 = arith.constant 64 : index
        %get3A_1968 = tpu.vector_load %arg9[%get3A_1966, %get3A_1967] {strides = array<i32>} : memref<40x128xf32, #tpu.memory_space<vmem>>, vector<16xf32>,
        %add3A_1969 = arith.addf %scan3A_1926, %get3A_1968 : vector<16xf32>
        %mul3A_1970 = arith.constant 4 : i32
        %mul3A_1971 = arith.muli %scan3A_1921, %mul3A_1970 : i32
        %add3A_1972 = arith.constant 0 : i32
        %add3A_1973 = arith.addi %mul3A_1971, %add3A_1972 : i32
        %get3A_1974 = arith.index_cast %add3A_1973 : i32 to index
        %get3A_1975 = arith.constant 80 : index
        %get3A_1976 = tpu.vector_load %arg9[%get3A_1974, %get3A_1975] {strides = array<i32>} : memref<40x128xf32, #tpu.memory_space<vmem>>, vector<16xf32>,
        %add3A_1977 = arith.addf %scan3A_1927, %get3A_1976 : vector<16xf32>
        %mul3A_1978 = arith.constant 4 : i32
        %mul3A_1979 = arith.muli %scan3A_1921, %mul3A_1978 : i32
        %add3A_1980 = arith.constant 0 : i32
        %add3A_1981 = arith.addi %mul3A_1979, %add3A_1980 : i32
        %get3A_1982 = arith.index_cast %add3A_1981 : i32 to index
        %get3A_1983 = arith.constant 96 : index
        %get3A_1984 = tpu.vector_load %arg9[%get3A_1982, %get3A_1983] {strides = array<i32>} : memref<40x128xf32, #tpu.memory_space<vmem>>, vector<16xf32>,
        %add3A_1985 = arith.addf %scan3A_1928, %get3A_1984 : vector<16xf32>
        %mul3A_1986 = arith.constant 4 : i32
        %mul3A_1987 = arith.muli %scan3A_1921, %mul3A_1986 : i32
        %add3A_1988 = arith.constant 0 : i32
        %add3A_1989 = arith.addi %mul3A_1987, %add3A_1988 : i32
        %get3A_1990 = arith.index_cast %add3A_1989 : i32 to index
        %get3A_1991 = arith.constant 112 : index
        %get3A_1992 = tpu.vector_load %arg9[%get3A_1990, %get3A_1991] {strides = array<i32>} : memref<40x128xf32, #tpu.memory_space<vmem>>, vector<16xf32>,
        %add3A_1993 = arith.addf %scan3A_1929, %get3A_1992 : vector<16xf32>
        %mul3A_1994 = arith.constant 4 : i32
        %mul3A_1995 = arith.muli %scan3A_1921, %mul3A_1994 : i32
        %add3A_1996 = arith.constant 1 : i32
        %add3A_1997 = arith.addi %mul3A_1995, %add3A_1996 : i32
        %get3A_1998 = arith.index_cast %add3A_1997 : i32 to index
        %get3A_1999 = arith.constant 0 : index
        %get3A_2000 = tpu.vector_load %arg9[%get3A_1998, %get3A_1999] {strides = array<i32>} : memref<40x128xf32, #tpu.memory_space<vmem>>, vector<16xf32>,
        %add3A_2001 = arith.addf %add3A_1937, %get3A_2000 : vector<16xf32>
        %mul3A_2002 = arith.constant 4 : i32
        %mul3A_2003 = arith.muli %scan3A_1921, %mul3A_2002 : i32
        %add3A_2004 = arith.constant 1 : i32
        %add3A_2005 = arith.addi %mul3A_2003, %add3A_2004 : i32
        %get3A_2006 = arith.index_cast %add3A_2005 : i32 to index
        %get3A_2007 = arith.constant 16 : index
        %get3A_2008 = tpu.vector_load %arg9[%get3A_2006, %get3A_2007] {strides = array<i32>} : memref<40x128xf32, #tpu.memory_space<vmem>>, vector<16xf32>,
        %add3A_2009 = arith.addf %add3A_1945, %get3A_2008 : vector<16xf32>
        %mul3A_2010 = arith.constant 4 : i32
        %mul3A_2011 = arith.muli %scan3A_1921, %mul3A_2010 : i32
        %add3A_2012 = arith.constant 1 : i32
        %add3A_2013 = arith.addi %mul3A_2011, %add3A_2012 : i32
        %get3A_2014 = arith.index_cast %add3A_2013 : i32 to index
        %get3A_2015 = arith.constant 32 : index
        %get3A_2016 = tpu.vector_load %arg9[%get3A_2014, %get3A_2015] {strides = array<i32>} : memref<40x128xf32, #tpu.memory_space<vmem>>, vector<16xf32>,
        %add3A_2017 = arith.addf %add3A_1953, %get3A_2016 : vector<16xf32>
        %mul3A_2018 = arith.constant 4 : i32
        %mul3A_2019 = arith.muli %scan3A_1921, %mul3A_2018 : i32
        %add3A_2020 = arith.constant 1 : i32
        %add3A_2021 = arith.addi %mul3A_2019, %add3A_2020 : i32
        %get3A_2022 = arith.index_cast %add3A_2021 : i32 to index
        %get3A_2023 = arith.constant 48 : index
        %get3A_2024 = tpu.vector_load %arg9[%get3A_2022, %get3A_2023] {strides = array<i32>} : memref<40x128xf32, #tpu.memory_space<vmem>>, vector<16xf32>,
        %add3A_2025 = arith.addf %add3A_1961, %get3A_2024 : vector<16xf32>
        %mul3A_2026 = arith.constant 4 : i32
        %mul3A_2027 = arith.muli %scan3A_1921, %mul3A_2026 : i32
        %add3A_2028 = arith.constant 1 : i32
        %add3A_2029 = arith.addi %mul3A_2027, %add3A_2028 : i32
        %get3A_2030 = arith.index_cast %add3A_2029 : i32 to index
        %get3A_2031 = arith.constant 64 : index
        %get3A_2032 = tpu.vector_load %arg9[%get3A_2030, %get3A_2031] {strides = array<i32>} : memref<40x128xf32, #tpu.memory_space<vmem>>, vector<16xf32>,
        %add3A_2033 = arith.addf %add3A_1969, %get3A_2032 : vector<16xf32>
        %mul3A_2034 = arith.constant 4 : i32
        %mul3A_2035 = arith.muli %scan3A_1921, %mul3A_2034 : i32
        %add3A_2036 = arith.constant 1 : i32
        %add3A_2037 = arith.addi %mul3A_2035, %add3A_2036 : i32
        %get3A_2038 = arith.index_cast %add3A_2037 : i32 to index
        %get3A_2039 = arith.constant 80 : index
        %get3A_2040 = tpu.vector_load %arg9[%get3A_2038, %get3A_2039] {strides = array<i32>} : memref<40x128xf32, #tpu.memory_space<vmem>>, vector<16xf32>,
        %add3A_2041 = arith.addf %add3A_1977, %get3A_2040 : vector<16xf32>
        %mul3A_2042 = arith.constant 4 : i32
        %mul3A_2043 = arith.muli %scan3A_1921, %mul3A_2042 : i32
        %add3A_2044 = arith.constant 1 : i32
        %add3A_2045 = arith.addi %mul3A_2043, %add3A_2044 : i32
        %get3A_2046 = arith.index_cast %add3A_2045 : i32 to index
        %get3A_2047 = arith.constant 96 : index
        %get3A_2048 = tpu.vector_load %arg9[%get3A_2046, %get3A_2047] {strides = array<i32>} : memref<40x128xf32, #tpu.memory_space<vmem>>, vector<16xf32>,
        %add3A_2049 = arith.addf %add3A_1985, %get3A_2048 : vector<16xf32>
        %mul3A_2050 = arith.constant 4 : i32
        %mul3A_2051 = arith.muli %scan3A_1921, %mul3A_2050 : i32
        %add3A_2052 = arith.constant 1 : i32
        %add3A_2053 = arith.addi %mul3A_2051, %add3A_2052 : i32
        %get3A_2054 = arith.index_cast %add3A_2053 : i32 to index
        %get3A_2055 = arith.constant 112 : index
        %get3A_2056 = tpu.vector_load %arg9[%get3A_2054, %get3A_2055] {strides = array<i32>} : memref<40x128xf32, #tpu.memory_space<vmem>>, vector<16xf32>,
        %add3A_2057 = arith.addf %add3A_1993, %get3A_2056 : vector<16xf32>
        %mul3A_2058 = arith.constant 4 : i32
        %mul3A_2059 = arith.muli %scan3A_1921, %mul3A_2058 : i32
        %add3A_2060 = arith.constant 2 : i32
        %add3A_2061 = arith.addi %mul3A_2059, %add3A_2060 : i32
        %get3A_2062 = arith.index_cast %add3A_2061 : i32 to index
        %get3A_2063 = arith.constant 0 : index
        %get3A_2064 = tpu.vector_load %arg9[%get3A_2062, %get3A_2063] {strides = array<i32>} : memref<40x128xf32, #tpu.memory_space<vmem>>, vector<16xf32>,
        %add3A_2065 = arith.addf %add3A_2001, %get3A_2064 : vector<16xf32>
        %mul3A_2066 = arith.constant 4 : i32
        %mul3A_2067 = arith.muli %scan3A_1921, %mul3A_2066 : i32
        %add3A_2068 = arith.constant 2 : i32
        %add3A_2069 = arith.addi %mul3A_2067, %add3A_2068 : i32
        %get3A_2070 = arith.index_cast %add3A_2069 : i32 to index
        %get3A_2071 = arith.constant 16 : index
        %get3A_2072 = tpu.vector_load %arg9[%get3A_2070, %get3A_2071] {strides = array<i32>} : memref<40x128xf32, #tpu.memory_space<vmem>>, vector<16xf32>,
        %add3A_2073 = arith.addf %add3A_2009, %get3A_2072 : vector<16xf32>
        %mul3A_2074 = arith.constant 4 : i32
        %mul3A_2075 = arith.muli %scan3A_1921, %mul3A_2074 : i32
        %add3A_2076 = arith.constant 2 : i32
        %add3A_2077 = arith.addi %mul3A_2075, %add3A_2076 : i32
        %get3A_2078 = arith.index_cast %add3A_2077 : i32 to index
        %get3A_2079 = arith.constant 32 : index
        %get3A_2080 = tpu.vector_load %arg9[%get3A_2078, %get3A_2079] {strides = array<i32>} : memref<40x128xf32, #tpu.memory_space<vmem>>, vector<16xf32>,
        %add3A_2081 = arith.addf %add3A_2017, %get3A_2080 : vector<16xf32>
        %mul3A_2082 = arith.constant 4 : i32
        %mul3A_2083 = arith.muli %scan3A_1921, %mul3A_2082 : i32
        %add3A_2084 = arith.constant 2 : i32
        %add3A_2085 = arith.addi %mul3A_2083, %add3A_2084 : i32
        %get3A_2086 = arith.index_cast %add3A_2085 : i32 to index
        %get3A_2087 = arith.constant 48 : index
        %get3A_2088 = tpu.vector_load %arg9[%get3A_2086, %get3A_2087] {strides = array<i32>} : memref<40x128xf32, #tpu.memory_space<vmem>>, vector<16xf32>,
        %add3A_2089 = arith.addf %add3A_2025, %get3A_2088 : vector<16xf32>
        %mul3A_2090 = arith.constant 4 : i32
        %mul3A_2091 = arith.muli %scan3A_1921, %mul3A_2090 : i32
        %add3A_2092 = arith.constant 2 : i32
        %add3A_2093 = arith.addi %mul3A_2091, %add3A_2092 : i32
        %get3A_2094 = arith.index_cast %add3A_2093 : i32 to index
        %get3A_2095 = arith.constant 64 : index
        %get3A_2096 = tpu.vector_load %arg9[%get3A_2094, %get3A_2095] {strides = array<i32>} : memref<40x128xf32, #tpu.memory_space<vmem>>, vector<16xf32>,
        %add3A_2097 = arith.addf %add3A_2033, %get3A_2096 : vector<16xf32>
        %mul3A_2098 = arith.constant 4 : i32
        %mul3A_2099 = arith.muli %scan3A_1921, %mul3A_2098 : i32
        %add3A_2100 = arith.constant 2 : i32
        %add3A_2101 = arith.addi %mul3A_2099, %add3A_2100 : i32
        %get3A_2102 = arith.index_cast %add3A_2101 : i32 to index
        %get3A_2103 = arith.constant 80 : index
        %get3A_2104 = tpu.vector_load %arg9[%get3A_2102, %get3A_2103] {strides = array<i32>} : memref<40x128xf32, #tpu.memory_space<vmem>>, vector<16xf32>,
        %add3A_2105 = arith.addf %add3A_2041, %get3A_2104 : vector<16xf32>
        %mul3A_2106 = arith.constant 4 : i32
        %mul3A_2107 = arith.muli %scan3A_1921, %mul3A_2106 : i32
        %add3A_2108 = arith.constant 2 : i32
        %add3A_2109 = arith.addi %mul3A_2107, %add3A_2108 : i32
        %get3A_2110 = arith.index_cast %add3A_2109 : i32 to index
        %get3A_2111 = arith.constant 96 : index
        %get3A_2112 = tpu.vector_load %arg9[%get3A_2110, %get3A_2111] {strides = array<i32>} : memref<40x128xf32, #tpu.memory_space<vmem>>, vector<16xf32>,
        %add3A_2113 = arith.addf %add3A_2049, %get3A_2112 : vector<16xf32>
        %mul3A_2114 = arith.constant 4 : i32
        %mul3A_2115 = arith.muli %scan3A_1921, %mul3A_2114 : i32
        %add3A_2116 = arith.constant 2 : i32
        %add3A_2117 = arith.addi %mul3A_2115, %add3A_2116 : i32
        %get3A_2118 = arith.index_cast %add3A_2117 : i32 to index
        %get3A_2119 = arith.constant 112 : index
        %get3A_2120 = tpu.vector_load %arg9[%get3A_2118, %get3A_2119] {strides = array<i32>} : memref<40x128xf32, #tpu.memory_space<vmem>>, vector<16xf32>,
        %add3A_2121 = arith.addf %add3A_2057, %get3A_2120 : vector<16xf32>
        %mul3A_2122 = arith.constant 4 : i32
        %mul3A_2123 = arith.muli %scan3A_1921, %mul3A_2122 : i32
        %add3A_2124 = arith.constant 3 : i32
        %add3A_2125 = arith.addi %mul3A_2123, %add3A_2124 : i32
        %get3A_2126 = arith.index_cast %add3A_2125 : i32 to index
        %get3A_2127 = arith.constant 0 : index
        %get3A_2128 = tpu.vector_load %arg9[%get3A_2126, %get3A_2127] {strides = array<i32>} : memref<40x128xf32, #tpu.memory_space<vmem>>, vector<16xf32>,
        %add3A_2129 = arith.addf %add3A_2065, %get3A_2128 : vector<16xf32>
        %mul3A_2130 = arith.constant 4 : i32
        %mul3A_2131 = arith.muli %scan3A_1921, %mul3A_2130 : i32
        %add3A_2132 = arith.constant 3 : i32
        %add3A_2133 = arith.addi %mul3A_2131, %add3A_2132 : i32
        %get3A_2134 = arith.index_cast %add3A_2133 : i32 to index
        %get3A_2135 = arith.constant 16 : index
        %get3A_2136 = tpu.vector_load %arg9[%get3A_2134, %get3A_2135] {strides = array<i32>} : memref<40x128xf32, #tpu.memory_space<vmem>>, vector<16xf32>,
        %add3A_2137 = arith.addf %add3A_2073, %get3A_2136 : vector<16xf32>
        %mul3A_2138 = arith.constant 4 : i32
        %mul3A_2139 = arith.muli %scan3A_1921, %mul3A_2138 : i32
        %add3A_2140 = arith.constant 3 : i32
        %add3A_2141 = arith.addi %mul3A_2139, %add3A_2140 : i32
        %get3A_2142 = arith.index_cast %add3A_2141 : i32 to index
        %get3A_2143 = arith.constant 32 : index
        %get3A_2144 = tpu.vector_load %arg9[%get3A_2142, %get3A_2143] {strides = array<i32>} : memref<40x128xf32, #tpu.memory_space<vmem>>, vector<16xf32>,
        %add3A_2145 = arith.addf %add3A_2081, %get3A_2144 : vector<16xf32>
        %mul3A_2146 = arith.constant 4 : i32
        %mul3A_2147 = arith.muli %scan3A_1921, %mul3A_2146 : i32
        %add3A_2148 = arith.constant 3 : i32
        %add3A_2149 = arith.addi %mul3A_2147, %add3A_2148 : i32
        %get3A_2150 = arith.index_cast %add3A_2149 : i32 to index
        %get3A_2151 = arith.constant 48 : index
        %get3A_2152 = tpu.vector_load %arg9[%get3A_2150, %get3A_2151] {strides = array<i32>} : memref<40x128xf32, #tpu.memory_space<vmem>>, vector<16xf32>,
        %add3A_2153 = arith.addf %add3A_2089, %get3A_2152 : vector<16xf32>
        %mul3A_2154 = arith.constant 4 : i32
        %mul3A_2155 = arith.muli %scan3A_1921, %mul3A_2154 : i32
        %add3A_2156 = arith.constant 3 : i32
        %add3A_2157 = arith.addi %mul3A_2155, %add3A_2156 : i32
        %get3A_2158 = arith.index_cast %add3A_2157 : i32 to index
        %get3A_2159 = arith.constant 64 : index
        %get3A_2160 = tpu.vector_load %arg9[%get3A_2158, %get3A_2159] {strides = array<i32>} : memref<40x128xf32, #tpu.memory_space<vmem>>, vector<16xf32>,
        %add3A_2161 = arith.addf %add3A_2097, %get3A_2160 : vector<16xf32>
        %mul3A_2162 = arith.constant 4 : i32
        %mul3A_2163 = arith.muli %scan3A_1921, %mul3A_2162 : i32
        %add3A_2164 = arith.constant 3 : i32
        %add3A_2165 = arith.addi %mul3A_2163, %add3A_2164 : i32
        %get3A_2166 = arith.index_cast %add3A_2165 : i32 to index
        %get3A_2167 = arith.constant 80 : index
        %get3A_2168 = tpu.vector_load %arg9[%get3A_2166, %get3A_2167] {strides = array<i32>} : memref<40x128xf32, #tpu.memory_space<vmem>>, vector<16xf32>,
        %add3A_2169 = arith.addf %add3A_2105, %get3A_2168 : vector<16xf32>
        %mul3A_2170 = arith.constant 4 : i32
        %mul3A_2171 = arith.muli %scan3A_1921, %mul3A_2170 : i32
        %add3A_2172 = arith.constant 3 : i32
        %add3A_2173 = arith.addi %mul3A_2171, %add3A_2172 : i32
        %get3A_2174 = arith.index_cast %add3A_2173 : i32 to index
        %get3A_2175 = arith.constant 96 : index
        %get3A_2176 = tpu.vector_load %arg9[%get3A_2174, %get3A_2175] {strides = array<i32>} : memref<40x128xf32, #tpu.memory_space<vmem>>, vector<16xf32>,
        %add3A_2177 = arith.addf %add3A_2113, %get3A_2176 : vector<16xf32>
        %mul3A_2178 = arith.constant 4 : i32
        %mul3A_2179 = arith.muli %scan3A_1921, %mul3A_2178 : i32
        %add3A_2180 = arith.constant 3 : i32
        %add3A_2181 = arith.addi %mul3A_2179, %add3A_2180 : i32
        %get3A_2182 = arith.index_cast %add3A_2181 : i32 to index
        %get3A_2183 = arith.constant 112 : index
        %get3A_2184 = tpu.vector_load %arg9[%get3A_2182, %get3A_2183] {strides = array<i32>} : memref<40x128xf32, #tpu.memory_space<vmem>>, vector<16xf32>,
        %add3A_2185 = arith.addf %add3A_2121, %get3A_2184 : vector<16xf32>
        scf.yield %add3A_2129, %add3A_2137, %add3A_2145, %add3A_2153, %add3A_2161, %add3A_2169, %add3A_2177, %add3A_2185 : vector<16xf32>, vector<16xf32>, vector<16xf32>, vector<16xf32>, vector<16xf32>, vector<16xf32>, vector<16xf32>, vector<16xf32>
      }
      %scan3A_1053 = arith.constant 10 : i32
      %mul3A_1054 = arith.constant 128 : i32
      %mul3A_1055 = arith.muli %select_n3A_1044, %mul3A_1054 : i32
      %add3A_1056 = arith.constant 0 : i32
      %add3A_1057 = arith.addi %mul3A_1055, %add3A_1056 : i32
      %get3A_1058 = arith.index_cast %add3A_1057 : i32 to index
      %get3A_1059 = tpu.vector_load %arg7[%get3A_1058] {strides = array<i32>} : memref<512xi32, #tpu.memory_space<vmem>>, vector<16xi32>,
      %gt3A_1060 = arith.constant 0 : i32
      %gt3A_1061 = vector.broadcast %gt3A_1060 : i32 to vector<16xi32>
      %gt3A_1062 = arith.cmpi sgt, %get3A_1059, %gt3A_1061 : vector<16xi32>
      %jit3A_1063 = arith.constant 1.000000e+00 : f32
      %jit3A_1064 = arith.constant 0.000000e+00 : f32
      %broadcast_in_dim3A_1065 = vector.broadcast %jit3A_1063 : f32 to vector<16xf32>
      %broadcast_in_dim3A_1066 = vector.broadcast %jit3A_1064 : f32 to vector<16xf32>
      %select_n3A_1067 = arith.select %gt3A_1062, %broadcast_in_dim3A_1065, %broadcast_in_dim3A_1066 : vector<16xi1>, vector<16xf32>
      %mul3A_1068 = arith.constant 128 : i32
      %mul3A_1069 = arith.muli %select_n3A_1044, %mul3A_1068 : i32
      %add3A_1070 = arith.constant 0 : i32
      %add3A_1071 = arith.addi %mul3A_1069, %add3A_1070 : i32
      %get3A_1072 = arith.index_cast %add3A_1071 : i32 to index
      %get3A_1073 = tpu.vector_load %arg8[%get3A_1072] {strides = array<i32>} : memref<512xi32, #tpu.memory_space<vmem>>, vector<16xi32>,
      %mul3A_1074 = arith.constant 40 : i32
      %mul3A_1075 = arith.muli %sub3A_1047, %mul3A_1074 : i32
      %add3A_1076 = arith.constant 840 : i32
      %add3A_1077 = arith.addi %add3A_1076, %mul3A_1075 : i32
      %broadcast_in_dim3A_1078 = vector.broadcast %add3A_1077 : i32 to vector<16xi32>
      %sub3A_1079 = arith.subi %get3A_1073, %broadcast_in_dim3A_1078 : vector<16xi32>
      %ge3A_1080 = arith.constant 0 : i32
      %ge3A_1081 = vector.broadcast %ge3A_1080 : i32 to vector<16xi32>
      %ge3A_1082 = arith.cmpi sge, %sub3A_1079, %ge3A_1081 : vector<16xi32>
      %lt3A_1083 = arith.constant 40 : i32
      %lt3A_1084 = vector.broadcast %lt3A_1083 : i32 to vector<16xi32>
      %lt3A_1085 = arith.cmpi slt, %sub3A_1079, %lt3A_1084 : vector<16xi32>
      %and3A_1086 = arith.andi %ge3A_1082, %lt3A_1085 : vector<16xi1>
      %jit3A_1087 = arith.constant 0 : i32
      %broadcast_in_dim3A_1088 = vector.broadcast %jit3A_1087 : i32 to vector<16xi32>
      %select_n3A_1089 = arith.select %and3A_1086, %sub3A_1079, %broadcast_in_dim3A_1088 : vector<16xi1>, vector<16xi32>
      %add3A_1090 = arith.constant 0 : i32
      %add3A_1091 = vector.broadcast %add3A_1090 : i32 to vector<16xi32>
      %add3A_1092 = arith.addi %add3A_1091, %iota3A : vector<16xi32>
      %gather3A_1093 = tpu.vector_load_idx %arg9[%select_n3A_1089, %add3A_1092] : memref<40x128xf32, #tpu.memory_space<vmem>>[vector<16xi32>, vector<16xi32>], vector<16xf32>,
      %mul3A_1094 = arith.mulf %select_n3A_1067, %gather3A_1093 : vector<16xf32>
      %jit3A_1095 = arith.constant 0.000000e+00 : f32
      %broadcast_in_dim3A_1096 = vector.broadcast %jit3A_1095 : f32 to vector<16xf32>
      %select_n3A_1097 = arith.select %and3A_1086, %mul3A_1094, %broadcast_in_dim3A_1096 : vector<16xi1>, vector<16xf32>
      %mul3A_1098 = arith.mulf %select_n3A_1067, %scan3A_1052#0 : vector<16xf32>
      %add3A_1099 = arith.addf %scan3A_1003, %mul3A_1098 : vector<16xf32>
      %add3A_1100 = arith.addf %scan3A_1011, %select_n3A_1097 : vector<16xf32>
      %mul3A_1101 = arith.constant 128 : i32
      %mul3A_1102 = arith.muli %select_n3A_1044, %mul3A_1101 : i32
      %add3A_1103 = arith.constant 16 : i32
      %add3A_1104 = arith.addi %mul3A_1102, %add3A_1103 : i32
      %get3A_1105 = arith.index_cast %add3A_1104 : i32 to index
      %get3A_1106 = tpu.vector_load %arg7[%get3A_1105] {strides = array<i32>} : memref<512xi32, #tpu.memory_space<vmem>>, vector<16xi32>,
      %gt3A_1107 = arith.constant 0 : i32
      %gt3A_1108 = vector.broadcast %gt3A_1107 : i32 to vector<16xi32>
      %gt3A_1109 = arith.cmpi sgt, %get3A_1106, %gt3A_1108 : vector<16xi32>
      %jit3A_1110 = arith.constant 1.000000e+00 : f32
      %jit3A_1111 = arith.constant 0.000000e+00 : f32
      %broadcast_in_dim3A_1112 = vector.broadcast %jit3A_1110 : f32 to vector<16xf32>
      %broadcast_in_dim3A_1113 = vector.broadcast %jit3A_1111 : f32 to vector<16xf32>
      %select_n3A_1114 = arith.select %gt3A_1109, %broadcast_in_dim3A_1112, %broadcast_in_dim3A_1113 : vector<16xi1>, vector<16xf32>
      %mul3A_1115 = arith.constant 128 : i32
      %mul3A_1116 = arith.muli %select_n3A_1044, %mul3A_1115 : i32
      %add3A_1117 = arith.constant 16 : i32
      %add3A_1118 = arith.addi %mul3A_1116, %add3A_1117 : i32
      %get3A_1119 = arith.index_cast %add3A_1118 : i32 to index
      %get3A_1120 = tpu.vector_load %arg8[%get3A_1119] {strides = array<i32>} : memref<512xi32, #tpu.memory_space<vmem>>, vector<16xi32>,
      %mul3A_1121 = arith.constant 40 : i32
      %mul3A_1122 = arith.muli %sub3A_1047, %mul3A_1121 : i32
      %add3A_1123 = arith.constant 840 : i32
      %add3A_1124 = arith.addi %add3A_1123, %mul3A_1122 : i32
      %broadcast_in_dim3A_1125 = vector.broadcast %add3A_1124 : i32 to vector<16xi32>
      %sub3A_1126 = arith.subi %get3A_1120, %broadcast_in_dim3A_1125 : vector<16xi32>
      %ge3A_1127 = arith.constant 0 : i32
      %ge3A_1128 = vector.broadcast %ge3A_1127 : i32 to vector<16xi32>
      %ge3A_1129 = arith.cmpi sge, %sub3A_1126, %ge3A_1128 : vector<16xi32>
      %lt3A_1130 = arith.constant 40 : i32
      %lt3A_1131 = vector.broadcast %lt3A_1130 : i32 to vector<16xi32>
      %lt3A_1132 = arith.cmpi slt, %sub3A_1126, %lt3A_1131 : vector<16xi32>
      %and3A_1133 = arith.andi %ge3A_1129, %lt3A_1132 : vector<16xi1>
      %jit3A_1134 = arith.constant 0 : i32
      %broadcast_in_dim3A_1135 = vector.broadcast %jit3A_1134 : i32 to vector<16xi32>
      %select_n3A_1136 = arith.select %and3A_1133, %sub3A_1126, %broadcast_in_dim3A_1135 : vector<16xi1>, vector<16xi32>
      %add3A_1137 = arith.constant 16 : i32
      %add3A_1138 = vector.broadcast %add3A_1137 : i32 to vector<16xi32>
      %add3A_1139 = arith.addi %add3A_1138, %iota3A : vector<16xi32>
      %gather3A_1140 = tpu.vector_load_idx %arg9[%select_n3A_1136, %add3A_1139] : memref<40x128xf32, #tpu.memory_space<vmem>>[vector<16xi32>, vector<16xi32>], vector<16xf32>,
      %mul3A_1141 = arith.mulf %select_n3A_1114, %gather3A_1140 : vector<16xf32>
      %jit3A_1142 = arith.constant 0.000000e+00 : f32
      %broadcast_in_dim3A_1143 = vector.broadcast %jit3A_1142 : f32 to vector<16xf32>
      %select_n3A_1144 = arith.select %and3A_1133, %mul3A_1141, %broadcast_in_dim3A_1143 : vector<16xi1>, vector<16xf32>
      %mul3A_1145 = arith.mulf %select_n3A_1114, %scan3A_1052#1 : vector<16xf32>
      %add3A_1146 = arith.addf %scan3A_1004, %mul3A_1145 : vector<16xf32>
      %add3A_1147 = arith.addf %scan3A_1012, %select_n3A_1144 : vector<16xf32>
      %mul3A_1148 = arith.constant 128 : i32
      %mul3A_1149 = arith.muli %select_n3A_1044, %mul3A_1148 : i32
      %add3A_1150 = arith.constant 32 : i32
      %add3A_1151 = arith.addi %mul3A_1149, %add3A_1150 : i32
      %get3A_1152 = arith.index_cast %add3A_1151 : i32 to index
      %get3A_1153 = tpu.vector_load %arg7[%get3A_1152] {strides = array<i32>} : memref<512xi32, #tpu.memory_space<vmem>>, vector<16xi32>,
      %gt3A_1154 = arith.constant 0 : i32
      %gt3A_1155 = vector.broadcast %gt3A_1154 : i32 to vector<16xi32>
      %gt3A_1156 = arith.cmpi sgt, %get3A_1153, %gt3A_1155 : vector<16xi32>
      %jit3A_1157 = arith.constant 1.000000e+00 : f32
      %jit3A_1158 = arith.constant 0.000000e+00 : f32
      %broadcast_in_dim3A_1159 = vector.broadcast %jit3A_1157 : f32 to vector<16xf32>
      %broadcast_in_dim3A_1160 = vector.broadcast %jit3A_1158 : f32 to vector<16xf32>
      %select_n3A_1161 = arith.select %gt3A_1156, %broadcast_in_dim3A_1159, %broadcast_in_dim3A_1160 : vector<16xi1>, vector<16xf32>
      %mul3A_1162 = arith.constant 128 : i32
      %mul3A_1163 = arith.muli %select_n3A_1044, %mul3A_1162 : i32
      %add3A_1164 = arith.constant 32 : i32
      %add3A_1165 = arith.addi %mul3A_1163, %add3A_1164 : i32
      %get3A_1166 = arith.index_cast %add3A_1165 : i32 to index
      %get3A_1167 = tpu.vector_load %arg8[%get3A_1166] {strides = array<i32>} : memref<512xi32, #tpu.memory_space<vmem>>, vector<16xi32>,
      %mul3A_1168 = arith.constant 40 : i32
      %mul3A_1169 = arith.muli %sub3A_1047, %mul3A_1168 : i32
      %add3A_1170 = arith.constant 840 : i32
      %add3A_1171 = arith.addi %add3A_1170, %mul3A_1169 : i32
      %broadcast_in_dim3A_1172 = vector.broadcast %add3A_1171 : i32 to vector<16xi32>
      %sub3A_1173 = arith.subi %get3A_1167, %broadcast_in_dim3A_1172 : vector<16xi32>
      %ge3A_1174 = arith.constant 0 : i32
      %ge3A_1175 = vector.broadcast %ge3A_1174 : i32 to vector<16xi32>
      %ge3A_1176 = arith.cmpi sge, %sub3A_1173, %ge3A_1175 : vector<16xi32>
      %lt3A_1177 = arith.constant 40 : i32
      %lt3A_1178 = vector.broadcast %lt3A_1177 : i32 to vector<16xi32>
      %lt3A_1179 = arith.cmpi slt, %sub3A_1173, %lt3A_1178 : vector<16xi32>
      %and3A_1180 = arith.andi %ge3A_1176, %lt3A_1179 : vector<16xi1>
      %jit3A_1181 = arith.constant 0 : i32
      %broadcast_in_dim3A_1182 = vector.broadcast %jit3A_1181 : i32 to vector<16xi32>
      %select_n3A_1183 = arith.select %and3A_1180, %sub3A_1173, %broadcast_in_dim3A_1182 : vector<16xi1>, vector<16xi32>
      %add3A_1184 = arith.constant 32 : i32
      %add3A_1185 = vector.broadcast %add3A_1184 : i32 to vector<16xi32>
      %add3A_1186 = arith.addi %add3A_1185, %iota3A : vector<16xi32>
      %gather3A_1187 = tpu.vector_load_idx %arg9[%select_n3A_1183, %add3A_1186] : memref<40x128xf32, #tpu.memory_space<vmem>>[vector<16xi32>, vector<16xi32>], vector<16xf32>,
      %mul3A_1188 = arith.mulf %select_n3A_1161, %gather3A_1187 : vector<16xf32>
      %jit3A_1189 = arith.constant 0.000000e+00 : f32
      %broadcast_in_dim3A_1190 = vector.broadcast %jit3A_1189 : f32 to vector<16xf32>
      %select_n3A_1191 = arith.select %and3A_1180, %mul3A_1188, %broadcast_in_dim3A_1190 : vector<16xi1>, vector<16xf32>
      %mul3A_1192 = arith.mulf %select_n3A_1161, %scan3A_1052#2 : vector<16xf32>
      %add3A_1193 = arith.addf %scan3A_1005, %mul3A_1192 : vector<16xf32>
      %add3A_1194 = arith.addf %scan3A_1013, %select_n3A_1191 : vector<16xf32>
      %mul3A_1195 = arith.constant 128 : i32
      %mul3A_1196 = arith.muli %select_n3A_1044, %mul3A_1195 : i32
      %add3A_1197 = arith.constant 48 : i32
      %add3A_1198 = arith.addi %mul3A_1196, %add3A_1197 : i32
      %get3A_1199 = arith.index_cast %add3A_1198 : i32 to index
      %get3A_1200 = tpu.vector_load %arg7[%get3A_1199] {strides = array<i32>} : memref<512xi32, #tpu.memory_space<vmem>>, vector<16xi32>,
      %gt3A_1201 = arith.constant 0 : i32
      %gt3A_1202 = vector.broadcast %gt3A_1201 : i32 to vector<16xi32>
      %gt3A_1203 = arith.cmpi sgt, %get3A_1200, %gt3A_1202 : vector<16xi32>
      %jit3A_1204 = arith.constant 1.000000e+00 : f32
      %jit3A_1205 = arith.constant 0.000000e+00 : f32
      %broadcast_in_dim3A_1206 = vector.broadcast %jit3A_1204 : f32 to vector<16xf32>
      %broadcast_in_dim3A_1207 = vector.broadcast %jit3A_1205 : f32 to vector<16xf32>
      %select_n3A_1208 = arith.select %gt3A_1203, %broadcast_in_dim3A_1206, %broadcast_in_dim3A_1207 : vector<16xi1>, vector<16xf32>
      %mul3A_1209 = arith.constant 128 : i32
      %mul3A_1210 = arith.muli %select_n3A_1044, %mul3A_1209 : i32
      %add3A_1211 = arith.constant 48 : i32
      %add3A_1212 = arith.addi %mul3A_1210, %add3A_1211 : i32
      %get3A_1213 = arith.index_cast %add3A_1212 : i32 to index
      %get3A_1214 = tpu.vector_load %arg8[%get3A_1213] {strides = array<i32>} : memref<512xi32, #tpu.memory_space<vmem>>, vector<16xi32>,
      %mul3A_1215 = arith.constant 40 : i32
      %mul3A_1216 = arith.muli %sub3A_1047, %mul3A_1215 : i32
      %add3A_1217 = arith.constant 840 : i32
      %add3A_1218 = arith.addi %add3A_1217, %mul3A_1216 : i32
      %broadcast_in_dim3A_1219 = vector.broadcast %add3A_1218 : i32 to vector<16xi32>
      %sub3A_1220 = arith.subi %get3A_1214, %broadcast_in_dim3A_1219 : vector<16xi32>
      %ge3A_1221 = arith.constant 0 : i32
      %ge3A_1222 = vector.broadcast %ge3A_1221 : i32 to vector<16xi32>
      %ge3A_1223 = arith.cmpi sge, %sub3A_1220, %ge3A_1222 : vector<16xi32>
      %lt3A_1224 = arith.constant 40 : i32
      %lt3A_1225 = vector.broadcast %lt3A_1224 : i32 to vector<16xi32>
      %lt3A_1226 = arith.cmpi slt, %sub3A_1220, %lt3A_1225 : vector<16xi32>
      %and3A_1227 = arith.andi %ge3A_1223, %lt3A_1226 : vector<16xi1>
      %jit3A_1228 = arith.constant 0 : i32
      %broadcast_in_dim3A_1229 = vector.broadcast %jit3A_1228 : i32 to vector<16xi32>
      %select_n3A_1230 = arith.select %and3A_1227, %sub3A_1220, %broadcast_in_dim3A_1229 : vector<16xi1>, vector<16xi32>
      %add3A_1231 = arith.constant 48 : i32
      %add3A_1232 = vector.broadcast %add3A_1231 : i32 to vector<16xi32>
      %add3A_1233 = arith.addi %add3A_1232, %iota3A : vector<16xi32>
      %gather3A_1234 = tpu.vector_load_idx %arg9[%select_n3A_1230, %add3A_1233] : memref<40x128xf32, #tpu.memory_space<vmem>>[vector<16xi32>, vector<16xi32>], vector<16xf32>,
      %mul3A_1235 = arith.mulf %select_n3A_1208, %gather3A_1234 : vector<16xf32>
      %jit3A_1236 = arith.constant 0.000000e+00 : f32
      %broadcast_in_dim3A_1237 = vector.broadcast %jit3A_1236 : f32 to vector<16xf32>
      %select_n3A_1238 = arith.select %and3A_1227, %mul3A_1235, %broadcast_in_dim3A_1237 : vector<16xi1>, vector<16xf32>
      %mul3A_1239 = arith.mulf %select_n3A_1208, %scan3A_1052#3 : vector<16xf32>
      %add3A_1240 = arith.addf %scan3A_1006, %mul3A_1239 : vector<16xf32>
      %add3A_1241 = arith.addf %scan3A_1014, %select_n3A_1238 : vector<16xf32>
      %mul3A_1242 = arith.constant 128 : i32
      %mul3A_1243 = arith.muli %select_n3A_1044, %mul3A_1242 : i32
      %add3A_1244 = arith.constant 64 : i32
      %add3A_1245 = arith.addi %mul3A_1243, %add3A_1244 : i32
      %get3A_1246 = arith.index_cast %add3A_1245 : i32 to index
      %get3A_1247 = tpu.vector_load %arg7[%get3A_1246] {strides = array<i32>} : memref<512xi32, #tpu.memory_space<vmem>>, vector<16xi32>,
      %gt3A_1248 = arith.constant 0 : i32
      %gt3A_1249 = vector.broadcast %gt3A_1248 : i32 to vector<16xi32>
      %gt3A_1250 = arith.cmpi sgt, %get3A_1247, %gt3A_1249 : vector<16xi32>
      %jit3A_1251 = arith.constant 1.000000e+00 : f32
      %jit3A_1252 = arith.constant 0.000000e+00 : f32
      %broadcast_in_dim3A_1253 = vector.broadcast %jit3A_1251 : f32 to vector<16xf32>
      %broadcast_in_dim3A_1254 = vector.broadcast %jit3A_1252 : f32 to vector<16xf32>
      %select_n3A_1255 = arith.select %gt3A_1250, %broadcast_in_dim3A_1253, %broadcast_in_dim3A_1254 : vector<16xi1>, vector<16xf32>
      %mul3A_1256 = arith.constant 128 : i32
      %mul3A_1257 = arith.muli %select_n3A_1044, %mul3A_1256 : i32
      %add3A_1258 = arith.constant 64 : i32
      %add3A_1259 = arith.addi %mul3A_1257, %add3A_1258 : i32
      %get3A_1260 = arith.index_cast %add3A_1259 : i32 to index
      %get3A_1261 = tpu.vector_load %arg8[%get3A_1260] {strides = array<i32>} : memref<512xi32, #tpu.memory_space<vmem>>, vector<16xi32>,
      %mul3A_1262 = arith.constant 40 : i32
      %mul3A_1263 = arith.muli %sub3A_1047, %mul3A_1262 : i32
      %add3A_1264 = arith.constant 840 : i32
      %add3A_1265 = arith.addi %add3A_1264, %mul3A_1263 : i32
      %broadcast_in_dim3A_1266 = vector.broadcast %add3A_1265 : i32 to vector<16xi32>
      %sub3A_1267 = arith.subi %get3A_1261, %broadcast_in_dim3A_1266 : vector<16xi32>
      %ge3A_1268 = arith.constant 0 : i32
      %ge3A_1269 = vector.broadcast %ge3A_1268 : i32 to vector<16xi32>
      %ge3A_1270 = arith.cmpi sge, %sub3A_1267, %ge3A_1269 : vector<16xi32>
      %lt3A_1271 = arith.constant 40 : i32
      %lt3A_1272 = vector.broadcast %lt3A_1271 : i32 to vector<16xi32>
      %lt3A_1273 = arith.cmpi slt, %sub3A_1267, %lt3A_1272 : vector<16xi32>
      %and3A_1274 = arith.andi %ge3A_1270, %lt3A_1273 : vector<16xi1>
      %jit3A_1275 = arith.constant 0 : i32
      %broadcast_in_dim3A_1276 = vector.broadcast %jit3A_1275 : i32 to vector<16xi32>
      %select_n3A_1277 = arith.select %and3A_1274, %sub3A_1267, %broadcast_in_dim3A_1276 : vector<16xi1>, vector<16xi32>
      %add3A_1278 = arith.constant 64 : i32
      %add3A_1279 = vector.broadcast %add3A_1278 : i32 to vector<16xi32>
      %add3A_1280 = arith.addi %add3A_1279, %iota3A : vector<16xi32>
      %gather3A_1281 = tpu.vector_load_idx %arg9[%select_n3A_1277, %add3A_1280] : memref<40x128xf32, #tpu.memory_space<vmem>>[vector<16xi32>, vector<16xi32>], vector<16xf32>,
      %mul3A_1282 = arith.mulf %select_n3A_1255, %gather3A_1281 : vector<16xf32>
      %jit3A_1283 = arith.constant 0.000000e+00 : f32
      %broadcast_in_dim3A_1284 = vector.broadcast %jit3A_1283 : f32 to vector<16xf32>
      %select_n3A_1285 = arith.select %and3A_1274, %mul3A_1282, %broadcast_in_dim3A_1284 : vector<16xi1>, vector<16xf32>
      %mul3A_1286 = arith.mulf %select_n3A_1255, %scan3A_1052#4 : vector<16xf32>
      %add3A_1287 = arith.addf %scan3A_1007, %mul3A_1286 : vector<16xf32>
      %add3A_1288 = arith.addf %scan3A_1015, %select_n3A_1285 : vector<16xf32>
      %mul3A_1289 = arith.constant 128 : i32
      %mul3A_1290 = arith.muli %select_n3A_1044, %mul3A_1289 : i32
      %add3A_1291 = arith.constant 80 : i32
      %add3A_1292 = arith.addi %mul3A_1290, %add3A_1291 : i32
      %get3A_1293 = arith.index_cast %add3A_1292 : i32 to index
      %get3A_1294 = tpu.vector_load %arg7[%get3A_1293] {strides = array<i32>} : memref<512xi32, #tpu.memory_space<vmem>>, vector<16xi32>,
      %gt3A_1295 = arith.constant 0 : i32
      %gt3A_1296 = vector.broadcast %gt3A_1295 : i32 to vector<16xi32>
      %gt3A_1297 = arith.cmpi sgt, %get3A_1294, %gt3A_1296 : vector<16xi32>
      %jit3A_1298 = arith.constant 1.000000e+00 : f32
      %jit3A_1299 = arith.constant 0.000000e+00 : f32
      %broadcast_in_dim3A_1300 = vector.broadcast %jit3A_1298 : f32 to vector<16xf32>
      %broadcast_in_dim3A_1301 = vector.broadcast %jit3A_1299 : f32 to vector<16xf32>
      %select_n3A_1302 = arith.select %gt3A_1297, %broadcast_in_dim3A_1300, %broadcast_in_dim3A_1301 : vector<16xi1>, vector<16xf32>
      %mul3A_1303 = arith.constant 128 : i32
      %mul3A_1304 = arith.muli %select_n3A_1044, %mul3A_1303 : i32
      %add3A_1305 = arith.constant 80 : i32
      %add3A_1306 = arith.addi %mul3A_1304, %add3A_1305 : i32
      %get3A_1307 = arith.index_cast %add3A_1306 : i32 to index
      %get3A_1308 = tpu.vector_load %arg8[%get3A_1307] {strides = array<i32>} : memref<512xi32, #tpu.memory_space<vmem>>, vector<16xi32>,
      %mul3A_1309 = arith.constant 40 : i32
      %mul3A_1310 = arith.muli %sub3A_1047, %mul3A_1309 : i32
      %add3A_1311 = arith.constant 840 : i32
      %add3A_1312 = arith.addi %add3A_1311, %mul3A_1310 : i32
      %broadcast_in_dim3A_1313 = vector.broadcast %add3A_1312 : i32 to vector<16xi32>
      %sub3A_1314 = arith.subi %get3A_1308, %broadcast_in_dim3A_1313 : vector<16xi32>
      %ge3A_1315 = arith.constant 0 : i32
      %ge3A_1316 = vector.broadcast %ge3A_1315 : i32 to vector<16xi32>
      %ge3A_1317 = arith.cmpi sge, %sub3A_1314, %ge3A_1316 : vector<16xi32>
      %lt3A_1318 = arith.constant 40 : i32
      %lt3A_1319 = vector.broadcast %lt3A_1318 : i32 to vector<16xi32>
      %lt3A_1320 = arith.cmpi slt, %sub3A_1314, %lt3A_1319 : vector<16xi32>
      %and3A_1321 = arith.andi %ge3A_1317, %lt3A_1320 : vector<16xi1>
      %jit3A_1322 = arith.constant 0 : i32
      %broadcast_in_dim3A_1323 = vector.broadcast %jit3A_1322 : i32 to vector<16xi32>
      %select_n3A_1324 = arith.select %and3A_1321, %sub3A_1314, %broadcast_in_dim3A_1323 : vector<16xi1>, vector<16xi32>
      %add3A_1325 = arith.constant 80 : i32
      %add3A_1326 = vector.broadcast %add3A_1325 : i32 to vector<16xi32>
      %add3A_1327 = arith.addi %add3A_1326, %iota3A : vector<16xi32>
      %gather3A_1328 = tpu.vector_load_idx %arg9[%select_n3A_1324, %add3A_1327] : memref<40x128xf32, #tpu.memory_space<vmem>>[vector<16xi32>, vector<16xi32>], vector<16xf32>,
      %mul3A_1329 = arith.mulf %select_n3A_1302, %gather3A_1328 : vector<16xf32>
      %jit3A_1330 = arith.constant 0.000000e+00 : f32
      %broadcast_in_dim3A_1331 = vector.broadcast %jit3A_1330 : f32 to vector<16xf32>
      %select_n3A_1332 = arith.select %and3A_1321, %mul3A_1329, %broadcast_in_dim3A_1331 : vector<16xi1>, vector<16xf32>
      %mul3A_1333 = arith.mulf %select_n3A_1302, %scan3A_1052#5 : vector<16xf32>
      %add3A_1334 = arith.addf %scan3A_1008, %mul3A_1333 : vector<16xf32>
      %add3A_1335 = arith.addf %scan3A_1016, %select_n3A_1332 : vector<16xf32>
      %mul3A_1336 = arith.constant 128 : i32
      %mul3A_1337 = arith.muli %select_n3A_1044, %mul3A_1336 : i32
      %add3A_1338 = arith.constant 96 : i32
      %add3A_1339 = arith.addi %mul3A_1337, %add3A_1338 : i32
      %get3A_1340 = arith.index_cast %add3A_1339 : i32 to index
      %get3A_1341 = tpu.vector_load %arg7[%get3A_1340] {strides = array<i32>} : memref<512xi32, #tpu.memory_space<vmem>>, vector<16xi32>,
      %gt3A_1342 = arith.constant 0 : i32
      %gt3A_1343 = vector.broadcast %gt3A_1342 : i32 to vector<16xi32>
      %gt3A_1344 = arith.cmpi sgt, %get3A_1341, %gt3A_1343 : vector<16xi32>
      %jit3A_1345 = arith.constant 1.000000e+00 : f32
      %jit3A_1346 = arith.constant 0.000000e+00 : f32
      %broadcast_in_dim3A_1347 = vector.broadcast %jit3A_1345 : f32 to vector<16xf32>
      %broadcast_in_dim3A_1348 = vector.broadcast %jit3A_1346 : f32 to vector<16xf32>
      %select_n3A_1349 = arith.select %gt3A_1344, %broadcast_in_dim3A_1347, %broadcast_in_dim3A_1348 : vector<16xi1>, vector<16xf32>
      %mul3A_1350 = arith.constant 128 : i32
      %mul3A_1351 = arith.muli %select_n3A_1044, %mul3A_1350 : i32
      %add3A_1352 = arith.constant 96 : i32
      %add3A_1353 = arith.addi %mul3A_1351, %add3A_1352 : i32
      %get3A_1354 = arith.index_cast %add3A_1353 : i32 to index
      %get3A_1355 = tpu.vector_load %arg8[%get3A_1354] {strides = array<i32>} : memref<512xi32, #tpu.memory_space<vmem>>, vector<16xi32>,
      %mul3A_1356 = arith.constant 40 : i32
      %mul3A_1357 = arith.muli %sub3A_1047, %mul3A_1356 : i32
      %add3A_1358 = arith.constant 840 : i32
      %add3A_1359 = arith.addi %add3A_1358, %mul3A_1357 : i32
      %broadcast_in_dim3A_1360 = vector.broadcast %add3A_1359 : i32 to vector<16xi32>
      %sub3A_1361 = arith.subi %get3A_1355, %broadcast_in_dim3A_1360 : vector<16xi32>
      %ge3A_1362 = arith.constant 0 : i32
      %ge3A_1363 = vector.broadcast %ge3A_1362 : i32 to vector<16xi32>
      %ge3A_1364 = arith.cmpi sge, %sub3A_1361, %ge3A_1363 : vector<16xi32>
      %lt3A_1365 = arith.constant 40 : i32
      %lt3A_1366 = vector.broadcast %lt3A_1365 : i32 to vector<16xi32>
      %lt3A_1367 = arith.cmpi slt, %sub3A_1361, %lt3A_1366 : vector<16xi32>
      %and3A_1368 = arith.andi %ge3A_1364, %lt3A_1367 : vector<16xi1>
      %jit3A_1369 = arith.constant 0 : i32
      %broadcast_in_dim3A_1370 = vector.broadcast %jit3A_1369 : i32 to vector<16xi32>
      %select_n3A_1371 = arith.select %and3A_1368, %sub3A_1361, %broadcast_in_dim3A_1370 : vector<16xi1>, vector<16xi32>
      %add3A_1372 = arith.constant 96 : i32
      %add3A_1373 = vector.broadcast %add3A_1372 : i32 to vector<16xi32>
      %add3A_1374 = arith.addi %add3A_1373, %iota3A : vector<16xi32>
      %gather3A_1375 = tpu.vector_load_idx %arg9[%select_n3A_1371, %add3A_1374] : memref<40x128xf32, #tpu.memory_space<vmem>>[vector<16xi32>, vector<16xi32>], vector<16xf32>,
      %mul3A_1376 = arith.mulf %select_n3A_1349, %gather3A_1375 : vector<16xf32>
      %jit3A_1377 = arith.constant 0.000000e+00 : f32
      %broadcast_in_dim3A_1378 = vector.broadcast %jit3A_1377 : f32 to vector<16xf32>
      %select_n3A_1379 = arith.select %and3A_1368, %mul3A_1376, %broadcast_in_dim3A_1378 : vector<16xi1>, vector<16xf32>
      %mul3A_1380 = arith.mulf %select_n3A_1349, %scan3A_1052#6 : vector<16xf32>
      %add3A_1381 = arith.addf %scan3A_1009, %mul3A_1380 : vector<16xf32>
      %add3A_1382 = arith.addf %scan3A_1017, %select_n3A_1379 : vector<16xf32>
      %mul3A_1383 = arith.constant 128 : i32
      %mul3A_1384 = arith.muli %select_n3A_1044, %mul3A_1383 : i32
      %add3A_1385 = arith.constant 112 : i32
      %add3A_1386 = arith.addi %mul3A_1384, %add3A_1385 : i32
      %get3A_1387 = arith.index_cast %add3A_1386 : i32 to index
      %get3A_1388 = tpu.vector_load %arg7[%get3A_1387] {strides = array<i32>} : memref<512xi32, #tpu.memory_space<vmem>>, vector<16xi32>,
      %gt3A_1389 = arith.constant 0 : i32
      %gt3A_1390 = vector.broadcast %gt3A_1389 : i32 to vector<16xi32>
      %gt3A_1391 = arith.cmpi sgt, %get3A_1388, %gt3A_1390 : vector<16xi32>
      %jit3A_1392 = arith.constant 1.000000e+00 : f32
      %jit3A_1393 = arith.constant 0.000000e+00 : f32
      %broadcast_in_dim3A_1394 = vector.broadcast %jit3A_1392 : f32 to vector<16xf32>
      %broadcast_in_dim3A_1395 = vector.broadcast %jit3A_1393 : f32 to vector<16xf32>
      %select_n3A_1396 = arith.select %gt3A_1391, %broadcast_in_dim3A_1394, %broadcast_in_dim3A_1395 : vector<16xi1>, vector<16xf32>
      %mul3A_1397 = arith.constant 128 : i32
      %mul3A_1398 = arith.muli %select_n3A_1044, %mul3A_1397 : i32
      %add3A_1399 = arith.constant 112 : i32
      %add3A_1400 = arith.addi %mul3A_1398, %add3A_1399 : i32
      %get3A_1401 = arith.index_cast %add3A_1400 : i32 to index
      %get3A_1402 = tpu.vector_load %arg8[%get3A_1401] {strides = array<i32>} : memref<512xi32, #tpu.memory_space<vmem>>, vector<16xi32>,
      %mul3A_1403 = arith.constant 40 : i32
      %mul3A_1404 = arith.muli %sub3A_1047, %mul3A_1403 : i32
      %add3A_1405 = arith.constant 840 : i32
      %add3A_1406 = arith.addi %add3A_1405, %mul3A_1404 : i32
      %broadcast_in_dim3A_1407 = vector.broadcast %add3A_1406 : i32 to vector<16xi32>
      %sub3A_1408 = arith.subi %get3A_1402, %broadcast_in_dim3A_1407 : vector<16xi32>
      %ge3A_1409 = arith.constant 0 : i32
      %ge3A_1410 = vector.broadcast %ge3A_1409 : i32 to vector<16xi32>
      %ge3A_1411 = arith.cmpi sge, %sub3A_1408, %ge3A_1410 : vector<16xi32>
      %lt3A_1412 = arith.constant 40 : i32
      %lt3A_1413 = vector.broadcast %lt3A_1412 : i32 to vector<16xi32>
      %lt3A_1414 = arith.cmpi slt, %sub3A_1408, %lt3A_1413 : vector<16xi32>
      %and3A_1415 = arith.andi %ge3A_1411, %lt3A_1414 : vector<16xi1>
      %jit3A_1416 = arith.constant 0 : i32
      %broadcast_in_dim3A_1417 = vector.broadcast %jit3A_1416 : i32 to vector<16xi32>
      %select_n3A_1418 = arith.select %and3A_1415, %sub3A_1408, %broadcast_in_dim3A_1417 : vector<16xi1>, vector<16xi32>
      %add3A_1419 = arith.constant 112 : i32
      %add3A_1420 = vector.broadcast %add3A_1419 : i32 to vector<16xi32>
      %add3A_1421 = arith.addi %add3A_1420, %iota3A : vector<16xi32>
      %gather3A_1422 = tpu.vector_load_idx %arg9[%select_n3A_1418, %add3A_1421] : memref<40x128xf32, #tpu.memory_space<vmem>>[vector<16xi32>, vector<16xi32>], vector<16xf32>,
      %mul3A_1423 = arith.mulf %select_n3A_1396, %gather3A_1422 : vector<16xf32>
      %jit3A_1424 = arith.constant 0.000000e+00 : f32
      %broadcast_in_dim3A_1425 = vector.broadcast %jit3A_1424 : f32 to vector<16xf32>
      %select_n3A_1426 = arith.select %and3A_1415, %mul3A_1423, %broadcast_in_dim3A_1425 : vector<16xi1>, vector<16xf32>
      %mul3A_1427 = arith.mulf %select_n3A_1396, %scan3A_1052#7 : vector<16xf32>
      %add3A_1428 = arith.addf %scan3A_1010, %mul3A_1427 : vector<16xf32>
      %add3A_1429 = arith.addf %scan3A_1018, %select_n3A_1426 : vector<16xf32>
      %add3A_1430 = arith.constant 2 : i32
      %add3A_1431 = arith.addi %mul3A_1020, %add3A_1430 : i32
      %jit3A_1432 = arith.constant 4 : i32
      %div3A_1433 = arith.divsi %add3A_1431, %jit3A_1432 : i32
      %sign3A_1434 = arith.constant 0 : i32
      %sign3A_1435 = arith.cmpi sgt, %add3A_1431, %sign3A_1434 : i32
      %sign3A_1436 = arith.extui %sign3A_1435 : i1 to i32
      %sign3A_1437 = arith.constant 0 : i32
      %sign3A_1438 = arith.cmpi slt, %add3A_1431, %sign3A_1437 : i32
      %sign3A_1439 = arith.extui %sign3A_1438 : i1 to i32
      %sign3A_1440 = arith.subi %sign3A_1436, %sign3A_1439 : i32
      %sign3A_1441 = arith.constant 0 : i32
      %sign3A_1442 = arith.cmpi sgt, %jit3A_1432, %sign3A_1441 : i32
      %sign3A_1443 = arith.extui %sign3A_1442 : i1 to i32
      %sign3A_1444 = arith.constant 0 : i32
      %sign3A_1445 = arith.cmpi slt, %jit3A_1432, %sign3A_1444 : i32
      %sign3A_1446 = arith.extui %sign3A_1445 : i1 to i32
      %sign3A_1447 = arith.subi %sign3A_1443, %sign3A_1446 : i32
      %ne3A_1448 = arith.cmpi ne, %sign3A_1440, %sign3A_1447 : i32
      %rem3A_1449 = arith.remsi %add3A_1431, %jit3A_1432 : i32
      %ne3A_1450 = arith.constant 0 : i32
      %ne3A_1451 = arith.cmpi ne, %rem3A_1449, %ne3A_1450 : i32
      %and3A_1452 = arith.andi %ne3A_1448, %ne3A_1451 : i1
      %sub3A_1453 = arith.constant 1 : i32
      %sub3A_1454 = arith.subi %div3A_1433, %sub3A_1453 : i32
      %select_n3A_1455 = arith.select %and3A_1452, %sub3A_1454, %div3A_1433 : i32
      %mul3A_1456 = arith.constant 4 : i32
      %mul3A_1457 = arith.muli %select_n3A_1455, %mul3A_1456 : i32
      %sub3A_1458 = arith.subi %add3A_1431, %mul3A_1457 : i32
      %mul3A_1459 = arith.constant 1000 : i32
      %mul3A_1460 = arith.muli %select_n3A_1455, %mul3A_1459 : i32
      %add3A_1461 = arith.constant 840 : i32
      %add3A_1462 = arith.addi %mul3A_1460, %add3A_1461 : i32
      %mul3A_1463 = arith.constant 40 : i32
      %mul3A_1464 = arith.muli %sub3A_1458, %mul3A_1463 : i32
      %add3A_1465 = arith.addi %add3A_1462, %mul3A_1464 : i32
      %dma_start3A_1466 = tpu.memref_slice %arg2[%add3A_1465, %mul3A_2] : memref<4000x4096xf32, #tpu.memory_space<hbm>> -> memref<40x128xf32, #tpu.memory_space<hbm>>
      %dma_start3A_1467 = tpu.memref_slice %arg2[%add3A_1465, %mul3A_2] : memref<4000x4096xf32, #tpu.memory_space<hbm>> -> memref<40x128xf32, #tpu.memory_space<hbm>>
      tpu.enqueue_dma source(%dma_start3A_1467 : memref<40x128xf32, #tpu.memory_space<hbm>>) target(%arg9 : memref<40x128xf32, #tpu.memory_space<vmem>>) target_semaphore(%arg13 : memref<!tpu.dma_semaphore, #tpu.memory_space<semaphore_mem>>)
      %add3A_1468 = arith.constant 1 : i32
      %add3A_1469 = arith.addi %mul3A_1020, %add3A_1468 : i32
      %dma_wait3A_1470 = arith.constant 0 : i32
      %dma_wait3A_1471 = tpu.memref_slice %arg2[%dma_wait3A_1470, %mul3A_2] : memref<4000x4096xf32, #tpu.memory_space<hbm>> -> memref<40x128xf32, #tpu.memory_space<hbm>>
      %dma_wait3A_1472 = arith.constant 0 : i32
      %dma_wait3A_1473 = tpu.memref_slice %arg2[%dma_wait3A_1472, %mul3A_2] : memref<4000x4096xf32, #tpu.memory_space<hbm>> -> memref<40x128xf32, #tpu.memory_space<hbm>>
      tpu.wait_dma2 semaphore(%arg14 : memref<!tpu.dma_semaphore, #tpu.memory_space<semaphore_mem>>) src(%dma_wait3A_1473 : memref<40x128xf32, #tpu.memory_space<hbm>>) dst(%arg10 : memref<40x128xf32, #tpu.memory_space<vmem>>)
      %jit3A_1474 = arith.constant 4 : i32
      %div3A_1475 = arith.divsi %add3A_1469, %jit3A_1474 : i32
      %sign3A_1476 = arith.constant 0 : i32
      %sign3A_1477 = arith.cmpi sgt, %add3A_1469, %sign3A_1476 : i32
      %sign3A_1478 = arith.extui %sign3A_1477 : i1 to i32
      %sign3A_1479 = arith.constant 0 : i32
      %sign3A_1480 = arith.cmpi slt, %add3A_1469, %sign3A_1479 : i32
      %sign3A_1481 = arith.extui %sign3A_1480 : i1 to i32
      %sign3A_1482 = arith.subi %sign3A_1478, %sign3A_1481 : i32
      %sign3A_1483 = arith.constant 0 : i32
      %sign3A_1484 = arith.cmpi sgt, %jit3A_1474, %sign3A_1483 : i32
      %sign3A_1485 = arith.extui %sign3A_1484 : i1 to i32
      %sign3A_1486 = arith.constant 0 : i32
      %sign3A_1487 = arith.cmpi slt, %jit3A_1474, %sign3A_1486 : i32
      %sign3A_1488 = arith.extui %sign3A_1487 : i1 to i32
      %sign3A_1489 = arith.subi %sign3A_1485, %sign3A_1488 : i32
      %ne3A_1490 = arith.cmpi ne, %sign3A_1482, %sign3A_1489 : i32
      %rem3A_1491 = arith.remsi %add3A_1469, %jit3A_1474 : i32
      %ne3A_1492 = arith.constant 0 : i32
      %ne3A_1493 = arith.cmpi ne, %rem3A_1491, %ne3A_1492 : i32
      %and3A_1494 = arith.andi %ne3A_1490, %ne3A_1493 : i1
      %sub3A_1495 = arith.constant 1 : i32
      %sub3A_1496 = arith.subi %div3A_1475, %sub3A_1495 : i32
      %select_n3A_1497 = arith.select %and3A_1494, %sub3A_1496, %div3A_1475 : i32
      %mul3A_1498 = arith.constant 4 : i32
      %mul3A_1499 = arith.muli %select_n3A_1497, %mul3A_1498 : i32
      %sub3A_1500 = arith.subi %add3A_1469, %mul3A_1499 : i32
      %scan3A_1501 = arith.constant 0 : i32
      %scan3A_1502 = arith.constant 10 : i32
      %scan3A_1503 = arith.addi %scan3A_1501, %scan3A_1502 : i32
      %scan3A_1504 = arith.constant 1 : i32
      %scan3A_1505:8 = scf.for %scan3A_1921 = %scan3A_1501 to %scan3A_1503 step %scan3A_1504 iter_args(%scan3A_1922 = %broadcast_in_dim3A_19, %scan3A_1923 = %broadcast_in_dim3A_19, %scan3A_1924 = %broadcast_in_dim3A_19, %scan3A_1925 = %broadcast_in_dim3A_19, %scan3A_1926 = %broadcast_in_dim3A_19, %scan3A_1927 = %broadcast_in_dim3A_19, %scan3A_1928 = %broadcast_in_dim3A_19, %scan3A_1929 = %broadcast_in_dim3A_19) -> (vector<16xf32>, vector<16xf32>, vector<16xf32>, vector<16xf32>, vector<16xf32>, vector<16xf32>, vector<16xf32>, vector<16xf32>)  : i32 {
        %mul3A_1930 = arith.constant 4 : i32
        %mul3A_1931 = arith.muli %scan3A_1921, %mul3A_1930 : i32
        %add3A_1932 = arith.constant 0 : i32
        %add3A_1933 = arith.addi %mul3A_1931, %add3A_1932 : i32
        %get3A_1934 = arith.index_cast %add3A_1933 : i32 to index
        %get3A_1935 = arith.constant 0 : index
        %get3A_1936 = tpu.vector_load %arg10[%get3A_1934, %get3A_1935] {strides = array<i32>} : memref<40x128xf32, #tpu.memory_space<vmem>>, vector<16xf32>,
        %add3A_1937 = arith.addf %scan3A_1922, %get3A_1936 : vector<16xf32>
        %mul3A_1938 = arith.constant 4 : i32
        %mul3A_1939 = arith.muli %scan3A_1921, %mul3A_1938 : i32
        %add3A_1940 = arith.constant 0 : i32
        %add3A_1941 = arith.addi %mul3A_1939, %add3A_1940 : i32
        %get3A_1942 = arith.index_cast %add3A_1941 : i32 to index
        %get3A_1943 = arith.constant 16 : index
        %get3A_1944 = tpu.vector_load %arg10[%get3A_1942, %get3A_1943] {strides = array<i32>} : memref<40x128xf32, #tpu.memory_space<vmem>>, vector<16xf32>,
        %add3A_1945 = arith.addf %scan3A_1923, %get3A_1944 : vector<16xf32>
        %mul3A_1946 = arith.constant 4 : i32
        %mul3A_1947 = arith.muli %scan3A_1921, %mul3A_1946 : i32
        %add3A_1948 = arith.constant 0 : i32
        %add3A_1949 = arith.addi %mul3A_1947, %add3A_1948 : i32
        %get3A_1950 = arith.index_cast %add3A_1949 : i32 to index
        %get3A_1951 = arith.constant 32 : index
        %get3A_1952 = tpu.vector_load %arg10[%get3A_1950, %get3A_1951] {strides = array<i32>} : memref<40x128xf32, #tpu.memory_space<vmem>>, vector<16xf32>,
        %add3A_1953 = arith.addf %scan3A_1924, %get3A_1952 : vector<16xf32>
        %mul3A_1954 = arith.constant 4 : i32
        %mul3A_1955 = arith.muli %scan3A_1921, %mul3A_1954 : i32
        %add3A_1956 = arith.constant 0 : i32
        %add3A_1957 = arith.addi %mul3A_1955, %add3A_1956 : i32
        %get3A_1958 = arith.index_cast %add3A_1957 : i32 to index
        %get3A_1959 = arith.constant 48 : index
        %get3A_1960 = tpu.vector_load %arg10[%get3A_1958, %get3A_1959] {strides = array<i32>} : memref<40x128xf32, #tpu.memory_space<vmem>>, vector<16xf32>,
        %add3A_1961 = arith.addf %scan3A_1925, %get3A_1960 : vector<16xf32>
        %mul3A_1962 = arith.constant 4 : i32
        %mul3A_1963 = arith.muli %scan3A_1921, %mul3A_1962 : i32
        %add3A_1964 = arith.constant 0 : i32
        %add3A_1965 = arith.addi %mul3A_1963, %add3A_1964 : i32
        %get3A_1966 = arith.index_cast %add3A_1965 : i32 to index
        %get3A_1967 = arith.constant 64 : index
        %get3A_1968 = tpu.vector_load %arg10[%get3A_1966, %get3A_1967] {strides = array<i32>} : memref<40x128xf32, #tpu.memory_space<vmem>>, vector<16xf32>,
        %add3A_1969 = arith.addf %scan3A_1926, %get3A_1968 : vector<16xf32>
        %mul3A_1970 = arith.constant 4 : i32
        %mul3A_1971 = arith.muli %scan3A_1921, %mul3A_1970 : i32
        %add3A_1972 = arith.constant 0 : i32
        %add3A_1973 = arith.addi %mul3A_1971, %add3A_1972 : i32
        %get3A_1974 = arith.index_cast %add3A_1973 : i32 to index
        %get3A_1975 = arith.constant 80 : index
        %get3A_1976 = tpu.vector_load %arg10[%get3A_1974, %get3A_1975] {strides = array<i32>} : memref<40x128xf32, #tpu.memory_space<vmem>>, vector<16xf32>,
        %add3A_1977 = arith.addf %scan3A_1927, %get3A_1976 : vector<16xf32>
        %mul3A_1978 = arith.constant 4 : i32
        %mul3A_1979 = arith.muli %scan3A_1921, %mul3A_1978 : i32
        %add3A_1980 = arith.constant 0 : i32
        %add3A_1981 = arith.addi %mul3A_1979, %add3A_1980 : i32
        %get3A_1982 = arith.index_cast %add3A_1981 : i32 to index
        %get3A_1983 = arith.constant 96 : index
        %get3A_1984 = tpu.vector_load %arg10[%get3A_1982, %get3A_1983] {strides = array<i32>} : memref<40x128xf32, #tpu.memory_space<vmem>>, vector<16xf32>,
        %add3A_1985 = arith.addf %scan3A_1928, %get3A_1984 : vector<16xf32>
        %mul3A_1986 = arith.constant 4 : i32
        %mul3A_1987 = arith.muli %scan3A_1921, %mul3A_1986 : i32
        %add3A_1988 = arith.constant 0 : i32
        %add3A_1989 = arith.addi %mul3A_1987, %add3A_1988 : i32
        %get3A_1990 = arith.index_cast %add3A_1989 : i32 to index
        %get3A_1991 = arith.constant 112 : index
        %get3A_1992 = tpu.vector_load %arg10[%get3A_1990, %get3A_1991] {strides = array<i32>} : memref<40x128xf32, #tpu.memory_space<vmem>>, vector<16xf32>,
        %add3A_1993 = arith.addf %scan3A_1929, %get3A_1992 : vector<16xf32>
        %mul3A_1994 = arith.constant 4 : i32
        %mul3A_1995 = arith.muli %scan3A_1921, %mul3A_1994 : i32
        %add3A_1996 = arith.constant 1 : i32
        %add3A_1997 = arith.addi %mul3A_1995, %add3A_1996 : i32
        %get3A_1998 = arith.index_cast %add3A_1997 : i32 to index
        %get3A_1999 = arith.constant 0 : index
        %get3A_2000 = tpu.vector_load %arg10[%get3A_1998, %get3A_1999] {strides = array<i32>} : memref<40x128xf32, #tpu.memory_space<vmem>>, vector<16xf32>,
        %add3A_2001 = arith.addf %add3A_1937, %get3A_2000 : vector<16xf32>
        %mul3A_2002 = arith.constant 4 : i32
        %mul3A_2003 = arith.muli %scan3A_1921, %mul3A_2002 : i32
        %add3A_2004 = arith.constant 1 : i32
        %add3A_2005 = arith.addi %mul3A_2003, %add3A_2004 : i32
        %get3A_2006 = arith.index_cast %add3A_2005 : i32 to index
        %get3A_2007 = arith.constant 16 : index
        %get3A_2008 = tpu.vector_load %arg10[%get3A_2006, %get3A_2007] {strides = array<i32>} : memref<40x128xf32, #tpu.memory_space<vmem>>, vector<16xf32>,
        %add3A_2009 = arith.addf %add3A_1945, %get3A_2008 : vector<16xf32>
        %mul3A_2010 = arith.constant 4 : i32
        %mul3A_2011 = arith.muli %scan3A_1921, %mul3A_2010 : i32
        %add3A_2012 = arith.constant 1 : i32
        %add3A_2013 = arith.addi %mul3A_2011, %add3A_2012 : i32
        %get3A_2014 = arith.index_cast %add3A_2013 : i32 to index
        %get3A_2015 = arith.constant 32 : index
        %get3A_2016 = tpu.vector_load %arg10[%get3A_2014, %get3A_2015] {strides = array<i32>} : memref<40x128xf32, #tpu.memory_space<vmem>>, vector<16xf32>,
        %add3A_2017 = arith.addf %add3A_1953, %get3A_2016 : vector<16xf32>
        %mul3A_2018 = arith.constant 4 : i32
        %mul3A_2019 = arith.muli %scan3A_1921, %mul3A_2018 : i32
        %add3A_2020 = arith.constant 1 : i32
        %add3A_2021 = arith.addi %mul3A_2019, %add3A_2020 : i32
        %get3A_2022 = arith.index_cast %add3A_2021 : i32 to index
        %get3A_2023 = arith.constant 48 : index
        %get3A_2024 = tpu.vector_load %arg10[%get3A_2022, %get3A_2023] {strides = array<i32>} : memref<40x128xf32, #tpu.memory_space<vmem>>, vector<16xf32>,
        %add3A_2025 = arith.addf %add3A_1961, %get3A_2024 : vector<16xf32>
        %mul3A_2026 = arith.constant 4 : i32
        %mul3A_2027 = arith.muli %scan3A_1921, %mul3A_2026 : i32
        %add3A_2028 = arith.constant 1 : i32
        %add3A_2029 = arith.addi %mul3A_2027, %add3A_2028 : i32
        %get3A_2030 = arith.index_cast %add3A_2029 : i32 to index
        %get3A_2031 = arith.constant 64 : index
        %get3A_2032 = tpu.vector_load %arg10[%get3A_2030, %get3A_2031] {strides = array<i32>} : memref<40x128xf32, #tpu.memory_space<vmem>>, vector<16xf32>,
        %add3A_2033 = arith.addf %add3A_1969, %get3A_2032 : vector<16xf32>
        %mul3A_2034 = arith.constant 4 : i32
        %mul3A_2035 = arith.muli %scan3A_1921, %mul3A_2034 : i32
        %add3A_2036 = arith.constant 1 : i32
        %add3A_2037 = arith.addi %mul3A_2035, %add3A_2036 : i32
        %get3A_2038 = arith.index_cast %add3A_2037 : i32 to index
        %get3A_2039 = arith.constant 80 : index
        %get3A_2040 = tpu.vector_load %arg10[%get3A_2038, %get3A_2039] {strides = array<i32>} : memref<40x128xf32, #tpu.memory_space<vmem>>, vector<16xf32>,
        %add3A_2041 = arith.addf %add3A_1977, %get3A_2040 : vector<16xf32>
        %mul3A_2042 = arith.constant 4 : i32
        %mul3A_2043 = arith.muli %scan3A_1921, %mul3A_2042 : i32
        %add3A_2044 = arith.constant 1 : i32
        %add3A_2045 = arith.addi %mul3A_2043, %add3A_2044 : i32
        %get3A_2046 = arith.index_cast %add3A_2045 : i32 to index
        %get3A_2047 = arith.constant 96 : index
        %get3A_2048 = tpu.vector_load %arg10[%get3A_2046, %get3A_2047] {strides = array<i32>} : memref<40x128xf32, #tpu.memory_space<vmem>>, vector<16xf32>,
        %add3A_2049 = arith.addf %add3A_1985, %get3A_2048 : vector<16xf32>
        %mul3A_2050 = arith.constant 4 : i32
        %mul3A_2051 = arith.muli %scan3A_1921, %mul3A_2050 : i32
        %add3A_2052 = arith.constant 1 : i32
        %add3A_2053 = arith.addi %mul3A_2051, %add3A_2052 : i32
        %get3A_2054 = arith.index_cast %add3A_2053 : i32 to index
        %get3A_2055 = arith.constant 112 : index
        %get3A_2056 = tpu.vector_load %arg10[%get3A_2054, %get3A_2055] {strides = array<i32>} : memref<40x128xf32, #tpu.memory_space<vmem>>, vector<16xf32>,
        %add3A_2057 = arith.addf %add3A_1993, %get3A_2056 : vector<16xf32>
        %mul3A_2058 = arith.constant 4 : i32
        %mul3A_2059 = arith.muli %scan3A_1921, %mul3A_2058 : i32
        %add3A_2060 = arith.constant 2 : i32
        %add3A_2061 = arith.addi %mul3A_2059, %add3A_2060 : i32
        %get3A_2062 = arith.index_cast %add3A_2061 : i32 to index
        %get3A_2063 = arith.constant 0 : index
        %get3A_2064 = tpu.vector_load %arg10[%get3A_2062, %get3A_2063] {strides = array<i32>} : memref<40x128xf32, #tpu.memory_space<vmem>>, vector<16xf32>,
        %add3A_2065 = arith.addf %add3A_2001, %get3A_2064 : vector<16xf32>
        %mul3A_2066 = arith.constant 4 : i32
        %mul3A_2067 = arith.muli %scan3A_1921, %mul3A_2066 : i32
        %add3A_2068 = arith.constant 2 : i32
        %add3A_2069 = arith.addi %mul3A_2067, %add3A_2068 : i32
        %get3A_2070 = arith.index_cast %add3A_2069 : i32 to index
        %get3A_2071 = arith.constant 16 : index
        %get3A_2072 = tpu.vector_load %arg10[%get3A_2070, %get3A_2071] {strides = array<i32>} : memref<40x128xf32, #tpu.memory_space<vmem>>, vector<16xf32>,
        %add3A_2073 = arith.addf %add3A_2009, %get3A_2072 : vector<16xf32>
        %mul3A_2074 = arith.constant 4 : i32
        %mul3A_2075 = arith.muli %scan3A_1921, %mul3A_2074 : i32
        %add3A_2076 = arith.constant 2 : i32
        %add3A_2077 = arith.addi %mul3A_2075, %add3A_2076 : i32
        %get3A_2078 = arith.index_cast %add3A_2077 : i32 to index
        %get3A_2079 = arith.constant 32 : index
        %get3A_2080 = tpu.vector_load %arg10[%get3A_2078, %get3A_2079] {strides = array<i32>} : memref<40x128xf32, #tpu.memory_space<vmem>>, vector<16xf32>,
        %add3A_2081 = arith.addf %add3A_2017, %get3A_2080 : vector<16xf32>
        %mul3A_2082 = arith.constant 4 : i32
        %mul3A_2083 = arith.muli %scan3A_1921, %mul3A_2082 : i32
        %add3A_2084 = arith.constant 2 : i32
        %add3A_2085 = arith.addi %mul3A_2083, %add3A_2084 : i32
        %get3A_2086 = arith.index_cast %add3A_2085 : i32 to index
        %get3A_2087 = arith.constant 48 : index
        %get3A_2088 = tpu.vector_load %arg10[%get3A_2086, %get3A_2087] {strides = array<i32>} : memref<40x128xf32, #tpu.memory_space<vmem>>, vector<16xf32>,
        %add3A_2089 = arith.addf %add3A_2025, %get3A_2088 : vector<16xf32>
        %mul3A_2090 = arith.constant 4 : i32
        %mul3A_2091 = arith.muli %scan3A_1921, %mul3A_2090 : i32
        %add3A_2092 = arith.constant 2 : i32
        %add3A_2093 = arith.addi %mul3A_2091, %add3A_2092 : i32
        %get3A_2094 = arith.index_cast %add3A_2093 : i32 to index
        %get3A_2095 = arith.constant 64 : index
        %get3A_2096 = tpu.vector_load %arg10[%get3A_2094, %get3A_2095] {strides = array<i32>} : memref<40x128xf32, #tpu.memory_space<vmem>>, vector<16xf32>,
        %add3A_2097 = arith.addf %add3A_2033, %get3A_2096 : vector<16xf32>
        %mul3A_2098 = arith.constant 4 : i32
        %mul3A_2099 = arith.muli %scan3A_1921, %mul3A_2098 : i32
        %add3A_2100 = arith.constant 2 : i32
        %add3A_2101 = arith.addi %mul3A_2099, %add3A_2100 : i32
        %get3A_2102 = arith.index_cast %add3A_2101 : i32 to index
        %get3A_2103 = arith.constant 80 : index
        %get3A_2104 = tpu.vector_load %arg10[%get3A_2102, %get3A_2103] {strides = array<i32>} : memref<40x128xf32, #tpu.memory_space<vmem>>, vector<16xf32>,
        %add3A_2105 = arith.addf %add3A_2041, %get3A_2104 : vector<16xf32>
        %mul3A_2106 = arith.constant 4 : i32
        %mul3A_2107 = arith.muli %scan3A_1921, %mul3A_2106 : i32
        %add3A_2108 = arith.constant 2 : i32
        %add3A_2109 = arith.addi %mul3A_2107, %add3A_2108 : i32
        %get3A_2110 = arith.index_cast %add3A_2109 : i32 to index
        %get3A_2111 = arith.constant 96 : index
        %get3A_2112 = tpu.vector_load %arg10[%get3A_2110, %get3A_2111] {strides = array<i32>} : memref<40x128xf32, #tpu.memory_space<vmem>>, vector<16xf32>,
        %add3A_2113 = arith.addf %add3A_2049, %get3A_2112 : vector<16xf32>
        %mul3A_2114 = arith.constant 4 : i32
        %mul3A_2115 = arith.muli %scan3A_1921, %mul3A_2114 : i32
        %add3A_2116 = arith.constant 2 : i32
        %add3A_2117 = arith.addi %mul3A_2115, %add3A_2116 : i32
        %get3A_2118 = arith.index_cast %add3A_2117 : i32 to index
        %get3A_2119 = arith.constant 112 : index
        %get3A_2120 = tpu.vector_load %arg10[%get3A_2118, %get3A_2119] {strides = array<i32>} : memref<40x128xf32, #tpu.memory_space<vmem>>, vector<16xf32>,
        %add3A_2121 = arith.addf %add3A_2057, %get3A_2120 : vector<16xf32>
        %mul3A_2122 = arith.constant 4 : i32
        %mul3A_2123 = arith.muli %scan3A_1921, %mul3A_2122 : i32
        %add3A_2124 = arith.constant 3 : i32
        %add3A_2125 = arith.addi %mul3A_2123, %add3A_2124 : i32
        %get3A_2126 = arith.index_cast %add3A_2125 : i32 to index
        %get3A_2127 = arith.constant 0 : index
        %get3A_2128 = tpu.vector_load %arg10[%get3A_2126, %get3A_2127] {strides = array<i32>} : memref<40x128xf32, #tpu.memory_space<vmem>>, vector<16xf32>,
        %add3A_2129 = arith.addf %add3A_2065, %get3A_2128 : vector<16xf32>
        %mul3A_2130 = arith.constant 4 : i32
        %mul3A_2131 = arith.muli %scan3A_1921, %mul3A_2130 : i32
        %add3A_2132 = arith.constant 3 : i32
        %add3A_2133 = arith.addi %mul3A_2131, %add3A_2132 : i32
        %get3A_2134 = arith.index_cast %add3A_2133 : i32 to index
        %get3A_2135 = arith.constant 16 : index
        %get3A_2136 = tpu.vector_load %arg10[%get3A_2134, %get3A_2135] {strides = array<i32>} : memref<40x128xf32, #tpu.memory_space<vmem>>, vector<16xf32>,
        %add3A_2137 = arith.addf %add3A_2073, %get3A_2136 : vector<16xf32>
        %mul3A_2138 = arith.constant 4 : i32
        %mul3A_2139 = arith.muli %scan3A_1921, %mul3A_2138 : i32
        %add3A_2140 = arith.constant 3 : i32
        %add3A_2141 = arith.addi %mul3A_2139, %add3A_2140 : i32
        %get3A_2142 = arith.index_cast %add3A_2141 : i32 to index
        %get3A_2143 = arith.constant 32 : index
        %get3A_2144 = tpu.vector_load %arg10[%get3A_2142, %get3A_2143] {strides = array<i32>} : memref<40x128xf32, #tpu.memory_space<vmem>>, vector<16xf32>,
        %add3A_2145 = arith.addf %add3A_2081, %get3A_2144 : vector<16xf32>
        %mul3A_2146 = arith.constant 4 : i32
        %mul3A_2147 = arith.muli %scan3A_1921, %mul3A_2146 : i32
        %add3A_2148 = arith.constant 3 : i32
        %add3A_2149 = arith.addi %mul3A_2147, %add3A_2148 : i32
        %get3A_2150 = arith.index_cast %add3A_2149 : i32 to index
        %get3A_2151 = arith.constant 48 : index
        %get3A_2152 = tpu.vector_load %arg10[%get3A_2150, %get3A_2151] {strides = array<i32>} : memref<40x128xf32, #tpu.memory_space<vmem>>, vector<16xf32>,
        %add3A_2153 = arith.addf %add3A_2089, %get3A_2152 : vector<16xf32>
        %mul3A_2154 = arith.constant 4 : i32
        %mul3A_2155 = arith.muli %scan3A_1921, %mul3A_2154 : i32
        %add3A_2156 = arith.constant 3 : i32
        %add3A_2157 = arith.addi %mul3A_2155, %add3A_2156 : i32
        %get3A_2158 = arith.index_cast %add3A_2157 : i32 to index
        %get3A_2159 = arith.constant 64 : index
        %get3A_2160 = tpu.vector_load %arg10[%get3A_2158, %get3A_2159] {strides = array<i32>} : memref<40x128xf32, #tpu.memory_space<vmem>>, vector<16xf32>,
        %add3A_2161 = arith.addf %add3A_2097, %get3A_2160 : vector<16xf32>
        %mul3A_2162 = arith.constant 4 : i32
        %mul3A_2163 = arith.muli %scan3A_1921, %mul3A_2162 : i32
        %add3A_2164 = arith.constant 3 : i32
        %add3A_2165 = arith.addi %mul3A_2163, %add3A_2164 : i32
        %get3A_2166 = arith.index_cast %add3A_2165 : i32 to index
        %get3A_2167 = arith.constant 80 : index
        %get3A_2168 = tpu.vector_load %arg10[%get3A_2166, %get3A_2167] {strides = array<i32>} : memref<40x128xf32, #tpu.memory_space<vmem>>, vector<16xf32>,
        %add3A_2169 = arith.addf %add3A_2105, %get3A_2168 : vector<16xf32>
        %mul3A_2170 = arith.constant 4 : i32
        %mul3A_2171 = arith.muli %scan3A_1921, %mul3A_2170 : i32
        %add3A_2172 = arith.constant 3 : i32
        %add3A_2173 = arith.addi %mul3A_2171, %add3A_2172 : i32
        %get3A_2174 = arith.index_cast %add3A_2173 : i32 to index
        %get3A_2175 = arith.constant 96 : index
        %get3A_2176 = tpu.vector_load %arg10[%get3A_2174, %get3A_2175] {strides = array<i32>} : memref<40x128xf32, #tpu.memory_space<vmem>>, vector<16xf32>,
        %add3A_2177 = arith.addf %add3A_2113, %get3A_2176 : vector<16xf32>
        %mul3A_2178 = arith.constant 4 : i32
        %mul3A_2179 = arith.muli %scan3A_1921, %mul3A_2178 : i32
        %add3A_2180 = arith.constant 3 : i32
        %add3A_2181 = arith.addi %mul3A_2179, %add3A_2180 : i32
        %get3A_2182 = arith.index_cast %add3A_2181 : i32 to index
        %get3A_2183 = arith.constant 112 : index
        %get3A_2184 = tpu.vector_load %arg10[%get3A_2182, %get3A_2183] {strides = array<i32>} : memref<40x128xf32, #tpu.memory_space<vmem>>, vector<16xf32>,
        %add3A_2185 = arith.addf %add3A_2121, %get3A_2184 : vector<16xf32>
        scf.yield %add3A_2129, %add3A_2137, %add3A_2145, %add3A_2153, %add3A_2161, %add3A_2169, %add3A_2177, %add3A_2185 : vector<16xf32>, vector<16xf32>, vector<16xf32>, vector<16xf32>, vector<16xf32>, vector<16xf32>, vector<16xf32>, vector<16xf32>
      }
      %scan3A_1506 = arith.constant 10 : i32
      %mul3A_1507 = arith.constant 128 : i32
      %mul3A_1508 = arith.muli %select_n3A_1497, %mul3A_1507 : i32
      %add3A_1509 = arith.constant 0 : i32
      %add3A_1510 = arith.addi %mul3A_1508, %add3A_1509 : i32
      %get3A_1511 = arith.index_cast %add3A_1510 : i32 to index
      %get3A_1512 = tpu.vector_load %arg7[%get3A_1511] {strides = array<i32>} : memref<512xi32, #tpu.memory_space<vmem>>, vector<16xi32>,
      %gt3A_1513 = arith.constant 0 : i32
      %gt3A_1514 = vector.broadcast %gt3A_1513 : i32 to vector<16xi32>
      %gt3A_1515 = arith.cmpi sgt, %get3A_1512, %gt3A_1514 : vector<16xi32>
      %jit3A_1516 = arith.constant 1.000000e+00 : f32
      %jit3A_1517 = arith.constant 0.000000e+00 : f32
      %broadcast_in_dim3A_1518 = vector.broadcast %jit3A_1516 : f32 to vector<16xf32>
      %broadcast_in_dim3A_1519 = vector.broadcast %jit3A_1517 : f32 to vector<16xf32>
      %select_n3A_1520 = arith.select %gt3A_1515, %broadcast_in_dim3A_1518, %broadcast_in_dim3A_1519 : vector<16xi1>, vector<16xf32>
      %mul3A_1521 = arith.constant 128 : i32
      %mul3A_1522 = arith.muli %select_n3A_1497, %mul3A_1521 : i32
      %add3A_1523 = arith.constant 0 : i32
      %add3A_1524 = arith.addi %mul3A_1522, %add3A_1523 : i32
      %get3A_1525 = arith.index_cast %add3A_1524 : i32 to index
      %get3A_1526 = tpu.vector_load %arg8[%get3A_1525] {strides = array<i32>} : memref<512xi32, #tpu.memory_space<vmem>>, vector<16xi32>,
      %mul3A_1527 = arith.constant 40 : i32
      %mul3A_1528 = arith.muli %sub3A_1500, %mul3A_1527 : i32
      %add3A_1529 = arith.constant 840 : i32
      %add3A_1530 = arith.addi %add3A_1529, %mul3A_1528 : i32
      %broadcast_in_dim3A_1531 = vector.broadcast %add3A_1530 : i32 to vector<16xi32>
      %sub3A_1532 = arith.subi %get3A_1526, %broadcast_in_dim3A_1531 : vector<16xi32>
      %ge3A_1533 = arith.constant 0 : i32
      %ge3A_1534 = vector.broadcast %ge3A_1533 : i32 to vector<16xi32>
      %ge3A_1535 = arith.cmpi sge, %sub3A_1532, %ge3A_1534 : vector<16xi32>
      %lt3A_1536 = arith.constant 40 : i32
      %lt3A_1537 = vector.broadcast %lt3A_1536 : i32 to vector<16xi32>
      %lt3A_1538 = arith.cmpi slt, %sub3A_1532, %lt3A_1537 : vector<16xi32>
      %and3A_1539 = arith.andi %ge3A_1535, %lt3A_1538 : vector<16xi1>
      %jit3A_1540 = arith.constant 0 : i32
      %broadcast_in_dim3A_1541 = vector.broadcast %jit3A_1540 : i32 to vector<16xi32>
      %select_n3A_1542 = arith.select %and3A_1539, %sub3A_1532, %broadcast_in_dim3A_1541 : vector<16xi1>, vector<16xi32>
      %add3A_1543 = arith.constant 0 : i32
      %add3A_1544 = vector.broadcast %add3A_1543 : i32 to vector<16xi32>
      %add3A_1545 = arith.addi %add3A_1544, %iota3A : vector<16xi32>
      %gather3A_1546 = tpu.vector_load_idx %arg10[%select_n3A_1542, %add3A_1545] : memref<40x128xf32, #tpu.memory_space<vmem>>[vector<16xi32>, vector<16xi32>], vector<16xf32>,
      %mul3A_1547 = arith.mulf %select_n3A_1520, %gather3A_1546 : vector<16xf32>
      %jit3A_1548 = arith.constant 0.000000e+00 : f32
      %broadcast_in_dim3A_1549 = vector.broadcast %jit3A_1548 : f32 to vector<16xf32>
      %select_n3A_1550 = arith.select %and3A_1539, %mul3A_1547, %broadcast_in_dim3A_1549 : vector<16xi1>, vector<16xf32>
      %mul3A_1551 = arith.mulf %select_n3A_1520, %scan3A_1505#0 : vector<16xf32>
      %add3A_1552 = arith.addf %add3A_1099, %mul3A_1551 : vector<16xf32>
      %add3A_1553 = arith.addf %add3A_1100, %select_n3A_1550 : vector<16xf32>
      %mul3A_1554 = arith.constant 128 : i32
      %mul3A_1555 = arith.muli %select_n3A_1497, %mul3A_1554 : i32
      %add3A_1556 = arith.constant 16 : i32
      %add3A_1557 = arith.addi %mul3A_1555, %add3A_1556 : i32
      %get3A_1558 = arith.index_cast %add3A_1557 : i32 to index
      %get3A_1559 = tpu.vector_load %arg7[%get3A_1558] {strides = array<i32>} : memref<512xi32, #tpu.memory_space<vmem>>, vector<16xi32>,
      %gt3A_1560 = arith.constant 0 : i32
      %gt3A_1561 = vector.broadcast %gt3A_1560 : i32 to vector<16xi32>
      %gt3A_1562 = arith.cmpi sgt, %get3A_1559, %gt3A_1561 : vector<16xi32>
      %jit3A_1563 = arith.constant 1.000000e+00 : f32
      %jit3A_1564 = arith.constant 0.000000e+00 : f32
      %broadcast_in_dim3A_1565 = vector.broadcast %jit3A_1563 : f32 to vector<16xf32>
      %broadcast_in_dim3A_1566 = vector.broadcast %jit3A_1564 : f32 to vector<16xf32>
      %select_n3A_1567 = arith.select %gt3A_1562, %broadcast_in_dim3A_1565, %broadcast_in_dim3A_1566 : vector<16xi1>, vector<16xf32>
      %mul3A_1568 = arith.constant 128 : i32
      %mul3A_1569 = arith.muli %select_n3A_1497, %mul3A_1568 : i32
      %add3A_1570 = arith.constant 16 : i32
      %add3A_1571 = arith.addi %mul3A_1569, %add3A_1570 : i32
      %get3A_1572 = arith.index_cast %add3A_1571 : i32 to index
      %get3A_1573 = tpu.vector_load %arg8[%get3A_1572] {strides = array<i32>} : memref<512xi32, #tpu.memory_space<vmem>>, vector<16xi32>,
      %mul3A_1574 = arith.constant 40 : i32
      %mul3A_1575 = arith.muli %sub3A_1500, %mul3A_1574 : i32
      %add3A_1576 = arith.constant 840 : i32
      %add3A_1577 = arith.addi %add3A_1576, %mul3A_1575 : i32
      %broadcast_in_dim3A_1578 = vector.broadcast %add3A_1577 : i32 to vector<16xi32>
      %sub3A_1579 = arith.subi %get3A_1573, %broadcast_in_dim3A_1578 : vector<16xi32>
      %ge3A_1580 = arith.constant 0 : i32
      %ge3A_1581 = vector.broadcast %ge3A_1580 : i32 to vector<16xi32>
      %ge3A_1582 = arith.cmpi sge, %sub3A_1579, %ge3A_1581 : vector<16xi32>
      %lt3A_1583 = arith.constant 40 : i32
      %lt3A_1584 = vector.broadcast %lt3A_1583 : i32 to vector<16xi32>
      %lt3A_1585 = arith.cmpi slt, %sub3A_1579, %lt3A_1584 : vector<16xi32>
      %and3A_1586 = arith.andi %ge3A_1582, %lt3A_1585 : vector<16xi1>
      %jit3A_1587 = arith.constant 0 : i32
      %broadcast_in_dim3A_1588 = vector.broadcast %jit3A_1587 : i32 to vector<16xi32>
      %select_n3A_1589 = arith.select %and3A_1586, %sub3A_1579, %broadcast_in_dim3A_1588 : vector<16xi1>, vector<16xi32>
      %add3A_1590 = arith.constant 16 : i32
      %add3A_1591 = vector.broadcast %add3A_1590 : i32 to vector<16xi32>
      %add3A_1592 = arith.addi %add3A_1591, %iota3A : vector<16xi32>
      %gather3A_1593 = tpu.vector_load_idx %arg10[%select_n3A_1589, %add3A_1592] : memref<40x128xf32, #tpu.memory_space<vmem>>[vector<16xi32>, vector<16xi32>], vector<16xf32>,
      %mul3A_1594 = arith.mulf %select_n3A_1567, %gather3A_1593 : vector<16xf32>
      %jit3A_1595 = arith.constant 0.000000e+00 : f32
      %broadcast_in_dim3A_1596 = vector.broadcast %jit3A_1595 : f32 to vector<16xf32>
      %select_n3A_1597 = arith.select %and3A_1586, %mul3A_1594, %broadcast_in_dim3A_1596 : vector<16xi1>, vector<16xf32>
      %mul3A_1598 = arith.mulf %select_n3A_1567, %scan3A_1505#1 : vector<16xf32>
      %add3A_1599 = arith.addf %add3A_1146, %mul3A_1598 : vector<16xf32>
      %add3A_1600 = arith.addf %add3A_1147, %select_n3A_1597 : vector<16xf32>
      %mul3A_1601 = arith.constant 128 : i32
      %mul3A_1602 = arith.muli %select_n3A_1497, %mul3A_1601 : i32
      %add3A_1603 = arith.constant 32 : i32
      %add3A_1604 = arith.addi %mul3A_1602, %add3A_1603 : i32
      %get3A_1605 = arith.index_cast %add3A_1604 : i32 to index
      %get3A_1606 = tpu.vector_load %arg7[%get3A_1605] {strides = array<i32>} : memref<512xi32, #tpu.memory_space<vmem>>, vector<16xi32>,
      %gt3A_1607 = arith.constant 0 : i32
      %gt3A_1608 = vector.broadcast %gt3A_1607 : i32 to vector<16xi32>
      %gt3A_1609 = arith.cmpi sgt, %get3A_1606, %gt3A_1608 : vector<16xi32>
      %jit3A_1610 = arith.constant 1.000000e+00 : f32
      %jit3A_1611 = arith.constant 0.000000e+00 : f32
      %broadcast_in_dim3A_1612 = vector.broadcast %jit3A_1610 : f32 to vector<16xf32>
      %broadcast_in_dim3A_1613 = vector.broadcast %jit3A_1611 : f32 to vector<16xf32>
      %select_n3A_1614 = arith.select %gt3A_1609, %broadcast_in_dim3A_1612, %broadcast_in_dim3A_1613 : vector<16xi1>, vector<16xf32>
      %mul3A_1615 = arith.constant 128 : i32
      %mul3A_1616 = arith.muli %select_n3A_1497, %mul3A_1615 : i32
      %add3A_1617 = arith.constant 32 : i32
      %add3A_1618 = arith.addi %mul3A_1616, %add3A_1617 : i32
      %get3A_1619 = arith.index_cast %add3A_1618 : i32 to index
      %get3A_1620 = tpu.vector_load %arg8[%get3A_1619] {strides = array<i32>} : memref<512xi32, #tpu.memory_space<vmem>>, vector<16xi32>,
      %mul3A_1621 = arith.constant 40 : i32
      %mul3A_1622 = arith.muli %sub3A_1500, %mul3A_1621 : i32
      %add3A_1623 = arith.constant 840 : i32
      %add3A_1624 = arith.addi %add3A_1623, %mul3A_1622 : i32
      %broadcast_in_dim3A_1625 = vector.broadcast %add3A_1624 : i32 to vector<16xi32>
      %sub3A_1626 = arith.subi %get3A_1620, %broadcast_in_dim3A_1625 : vector<16xi32>
      %ge3A_1627 = arith.constant 0 : i32
      %ge3A_1628 = vector.broadcast %ge3A_1627 : i32 to vector<16xi32>
      %ge3A_1629 = arith.cmpi sge, %sub3A_1626, %ge3A_1628 : vector<16xi32>
      %lt3A_1630 = arith.constant 40 : i32
      %lt3A_1631 = vector.broadcast %lt3A_1630 : i32 to vector<16xi32>
      %lt3A_1632 = arith.cmpi slt, %sub3A_1626, %lt3A_1631 : vector<16xi32>
      %and3A_1633 = arith.andi %ge3A_1629, %lt3A_1632 : vector<16xi1>
      %jit3A_1634 = arith.constant 0 : i32
      %broadcast_in_dim3A_1635 = vector.broadcast %jit3A_1634 : i32 to vector<16xi32>
      %select_n3A_1636 = arith.select %and3A_1633, %sub3A_1626, %broadcast_in_dim3A_1635 : vector<16xi1>, vector<16xi32>
      %add3A_1637 = arith.constant 32 : i32
      %add3A_1638 = vector.broadcast %add3A_1637 : i32 to vector<16xi32>
      %add3A_1639 = arith.addi %add3A_1638, %iota3A : vector<16xi32>
      %gather3A_1640 = tpu.vector_load_idx %arg10[%select_n3A_1636, %add3A_1639] : memref<40x128xf32, #tpu.memory_space<vmem>>[vector<16xi32>, vector<16xi32>], vector<16xf32>,
      %mul3A_1641 = arith.mulf %select_n3A_1614, %gather3A_1640 : vector<16xf32>
      %jit3A_1642 = arith.constant 0.000000e+00 : f32
      %broadcast_in_dim3A_1643 = vector.broadcast %jit3A_1642 : f32 to vector<16xf32>
      %select_n3A_1644 = arith.select %and3A_1633, %mul3A_1641, %broadcast_in_dim3A_1643 : vector<16xi1>, vector<16xf32>
      %mul3A_1645 = arith.mulf %select_n3A_1614, %scan3A_1505#2 : vector<16xf32>
      %add3A_1646 = arith.addf %add3A_1193, %mul3A_1645 : vector<16xf32>
      %add3A_1647 = arith.addf %add3A_1194, %select_n3A_1644 : vector<16xf32>
      %mul3A_1648 = arith.constant 128 : i32
      %mul3A_1649 = arith.muli %select_n3A_1497, %mul3A_1648 : i32
      %add3A_1650 = arith.constant 48 : i32
      %add3A_1651 = arith.addi %mul3A_1649, %add3A_1650 : i32
      %get3A_1652 = arith.index_cast %add3A_1651 : i32 to index
      %get3A_1653 = tpu.vector_load %arg7[%get3A_1652] {strides = array<i32>} : memref<512xi32, #tpu.memory_space<vmem>>, vector<16xi32>,
      %gt3A_1654 = arith.constant 0 : i32
      %gt3A_1655 = vector.broadcast %gt3A_1654 : i32 to vector<16xi32>
      %gt3A_1656 = arith.cmpi sgt, %get3A_1653, %gt3A_1655 : vector<16xi32>
      %jit3A_1657 = arith.constant 1.000000e+00 : f32
      %jit3A_1658 = arith.constant 0.000000e+00 : f32
      %broadcast_in_dim3A_1659 = vector.broadcast %jit3A_1657 : f32 to vector<16xf32>
      %broadcast_in_dim3A_1660 = vector.broadcast %jit3A_1658 : f32 to vector<16xf32>
      %select_n3A_1661 = arith.select %gt3A_1656, %broadcast_in_dim3A_1659, %broadcast_in_dim3A_1660 : vector<16xi1>, vector<16xf32>
      %mul3A_1662 = arith.constant 128 : i32
      %mul3A_1663 = arith.muli %select_n3A_1497, %mul3A_1662 : i32
      %add3A_1664 = arith.constant 48 : i32
      %add3A_1665 = arith.addi %mul3A_1663, %add3A_1664 : i32
      %get3A_1666 = arith.index_cast %add3A_1665 : i32 to index
      %get3A_1667 = tpu.vector_load %arg8[%get3A_1666] {strides = array<i32>} : memref<512xi32, #tpu.memory_space<vmem>>, vector<16xi32>,
      %mul3A_1668 = arith.constant 40 : i32
      %mul3A_1669 = arith.muli %sub3A_1500, %mul3A_1668 : i32
      %add3A_1670 = arith.constant 840 : i32
      %add3A_1671 = arith.addi %add3A_1670, %mul3A_1669 : i32
      %broadcast_in_dim3A_1672 = vector.broadcast %add3A_1671 : i32 to vector<16xi32>
      %sub3A_1673 = arith.subi %get3A_1667, %broadcast_in_dim3A_1672 : vector<16xi32>
      %ge3A_1674 = arith.constant 0 : i32
      %ge3A_1675 = vector.broadcast %ge3A_1674 : i32 to vector<16xi32>
      %ge3A_1676 = arith.cmpi sge, %sub3A_1673, %ge3A_1675 : vector<16xi32>
      %lt3A_1677 = arith.constant 40 : i32
      %lt3A_1678 = vector.broadcast %lt3A_1677 : i32 to vector<16xi32>
      %lt3A_1679 = arith.cmpi slt, %sub3A_1673, %lt3A_1678 : vector<16xi32>
      %and3A_1680 = arith.andi %ge3A_1676, %lt3A_1679 : vector<16xi1>
      %jit3A_1681 = arith.constant 0 : i32
      %broadcast_in_dim3A_1682 = vector.broadcast %jit3A_1681 : i32 to vector<16xi32>
      %select_n3A_1683 = arith.select %and3A_1680, %sub3A_1673, %broadcast_in_dim3A_1682 : vector<16xi1>, vector<16xi32>
      %add3A_1684 = arith.constant 48 : i32
      %add3A_1685 = vector.broadcast %add3A_1684 : i32 to vector<16xi32>
      %add3A_1686 = arith.addi %add3A_1685, %iota3A : vector<16xi32>
      %gather3A_1687 = tpu.vector_load_idx %arg10[%select_n3A_1683, %add3A_1686] : memref<40x128xf32, #tpu.memory_space<vmem>>[vector<16xi32>, vector<16xi32>], vector<16xf32>,
      %mul3A_1688 = arith.mulf %select_n3A_1661, %gather3A_1687 : vector<16xf32>
      %jit3A_1689 = arith.constant 0.000000e+00 : f32
      %broadcast_in_dim3A_1690 = vector.broadcast %jit3A_1689 : f32 to vector<16xf32>
      %select_n3A_1691 = arith.select %and3A_1680, %mul3A_1688, %broadcast_in_dim3A_1690 : vector<16xi1>, vector<16xf32>
      %mul3A_1692 = arith.mulf %select_n3A_1661, %scan3A_1505#3 : vector<16xf32>
      %add3A_1693 = arith.addf %add3A_1240, %mul3A_1692 : vector<16xf32>
      %add3A_1694 = arith.addf %add3A_1241, %select_n3A_1691 : vector<16xf32>
      %mul3A_1695 = arith.constant 128 : i32
      %mul3A_1696 = arith.muli %select_n3A_1497, %mul3A_1695 : i32
      %add3A_1697 = arith.constant 64 : i32
      %add3A_1698 = arith.addi %mul3A_1696, %add3A_1697 : i32
      %get3A_1699 = arith.index_cast %add3A_1698 : i32 to index
      %get3A_1700 = tpu.vector_load %arg7[%get3A_1699] {strides = array<i32>} : memref<512xi32, #tpu.memory_space<vmem>>, vector<16xi32>,
      %gt3A_1701 = arith.constant 0 : i32
      %gt3A_1702 = vector.broadcast %gt3A_1701 : i32 to vector<16xi32>
      %gt3A_1703 = arith.cmpi sgt, %get3A_1700, %gt3A_1702 : vector<16xi32>
      %jit3A_1704 = arith.constant 1.000000e+00 : f32
      %jit3A_1705 = arith.constant 0.000000e+00 : f32
      %broadcast_in_dim3A_1706 = vector.broadcast %jit3A_1704 : f32 to vector<16xf32>
      %broadcast_in_dim3A_1707 = vector.broadcast %jit3A_1705 : f32 to vector<16xf32>
      %select_n3A_1708 = arith.select %gt3A_1703, %broadcast_in_dim3A_1706, %broadcast_in_dim3A_1707 : vector<16xi1>, vector<16xf32>
      %mul3A_1709 = arith.constant 128 : i32
      %mul3A_1710 = arith.muli %select_n3A_1497, %mul3A_1709 : i32
      %add3A_1711 = arith.constant 64 : i32
      %add3A_1712 = arith.addi %mul3A_1710, %add3A_1711 : i32
      %get3A_1713 = arith.index_cast %add3A_1712 : i32 to index
      %get3A_1714 = tpu.vector_load %arg8[%get3A_1713] {strides = array<i32>} : memref<512xi32, #tpu.memory_space<vmem>>, vector<16xi32>,
      %mul3A_1715 = arith.constant 40 : i32
      %mul3A_1716 = arith.muli %sub3A_1500, %mul3A_1715 : i32
      %add3A_1717 = arith.constant 840 : i32
      %add3A_1718 = arith.addi %add3A_1717, %mul3A_1716 : i32
      %broadcast_in_dim3A_1719 = vector.broadcast %add3A_1718 : i32 to vector<16xi32>
      %sub3A_1720 = arith.subi %get3A_1714, %broadcast_in_dim3A_1719 : vector<16xi32>
      %ge3A_1721 = arith.constant 0 : i32
      %ge3A_1722 = vector.broadcast %ge3A_1721 : i32 to vector<16xi32>
      %ge3A_1723 = arith.cmpi sge, %sub3A_1720, %ge3A_1722 : vector<16xi32>
      %lt3A_1724 = arith.constant 40 : i32
      %lt3A_1725 = vector.broadcast %lt3A_1724 : i32 to vector<16xi32>
      %lt3A_1726 = arith.cmpi slt, %sub3A_1720, %lt3A_1725 : vector<16xi32>
      %and3A_1727 = arith.andi %ge3A_1723, %lt3A_1726 : vector<16xi1>
      %jit3A_1728 = arith.constant 0 : i32
      %broadcast_in_dim3A_1729 = vector.broadcast %jit3A_1728 : i32 to vector<16xi32>
      %select_n3A_1730 = arith.select %and3A_1727, %sub3A_1720, %broadcast_in_dim3A_1729 : vector<16xi1>, vector<16xi32>
      %add3A_1731 = arith.constant 64 : i32
      %add3A_1732 = vector.broadcast %add3A_1731 : i32 to vector<16xi32>
      %add3A_1733 = arith.addi %add3A_1732, %iota3A : vector<16xi32>
      %gather3A_1734 = tpu.vector_load_idx %arg10[%select_n3A_1730, %add3A_1733] : memref<40x128xf32, #tpu.memory_space<vmem>>[vector<16xi32>, vector<16xi32>], vector<16xf32>,
      %mul3A_1735 = arith.mulf %select_n3A_1708, %gather3A_1734 : vector<16xf32>
      %jit3A_1736 = arith.constant 0.000000e+00 : f32
      %broadcast_in_dim3A_1737 = vector.broadcast %jit3A_1736 : f32 to vector<16xf32>
      %select_n3A_1738 = arith.select %and3A_1727, %mul3A_1735, %broadcast_in_dim3A_1737 : vector<16xi1>, vector<16xf32>
      %mul3A_1739 = arith.mulf %select_n3A_1708, %scan3A_1505#4 : vector<16xf32>
      %add3A_1740 = arith.addf %add3A_1287, %mul3A_1739 : vector<16xf32>
      %add3A_1741 = arith.addf %add3A_1288, %select_n3A_1738 : vector<16xf32>
      %mul3A_1742 = arith.constant 128 : i32
      %mul3A_1743 = arith.muli %select_n3A_1497, %mul3A_1742 : i32
      %add3A_1744 = arith.constant 80 : i32
      %add3A_1745 = arith.addi %mul3A_1743, %add3A_1744 : i32
      %get3A_1746 = arith.index_cast %add3A_1745 : i32 to index
      %get3A_1747 = tpu.vector_load %arg7[%get3A_1746] {strides = array<i32>} : memref<512xi32, #tpu.memory_space<vmem>>, vector<16xi32>,
      %gt3A_1748 = arith.constant 0 : i32
      %gt3A_1749 = vector.broadcast %gt3A_1748 : i32 to vector<16xi32>
      %gt3A_1750 = arith.cmpi sgt, %get3A_1747, %gt3A_1749 : vector<16xi32>
      %jit3A_1751 = arith.constant 1.000000e+00 : f32
      %jit3A_1752 = arith.constant 0.000000e+00 : f32
      %broadcast_in_dim3A_1753 = vector.broadcast %jit3A_1751 : f32 to vector<16xf32>
      %broadcast_in_dim3A_1754 = vector.broadcast %jit3A_1752 : f32 to vector<16xf32>
      %select_n3A_1755 = arith.select %gt3A_1750, %broadcast_in_dim3A_1753, %broadcast_in_dim3A_1754 : vector<16xi1>, vector<16xf32>
      %mul3A_1756 = arith.constant 128 : i32
      %mul3A_1757 = arith.muli %select_n3A_1497, %mul3A_1756 : i32
      %add3A_1758 = arith.constant 80 : i32
      %add3A_1759 = arith.addi %mul3A_1757, %add3A_1758 : i32
      %get3A_1760 = arith.index_cast %add3A_1759 : i32 to index
      %get3A_1761 = tpu.vector_load %arg8[%get3A_1760] {strides = array<i32>} : memref<512xi32, #tpu.memory_space<vmem>>, vector<16xi32>,
      %mul3A_1762 = arith.constant 40 : i32
      %mul3A_1763 = arith.muli %sub3A_1500, %mul3A_1762 : i32
      %add3A_1764 = arith.constant 840 : i32
      %add3A_1765 = arith.addi %add3A_1764, %mul3A_1763 : i32
      %broadcast_in_dim3A_1766 = vector.broadcast %add3A_1765 : i32 to vector<16xi32>
      %sub3A_1767 = arith.subi %get3A_1761, %broadcast_in_dim3A_1766 : vector<16xi32>
      %ge3A_1768 = arith.constant 0 : i32
      %ge3A_1769 = vector.broadcast %ge3A_1768 : i32 to vector<16xi32>
      %ge3A_1770 = arith.cmpi sge, %sub3A_1767, %ge3A_1769 : vector<16xi32>
      %lt3A_1771 = arith.constant 40 : i32
      %lt3A_1772 = vector.broadcast %lt3A_1771 : i32 to vector<16xi32>
      %lt3A_1773 = arith.cmpi slt, %sub3A_1767, %lt3A_1772 : vector<16xi32>
      %and3A_1774 = arith.andi %ge3A_1770, %lt3A_1773 : vector<16xi1>
      %jit3A_1775 = arith.constant 0 : i32
      %broadcast_in_dim3A_1776 = vector.broadcast %jit3A_1775 : i32 to vector<16xi32>
      %select_n3A_1777 = arith.select %and3A_1774, %sub3A_1767, %broadcast_in_dim3A_1776 : vector<16xi1>, vector<16xi32>
      %add3A_1778 = arith.constant 80 : i32
      %add3A_1779 = vector.broadcast %add3A_1778 : i32 to vector<16xi32>
      %add3A_1780 = arith.addi %add3A_1779, %iota3A : vector<16xi32>
      %gather3A_1781 = tpu.vector_load_idx %arg10[%select_n3A_1777, %add3A_1780] : memref<40x128xf32, #tpu.memory_space<vmem>>[vector<16xi32>, vector<16xi32>], vector<16xf32>,
      %mul3A_1782 = arith.mulf %select_n3A_1755, %gather3A_1781 : vector<16xf32>
      %jit3A_1783 = arith.constant 0.000000e+00 : f32
      %broadcast_in_dim3A_1784 = vector.broadcast %jit3A_1783 : f32 to vector<16xf32>
      %select_n3A_1785 = arith.select %and3A_1774, %mul3A_1782, %broadcast_in_dim3A_1784 : vector<16xi1>, vector<16xf32>
      %mul3A_1786 = arith.mulf %select_n3A_1755, %scan3A_1505#5 : vector<16xf32>
      %add3A_1787 = arith.addf %add3A_1334, %mul3A_1786 : vector<16xf32>
      %add3A_1788 = arith.addf %add3A_1335, %select_n3A_1785 : vector<16xf32>
      %mul3A_1789 = arith.constant 128 : i32
      %mul3A_1790 = arith.muli %select_n3A_1497, %mul3A_1789 : i32
      %add3A_1791 = arith.constant 96 : i32
      %add3A_1792 = arith.addi %mul3A_1790, %add3A_1791 : i32
      %get3A_1793 = arith.index_cast %add3A_1792 : i32 to index
      %get3A_1794 = tpu.vector_load %arg7[%get3A_1793] {strides = array<i32>} : memref<512xi32, #tpu.memory_space<vmem>>, vector<16xi32>,
      %gt3A_1795 = arith.constant 0 : i32
      %gt3A_1796 = vector.broadcast %gt3A_1795 : i32 to vector<16xi32>
      %gt3A_1797 = arith.cmpi sgt, %get3A_1794, %gt3A_1796 : vector<16xi32>
      %jit3A_1798 = arith.constant 1.000000e+00 : f32
      %jit3A_1799 = arith.constant 0.000000e+00 : f32
      %broadcast_in_dim3A_1800 = vector.broadcast %jit3A_1798 : f32 to vector<16xf32>
      %broadcast_in_dim3A_1801 = vector.broadcast %jit3A_1799 : f32 to vector<16xf32>
      %select_n3A_1802 = arith.select %gt3A_1797, %broadcast_in_dim3A_1800, %broadcast_in_dim3A_1801 : vector<16xi1>, vector<16xf32>
      %mul3A_1803 = arith.constant 128 : i32
      %mul3A_1804 = arith.muli %select_n3A_1497, %mul3A_1803 : i32
      %add3A_1805 = arith.constant 96 : i32
      %add3A_1806 = arith.addi %mul3A_1804, %add3A_1805 : i32
      %get3A_1807 = arith.index_cast %add3A_1806 : i32 to index
      %get3A_1808 = tpu.vector_load %arg8[%get3A_1807] {strides = array<i32>} : memref<512xi32, #tpu.memory_space<vmem>>, vector<16xi32>,
      %mul3A_1809 = arith.constant 40 : i32
      %mul3A_1810 = arith.muli %sub3A_1500, %mul3A_1809 : i32
      %add3A_1811 = arith.constant 840 : i32
      %add3A_1812 = arith.addi %add3A_1811, %mul3A_1810 : i32
      %broadcast_in_dim3A_1813 = vector.broadcast %add3A_1812 : i32 to vector<16xi32>
      %sub3A_1814 = arith.subi %get3A_1808, %broadcast_in_dim3A_1813 : vector<16xi32>
      %ge3A_1815 = arith.constant 0 : i32
      %ge3A_1816 = vector.broadcast %ge3A_1815 : i32 to vector<16xi32>
      %ge3A_1817 = arith.cmpi sge, %sub3A_1814, %ge3A_1816 : vector<16xi32>
      %lt3A_1818 = arith.constant 40 : i32
      %lt3A_1819 = vector.broadcast %lt3A_1818 : i32 to vector<16xi32>
      %lt3A_1820 = arith.cmpi slt, %sub3A_1814, %lt3A_1819 : vector<16xi32>
      %and3A_1821 = arith.andi %ge3A_1817, %lt3A_1820 : vector<16xi1>
      %jit3A_1822 = arith.constant 0 : i32
      %broadcast_in_dim3A_1823 = vector.broadcast %jit3A_1822 : i32 to vector<16xi32>
      %select_n3A_1824 = arith.select %and3A_1821, %sub3A_1814, %broadcast_in_dim3A_1823 : vector<16xi1>, vector<16xi32>
      %add3A_1825 = arith.constant 96 : i32
      %add3A_1826 = vector.broadcast %add3A_1825 : i32 to vector<16xi32>
      %add3A_1827 = arith.addi %add3A_1826, %iota3A : vector<16xi32>
      %gather3A_1828 = tpu.vector_load_idx %arg10[%select_n3A_1824, %add3A_1827] : memref<40x128xf32, #tpu.memory_space<vmem>>[vector<16xi32>, vector<16xi32>], vector<16xf32>,
      %mul3A_1829 = arith.mulf %select_n3A_1802, %gather3A_1828 : vector<16xf32>
      %jit3A_1830 = arith.constant 0.000000e+00 : f32
      %broadcast_in_dim3A_1831 = vector.broadcast %jit3A_1830 : f32 to vector<16xf32>
      %select_n3A_1832 = arith.select %and3A_1821, %mul3A_1829, %broadcast_in_dim3A_1831 : vector<16xi1>, vector<16xf32>
      %mul3A_1833 = arith.mulf %select_n3A_1802, %scan3A_1505#6 : vector<16xf32>
      %add3A_1834 = arith.addf %add3A_1381, %mul3A_1833 : vector<16xf32>
      %add3A_1835 = arith.addf %add3A_1382, %select_n3A_1832 : vector<16xf32>
      %mul3A_1836 = arith.constant 128 : i32
      %mul3A_1837 = arith.muli %select_n3A_1497, %mul3A_1836 : i32
      %add3A_1838 = arith.constant 112 : i32
      %add3A_1839 = arith.addi %mul3A_1837, %add3A_1838 : i32
      %get3A_1840 = arith.index_cast %add3A_1839 : i32 to index
      %get3A_1841 = tpu.vector_load %arg7[%get3A_1840] {strides = array<i32>} : memref<512xi32, #tpu.memory_space<vmem>>, vector<16xi32>,
      %gt3A_1842 = arith.constant 0 : i32
      %gt3A_1843 = vector.broadcast %gt3A_1842 : i32 to vector<16xi32>
      %gt3A_1844 = arith.cmpi sgt, %get3A_1841, %gt3A_1843 : vector<16xi32>
      %jit3A_1845 = arith.constant 1.000000e+00 : f32
      %jit3A_1846 = arith.constant 0.000000e+00 : f32
      %broadcast_in_dim3A_1847 = vector.broadcast %jit3A_1845 : f32 to vector<16xf32>
      %broadcast_in_dim3A_1848 = vector.broadcast %jit3A_1846 : f32 to vector<16xf32>
      %select_n3A_1849 = arith.select %gt3A_1844, %broadcast_in_dim3A_1847, %broadcast_in_dim3A_1848 : vector<16xi1>, vector<16xf32>
      %mul3A_1850 = arith.constant 128 : i32
      %mul3A_1851 = arith.muli %select_n3A_1497, %mul3A_1850 : i32
      %add3A_1852 = arith.constant 112 : i32
      %add3A_1853 = arith.addi %mul3A_1851, %add3A_1852 : i32
      %get3A_1854 = arith.index_cast %add3A_1853 : i32 to index
      %get3A_1855 = tpu.vector_load %arg8[%get3A_1854] {strides = array<i32>} : memref<512xi32, #tpu.memory_space<vmem>>, vector<16xi32>,
      %mul3A_1856 = arith.constant 40 : i32
      %mul3A_1857 = arith.muli %sub3A_1500, %mul3A_1856 : i32
      %add3A_1858 = arith.constant 840 : i32
      %add3A_1859 = arith.addi %add3A_1858, %mul3A_1857 : i32
      %broadcast_in_dim3A_1860 = vector.broadcast %add3A_1859 : i32 to vector<16xi32>
      %sub3A_1861 = arith.subi %get3A_1855, %broadcast_in_dim3A_1860 : vector<16xi32>
      %ge3A_1862 = arith.constant 0 : i32
      %ge3A_1863 = vector.broadcast %ge3A_1862 : i32 to vector<16xi32>
      %ge3A_1864 = arith.cmpi sge, %sub3A_1861, %ge3A_1863 : vector<16xi32>
      %lt3A_1865 = arith.constant 40 : i32
      %lt3A_1866 = vector.broadcast %lt3A_1865 : i32 to vector<16xi32>
      %lt3A_1867 = arith.cmpi slt, %sub3A_1861, %lt3A_1866 : vector<16xi32>
      %and3A_1868 = arith.andi %ge3A_1864, %lt3A_1867 : vector<16xi1>
      %jit3A_1869 = arith.constant 0 : i32
      %broadcast_in_dim3A_1870 = vector.broadcast %jit3A_1869 : i32 to vector<16xi32>
      %select_n3A_1871 = arith.select %and3A_1868, %sub3A_1861, %broadcast_in_dim3A_1870 : vector<16xi1>, vector<16xi32>
      %add3A_1872 = arith.constant 112 : i32
      %add3A_1873 = vector.broadcast %add3A_1872 : i32 to vector<16xi32>
      %add3A_1874 = arith.addi %add3A_1873, %iota3A : vector<16xi32>
      %gather3A_1875 = tpu.vector_load_idx %arg10[%select_n3A_1871, %add3A_1874] : memref<40x128xf32, #tpu.memory_space<vmem>>[vector<16xi32>, vector<16xi32>], vector<16xf32>,
      %mul3A_1876 = arith.mulf %select_n3A_1849, %gather3A_1875 : vector<16xf32>
      %jit3A_1877 = arith.constant 0.000000e+00 : f32
      %broadcast_in_dim3A_1878 = vector.broadcast %jit3A_1877 : f32 to vector<16xf32>
      %select_n3A_1879 = arith.select %and3A_1868, %mul3A_1876, %broadcast_in_dim3A_1878 : vector<16xi1>, vector<16xf32>
      %mul3A_1880 = arith.mulf %select_n3A_1849, %scan3A_1505#7 : vector<16xf32>
      %add3A_1881 = arith.addf %add3A_1428, %mul3A_1880 : vector<16xf32>
      %add3A_1882 = arith.addf %add3A_1429, %select_n3A_1879 : vector<16xf32>
      %add3A_1883 = arith.constant 3 : i32
      %add3A_1884 = arith.addi %mul3A_1020, %add3A_1883 : i32
      %jit3A_1885 = arith.constant 4 : i32
      %div3A_1886 = arith.divsi %add3A_1884, %jit3A_1885 : i32
      %sign3A_1887 = arith.constant 0 : i32
      %sign3A_1888 = arith.cmpi sgt, %add3A_1884, %sign3A_1887 : i32
      %sign3A_1889 = arith.extui %sign3A_1888 : i1 to i32
      %sign3A_1890 = arith.constant 0 : i32
      %sign3A_1891 = arith.cmpi slt, %add3A_1884, %sign3A_1890 : i32
      %sign3A_1892 = arith.extui %sign3A_1891 : i1 to i32
      %sign3A_1893 = arith.subi %sign3A_1889, %sign3A_1892 : i32
      %sign3A_1894 = arith.constant 0 : i32
      %sign3A_1895 = arith.cmpi sgt, %jit3A_1885, %sign3A_1894 : i32
      %sign3A_1896 = arith.extui %sign3A_1895 : i1 to i32
      %sign3A_1897 = arith.constant 0 : i32
      %sign3A_1898 = arith.cmpi slt, %jit3A_1885, %sign3A_1897 : i32
      %sign3A_1899 = arith.extui %sign3A_1898 : i1 to i32
      %sign3A_1900 = arith.subi %sign3A_1896, %sign3A_1899 : i32
      %ne3A_1901 = arith.cmpi ne, %sign3A_1893, %sign3A_1900 : i32
      %rem3A_1902 = arith.remsi %add3A_1884, %jit3A_1885 : i32
      %ne3A_1903 = arith.constant 0 : i32
      %ne3A_1904 = arith.cmpi ne, %rem3A_1902, %ne3A_1903 : i32
      %and3A_1905 = arith.andi %ne3A_1901, %ne3A_1904 : i1
      %sub3A_1906 = arith.constant 1 : i32
      %sub3A_1907 = arith.subi %div3A_1886, %sub3A_1906 : i32
      %select_n3A_1908 = arith.select %and3A_1905, %sub3A_1907, %div3A_1886 : i32
      %mul3A_1909 = arith.constant 4 : i32
      %mul3A_1910 = arith.muli %select_n3A_1908, %mul3A_1909 : i32
      %sub3A_1911 = arith.subi %add3A_1884, %mul3A_1910 : i32
      %mul3A_1912 = arith.constant 1000 : i32
      %mul3A_1913 = arith.muli %select_n3A_1908, %mul3A_1912 : i32
      %add3A_1914 = arith.constant 840 : i32
      %add3A_1915 = arith.addi %mul3A_1913, %add3A_1914 : i32
      %mul3A_1916 = arith.constant 40 : i32
      %mul3A_1917 = arith.muli %sub3A_1911, %mul3A_1916 : i32
      %add3A_1918 = arith.addi %add3A_1915, %mul3A_1917 : i32
      %dma_start3A_1919 = tpu.memref_slice %arg2[%add3A_1918, %mul3A_2] : memref<4000x4096xf32, #tpu.memory_space<hbm>> -> memref<40x128xf32, #tpu.memory_space<hbm>>
      %dma_start3A_1920 = tpu.memref_slice %arg2[%add3A_1918, %mul3A_2] : memref<4000x4096xf32, #tpu.memory_space<hbm>> -> memref<40x128xf32, #tpu.memory_space<hbm>>
      tpu.enqueue_dma source(%dma_start3A_1920 : memref<40x128xf32, #tpu.memory_space<hbm>>) target(%arg10 : memref<40x128xf32, #tpu.memory_space<vmem>>) target_semaphore(%arg14 : memref<!tpu.dma_semaphore, #tpu.memory_space<semaphore_mem>>)
      scf.yield %add3A_1552, %add3A_1599, %add3A_1646, %add3A_1693, %add3A_1740, %add3A_1787, %add3A_1834, %add3A_1881, %add3A_1553, %add3A_1600, %add3A_1647, %add3A_1694, %add3A_1741, %add3A_1788, %add3A_1835, %add3A_1882 : vector<16xf32>, vector<16xf32>, vector<16xf32>, vector<16xf32>, vector<16xf32>, vector<16xf32>, vector<16xf32>, vector<16xf32>, vector<16xf32>, vector<16xf32>, vector<16xf32>, vector<16xf32>, vector<16xf32>, vector<16xf32>, vector<16xf32>, vector<16xf32>
    }
    %scan3A_379 = arith.constant 7 : i32
    %dma_wait3A = arith.constant 0 : i32
    %dma_wait3A_380 = tpu.memref_slice %arg2[%dma_wait3A, %mul3A_2] : memref<4000x4096xf32, #tpu.memory_space<hbm>> -> memref<40x128xf32, #tpu.memory_space<hbm>>
    %dma_wait3A_381 = arith.constant 0 : i32
    %dma_wait3A_382 = tpu.memref_slice %arg2[%dma_wait3A_381, %mul3A_2] : memref<4000x4096xf32, #tpu.memory_space<hbm>> -> memref<40x128xf32, #tpu.memory_space<hbm>>
    tpu.wait_dma2 semaphore(%arg13 : memref<!tpu.dma_semaphore, #tpu.memory_space<semaphore_mem>>) src(%dma_wait3A_382 : memref<40x128xf32, #tpu.memory_space<hbm>>) dst(%arg9 : memref<40x128xf32, #tpu.memory_space<vmem>>)
    %scan3A_383 = arith.constant 0 : i32
    %scan3A_384 = arith.constant 10 : i32
    %scan3A_385 = arith.addi %scan3A_383, %scan3A_384 : i32
    %scan3A_386 = arith.constant 1 : i32
    %scan3A_387:8 = scf.for %scan3A_1002 = %scan3A_383 to %scan3A_385 step %scan3A_386 iter_args(%scan3A_1003 = %broadcast_in_dim3A_19, %scan3A_1004 = %broadcast_in_dim3A_19, %scan3A_1005 = %broadcast_in_dim3A_19, %scan3A_1006 = %broadcast_in_dim3A_19, %scan3A_1007 = %broadcast_in_dim3A_19, %scan3A_1008 = %broadcast_in_dim3A_19, %scan3A_1009 = %broadcast_in_dim3A_19, %scan3A_1010 = %broadcast_in_dim3A_19) -> (vector<16xf32>, vector<16xf32>, vector<16xf32>, vector<16xf32>, vector<16xf32>, vector<16xf32>, vector<16xf32>, vector<16xf32>)  : i32 {
      %mul3A_1011 = arith.constant 4 : i32
      %mul3A_1012 = arith.muli %scan3A_1002, %mul3A_1011 : i32
      %add3A_1013 = arith.constant 0 : i32
      %add3A_1014 = arith.addi %mul3A_1012, %add3A_1013 : i32
      %get3A_1015 = arith.index_cast %add3A_1014 : i32 to index
      %get3A_1016 = arith.constant 0 : index
      %get3A_1017 = tpu.vector_load %arg9[%get3A_1015, %get3A_1016] {strides = array<i32>} : memref<40x128xf32, #tpu.memory_space<vmem>>, vector<16xf32>,
      %add3A_1018 = arith.addf %scan3A_1003, %get3A_1017 : vector<16xf32>
      %mul3A_1019 = arith.constant 4 : i32
      %mul3A_1020 = arith.muli %scan3A_1002, %mul3A_1019 : i32
      %add3A_1021 = arith.constant 0 : i32
      %add3A_1022 = arith.addi %mul3A_1020, %add3A_1021 : i32
      %get3A_1023 = arith.index_cast %add3A_1022 : i32 to index
      %get3A_1024 = arith.constant 16 : index
      %get3A_1025 = tpu.vector_load %arg9[%get3A_1023, %get3A_1024] {strides = array<i32>} : memref<40x128xf32, #tpu.memory_space<vmem>>, vector<16xf32>,
      %add3A_1026 = arith.addf %scan3A_1004, %get3A_1025 : vector<16xf32>
      %mul3A_1027 = arith.constant 4 : i32
      %mul3A_1028 = arith.muli %scan3A_1002, %mul3A_1027 : i32
      %add3A_1029 = arith.constant 0 : i32
      %add3A_1030 = arith.addi %mul3A_1028, %add3A_1029 : i32
      %get3A_1031 = arith.index_cast %add3A_1030 : i32 to index
      %get3A_1032 = arith.constant 32 : index
      %get3A_1033 = tpu.vector_load %arg9[%get3A_1031, %get3A_1032] {strides = array<i32>} : memref<40x128xf32, #tpu.memory_space<vmem>>, vector<16xf32>,
      %add3A_1034 = arith.addf %scan3A_1005, %get3A_1033 : vector<16xf32>
      %mul3A_1035 = arith.constant 4 : i32
      %mul3A_1036 = arith.muli %scan3A_1002, %mul3A_1035 : i32
      %add3A_1037 = arith.constant 0 : i32
      %add3A_1038 = arith.addi %mul3A_1036, %add3A_1037 : i32
      %get3A_1039 = arith.index_cast %add3A_1038 : i32 to index
      %get3A_1040 = arith.constant 48 : index
      %get3A_1041 = tpu.vector_load %arg9[%get3A_1039, %get3A_1040] {strides = array<i32>} : memref<40x128xf32, #tpu.memory_space<vmem>>, vector<16xf32>,
      %add3A_1042 = arith.addf %scan3A_1006, %get3A_1041 : vector<16xf32>
      %mul3A_1043 = arith.constant 4 : i32
      %mul3A_1044 = arith.muli %scan3A_1002, %mul3A_1043 : i32
      %add3A_1045 = arith.constant 0 : i32
      %add3A_1046 = arith.addi %mul3A_1044, %add3A_1045 : i32
      %get3A_1047 = arith.index_cast %add3A_1046 : i32 to index
      %get3A_1048 = arith.constant 64 : index
      %get3A_1049 = tpu.vector_load %arg9[%get3A_1047, %get3A_1048] {strides = array<i32>} : memref<40x128xf32, #tpu.memory_space<vmem>>, vector<16xf32>,
      %add3A_1050 = arith.addf %scan3A_1007, %get3A_1049 : vector<16xf32>
      %mul3A_1051 = arith.constant 4 : i32
      %mul3A_1052 = arith.muli %scan3A_1002, %mul3A_1051 : i32
      %add3A_1053 = arith.constant 0 : i32
      %add3A_1054 = arith.addi %mul3A_1052, %add3A_1053 : i32
      %get3A_1055 = arith.index_cast %add3A_1054 : i32 to index
      %get3A_1056 = arith.constant 80 : index
      %get3A_1057 = tpu.vector_load %arg9[%get3A_1055, %get3A_1056] {strides = array<i32>} : memref<40x128xf32, #tpu.memory_space<vmem>>, vector<16xf32>,
      %add3A_1058 = arith.addf %scan3A_1008, %get3A_1057 : vector<16xf32>
      %mul3A_1059 = arith.constant 4 : i32
      %mul3A_1060 = arith.muli %scan3A_1002, %mul3A_1059 : i32
      %add3A_1061 = arith.constant 0 : i32
      %add3A_1062 = arith.addi %mul3A_1060, %add3A_1061 : i32
      %get3A_1063 = arith.index_cast %add3A_1062 : i32 to index
      %get3A_1064 = arith.constant 96 : index
      %get3A_1065 = tpu.vector_load %arg9[%get3A_1063, %get3A_1064] {strides = array<i32>} : memref<40x128xf32, #tpu.memory_space<vmem>>, vector<16xf32>,
      %add3A_1066 = arith.addf %scan3A_1009, %get3A_1065 : vector<16xf32>
      %mul3A_1067 = arith.constant 4 : i32
      %mul3A_1068 = arith.muli %scan3A_1002, %mul3A_1067 : i32
      %add3A_1069 = arith.constant 0 : i32
      %add3A_1070 = arith.addi %mul3A_1068, %add3A_1069 : i32
      %get3A_1071 = arith.index_cast %add3A_1070 : i32 to index
      %get3A_1072 = arith.constant 112 : index
      %get3A_1073 = tpu.vector_load %arg9[%get3A_1071, %get3A_1072] {strides = array<i32>} : memref<40x128xf32, #tpu.memory_space<vmem>>, vector<16xf32>,
      %add3A_1074 = arith.addf %scan3A_1010, %get3A_1073 : vector<16xf32>
      %mul3A_1075 = arith.constant 4 : i32
      %mul3A_1076 = arith.muli %scan3A_1002, %mul3A_1075 : i32
      %add3A_1077 = arith.constant 1 : i32
      %add3A_1078 = arith.addi %mul3A_1076, %add3A_1077 : i32
      %get3A_1079 = arith.index_cast %add3A_1078 : i32 to index
      %get3A_1080 = arith.constant 0 : index
      %get3A_1081 = tpu.vector_load %arg9[%get3A_1079, %get3A_1080] {strides = array<i32>} : memref<40x128xf32, #tpu.memory_space<vmem>>, vector<16xf32>,
      %add3A_1082 = arith.addf %add3A_1018, %get3A_1081 : vector<16xf32>
      %mul3A_1083 = arith.constant 4 : i32
      %mul3A_1084 = arith.muli %scan3A_1002, %mul3A_1083 : i32
      %add3A_1085 = arith.constant 1 : i32
      %add3A_1086 = arith.addi %mul3A_1084, %add3A_1085 : i32
      %get3A_1087 = arith.index_cast %add3A_1086 : i32 to index
      %get3A_1088 = arith.constant 16 : index
      %get3A_1089 = tpu.vector_load %arg9[%get3A_1087, %get3A_1088] {strides = array<i32>} : memref<40x128xf32, #tpu.memory_space<vmem>>, vector<16xf32>,
      %add3A_1090 = arith.addf %add3A_1026, %get3A_1089 : vector<16xf32>
      %mul3A_1091 = arith.constant 4 : i32
      %mul3A_1092 = arith.muli %scan3A_1002, %mul3A_1091 : i32
      %add3A_1093 = arith.constant 1 : i32
      %add3A_1094 = arith.addi %mul3A_1092, %add3A_1093 : i32
      %get3A_1095 = arith.index_cast %add3A_1094 : i32 to index
      %get3A_1096 = arith.constant 32 : index
      %get3A_1097 = tpu.vector_load %arg9[%get3A_1095, %get3A_1096] {strides = array<i32>} : memref<40x128xf32, #tpu.memory_space<vmem>>, vector<16xf32>,
      %add3A_1098 = arith.addf %add3A_1034, %get3A_1097 : vector<16xf32>
      %mul3A_1099 = arith.constant 4 : i32
      %mul3A_1100 = arith.muli %scan3A_1002, %mul3A_1099 : i32
      %add3A_1101 = arith.constant 1 : i32
      %add3A_1102 = arith.addi %mul3A_1100, %add3A_1101 : i32
      %get3A_1103 = arith.index_cast %add3A_1102 : i32 to index
      %get3A_1104 = arith.constant 48 : index
      %get3A_1105 = tpu.vector_load %arg9[%get3A_1103, %get3A_1104] {strides = array<i32>} : memref<40x128xf32, #tpu.memory_space<vmem>>, vector<16xf32>,
      %add3A_1106 = arith.addf %add3A_1042, %get3A_1105 : vector<16xf32>
      %mul3A_1107 = arith.constant 4 : i32
      %mul3A_1108 = arith.muli %scan3A_1002, %mul3A_1107 : i32
      %add3A_1109 = arith.constant 1 : i32
      %add3A_1110 = arith.addi %mul3A_1108, %add3A_1109 : i32
      %get3A_1111 = arith.index_cast %add3A_1110 : i32 to index
      %get3A_1112 = arith.constant 64 : index
      %get3A_1113 = tpu.vector_load %arg9[%get3A_1111, %get3A_1112] {strides = array<i32>} : memref<40x128xf32, #tpu.memory_space<vmem>>, vector<16xf32>,
      %add3A_1114 = arith.addf %add3A_1050, %get3A_1113 : vector<16xf32>
      %mul3A_1115 = arith.constant 4 : i32
      %mul3A_1116 = arith.muli %scan3A_1002, %mul3A_1115 : i32
      %add3A_1117 = arith.constant 1 : i32
      %add3A_1118 = arith.addi %mul3A_1116, %add3A_1117 : i32
      %get3A_1119 = arith.index_cast %add3A_1118 : i32 to index
      %get3A_1120 = arith.constant 80 : index
      %get3A_1121 = tpu.vector_load %arg9[%get3A_1119, %get3A_1120] {strides = array<i32>} : memref<40x128xf32, #tpu.memory_space<vmem>>, vector<16xf32>,
      %add3A_1122 = arith.addf %add3A_1058, %get3A_1121 : vector<16xf32>
      %mul3A_1123 = arith.constant 4 : i32
      %mul3A_1124 = arith.muli %scan3A_1002, %mul3A_1123 : i32
      %add3A_1125 = arith.constant 1 : i32
      %add3A_1126 = arith.addi %mul3A_1124, %add3A_1125 : i32
      %get3A_1127 = arith.index_cast %add3A_1126 : i32 to index
      %get3A_1128 = arith.constant 96 : index
      %get3A_1129 = tpu.vector_load %arg9[%get3A_1127, %get3A_1128] {strides = array<i32>} : memref<40x128xf32, #tpu.memory_space<vmem>>, vector<16xf32>,
      %add3A_1130 = arith.addf %add3A_1066, %get3A_1129 : vector<16xf32>
      %mul3A_1131 = arith.constant 4 : i32
      %mul3A_1132 = arith.muli %scan3A_1002, %mul3A_1131 : i32
      %add3A_1133 = arith.constant 1 : i32
      %add3A_1134 = arith.addi %mul3A_1132, %add3A_1133 : i32
      %get3A_1135 = arith.index_cast %add3A_1134 : i32 to index
      %get3A_1136 = arith.constant 112 : index
      %get3A_1137 = tpu.vector_load %arg9[%get3A_1135, %get3A_1136] {strides = array<i32>} : memref<40x128xf32, #tpu.memory_space<vmem>>, vector<16xf32>,
      %add3A_1138 = arith.addf %add3A_1074, %get3A_1137 : vector<16xf32>
      %mul3A_1139 = arith.constant 4 : i32
      %mul3A_1140 = arith.muli %scan3A_1002, %mul3A_1139 : i32
      %add3A_1141 = arith.constant 2 : i32
      %add3A_1142 = arith.addi %mul3A_1140, %add3A_1141 : i32
      %get3A_1143 = arith.index_cast %add3A_1142 : i32 to index
      %get3A_1144 = arith.constant 0 : index
      %get3A_1145 = tpu.vector_load %arg9[%get3A_1143, %get3A_1144] {strides = array<i32>} : memref<40x128xf32, #tpu.memory_space<vmem>>, vector<16xf32>,
      %add3A_1146 = arith.addf %add3A_1082, %get3A_1145 : vector<16xf32>
      %mul3A_1147 = arith.constant 4 : i32
      %mul3A_1148 = arith.muli %scan3A_1002, %mul3A_1147 : i32
      %add3A_1149 = arith.constant 2 : i32
      %add3A_1150 = arith.addi %mul3A_1148, %add3A_1149 : i32
      %get3A_1151 = arith.index_cast %add3A_1150 : i32 to index
      %get3A_1152 = arith.constant 16 : index
      %get3A_1153 = tpu.vector_load %arg9[%get3A_1151, %get3A_1152] {strides = array<i32>} : memref<40x128xf32, #tpu.memory_space<vmem>>, vector<16xf32>,
      %add3A_1154 = arith.addf %add3A_1090, %get3A_1153 : vector<16xf32>
      %mul3A_1155 = arith.constant 4 : i32
      %mul3A_1156 = arith.muli %scan3A_1002, %mul3A_1155 : i32
      %add3A_1157 = arith.constant 2 : i32
      %add3A_1158 = arith.addi %mul3A_1156, %add3A_1157 : i32
      %get3A_1159 = arith.index_cast %add3A_1158 : i32 to index
      %get3A_1160 = arith.constant 32 : index
      %get3A_1161 = tpu.vector_load %arg9[%get3A_1159, %get3A_1160] {strides = array<i32>} : memref<40x128xf32, #tpu.memory_space<vmem>>, vector<16xf32>,
      %add3A_1162 = arith.addf %add3A_1098, %get3A_1161 : vector<16xf32>
      %mul3A_1163 = arith.constant 4 : i32
      %mul3A_1164 = arith.muli %scan3A_1002, %mul3A_1163 : i32
      %add3A_1165 = arith.constant 2 : i32
      %add3A_1166 = arith.addi %mul3A_1164, %add3A_1165 : i32
      %get3A_1167 = arith.index_cast %add3A_1166 : i32 to index
      %get3A_1168 = arith.constant 48 : index
      %get3A_1169 = tpu.vector_load %arg9[%get3A_1167, %get3A_1168] {strides = array<i32>} : memref<40x128xf32, #tpu.memory_space<vmem>>, vector<16xf32>,
      %add3A_1170 = arith.addf %add3A_1106, %get3A_1169 : vector<16xf32>
      %mul3A_1171 = arith.constant 4 : i32
      %mul3A_1172 = arith.muli %scan3A_1002, %mul3A_1171 : i32
      %add3A_1173 = arith.constant 2 : i32
      %add3A_1174 = arith.addi %mul3A_1172, %add3A_1173 : i32
      %get3A_1175 = arith.index_cast %add3A_1174 : i32 to index
      %get3A_1176 = arith.constant 64 : index
      %get3A_1177 = tpu.vector_load %arg9[%get3A_1175, %get3A_1176] {strides = array<i32>} : memref<40x128xf32, #tpu.memory_space<vmem>>, vector<16xf32>,
      %add3A_1178 = arith.addf %add3A_1114, %get3A_1177 : vector<16xf32>
      %mul3A_1179 = arith.constant 4 : i32
      %mul3A_1180 = arith.muli %scan3A_1002, %mul3A_1179 : i32
      %add3A_1181 = arith.constant 2 : i32
      %add3A_1182 = arith.addi %mul3A_1180, %add3A_1181 : i32
      %get3A_1183 = arith.index_cast %add3A_1182 : i32 to index
      %get3A_1184 = arith.constant 80 : index
      %get3A_1185 = tpu.vector_load %arg9[%get3A_1183, %get3A_1184] {strides = array<i32>} : memref<40x128xf32, #tpu.memory_space<vmem>>, vector<16xf32>,
      %add3A_1186 = arith.addf %add3A_1122, %get3A_1185 : vector<16xf32>
      %mul3A_1187 = arith.constant 4 : i32
      %mul3A_1188 = arith.muli %scan3A_1002, %mul3A_1187 : i32
      %add3A_1189 = arith.constant 2 : i32
      %add3A_1190 = arith.addi %mul3A_1188, %add3A_1189 : i32
      %get3A_1191 = arith.index_cast %add3A_1190 : i32 to index
      %get3A_1192 = arith.constant 96 : index
      %get3A_1193 = tpu.vector_load %arg9[%get3A_1191, %get3A_1192] {strides = array<i32>} : memref<40x128xf32, #tpu.memory_space<vmem>>, vector<16xf32>,
      %add3A_1194 = arith.addf %add3A_1130, %get3A_1193 : vector<16xf32>
      %mul3A_1195 = arith.constant 4 : i32
      %mul3A_1196 = arith.muli %scan3A_1002, %mul3A_1195 : i32
      %add3A_1197 = arith.constant 2 : i32
      %add3A_1198 = arith.addi %mul3A_1196, %add3A_1197 : i32
      %get3A_1199 = arith.index_cast %add3A_1198 : i32 to index
      %get3A_1200 = arith.constant 112 : index
      %get3A_1201 = tpu.vector_load %arg9[%get3A_1199, %get3A_1200] {strides = array<i32>} : memref<40x128xf32, #tpu.memory_space<vmem>>, vector<16xf32>,
      %add3A_1202 = arith.addf %add3A_1138, %get3A_1201 : vector<16xf32>
      %mul3A_1203 = arith.constant 4 : i32
      %mul3A_1204 = arith.muli %scan3A_1002, %mul3A_1203 : i32
      %add3A_1205 = arith.constant 3 : i32
      %add3A_1206 = arith.addi %mul3A_1204, %add3A_1205 : i32
      %get3A_1207 = arith.index_cast %add3A_1206 : i32 to index
      %get3A_1208 = arith.constant 0 : index
      %get3A_1209 = tpu.vector_load %arg9[%get3A_1207, %get3A_1208] {strides = array<i32>} : memref<40x128xf32, #tpu.memory_space<vmem>>, vector<16xf32>,
      %add3A_1210 = arith.addf %add3A_1146, %get3A_1209 : vector<16xf32>
      %mul3A_1211 = arith.constant 4 : i32
      %mul3A_1212 = arith.muli %scan3A_1002, %mul3A_1211 : i32
      %add3A_1213 = arith.constant 3 : i32
      %add3A_1214 = arith.addi %mul3A_1212, %add3A_1213 : i32
      %get3A_1215 = arith.index_cast %add3A_1214 : i32 to index
      %get3A_1216 = arith.constant 16 : index
      %get3A_1217 = tpu.vector_load %arg9[%get3A_1215, %get3A_1216] {strides = array<i32>} : memref<40x128xf32, #tpu.memory_space<vmem>>, vector<16xf32>,
      %add3A_1218 = arith.addf %add3A_1154, %get3A_1217 : vector<16xf32>
      %mul3A_1219 = arith.constant 4 : i32
      %mul3A_1220 = arith.muli %scan3A_1002, %mul3A_1219 : i32
      %add3A_1221 = arith.constant 3 : i32
      %add3A_1222 = arith.addi %mul3A_1220, %add3A_1221 : i32
      %get3A_1223 = arith.index_cast %add3A_1222 : i32 to index
      %get3A_1224 = arith.constant 32 : index
      %get3A_1225 = tpu.vector_load %arg9[%get3A_1223, %get3A_1224] {strides = array<i32>} : memref<40x128xf32, #tpu.memory_space<vmem>>, vector<16xf32>,
      %add3A_1226 = arith.addf %add3A_1162, %get3A_1225 : vector<16xf32>
      %mul3A_1227 = arith.constant 4 : i32
      %mul3A_1228 = arith.muli %scan3A_1002, %mul3A_1227 : i32
      %add3A_1229 = arith.constant 3 : i32
      %add3A_1230 = arith.addi %mul3A_1228, %add3A_1229 : i32
      %get3A_1231 = arith.index_cast %add3A_1230 : i32 to index
      %get3A_1232 = arith.constant 48 : index
      %get3A_1233 = tpu.vector_load %arg9[%get3A_1231, %get3A_1232] {strides = array<i32>} : memref<40x128xf32, #tpu.memory_space<vmem>>, vector<16xf32>,
      %add3A_1234 = arith.addf %add3A_1170, %get3A_1233 : vector<16xf32>
      %mul3A_1235 = arith.constant 4 : i32
      %mul3A_1236 = arith.muli %scan3A_1002, %mul3A_1235 : i32
      %add3A_1237 = arith.constant 3 : i32
      %add3A_1238 = arith.addi %mul3A_1236, %add3A_1237 : i32
      %get3A_1239 = arith.index_cast %add3A_1238 : i32 to index
      %get3A_1240 = arith.constant 64 : index
      %get3A_1241 = tpu.vector_load %arg9[%get3A_1239, %get3A_1240] {strides = array<i32>} : memref<40x128xf32, #tpu.memory_space<vmem>>, vector<16xf32>,
      %add3A_1242 = arith.addf %add3A_1178, %get3A_1241 : vector<16xf32>
      %mul3A_1243 = arith.constant 4 : i32
      %mul3A_1244 = arith.muli %scan3A_1002, %mul3A_1243 : i32
      %add3A_1245 = arith.constant 3 : i32
      %add3A_1246 = arith.addi %mul3A_1244, %add3A_1245 : i32
      %get3A_1247 = arith.index_cast %add3A_1246 : i32 to index
      %get3A_1248 = arith.constant 80 : index
      %get3A_1249 = tpu.vector_load %arg9[%get3A_1247, %get3A_1248] {strides = array<i32>} : memref<40x128xf32, #tpu.memory_space<vmem>>, vector<16xf32>,
      %add3A_1250 = arith.addf %add3A_1186, %get3A_1249 : vector<16xf32>
      %mul3A_1251 = arith.constant 4 : i32
      %mul3A_1252 = arith.muli %scan3A_1002, %mul3A_1251 : i32
      %add3A_1253 = arith.constant 3 : i32
      %add3A_1254 = arith.addi %mul3A_1252, %add3A_1253 : i32
      %get3A_1255 = arith.index_cast %add3A_1254 : i32 to index
      %get3A_1256 = arith.constant 96 : index
      %get3A_1257 = tpu.vector_load %arg9[%get3A_1255, %get3A_1256] {strides = array<i32>} : memref<40x128xf32, #tpu.memory_space<vmem>>, vector<16xf32>,
      %add3A_1258 = arith.addf %add3A_1194, %get3A_1257 : vector<16xf32>
      %mul3A_1259 = arith.constant 4 : i32
      %mul3A_1260 = arith.muli %scan3A_1002, %mul3A_1259 : i32
      %add3A_1261 = arith.constant 3 : i32
      %add3A_1262 = arith.addi %mul3A_1260, %add3A_1261 : i32
      %get3A_1263 = arith.index_cast %add3A_1262 : i32 to index
      %get3A_1264 = arith.constant 112 : index
      %get3A_1265 = tpu.vector_load %arg9[%get3A_1263, %get3A_1264] {strides = array<i32>} : memref<40x128xf32, #tpu.memory_space<vmem>>, vector<16xf32>,
      %add3A_1266 = arith.addf %add3A_1202, %get3A_1265 : vector<16xf32>
      scf.yield %add3A_1210, %add3A_1218, %add3A_1226, %add3A_1234, %add3A_1242, %add3A_1250, %add3A_1258, %add3A_1266 : vector<16xf32>, vector<16xf32>, vector<16xf32>, vector<16xf32>, vector<16xf32>, vector<16xf32>, vector<16xf32>, vector<16xf32>
    }
    %scan3A_388 = arith.constant 10 : i32
    %get3A_389 = arith.constant 384 : index
    %get3A_390 = tpu.vector_load %arg7[%get3A_389] {strides = array<i32>} : memref<512xi32, #tpu.memory_space<vmem>>, vector<16xi32>,
    %gt3A_391 = arith.constant 0 : i32
    %gt3A_392 = vector.broadcast %gt3A_391 : i32 to vector<16xi32>
    %gt3A_393 = arith.cmpi sgt, %get3A_390, %gt3A_392 : vector<16xi32>
    %jit3A_394 = arith.constant 1.000000e+00 : f32
    %jit3A_395 = arith.constant 0.000000e+00 : f32
    %broadcast_in_dim3A_396 = vector.broadcast %jit3A_394 : f32 to vector<16xf32>
    %broadcast_in_dim3A_397 = vector.broadcast %jit3A_395 : f32 to vector<16xf32>
    %select_n3A_398 = arith.select %gt3A_393, %broadcast_in_dim3A_396, %broadcast_in_dim3A_397 : vector<16xi1>, vector<16xf32>
    %get3A_399 = arith.constant 384 : index
    %get3A_400 = tpu.vector_load %arg8[%get3A_399] {strides = array<i32>} : memref<512xi32, #tpu.memory_space<vmem>>, vector<16xi32>,
    %broadcast_in_dim3A_401 = arith.constant 920 : i32
    %broadcast_in_dim3A_402 = vector.broadcast %broadcast_in_dim3A_401 : i32 to vector<16xi32>
    %sub3A = arith.subi %get3A_400, %broadcast_in_dim3A_402 : vector<16xi32>
    %ge3A = arith.constant 0 : i32
    %ge3A_403 = vector.broadcast %ge3A : i32 to vector<16xi32>
    %ge3A_404 = arith.cmpi sge, %sub3A, %ge3A_403 : vector<16xi32>
    %lt3A = arith.constant 40 : i32
    %lt3A_405 = vector.broadcast %lt3A : i32 to vector<16xi32>
    %lt3A_406 = arith.cmpi slt, %sub3A, %lt3A_405 : vector<16xi32>
    %and3A = arith.andi %ge3A_404, %lt3A_406 : vector<16xi1>
    %jit3A_407 = arith.constant 0 : i32
    %broadcast_in_dim3A_408 = vector.broadcast %jit3A_407 : i32 to vector<16xi32>
    %select_n3A_409 = arith.select %and3A, %sub3A, %broadcast_in_dim3A_408 : vector<16xi1>, vector<16xi32>
    %add3A_410 = arith.constant 0 : i32
    %add3A_411 = vector.broadcast %add3A_410 : i32 to vector<16xi32>
    %add3A_412 = arith.addi %add3A_411, %iota3A : vector<16xi32>
    %gather3A = tpu.vector_load_idx %arg9[%select_n3A_409, %add3A_412] : memref<40x128xf32, #tpu.memory_space<vmem>>[vector<16xi32>, vector<16xi32>], vector<16xf32>,
    %mul3A_413 = arith.mulf %select_n3A_398, %gather3A : vector<16xf32>
    %jit3A_414 = arith.constant 0.000000e+00 : f32
    %broadcast_in_dim3A_415 = vector.broadcast %jit3A_414 : f32 to vector<16xf32>
    %select_n3A_416 = arith.select %and3A, %mul3A_413, %broadcast_in_dim3A_415 : vector<16xi1>, vector<16xf32>
    %mul3A_417 = arith.mulf %select_n3A_398, %scan3A_387#0 : vector<16xf32>
    %add3A_418 = arith.addf %scan3A_378#0, %mul3A_417 : vector<16xf32>
    %add3A_419 = arith.addf %scan3A_378#8, %select_n3A_416 : vector<16xf32>
    %get3A_420 = arith.constant 400 : index
    %get3A_421 = tpu.vector_load %arg7[%get3A_420] {strides = array<i32>} : memref<512xi32, #tpu.memory_space<vmem>>, vector<16xi32>,
    %gt3A_422 = arith.constant 0 : i32
    %gt3A_423 = vector.broadcast %gt3A_422 : i32 to vector<16xi32>
    %gt3A_424 = arith.cmpi sgt, %get3A_421, %gt3A_423 : vector<16xi32>
    %jit3A_425 = arith.constant 1.000000e+00 : f32
    %jit3A_426 = arith.constant 0.000000e+00 : f32
    %broadcast_in_dim3A_427 = vector.broadcast %jit3A_425 : f32 to vector<16xf32>
    %broadcast_in_dim3A_428 = vector.broadcast %jit3A_426 : f32 to vector<16xf32>
    %select_n3A_429 = arith.select %gt3A_424, %broadcast_in_dim3A_427, %broadcast_in_dim3A_428 : vector<16xi1>, vector<16xf32>
    %get3A_430 = arith.constant 400 : index
    %get3A_431 = tpu.vector_load %arg8[%get3A_430] {strides = array<i32>} : memref<512xi32, #tpu.memory_space<vmem>>, vector<16xi32>,
    %broadcast_in_dim3A_432 = arith.constant 920 : i32
    %broadcast_in_dim3A_433 = vector.broadcast %broadcast_in_dim3A_432 : i32 to vector<16xi32>
    %sub3A_434 = arith.subi %get3A_431, %broadcast_in_dim3A_433 : vector<16xi32>
    %ge3A_435 = arith.constant 0 : i32
    %ge3A_436 = vector.broadcast %ge3A_435 : i32 to vector<16xi32>
    %ge3A_437 = arith.cmpi sge, %sub3A_434, %ge3A_436 : vector<16xi32>
    %lt3A_438 = arith.constant 40 : i32
    %lt3A_439 = vector.broadcast %lt3A_438 : i32 to vector<16xi32>
    %lt3A_440 = arith.cmpi slt, %sub3A_434, %lt3A_439 : vector<16xi32>
    %and3A_441 = arith.andi %ge3A_437, %lt3A_440 : vector<16xi1>
    %jit3A_442 = arith.constant 0 : i32
    %broadcast_in_dim3A_443 = vector.broadcast %jit3A_442 : i32 to vector<16xi32>
    %select_n3A_444 = arith.select %and3A_441, %sub3A_434, %broadcast_in_dim3A_443 : vector<16xi1>, vector<16xi32>
    %add3A_445 = arith.constant 16 : i32
    %add3A_446 = vector.broadcast %add3A_445 : i32 to vector<16xi32>
    %add3A_447 = arith.addi %add3A_446, %iota3A : vector<16xi32>
    %gather3A_448 = tpu.vector_load_idx %arg9[%select_n3A_444, %add3A_447] : memref<40x128xf32, #tpu.memory_space<vmem>>[vector<16xi32>, vector<16xi32>], vector<16xf32>,
    %mul3A_449 = arith.mulf %select_n3A_429, %gather3A_448 : vector<16xf32>
    %jit3A_450 = arith.constant 0.000000e+00 : f32
    %broadcast_in_dim3A_451 = vector.broadcast %jit3A_450 : f32 to vector<16xf32>
    %select_n3A_452 = arith.select %and3A_441, %mul3A_449, %broadcast_in_dim3A_451 : vector<16xi1>, vector<16xf32>
    %mul3A_453 = arith.mulf %select_n3A_429, %scan3A_387#1 : vector<16xf32>
    %add3A_454 = arith.addf %scan3A_378#1, %mul3A_453 : vector<16xf32>
    %add3A_455 = arith.addf %scan3A_378#9, %select_n3A_452 : vector<16xf32>
    %get3A_456 = arith.constant 416 : index
    %get3A_457 = tpu.vector_load %arg7[%get3A_456] {strides = array<i32>} : memref<512xi32, #tpu.memory_space<vmem>>, vector<16xi32>,
    %gt3A_458 = arith.constant 0 : i32
    %gt3A_459 = vector.broadcast %gt3A_458 : i32 to vector<16xi32>
    %gt3A_460 = arith.cmpi sgt, %get3A_457, %gt3A_459 : vector<16xi32>
    %jit3A_461 = arith.constant 1.000000e+00 : f32
    %jit3A_462 = arith.constant 0.000000e+00 : f32
    %broadcast_in_dim3A_463 = vector.broadcast %jit3A_461 : f32 to vector<16xf32>
    %broadcast_in_dim3A_464 = vector.broadcast %jit3A_462 : f32 to vector<16xf32>
    %select_n3A_465 = arith.select %gt3A_460, %broadcast_in_dim3A_463, %broadcast_in_dim3A_464 : vector<16xi1>, vector<16xf32>
    %get3A_466 = arith.constant 416 : index
    %get3A_467 = tpu.vector_load %arg8[%get3A_466] {strides = array<i32>} : memref<512xi32, #tpu.memory_space<vmem>>, vector<16xi32>,
    %broadcast_in_dim3A_468 = arith.constant 920 : i32
    %broadcast_in_dim3A_469 = vector.broadcast %broadcast_in_dim3A_468 : i32 to vector<16xi32>
    %sub3A_470 = arith.subi %get3A_467, %broadcast_in_dim3A_469 : vector<16xi32>
    %ge3A_471 = arith.constant 0 : i32
    %ge3A_472 = vector.broadcast %ge3A_471 : i32 to vector<16xi32>
    %ge3A_473 = arith.cmpi sge, %sub3A_470, %ge3A_472 : vector<16xi32>
    %lt3A_474 = arith.constant 40 : i32
    %lt3A_475 = vector.broadcast %lt3A_474 : i32 to vector<16xi32>
    %lt3A_476 = arith.cmpi slt, %sub3A_470, %lt3A_475 : vector<16xi32>
    %and3A_477 = arith.andi %ge3A_473, %lt3A_476 : vector<16xi1>
    %jit3A_478 = arith.constant 0 : i32
    %broadcast_in_dim3A_479 = vector.broadcast %jit3A_478 : i32 to vector<16xi32>
    %select_n3A_480 = arith.select %and3A_477, %sub3A_470, %broadcast_in_dim3A_479 : vector<16xi1>, vector<16xi32>
    %add3A_481 = arith.constant 32 : i32
    %add3A_482 = vector.broadcast %add3A_481 : i32 to vector<16xi32>
    %add3A_483 = arith.addi %add3A_482, %iota3A : vector<16xi32>
    %gather3A_484 = tpu.vector_load_idx %arg9[%select_n3A_480, %add3A_483] : memref<40x128xf32, #tpu.memory_space<vmem>>[vector<16xi32>, vector<16xi32>], vector<16xf32>,
    %mul3A_485 = arith.mulf %select_n3A_465, %gather3A_484 : vector<16xf32>
    %jit3A_486 = arith.constant 0.000000e+00 : f32
    %broadcast_in_dim3A_487 = vector.broadcast %jit3A_486 : f32 to vector<16xf32>
    %select_n3A_488 = arith.select %and3A_477, %mul3A_485, %broadcast_in_dim3A_487 : vector<16xi1>, vector<16xf32>
    %mul3A_489 = arith.mulf %select_n3A_465, %scan3A_387#2 : vector<16xf32>
    %add3A_490 = arith.addf %scan3A_378#2, %mul3A_489 : vector<16xf32>
    %add3A_491 = arith.addf %scan3A_378#10, %select_n3A_488 : vector<16xf32>
    %get3A_492 = arith.constant 432 : index
    %get3A_493 = tpu.vector_load %arg7[%get3A_492] {strides = array<i32>} : memref<512xi32, #tpu.memory_space<vmem>>, vector<16xi32>,
    %gt3A_494 = arith.constant 0 : i32
    %gt3A_495 = vector.broadcast %gt3A_494 : i32 to vector<16xi32>
    %gt3A_496 = arith.cmpi sgt, %get3A_493, %gt3A_495 : vector<16xi32>
    %jit3A_497 = arith.constant 1.000000e+00 : f32
    %jit3A_498 = arith.constant 0.000000e+00 : f32
    %broadcast_in_dim3A_499 = vector.broadcast %jit3A_497 : f32 to vector<16xf32>
    %broadcast_in_dim3A_500 = vector.broadcast %jit3A_498 : f32 to vector<16xf32>
    %select_n3A_501 = arith.select %gt3A_496, %broadcast_in_dim3A_499, %broadcast_in_dim3A_500 : vector<16xi1>, vector<16xf32>
    %get3A_502 = arith.constant 432 : index
    %get3A_503 = tpu.vector_load %arg8[%get3A_502] {strides = array<i32>} : memref<512xi32, #tpu.memory_space<vmem>>, vector<16xi32>,
    %broadcast_in_dim3A_504 = arith.constant 920 : i32
    %broadcast_in_dim3A_505 = vector.broadcast %broadcast_in_dim3A_504 : i32 to vector<16xi32>
    %sub3A_506 = arith.subi %get3A_503, %broadcast_in_dim3A_505 : vector<16xi32>
    %ge3A_507 = arith.constant 0 : i32
    %ge3A_508 = vector.broadcast %ge3A_507 : i32 to vector<16xi32>
    %ge3A_509 = arith.cmpi sge, %sub3A_506, %ge3A_508 : vector<16xi32>
    %lt3A_510 = arith.constant 40 : i32
    %lt3A_511 = vector.broadcast %lt3A_510 : i32 to vector<16xi32>
    %lt3A_512 = arith.cmpi slt, %sub3A_506, %lt3A_511 : vector<16xi32>
    %and3A_513 = arith.andi %ge3A_509, %lt3A_512 : vector<16xi1>
    %jit3A_514 = arith.constant 0 : i32
    %broadcast_in_dim3A_515 = vector.broadcast %jit3A_514 : i32 to vector<16xi32>
    %select_n3A_516 = arith.select %and3A_513, %sub3A_506, %broadcast_in_dim3A_515 : vector<16xi1>, vector<16xi32>
    %add3A_517 = arith.constant 48 : i32
    %add3A_518 = vector.broadcast %add3A_517 : i32 to vector<16xi32>
    %add3A_519 = arith.addi %add3A_518, %iota3A : vector<16xi32>
    %gather3A_520 = tpu.vector_load_idx %arg9[%select_n3A_516, %add3A_519] : memref<40x128xf32, #tpu.memory_space<vmem>>[vector<16xi32>, vector<16xi32>], vector<16xf32>,
    %mul3A_521 = arith.mulf %select_n3A_501, %gather3A_520 : vector<16xf32>
    %jit3A_522 = arith.constant 0.000000e+00 : f32
    %broadcast_in_dim3A_523 = vector.broadcast %jit3A_522 : f32 to vector<16xf32>
    %select_n3A_524 = arith.select %and3A_513, %mul3A_521, %broadcast_in_dim3A_523 : vector<16xi1>, vector<16xf32>
    %mul3A_525 = arith.mulf %select_n3A_501, %scan3A_387#3 : vector<16xf32>
    %add3A_526 = arith.addf %scan3A_378#3, %mul3A_525 : vector<16xf32>
    %add3A_527 = arith.addf %scan3A_378#11, %select_n3A_524 : vector<16xf32>
    %get3A_528 = arith.constant 448 : index
    %get3A_529 = tpu.vector_load %arg7[%get3A_528] {strides = array<i32>} : memref<512xi32, #tpu.memory_space<vmem>>, vector<16xi32>,
    %gt3A_530 = arith.constant 0 : i32
    %gt3A_531 = vector.broadcast %gt3A_530 : i32 to vector<16xi32>
    %gt3A_532 = arith.cmpi sgt, %get3A_529, %gt3A_531 : vector<16xi32>
    %jit3A_533 = arith.constant 1.000000e+00 : f32
    %jit3A_534 = arith.constant 0.000000e+00 : f32
    %broadcast_in_dim3A_535 = vector.broadcast %jit3A_533 : f32 to vector<16xf32>
    %broadcast_in_dim3A_536 = vector.broadcast %jit3A_534 : f32 to vector<16xf32>
    %select_n3A_537 = arith.select %gt3A_532, %broadcast_in_dim3A_535, %broadcast_in_dim3A_536 : vector<16xi1>, vector<16xf32>
    %get3A_538 = arith.constant 448 : index
    %get3A_539 = tpu.vector_load %arg8[%get3A_538] {strides = array<i32>} : memref<512xi32, #tpu.memory_space<vmem>>, vector<16xi32>,
    %broadcast_in_dim3A_540 = arith.constant 920 : i32
    %broadcast_in_dim3A_541 = vector.broadcast %broadcast_in_dim3A_540 : i32 to vector<16xi32>
    %sub3A_542 = arith.subi %get3A_539, %broadcast_in_dim3A_541 : vector<16xi32>
    %ge3A_543 = arith.constant 0 : i32
    %ge3A_544 = vector.broadcast %ge3A_543 : i32 to vector<16xi32>
    %ge3A_545 = arith.cmpi sge, %sub3A_542, %ge3A_544 : vector<16xi32>
    %lt3A_546 = arith.constant 40 : i32
    %lt3A_547 = vector.broadcast %lt3A_546 : i32 to vector<16xi32>
    %lt3A_548 = arith.cmpi slt, %sub3A_542, %lt3A_547 : vector<16xi32>
    %and3A_549 = arith.andi %ge3A_545, %lt3A_548 : vector<16xi1>
    %jit3A_550 = arith.constant 0 : i32
    %broadcast_in_dim3A_551 = vector.broadcast %jit3A_550 : i32 to vector<16xi32>
    %select_n3A_552 = arith.select %and3A_549, %sub3A_542, %broadcast_in_dim3A_551 : vector<16xi1>, vector<16xi32>
    %add3A_553 = arith.constant 64 : i32
    %add3A_554 = vector.broadcast %add3A_553 : i32 to vector<16xi32>
    %add3A_555 = arith.addi %add3A_554, %iota3A : vector<16xi32>
    %gather3A_556 = tpu.vector_load_idx %arg9[%select_n3A_552, %add3A_555] : memref<40x128xf32, #tpu.memory_space<vmem>>[vector<16xi32>, vector<16xi32>], vector<16xf32>,
    %mul3A_557 = arith.mulf %select_n3A_537, %gather3A_556 : vector<16xf32>
    %jit3A_558 = arith.constant 0.000000e+00 : f32
    %broadcast_in_dim3A_559 = vector.broadcast %jit3A_558 : f32 to vector<16xf32>
    %select_n3A_560 = arith.select %and3A_549, %mul3A_557, %broadcast_in_dim3A_559 : vector<16xi1>, vector<16xf32>
    %mul3A_561 = arith.mulf %select_n3A_537, %scan3A_387#4 : vector<16xf32>
    %add3A_562 = arith.addf %scan3A_378#4, %mul3A_561 : vector<16xf32>
    %add3A_563 = arith.addf %scan3A_378#12, %select_n3A_560 : vector<16xf32>
    %get3A_564 = arith.constant 464 : index
    %get3A_565 = tpu.vector_load %arg7[%get3A_564] {strides = array<i32>} : memref<512xi32, #tpu.memory_space<vmem>>, vector<16xi32>,
    %gt3A_566 = arith.constant 0 : i32
    %gt3A_567 = vector.broadcast %gt3A_566 : i32 to vector<16xi32>
    %gt3A_568 = arith.cmpi sgt, %get3A_565, %gt3A_567 : vector<16xi32>
    %jit3A_569 = arith.constant 1.000000e+00 : f32
    %jit3A_570 = arith.constant 0.000000e+00 : f32
    %broadcast_in_dim3A_571 = vector.broadcast %jit3A_569 : f32 to vector<16xf32>
    %broadcast_in_dim3A_572 = vector.broadcast %jit3A_570 : f32 to vector<16xf32>
    %select_n3A_573 = arith.select %gt3A_568, %broadcast_in_dim3A_571, %broadcast_in_dim3A_572 : vector<16xi1>, vector<16xf32>
    %get3A_574 = arith.constant 464 : index
    %get3A_575 = tpu.vector_load %arg8[%get3A_574] {strides = array<i32>} : memref<512xi32, #tpu.memory_space<vmem>>, vector<16xi32>,
    %broadcast_in_dim3A_576 = arith.constant 920 : i32
    %broadcast_in_dim3A_577 = vector.broadcast %broadcast_in_dim3A_576 : i32 to vector<16xi32>
    %sub3A_578 = arith.subi %get3A_575, %broadcast_in_dim3A_577 : vector<16xi32>
    %ge3A_579 = arith.constant 0 : i32
    %ge3A_580 = vector.broadcast %ge3A_579 : i32 to vector<16xi32>
    %ge3A_581 = arith.cmpi sge, %sub3A_578, %ge3A_580 : vector<16xi32>
    %lt3A_582 = arith.constant 40 : i32
    %lt3A_583 = vector.broadcast %lt3A_582 : i32 to vector<16xi32>
    %lt3A_584 = arith.cmpi slt, %sub3A_578, %lt3A_583 : vector<16xi32>
    %and3A_585 = arith.andi %ge3A_581, %lt3A_584 : vector<16xi1>
    %jit3A_586 = arith.constant 0 : i32
    %broadcast_in_dim3A_587 = vector.broadcast %jit3A_586 : i32 to vector<16xi32>
    %select_n3A_588 = arith.select %and3A_585, %sub3A_578, %broadcast_in_dim3A_587 : vector<16xi1>, vector<16xi32>
    %add3A_589 = arith.constant 80 : i32
    %add3A_590 = vector.broadcast %add3A_589 : i32 to vector<16xi32>
    %add3A_591 = arith.addi %add3A_590, %iota3A : vector<16xi32>
    %gather3A_592 = tpu.vector_load_idx %arg9[%select_n3A_588, %add3A_591] : memref<40x128xf32, #tpu.memory_space<vmem>>[vector<16xi32>, vector<16xi32>], vector<16xf32>,
    %mul3A_593 = arith.mulf %select_n3A_573, %gather3A_592 : vector<16xf32>
    %jit3A_594 = arith.constant 0.000000e+00 : f32
    %broadcast_in_dim3A_595 = vector.broadcast %jit3A_594 : f32 to vector<16xf32>
    %select_n3A_596 = arith.select %and3A_585, %mul3A_593, %broadcast_in_dim3A_595 : vector<16xi1>, vector<16xf32>
    %mul3A_597 = arith.mulf %select_n3A_573, %scan3A_387#5 : vector<16xf32>
    %add3A_598 = arith.addf %scan3A_378#5, %mul3A_597 : vector<16xf32>
    %add3A_599 = arith.addf %scan3A_378#13, %select_n3A_596 : vector<16xf32>
    %get3A_600 = arith.constant 480 : index
    %get3A_601 = tpu.vector_load %arg7[%get3A_600] {strides = array<i32>} : memref<512xi32, #tpu.memory_space<vmem>>, vector<16xi32>,
    %gt3A_602 = arith.constant 0 : i32
    %gt3A_603 = vector.broadcast %gt3A_602 : i32 to vector<16xi32>
    %gt3A_604 = arith.cmpi sgt, %get3A_601, %gt3A_603 : vector<16xi32>
    %jit3A_605 = arith.constant 1.000000e+00 : f32
    %jit3A_606 = arith.constant 0.000000e+00 : f32
    %broadcast_in_dim3A_607 = vector.broadcast %jit3A_605 : f32 to vector<16xf32>
    %broadcast_in_dim3A_608 = vector.broadcast %jit3A_606 : f32 to vector<16xf32>
    %select_n3A_609 = arith.select %gt3A_604, %broadcast_in_dim3A_607, %broadcast_in_dim3A_608 : vector<16xi1>, vector<16xf32>
    %get3A_610 = arith.constant 480 : index
    %get3A_611 = tpu.vector_load %arg8[%get3A_610] {strides = array<i32>} : memref<512xi32, #tpu.memory_space<vmem>>, vector<16xi32>,
    %broadcast_in_dim3A_612 = arith.constant 920 : i32
    %broadcast_in_dim3A_613 = vector.broadcast %broadcast_in_dim3A_612 : i32 to vector<16xi32>
    %sub3A_614 = arith.subi %get3A_611, %broadcast_in_dim3A_613 : vector<16xi32>
    %ge3A_615 = arith.constant 0 : i32
    %ge3A_616 = vector.broadcast %ge3A_615 : i32 to vector<16xi32>
    %ge3A_617 = arith.cmpi sge, %sub3A_614, %ge3A_616 : vector<16xi32>
    %lt3A_618 = arith.constant 40 : i32
    %lt3A_619 = vector.broadcast %lt3A_618 : i32 to vector<16xi32>
    %lt3A_620 = arith.cmpi slt, %sub3A_614, %lt3A_619 : vector<16xi32>
    %and3A_621 = arith.andi %ge3A_617, %lt3A_620 : vector<16xi1>
    %jit3A_622 = arith.constant 0 : i32
    %broadcast_in_dim3A_623 = vector.broadcast %jit3A_622 : i32 to vector<16xi32>
    %select_n3A_624 = arith.select %and3A_621, %sub3A_614, %broadcast_in_dim3A_623 : vector<16xi1>, vector<16xi32>
    %add3A_625 = arith.constant 96 : i32
    %add3A_626 = vector.broadcast %add3A_625 : i32 to vector<16xi32>
    %add3A_627 = arith.addi %add3A_626, %iota3A : vector<16xi32>
    %gather3A_628 = tpu.vector_load_idx %arg9[%select_n3A_624, %add3A_627] : memref<40x128xf32, #tpu.memory_space<vmem>>[vector<16xi32>, vector<16xi32>], vector<16xf32>,
    %mul3A_629 = arith.mulf %select_n3A_609, %gather3A_628 : vector<16xf32>
    %jit3A_630 = arith.constant 0.000000e+00 : f32
    %broadcast_in_dim3A_631 = vector.broadcast %jit3A_630 : f32 to vector<16xf32>
    %select_n3A_632 = arith.select %and3A_621, %mul3A_629, %broadcast_in_dim3A_631 : vector<16xi1>, vector<16xf32>
    %mul3A_633 = arith.mulf %select_n3A_609, %scan3A_387#6 : vector<16xf32>
    %add3A_634 = arith.addf %scan3A_378#6, %mul3A_633 : vector<16xf32>
    %add3A_635 = arith.addf %scan3A_378#14, %select_n3A_632 : vector<16xf32>
    %get3A_636 = arith.constant 496 : index
    %get3A_637 = tpu.vector_load %arg7[%get3A_636] {strides = array<i32>} : memref<512xi32, #tpu.memory_space<vmem>>, vector<16xi32>,
    %gt3A_638 = arith.constant 0 : i32
    %gt3A_639 = vector.broadcast %gt3A_638 : i32 to vector<16xi32>
    %gt3A_640 = arith.cmpi sgt, %get3A_637, %gt3A_639 : vector<16xi32>
    %jit3A_641 = arith.constant 1.000000e+00 : f32
    %jit3A_642 = arith.constant 0.000000e+00 : f32
    %broadcast_in_dim3A_643 = vector.broadcast %jit3A_641 : f32 to vector<16xf32>
    %broadcast_in_dim3A_644 = vector.broadcast %jit3A_642 : f32 to vector<16xf32>
    %select_n3A_645 = arith.select %gt3A_640, %broadcast_in_dim3A_643, %broadcast_in_dim3A_644 : vector<16xi1>, vector<16xf32>
    %get3A_646 = arith.constant 496 : index
    %get3A_647 = tpu.vector_load %arg8[%get3A_646] {strides = array<i32>} : memref<512xi32, #tpu.memory_space<vmem>>, vector<16xi32>,
    %broadcast_in_dim3A_648 = arith.constant 920 : i32
    %broadcast_in_dim3A_649 = vector.broadcast %broadcast_in_dim3A_648 : i32 to vector<16xi32>
    %sub3A_650 = arith.subi %get3A_647, %broadcast_in_dim3A_649 : vector<16xi32>
    %ge3A_651 = arith.constant 0 : i32
    %ge3A_652 = vector.broadcast %ge3A_651 : i32 to vector<16xi32>
    %ge3A_653 = arith.cmpi sge, %sub3A_650, %ge3A_652 : vector<16xi32>
    %lt3A_654 = arith.constant 40 : i32
    %lt3A_655 = vector.broadcast %lt3A_654 : i32 to vector<16xi32>
    %lt3A_656 = arith.cmpi slt, %sub3A_650, %lt3A_655 : vector<16xi32>
    %and3A_657 = arith.andi %ge3A_653, %lt3A_656 : vector<16xi1>
    %jit3A_658 = arith.constant 0 : i32
    %broadcast_in_dim3A_659 = vector.broadcast %jit3A_658 : i32 to vector<16xi32>
    %select_n3A_660 = arith.select %and3A_657, %sub3A_650, %broadcast_in_dim3A_659 : vector<16xi1>, vector<16xi32>
    %add3A_661 = arith.constant 112 : i32
    %add3A_662 = vector.broadcast %add3A_661 : i32 to vector<16xi32>
    %add3A_663 = arith.addi %add3A_662, %iota3A : vector<16xi32>
    %gather3A_664 = tpu.vector_load_idx %arg9[%select_n3A_660, %add3A_663] : memref<40x128xf32, #tpu.memory_space<vmem>>[vector<16xi32>, vector<16xi32>], vector<16xf32>,
    %mul3A_665 = arith.mulf %select_n3A_645, %gather3A_664 : vector<16xf32>
    %jit3A_666 = arith.constant 0.000000e+00 : f32
    %broadcast_in_dim3A_667 = vector.broadcast %jit3A_666 : f32 to vector<16xf32>
    %select_n3A_668 = arith.select %and3A_657, %mul3A_665, %broadcast_in_dim3A_667 : vector<16xi1>, vector<16xf32>
    %mul3A_669 = arith.mulf %select_n3A_645, %scan3A_387#7 : vector<16xf32>
    %add3A_670 = arith.addf %scan3A_378#7, %mul3A_669 : vector<16xf32>
    %add3A_671 = arith.addf %scan3A_378#15, %select_n3A_668 : vector<16xf32>
    %dma_wait3A_672 = arith.constant 0 : i32
    %dma_wait3A_673 = tpu.memref_slice %arg2[%dma_wait3A_672, %mul3A_2] : memref<4000x4096xf32, #tpu.memory_space<hbm>> -> memref<40x128xf32, #tpu.memory_space<hbm>>
    %dma_wait3A_674 = arith.constant 0 : i32
    %dma_wait3A_675 = tpu.memref_slice %arg2[%dma_wait3A_674, %mul3A_2] : memref<4000x4096xf32, #tpu.memory_space<hbm>> -> memref<40x128xf32, #tpu.memory_space<hbm>>
    tpu.wait_dma2 semaphore(%arg14 : memref<!tpu.dma_semaphore, #tpu.memory_space<semaphore_mem>>) src(%dma_wait3A_675 : memref<40x128xf32, #tpu.memory_space<hbm>>) dst(%arg10 : memref<40x128xf32, #tpu.memory_space<vmem>>)
    %scan3A_676 = arith.constant 0 : i32
    %scan3A_677 = arith.constant 10 : i32
    %scan3A_678 = arith.addi %scan3A_676, %scan3A_677 : i32
    %scan3A_679 = arith.constant 1 : i32
    %scan3A_680:8 = scf.for %scan3A_1002 = %scan3A_676 to %scan3A_678 step %scan3A_679 iter_args(%scan3A_1003 = %broadcast_in_dim3A_19, %scan3A_1004 = %broadcast_in_dim3A_19, %scan3A_1005 = %broadcast_in_dim3A_19, %scan3A_1006 = %broadcast_in_dim3A_19, %scan3A_1007 = %broadcast_in_dim3A_19, %scan3A_1008 = %broadcast_in_dim3A_19, %scan3A_1009 = %broadcast_in_dim3A_19, %scan3A_1010 = %broadcast_in_dim3A_19) -> (vector<16xf32>, vector<16xf32>, vector<16xf32>, vector<16xf32>, vector<16xf32>, vector<16xf32>, vector<16xf32>, vector<16xf32>)  : i32 {
      %mul3A_1011 = arith.constant 4 : i32
      %mul3A_1012 = arith.muli %scan3A_1002, %mul3A_1011 : i32
      %add3A_1013 = arith.constant 0 : i32
      %add3A_1014 = arith.addi %mul3A_1012, %add3A_1013 : i32
      %get3A_1015 = arith.index_cast %add3A_1014 : i32 to index
      %get3A_1016 = arith.constant 0 : index
      %get3A_1017 = tpu.vector_load %arg10[%get3A_1015, %get3A_1016] {strides = array<i32>} : memref<40x128xf32, #tpu.memory_space<vmem>>, vector<16xf32>,
      %add3A_1018 = arith.addf %scan3A_1003, %get3A_1017 : vector<16xf32>
      %mul3A_1019 = arith.constant 4 : i32
      %mul3A_1020 = arith.muli %scan3A_1002, %mul3A_1019 : i32
      %add3A_1021 = arith.constant 0 : i32
      %add3A_1022 = arith.addi %mul3A_1020, %add3A_1021 : i32
      %get3A_1023 = arith.index_cast %add3A_1022 : i32 to index
      %get3A_1024 = arith.constant 16 : index
      %get3A_1025 = tpu.vector_load %arg10[%get3A_1023, %get3A_1024] {strides = array<i32>} : memref<40x128xf32, #tpu.memory_space<vmem>>, vector<16xf32>,
      %add3A_1026 = arith.addf %scan3A_1004, %get3A_1025 : vector<16xf32>
      %mul3A_1027 = arith.constant 4 : i32
      %mul3A_1028 = arith.muli %scan3A_1002, %mul3A_1027 : i32
      %add3A_1029 = arith.constant 0 : i32
      %add3A_1030 = arith.addi %mul3A_1028, %add3A_1029 : i32
      %get3A_1031 = arith.index_cast %add3A_1030 : i32 to index
      %get3A_1032 = arith.constant 32 : index
      %get3A_1033 = tpu.vector_load %arg10[%get3A_1031, %get3A_1032] {strides = array<i32>} : memref<40x128xf32, #tpu.memory_space<vmem>>, vector<16xf32>,
      %add3A_1034 = arith.addf %scan3A_1005, %get3A_1033 : vector<16xf32>
      %mul3A_1035 = arith.constant 4 : i32
      %mul3A_1036 = arith.muli %scan3A_1002, %mul3A_1035 : i32
      %add3A_1037 = arith.constant 0 : i32
      %add3A_1038 = arith.addi %mul3A_1036, %add3A_1037 : i32
      %get3A_1039 = arith.index_cast %add3A_1038 : i32 to index
      %get3A_1040 = arith.constant 48 : index
      %get3A_1041 = tpu.vector_load %arg10[%get3A_1039, %get3A_1040] {strides = array<i32>} : memref<40x128xf32, #tpu.memory_space<vmem>>, vector<16xf32>,
      %add3A_1042 = arith.addf %scan3A_1006, %get3A_1041 : vector<16xf32>
      %mul3A_1043 = arith.constant 4 : i32
      %mul3A_1044 = arith.muli %scan3A_1002, %mul3A_1043 : i32
      %add3A_1045 = arith.constant 0 : i32
      %add3A_1046 = arith.addi %mul3A_1044, %add3A_1045 : i32
      %get3A_1047 = arith.index_cast %add3A_1046 : i32 to index
      %get3A_1048 = arith.constant 64 : index
      %get3A_1049 = tpu.vector_load %arg10[%get3A_1047, %get3A_1048] {strides = array<i32>} : memref<40x128xf32, #tpu.memory_space<vmem>>, vector<16xf32>,
      %add3A_1050 = arith.addf %scan3A_1007, %get3A_1049 : vector<16xf32>
      %mul3A_1051 = arith.constant 4 : i32
      %mul3A_1052 = arith.muli %scan3A_1002, %mul3A_1051 : i32
      %add3A_1053 = arith.constant 0 : i32
      %add3A_1054 = arith.addi %mul3A_1052, %add3A_1053 : i32
      %get3A_1055 = arith.index_cast %add3A_1054 : i32 to index
      %get3A_1056 = arith.constant 80 : index
      %get3A_1057 = tpu.vector_load %arg10[%get3A_1055, %get3A_1056] {strides = array<i32>} : memref<40x128xf32, #tpu.memory_space<vmem>>, vector<16xf32>,
      %add3A_1058 = arith.addf %scan3A_1008, %get3A_1057 : vector<16xf32>
      %mul3A_1059 = arith.constant 4 : i32
      %mul3A_1060 = arith.muli %scan3A_1002, %mul3A_1059 : i32
      %add3A_1061 = arith.constant 0 : i32
      %add3A_1062 = arith.addi %mul3A_1060, %add3A_1061 : i32
      %get3A_1063 = arith.index_cast %add3A_1062 : i32 to index
      %get3A_1064 = arith.constant 96 : index
      %get3A_1065 = tpu.vector_load %arg10[%get3A_1063, %get3A_1064] {strides = array<i32>} : memref<40x128xf32, #tpu.memory_space<vmem>>, vector<16xf32>,
      %add3A_1066 = arith.addf %scan3A_1009, %get3A_1065 : vector<16xf32>
      %mul3A_1067 = arith.constant 4 : i32
      %mul3A_1068 = arith.muli %scan3A_1002, %mul3A_1067 : i32
      %add3A_1069 = arith.constant 0 : i32
      %add3A_1070 = arith.addi %mul3A_1068, %add3A_1069 : i32
      %get3A_1071 = arith.index_cast %add3A_1070 : i32 to index
      %get3A_1072 = arith.constant 112 : index
      %get3A_1073 = tpu.vector_load %arg10[%get3A_1071, %get3A_1072] {strides = array<i32>} : memref<40x128xf32, #tpu.memory_space<vmem>>, vector<16xf32>,
      %add3A_1074 = arith.addf %scan3A_1010, %get3A_1073 : vector<16xf32>
      %mul3A_1075 = arith.constant 4 : i32
      %mul3A_1076 = arith.muli %scan3A_1002, %mul3A_1075 : i32
      %add3A_1077 = arith.constant 1 : i32
      %add3A_1078 = arith.addi %mul3A_1076, %add3A_1077 : i32
      %get3A_1079 = arith.index_cast %add3A_1078 : i32 to index
      %get3A_1080 = arith.constant 0 : index
      %get3A_1081 = tpu.vector_load %arg10[%get3A_1079, %get3A_1080] {strides = array<i32>} : memref<40x128xf32, #tpu.memory_space<vmem>>, vector<16xf32>,
      %add3A_1082 = arith.addf %add3A_1018, %get3A_1081 : vector<16xf32>
      %mul3A_1083 = arith.constant 4 : i32
      %mul3A_1084 = arith.muli %scan3A_1002, %mul3A_1083 : i32
      %add3A_1085 = arith.constant 1 : i32
      %add3A_1086 = arith.addi %mul3A_1084, %add3A_1085 : i32
      %get3A_1087 = arith.index_cast %add3A_1086 : i32 to index
      %get3A_1088 = arith.constant 16 : index
      %get3A_1089 = tpu.vector_load %arg10[%get3A_1087, %get3A_1088] {strides = array<i32>} : memref<40x128xf32, #tpu.memory_space<vmem>>, vector<16xf32>,
      %add3A_1090 = arith.addf %add3A_1026, %get3A_1089 : vector<16xf32>
      %mul3A_1091 = arith.constant 4 : i32
      %mul3A_1092 = arith.muli %scan3A_1002, %mul3A_1091 : i32
      %add3A_1093 = arith.constant 1 : i32
      %add3A_1094 = arith.addi %mul3A_1092, %add3A_1093 : i32
      %get3A_1095 = arith.index_cast %add3A_1094 : i32 to index
      %get3A_1096 = arith.constant 32 : index
      %get3A_1097 = tpu.vector_load %arg10[%get3A_1095, %get3A_1096] {strides = array<i32>} : memref<40x128xf32, #tpu.memory_space<vmem>>, vector<16xf32>,
      %add3A_1098 = arith.addf %add3A_1034, %get3A_1097 : vector<16xf32>
      %mul3A_1099 = arith.constant 4 : i32
      %mul3A_1100 = arith.muli %scan3A_1002, %mul3A_1099 : i32
      %add3A_1101 = arith.constant 1 : i32
      %add3A_1102 = arith.addi %mul3A_1100, %add3A_1101 : i32
      %get3A_1103 = arith.index_cast %add3A_1102 : i32 to index
      %get3A_1104 = arith.constant 48 : index
      %get3A_1105 = tpu.vector_load %arg10[%get3A_1103, %get3A_1104] {strides = array<i32>} : memref<40x128xf32, #tpu.memory_space<vmem>>, vector<16xf32>,
      %add3A_1106 = arith.addf %add3A_1042, %get3A_1105 : vector<16xf32>
      %mul3A_1107 = arith.constant 4 : i32
      %mul3A_1108 = arith.muli %scan3A_1002, %mul3A_1107 : i32
      %add3A_1109 = arith.constant 1 : i32
      %add3A_1110 = arith.addi %mul3A_1108, %add3A_1109 : i32
      %get3A_1111 = arith.index_cast %add3A_1110 : i32 to index
      %get3A_1112 = arith.constant 64 : index
      %get3A_1113 = tpu.vector_load %arg10[%get3A_1111, %get3A_1112] {strides = array<i32>} : memref<40x128xf32, #tpu.memory_space<vmem>>, vector<16xf32>,
      %add3A_1114 = arith.addf %add3A_1050, %get3A_1113 : vector<16xf32>
      %mul3A_1115 = arith.constant 4 : i32
      %mul3A_1116 = arith.muli %scan3A_1002, %mul3A_1115 : i32
      %add3A_1117 = arith.constant 1 : i32
      %add3A_1118 = arith.addi %mul3A_1116, %add3A_1117 : i32
      %get3A_1119 = arith.index_cast %add3A_1118 : i32 to index
      %get3A_1120 = arith.constant 80 : index
      %get3A_1121 = tpu.vector_load %arg10[%get3A_1119, %get3A_1120] {strides = array<i32>} : memref<40x128xf32, #tpu.memory_space<vmem>>, vector<16xf32>,
      %add3A_1122 = arith.addf %add3A_1058, %get3A_1121 : vector<16xf32>
      %mul3A_1123 = arith.constant 4 : i32
      %mul3A_1124 = arith.muli %scan3A_1002, %mul3A_1123 : i32
      %add3A_1125 = arith.constant 1 : i32
      %add3A_1126 = arith.addi %mul3A_1124, %add3A_1125 : i32
      %get3A_1127 = arith.index_cast %add3A_1126 : i32 to index
      %get3A_1128 = arith.constant 96 : index
      %get3A_1129 = tpu.vector_load %arg10[%get3A_1127, %get3A_1128] {strides = array<i32>} : memref<40x128xf32, #tpu.memory_space<vmem>>, vector<16xf32>,
      %add3A_1130 = arith.addf %add3A_1066, %get3A_1129 : vector<16xf32>
      %mul3A_1131 = arith.constant 4 : i32
      %mul3A_1132 = arith.muli %scan3A_1002, %mul3A_1131 : i32
      %add3A_1133 = arith.constant 1 : i32
      %add3A_1134 = arith.addi %mul3A_1132, %add3A_1133 : i32
      %get3A_1135 = arith.index_cast %add3A_1134 : i32 to index
      %get3A_1136 = arith.constant 112 : index
      %get3A_1137 = tpu.vector_load %arg10[%get3A_1135, %get3A_1136] {strides = array<i32>} : memref<40x128xf32, #tpu.memory_space<vmem>>, vector<16xf32>,
      %add3A_1138 = arith.addf %add3A_1074, %get3A_1137 : vector<16xf32>
      %mul3A_1139 = arith.constant 4 : i32
      %mul3A_1140 = arith.muli %scan3A_1002, %mul3A_1139 : i32
      %add3A_1141 = arith.constant 2 : i32
      %add3A_1142 = arith.addi %mul3A_1140, %add3A_1141 : i32
      %get3A_1143 = arith.index_cast %add3A_1142 : i32 to index
      %get3A_1144 = arith.constant 0 : index
      %get3A_1145 = tpu.vector_load %arg10[%get3A_1143, %get3A_1144] {strides = array<i32>} : memref<40x128xf32, #tpu.memory_space<vmem>>, vector<16xf32>,
      %add3A_1146 = arith.addf %add3A_1082, %get3A_1145 : vector<16xf32>
      %mul3A_1147 = arith.constant 4 : i32
      %mul3A_1148 = arith.muli %scan3A_1002, %mul3A_1147 : i32
      %add3A_1149 = arith.constant 2 : i32
      %add3A_1150 = arith.addi %mul3A_1148, %add3A_1149 : i32
      %get3A_1151 = arith.index_cast %add3A_1150 : i32 to index
      %get3A_1152 = arith.constant 16 : index
      %get3A_1153 = tpu.vector_load %arg10[%get3A_1151, %get3A_1152] {strides = array<i32>} : memref<40x128xf32, #tpu.memory_space<vmem>>, vector<16xf32>,
      %add3A_1154 = arith.addf %add3A_1090, %get3A_1153 : vector<16xf32>
      %mul3A_1155 = arith.constant 4 : i32
      %mul3A_1156 = arith.muli %scan3A_1002, %mul3A_1155 : i32
      %add3A_1157 = arith.constant 2 : i32
      %add3A_1158 = arith.addi %mul3A_1156, %add3A_1157 : i32
      %get3A_1159 = arith.index_cast %add3A_1158 : i32 to index
      %get3A_1160 = arith.constant 32 : index
      %get3A_1161 = tpu.vector_load %arg10[%get3A_1159, %get3A_1160] {strides = array<i32>} : memref<40x128xf32, #tpu.memory_space<vmem>>, vector<16xf32>,
      %add3A_1162 = arith.addf %add3A_1098, %get3A_1161 : vector<16xf32>
      %mul3A_1163 = arith.constant 4 : i32
      %mul3A_1164 = arith.muli %scan3A_1002, %mul3A_1163 : i32
      %add3A_1165 = arith.constant 2 : i32
      %add3A_1166 = arith.addi %mul3A_1164, %add3A_1165 : i32
      %get3A_1167 = arith.index_cast %add3A_1166 : i32 to index
      %get3A_1168 = arith.constant 48 : index
      %get3A_1169 = tpu.vector_load %arg10[%get3A_1167, %get3A_1168] {strides = array<i32>} : memref<40x128xf32, #tpu.memory_space<vmem>>, vector<16xf32>,
      %add3A_1170 = arith.addf %add3A_1106, %get3A_1169 : vector<16xf32>
      %mul3A_1171 = arith.constant 4 : i32
      %mul3A_1172 = arith.muli %scan3A_1002, %mul3A_1171 : i32
      %add3A_1173 = arith.constant 2 : i32
      %add3A_1174 = arith.addi %mul3A_1172, %add3A_1173 : i32
      %get3A_1175 = arith.index_cast %add3A_1174 : i32 to index
      %get3A_1176 = arith.constant 64 : index
      %get3A_1177 = tpu.vector_load %arg10[%get3A_1175, %get3A_1176] {strides = array<i32>} : memref<40x128xf32, #tpu.memory_space<vmem>>, vector<16xf32>,
      %add3A_1178 = arith.addf %add3A_1114, %get3A_1177 : vector<16xf32>
      %mul3A_1179 = arith.constant 4 : i32
      %mul3A_1180 = arith.muli %scan3A_1002, %mul3A_1179 : i32
      %add3A_1181 = arith.constant 2 : i32
      %add3A_1182 = arith.addi %mul3A_1180, %add3A_1181 : i32
      %get3A_1183 = arith.index_cast %add3A_1182 : i32 to index
      %get3A_1184 = arith.constant 80 : index
      %get3A_1185 = tpu.vector_load %arg10[%get3A_1183, %get3A_1184] {strides = array<i32>} : memref<40x128xf32, #tpu.memory_space<vmem>>, vector<16xf32>,
      %add3A_1186 = arith.addf %add3A_1122, %get3A_1185 : vector<16xf32>
      %mul3A_1187 = arith.constant 4 : i32
      %mul3A_1188 = arith.muli %scan3A_1002, %mul3A_1187 : i32
      %add3A_1189 = arith.constant 2 : i32
      %add3A_1190 = arith.addi %mul3A_1188, %add3A_1189 : i32
      %get3A_1191 = arith.index_cast %add3A_1190 : i32 to index
      %get3A_1192 = arith.constant 96 : index
      %get3A_1193 = tpu.vector_load %arg10[%get3A_1191, %get3A_1192] {strides = array<i32>} : memref<40x128xf32, #tpu.memory_space<vmem>>, vector<16xf32>,
      %add3A_1194 = arith.addf %add3A_1130, %get3A_1193 : vector<16xf32>
      %mul3A_1195 = arith.constant 4 : i32
      %mul3A_1196 = arith.muli %scan3A_1002, %mul3A_1195 : i32
      %add3A_1197 = arith.constant 2 : i32
      %add3A_1198 = arith.addi %mul3A_1196, %add3A_1197 : i32
      %get3A_1199 = arith.index_cast %add3A_1198 : i32 to index
      %get3A_1200 = arith.constant 112 : index
      %get3A_1201 = tpu.vector_load %arg10[%get3A_1199, %get3A_1200] {strides = array<i32>} : memref<40x128xf32, #tpu.memory_space<vmem>>, vector<16xf32>,
      %add3A_1202 = arith.addf %add3A_1138, %get3A_1201 : vector<16xf32>
      %mul3A_1203 = arith.constant 4 : i32
      %mul3A_1204 = arith.muli %scan3A_1002, %mul3A_1203 : i32
      %add3A_1205 = arith.constant 3 : i32
      %add3A_1206 = arith.addi %mul3A_1204, %add3A_1205 : i32
      %get3A_1207 = arith.index_cast %add3A_1206 : i32 to index
      %get3A_1208 = arith.constant 0 : index
      %get3A_1209 = tpu.vector_load %arg10[%get3A_1207, %get3A_1208] {strides = array<i32>} : memref<40x128xf32, #tpu.memory_space<vmem>>, vector<16xf32>,
      %add3A_1210 = arith.addf %add3A_1146, %get3A_1209 : vector<16xf32>
      %mul3A_1211 = arith.constant 4 : i32
      %mul3A_1212 = arith.muli %scan3A_1002, %mul3A_1211 : i32
      %add3A_1213 = arith.constant 3 : i32
      %add3A_1214 = arith.addi %mul3A_1212, %add3A_1213 : i32
      %get3A_1215 = arith.index_cast %add3A_1214 : i32 to index
      %get3A_1216 = arith.constant 16 : index
      %get3A_1217 = tpu.vector_load %arg10[%get3A_1215, %get3A_1216] {strides = array<i32>} : memref<40x128xf32, #tpu.memory_space<vmem>>, vector<16xf32>,
      %add3A_1218 = arith.addf %add3A_1154, %get3A_1217 : vector<16xf32>
      %mul3A_1219 = arith.constant 4 : i32
      %mul3A_1220 = arith.muli %scan3A_1002, %mul3A_1219 : i32
      %add3A_1221 = arith.constant 3 : i32
      %add3A_1222 = arith.addi %mul3A_1220, %add3A_1221 : i32
      %get3A_1223 = arith.index_cast %add3A_1222 : i32 to index
      %get3A_1224 = arith.constant 32 : index
      %get3A_1225 = tpu.vector_load %arg10[%get3A_1223, %get3A_1224] {strides = array<i32>} : memref<40x128xf32, #tpu.memory_space<vmem>>, vector<16xf32>,
      %add3A_1226 = arith.addf %add3A_1162, %get3A_1225 : vector<16xf32>
      %mul3A_1227 = arith.constant 4 : i32
      %mul3A_1228 = arith.muli %scan3A_1002, %mul3A_1227 : i32
      %add3A_1229 = arith.constant 3 : i32
      %add3A_1230 = arith.addi %mul3A_1228, %add3A_1229 : i32
      %get3A_1231 = arith.index_cast %add3A_1230 : i32 to index
      %get3A_1232 = arith.constant 48 : index
      %get3A_1233 = tpu.vector_load %arg10[%get3A_1231, %get3A_1232] {strides = array<i32>} : memref<40x128xf32, #tpu.memory_space<vmem>>, vector<16xf32>,
      %add3A_1234 = arith.addf %add3A_1170, %get3A_1233 : vector<16xf32>
      %mul3A_1235 = arith.constant 4 : i32
      %mul3A_1236 = arith.muli %scan3A_1002, %mul3A_1235 : i32
      %add3A_1237 = arith.constant 3 : i32
      %add3A_1238 = arith.addi %mul3A_1236, %add3A_1237 : i32
      %get3A_1239 = arith.index_cast %add3A_1238 : i32 to index
      %get3A_1240 = arith.constant 64 : index
      %get3A_1241 = tpu.vector_load %arg10[%get3A_1239, %get3A_1240] {strides = array<i32>} : memref<40x128xf32, #tpu.memory_space<vmem>>, vector<16xf32>,
      %add3A_1242 = arith.addf %add3A_1178, %get3A_1241 : vector<16xf32>
      %mul3A_1243 = arith.constant 4 : i32
      %mul3A_1244 = arith.muli %scan3A_1002, %mul3A_1243 : i32
      %add3A_1245 = arith.constant 3 : i32
      %add3A_1246 = arith.addi %mul3A_1244, %add3A_1245 : i32
      %get3A_1247 = arith.index_cast %add3A_1246 : i32 to index
      %get3A_1248 = arith.constant 80 : index
      %get3A_1249 = tpu.vector_load %arg10[%get3A_1247, %get3A_1248] {strides = array<i32>} : memref<40x128xf32, #tpu.memory_space<vmem>>, vector<16xf32>,
      %add3A_1250 = arith.addf %add3A_1186, %get3A_1249 : vector<16xf32>
      %mul3A_1251 = arith.constant 4 : i32
      %mul3A_1252 = arith.muli %scan3A_1002, %mul3A_1251 : i32
      %add3A_1253 = arith.constant 3 : i32
      %add3A_1254 = arith.addi %mul3A_1252, %add3A_1253 : i32
      %get3A_1255 = arith.index_cast %add3A_1254 : i32 to index
      %get3A_1256 = arith.constant 96 : index
      %get3A_1257 = tpu.vector_load %arg10[%get3A_1255, %get3A_1256] {strides = array<i32>} : memref<40x128xf32, #tpu.memory_space<vmem>>, vector<16xf32>,
      %add3A_1258 = arith.addf %add3A_1194, %get3A_1257 : vector<16xf32>
      %mul3A_1259 = arith.constant 4 : i32
      %mul3A_1260 = arith.muli %scan3A_1002, %mul3A_1259 : i32
      %add3A_1261 = arith.constant 3 : i32
      %add3A_1262 = arith.addi %mul3A_1260, %add3A_1261 : i32
      %get3A_1263 = arith.index_cast %add3A_1262 : i32 to index
      %get3A_1264 = arith.constant 112 : index
      %get3A_1265 = tpu.vector_load %arg10[%get3A_1263, %get3A_1264] {strides = array<i32>} : memref<40x128xf32, #tpu.memory_space<vmem>>, vector<16xf32>,
      %add3A_1266 = arith.addf %add3A_1202, %get3A_1265 : vector<16xf32>
      scf.yield %add3A_1210, %add3A_1218, %add3A_1226, %add3A_1234, %add3A_1242, %add3A_1250, %add3A_1258, %add3A_1266 : vector<16xf32>, vector<16xf32>, vector<16xf32>, vector<16xf32>, vector<16xf32>, vector<16xf32>, vector<16xf32>, vector<16xf32>
    }
    %scan3A_681 = arith.constant 10 : i32
    %get3A_682 = arith.constant 384 : index
    %get3A_683 = tpu.vector_load %arg7[%get3A_682] {strides = array<i32>} : memref<512xi32, #tpu.memory_space<vmem>>, vector<16xi32>,
    %gt3A_684 = arith.constant 0 : i32
    %gt3A_685 = vector.broadcast %gt3A_684 : i32 to vector<16xi32>
    %gt3A_686 = arith.cmpi sgt, %get3A_683, %gt3A_685 : vector<16xi32>
    %jit3A_687 = arith.constant 1.000000e+00 : f32
    %jit3A_688 = arith.constant 0.000000e+00 : f32
    %broadcast_in_dim3A_689 = vector.broadcast %jit3A_687 : f32 to vector<16xf32>
    %broadcast_in_dim3A_690 = vector.broadcast %jit3A_688 : f32 to vector<16xf32>
    %select_n3A_691 = arith.select %gt3A_686, %broadcast_in_dim3A_689, %broadcast_in_dim3A_690 : vector<16xi1>, vector<16xf32>
    %get3A_692 = arith.constant 384 : index
    %get3A_693 = tpu.vector_load %arg8[%get3A_692] {strides = array<i32>} : memref<512xi32, #tpu.memory_space<vmem>>, vector<16xi32>,
    %broadcast_in_dim3A_694 = arith.constant 960 : i32
    %broadcast_in_dim3A_695 = vector.broadcast %broadcast_in_dim3A_694 : i32 to vector<16xi32>
    %sub3A_696 = arith.subi %get3A_693, %broadcast_in_dim3A_695 : vector<16xi32>
    %ge3A_697 = arith.constant 0 : i32
    %ge3A_698 = vector.broadcast %ge3A_697 : i32 to vector<16xi32>
    %ge3A_699 = arith.cmpi sge, %sub3A_696, %ge3A_698 : vector<16xi32>
    %lt3A_700 = arith.constant 40 : i32
    %lt3A_701 = vector.broadcast %lt3A_700 : i32 to vector<16xi32>
    %lt3A_702 = arith.cmpi slt, %sub3A_696, %lt3A_701 : vector<16xi32>
    %and3A_703 = arith.andi %ge3A_699, %lt3A_702 : vector<16xi1>
    %jit3A_704 = arith.constant 0 : i32
    %broadcast_in_dim3A_705 = vector.broadcast %jit3A_704 : i32 to vector<16xi32>
    %select_n3A_706 = arith.select %and3A_703, %sub3A_696, %broadcast_in_dim3A_705 : vector<16xi1>, vector<16xi32>
    %add3A_707 = arith.constant 0 : i32
    %add3A_708 = vector.broadcast %add3A_707 : i32 to vector<16xi32>
    %add3A_709 = arith.addi %add3A_708, %iota3A : vector<16xi32>
    %gather3A_710 = tpu.vector_load_idx %arg10[%select_n3A_706, %add3A_709] : memref<40x128xf32, #tpu.memory_space<vmem>>[vector<16xi32>, vector<16xi32>], vector<16xf32>,
    %mul3A_711 = arith.mulf %select_n3A_691, %gather3A_710 : vector<16xf32>
    %jit3A_712 = arith.constant 0.000000e+00 : f32
    %broadcast_in_dim3A_713 = vector.broadcast %jit3A_712 : f32 to vector<16xf32>
    %select_n3A_714 = arith.select %and3A_703, %mul3A_711, %broadcast_in_dim3A_713 : vector<16xi1>, vector<16xf32>
    %mul3A_715 = arith.mulf %select_n3A_691, %scan3A_680#0 : vector<16xf32>
    %add3A_716 = arith.addf %add3A_418, %mul3A_715 : vector<16xf32>
    %add3A_717 = arith.addf %add3A_419, %select_n3A_714 : vector<16xf32>
    %get3A_718 = arith.constant 400 : index
    %get3A_719 = tpu.vector_load %arg7[%get3A_718] {strides = array<i32>} : memref<512xi32, #tpu.memory_space<vmem>>, vector<16xi32>,
    %gt3A_720 = arith.constant 0 : i32
    %gt3A_721 = vector.broadcast %gt3A_720 : i32 to vector<16xi32>
    %gt3A_722 = arith.cmpi sgt, %get3A_719, %gt3A_721 : vector<16xi32>
    %jit3A_723 = arith.constant 1.000000e+00 : f32
    %jit3A_724 = arith.constant 0.000000e+00 : f32
    %broadcast_in_dim3A_725 = vector.broadcast %jit3A_723 : f32 to vector<16xf32>
    %broadcast_in_dim3A_726 = vector.broadcast %jit3A_724 : f32 to vector<16xf32>
    %select_n3A_727 = arith.select %gt3A_722, %broadcast_in_dim3A_725, %broadcast_in_dim3A_726 : vector<16xi1>, vector<16xf32>
    %get3A_728 = arith.constant 400 : index
    %get3A_729 = tpu.vector_load %arg8[%get3A_728] {strides = array<i32>} : memref<512xi32, #tpu.memory_space<vmem>>, vector<16xi32>,
    %broadcast_in_dim3A_730 = arith.constant 960 : i32
    %broadcast_in_dim3A_731 = vector.broadcast %broadcast_in_dim3A_730 : i32 to vector<16xi32>
    %sub3A_732 = arith.subi %get3A_729, %broadcast_in_dim3A_731 : vector<16xi32>
    %ge3A_733 = arith.constant 0 : i32
    %ge3A_734 = vector.broadcast %ge3A_733 : i32 to vector<16xi32>
    %ge3A_735 = arith.cmpi sge, %sub3A_732, %ge3A_734 : vector<16xi32>
    %lt3A_736 = arith.constant 40 : i32
    %lt3A_737 = vector.broadcast %lt3A_736 : i32 to vector<16xi32>
    %lt3A_738 = arith.cmpi slt, %sub3A_732, %lt3A_737 : vector<16xi32>
    %and3A_739 = arith.andi %ge3A_735, %lt3A_738 : vector<16xi1>
    %jit3A_740 = arith.constant 0 : i32
    %broadcast_in_dim3A_741 = vector.broadcast %jit3A_740 : i32 to vector<16xi32>
    %select_n3A_742 = arith.select %and3A_739, %sub3A_732, %broadcast_in_dim3A_741 : vector<16xi1>, vector<16xi32>
    %add3A_743 = arith.constant 16 : i32
    %add3A_744 = vector.broadcast %add3A_743 : i32 to vector<16xi32>
    %add3A_745 = arith.addi %add3A_744, %iota3A : vector<16xi32>
    %gather3A_746 = tpu.vector_load_idx %arg10[%select_n3A_742, %add3A_745] : memref<40x128xf32, #tpu.memory_space<vmem>>[vector<16xi32>, vector<16xi32>], vector<16xf32>,
    %mul3A_747 = arith.mulf %select_n3A_727, %gather3A_746 : vector<16xf32>
    %jit3A_748 = arith.constant 0.000000e+00 : f32
    %broadcast_in_dim3A_749 = vector.broadcast %jit3A_748 : f32 to vector<16xf32>
    %select_n3A_750 = arith.select %and3A_739, %mul3A_747, %broadcast_in_dim3A_749 : vector<16xi1>, vector<16xf32>
    %mul3A_751 = arith.mulf %select_n3A_727, %scan3A_680#1 : vector<16xf32>
    %add3A_752 = arith.addf %add3A_454, %mul3A_751 : vector<16xf32>
    %add3A_753 = arith.addf %add3A_455, %select_n3A_750 : vector<16xf32>
    %get3A_754 = arith.constant 416 : index
    %get3A_755 = tpu.vector_load %arg7[%get3A_754] {strides = array<i32>} : memref<512xi32, #tpu.memory_space<vmem>>, vector<16xi32>,
    %gt3A_756 = arith.constant 0 : i32
    %gt3A_757 = vector.broadcast %gt3A_756 : i32 to vector<16xi32>
    %gt3A_758 = arith.cmpi sgt, %get3A_755, %gt3A_757 : vector<16xi32>
    %jit3A_759 = arith.constant 1.000000e+00 : f32
    %jit3A_760 = arith.constant 0.000000e+00 : f32
    %broadcast_in_dim3A_761 = vector.broadcast %jit3A_759 : f32 to vector<16xf32>
    %broadcast_in_dim3A_762 = vector.broadcast %jit3A_760 : f32 to vector<16xf32>
    %select_n3A_763 = arith.select %gt3A_758, %broadcast_in_dim3A_761, %broadcast_in_dim3A_762 : vector<16xi1>, vector<16xf32>
    %get3A_764 = arith.constant 416 : index
    %get3A_765 = tpu.vector_load %arg8[%get3A_764] {strides = array<i32>} : memref<512xi32, #tpu.memory_space<vmem>>, vector<16xi32>,
    %broadcast_in_dim3A_766 = arith.constant 960 : i32
    %broadcast_in_dim3A_767 = vector.broadcast %broadcast_in_dim3A_766 : i32 to vector<16xi32>
    %sub3A_768 = arith.subi %get3A_765, %broadcast_in_dim3A_767 : vector<16xi32>
    %ge3A_769 = arith.constant 0 : i32
    %ge3A_770 = vector.broadcast %ge3A_769 : i32 to vector<16xi32>
    %ge3A_771 = arith.cmpi sge, %sub3A_768, %ge3A_770 : vector<16xi32>
    %lt3A_772 = arith.constant 40 : i32
    %lt3A_773 = vector.broadcast %lt3A_772 : i32 to vector<16xi32>
    %lt3A_774 = arith.cmpi slt, %sub3A_768, %lt3A_773 : vector<16xi32>
    %and3A_775 = arith.andi %ge3A_771, %lt3A_774 : vector<16xi1>
    %jit3A_776 = arith.constant 0 : i32
    %broadcast_in_dim3A_777 = vector.broadcast %jit3A_776 : i32 to vector<16xi32>
    %select_n3A_778 = arith.select %and3A_775, %sub3A_768, %broadcast_in_dim3A_777 : vector<16xi1>, vector<16xi32>
    %add3A_779 = arith.constant 32 : i32
    %add3A_780 = vector.broadcast %add3A_779 : i32 to vector<16xi32>
    %add3A_781 = arith.addi %add3A_780, %iota3A : vector<16xi32>
    %gather3A_782 = tpu.vector_load_idx %arg10[%select_n3A_778, %add3A_781] : memref<40x128xf32, #tpu.memory_space<vmem>>[vector<16xi32>, vector<16xi32>], vector<16xf32>,
    %mul3A_783 = arith.mulf %select_n3A_763, %gather3A_782 : vector<16xf32>
    %jit3A_784 = arith.constant 0.000000e+00 : f32
    %broadcast_in_dim3A_785 = vector.broadcast %jit3A_784 : f32 to vector<16xf32>
    %select_n3A_786 = arith.select %and3A_775, %mul3A_783, %broadcast_in_dim3A_785 : vector<16xi1>, vector<16xf32>
    %mul3A_787 = arith.mulf %select_n3A_763, %scan3A_680#2 : vector<16xf32>
    %add3A_788 = arith.addf %add3A_490, %mul3A_787 : vector<16xf32>
    %add3A_789 = arith.addf %add3A_491, %select_n3A_786 : vector<16xf32>
    %get3A_790 = arith.constant 432 : index
    %get3A_791 = tpu.vector_load %arg7[%get3A_790] {strides = array<i32>} : memref<512xi32, #tpu.memory_space<vmem>>, vector<16xi32>,
    %gt3A_792 = arith.constant 0 : i32
    %gt3A_793 = vector.broadcast %gt3A_792 : i32 to vector<16xi32>
    %gt3A_794 = arith.cmpi sgt, %get3A_791, %gt3A_793 : vector<16xi32>
    %jit3A_795 = arith.constant 1.000000e+00 : f32
    %jit3A_796 = arith.constant 0.000000e+00 : f32
    %broadcast_in_dim3A_797 = vector.broadcast %jit3A_795 : f32 to vector<16xf32>
    %broadcast_in_dim3A_798 = vector.broadcast %jit3A_796 : f32 to vector<16xf32>
    %select_n3A_799 = arith.select %gt3A_794, %broadcast_in_dim3A_797, %broadcast_in_dim3A_798 : vector<16xi1>, vector<16xf32>
    %get3A_800 = arith.constant 432 : index
    %get3A_801 = tpu.vector_load %arg8[%get3A_800] {strides = array<i32>} : memref<512xi32, #tpu.memory_space<vmem>>, vector<16xi32>,
    %broadcast_in_dim3A_802 = arith.constant 960 : i32
    %broadcast_in_dim3A_803 = vector.broadcast %broadcast_in_dim3A_802 : i32 to vector<16xi32>
    %sub3A_804 = arith.subi %get3A_801, %broadcast_in_dim3A_803 : vector<16xi32>
    %ge3A_805 = arith.constant 0 : i32
    %ge3A_806 = vector.broadcast %ge3A_805 : i32 to vector<16xi32>
    %ge3A_807 = arith.cmpi sge, %sub3A_804, %ge3A_806 : vector<16xi32>
    %lt3A_808 = arith.constant 40 : i32
    %lt3A_809 = vector.broadcast %lt3A_808 : i32 to vector<16xi32>
    %lt3A_810 = arith.cmpi slt, %sub3A_804, %lt3A_809 : vector<16xi32>
    %and3A_811 = arith.andi %ge3A_807, %lt3A_810 : vector<16xi1>
    %jit3A_812 = arith.constant 0 : i32
    %broadcast_in_dim3A_813 = vector.broadcast %jit3A_812 : i32 to vector<16xi32>
    %select_n3A_814 = arith.select %and3A_811, %sub3A_804, %broadcast_in_dim3A_813 : vector<16xi1>, vector<16xi32>
    %add3A_815 = arith.constant 48 : i32
    %add3A_816 = vector.broadcast %add3A_815 : i32 to vector<16xi32>
    %add3A_817 = arith.addi %add3A_816, %iota3A : vector<16xi32>
    %gather3A_818 = tpu.vector_load_idx %arg10[%select_n3A_814, %add3A_817] : memref<40x128xf32, #tpu.memory_space<vmem>>[vector<16xi32>, vector<16xi32>], vector<16xf32>,
    %mul3A_819 = arith.mulf %select_n3A_799, %gather3A_818 : vector<16xf32>
    %jit3A_820 = arith.constant 0.000000e+00 : f32
    %broadcast_in_dim3A_821 = vector.broadcast %jit3A_820 : f32 to vector<16xf32>
    %select_n3A_822 = arith.select %and3A_811, %mul3A_819, %broadcast_in_dim3A_821 : vector<16xi1>, vector<16xf32>
    %mul3A_823 = arith.mulf %select_n3A_799, %scan3A_680#3 : vector<16xf32>
    %add3A_824 = arith.addf %add3A_526, %mul3A_823 : vector<16xf32>
    %add3A_825 = arith.addf %add3A_527, %select_n3A_822 : vector<16xf32>
    %get3A_826 = arith.constant 448 : index
    %get3A_827 = tpu.vector_load %arg7[%get3A_826] {strides = array<i32>} : memref<512xi32, #tpu.memory_space<vmem>>, vector<16xi32>,
    %gt3A_828 = arith.constant 0 : i32
    %gt3A_829 = vector.broadcast %gt3A_828 : i32 to vector<16xi32>
    %gt3A_830 = arith.cmpi sgt, %get3A_827, %gt3A_829 : vector<16xi32>
    %jit3A_831 = arith.constant 1.000000e+00 : f32
    %jit3A_832 = arith.constant 0.000000e+00 : f32
    %broadcast_in_dim3A_833 = vector.broadcast %jit3A_831 : f32 to vector<16xf32>
    %broadcast_in_dim3A_834 = vector.broadcast %jit3A_832 : f32 to vector<16xf32>
    %select_n3A_835 = arith.select %gt3A_830, %broadcast_in_dim3A_833, %broadcast_in_dim3A_834 : vector<16xi1>, vector<16xf32>
    %get3A_836 = arith.constant 448 : index
    %get3A_837 = tpu.vector_load %arg8[%get3A_836] {strides = array<i32>} : memref<512xi32, #tpu.memory_space<vmem>>, vector<16xi32>,
    %broadcast_in_dim3A_838 = arith.constant 960 : i32
    %broadcast_in_dim3A_839 = vector.broadcast %broadcast_in_dim3A_838 : i32 to vector<16xi32>
    %sub3A_840 = arith.subi %get3A_837, %broadcast_in_dim3A_839 : vector<16xi32>
    %ge3A_841 = arith.constant 0 : i32
    %ge3A_842 = vector.broadcast %ge3A_841 : i32 to vector<16xi32>
    %ge3A_843 = arith.cmpi sge, %sub3A_840, %ge3A_842 : vector<16xi32>
    %lt3A_844 = arith.constant 40 : i32
    %lt3A_845 = vector.broadcast %lt3A_844 : i32 to vector<16xi32>
    %lt3A_846 = arith.cmpi slt, %sub3A_840, %lt3A_845 : vector<16xi32>
    %and3A_847 = arith.andi %ge3A_843, %lt3A_846 : vector<16xi1>
    %jit3A_848 = arith.constant 0 : i32
    %broadcast_in_dim3A_849 = vector.broadcast %jit3A_848 : i32 to vector<16xi32>
    %select_n3A_850 = arith.select %and3A_847, %sub3A_840, %broadcast_in_dim3A_849 : vector<16xi1>, vector<16xi32>
    %add3A_851 = arith.constant 64 : i32
    %add3A_852 = vector.broadcast %add3A_851 : i32 to vector<16xi32>
    %add3A_853 = arith.addi %add3A_852, %iota3A : vector<16xi32>
    %gather3A_854 = tpu.vector_load_idx %arg10[%select_n3A_850, %add3A_853] : memref<40x128xf32, #tpu.memory_space<vmem>>[vector<16xi32>, vector<16xi32>], vector<16xf32>,
    %mul3A_855 = arith.mulf %select_n3A_835, %gather3A_854 : vector<16xf32>
    %jit3A_856 = arith.constant 0.000000e+00 : f32
    %broadcast_in_dim3A_857 = vector.broadcast %jit3A_856 : f32 to vector<16xf32>
    %select_n3A_858 = arith.select %and3A_847, %mul3A_855, %broadcast_in_dim3A_857 : vector<16xi1>, vector<16xf32>
    %mul3A_859 = arith.mulf %select_n3A_835, %scan3A_680#4 : vector<16xf32>
    %add3A_860 = arith.addf %add3A_562, %mul3A_859 : vector<16xf32>
    %add3A_861 = arith.addf %add3A_563, %select_n3A_858 : vector<16xf32>
    %get3A_862 = arith.constant 464 : index
    %get3A_863 = tpu.vector_load %arg7[%get3A_862] {strides = array<i32>} : memref<512xi32, #tpu.memory_space<vmem>>, vector<16xi32>,
    %gt3A_864 = arith.constant 0 : i32
    %gt3A_865 = vector.broadcast %gt3A_864 : i32 to vector<16xi32>
    %gt3A_866 = arith.cmpi sgt, %get3A_863, %gt3A_865 : vector<16xi32>
    %jit3A_867 = arith.constant 1.000000e+00 : f32
    %jit3A_868 = arith.constant 0.000000e+00 : f32
    %broadcast_in_dim3A_869 = vector.broadcast %jit3A_867 : f32 to vector<16xf32>
    %broadcast_in_dim3A_870 = vector.broadcast %jit3A_868 : f32 to vector<16xf32>
    %select_n3A_871 = arith.select %gt3A_866, %broadcast_in_dim3A_869, %broadcast_in_dim3A_870 : vector<16xi1>, vector<16xf32>
    %get3A_872 = arith.constant 464 : index
    %get3A_873 = tpu.vector_load %arg8[%get3A_872] {strides = array<i32>} : memref<512xi32, #tpu.memory_space<vmem>>, vector<16xi32>,
    %broadcast_in_dim3A_874 = arith.constant 960 : i32
    %broadcast_in_dim3A_875 = vector.broadcast %broadcast_in_dim3A_874 : i32 to vector<16xi32>
    %sub3A_876 = arith.subi %get3A_873, %broadcast_in_dim3A_875 : vector<16xi32>
    %ge3A_877 = arith.constant 0 : i32
    %ge3A_878 = vector.broadcast %ge3A_877 : i32 to vector<16xi32>
    %ge3A_879 = arith.cmpi sge, %sub3A_876, %ge3A_878 : vector<16xi32>
    %lt3A_880 = arith.constant 40 : i32
    %lt3A_881 = vector.broadcast %lt3A_880 : i32 to vector<16xi32>
    %lt3A_882 = arith.cmpi slt, %sub3A_876, %lt3A_881 : vector<16xi32>
    %and3A_883 = arith.andi %ge3A_879, %lt3A_882 : vector<16xi1>
    %jit3A_884 = arith.constant 0 : i32
    %broadcast_in_dim3A_885 = vector.broadcast %jit3A_884 : i32 to vector<16xi32>
    %select_n3A_886 = arith.select %and3A_883, %sub3A_876, %broadcast_in_dim3A_885 : vector<16xi1>, vector<16xi32>
    %add3A_887 = arith.constant 80 : i32
    %add3A_888 = vector.broadcast %add3A_887 : i32 to vector<16xi32>
    %add3A_889 = arith.addi %add3A_888, %iota3A : vector<16xi32>
    %gather3A_890 = tpu.vector_load_idx %arg10[%select_n3A_886, %add3A_889] : memref<40x128xf32, #tpu.memory_space<vmem>>[vector<16xi32>, vector<16xi32>], vector<16xf32>,
    %mul3A_891 = arith.mulf %select_n3A_871, %gather3A_890 : vector<16xf32>
    %jit3A_892 = arith.constant 0.000000e+00 : f32
    %broadcast_in_dim3A_893 = vector.broadcast %jit3A_892 : f32 to vector<16xf32>
    %select_n3A_894 = arith.select %and3A_883, %mul3A_891, %broadcast_in_dim3A_893 : vector<16xi1>, vector<16xf32>
    %mul3A_895 = arith.mulf %select_n3A_871, %scan3A_680#5 : vector<16xf32>
    %add3A_896 = arith.addf %add3A_598, %mul3A_895 : vector<16xf32>
    %add3A_897 = arith.addf %add3A_599, %select_n3A_894 : vector<16xf32>
    %get3A_898 = arith.constant 480 : index
    %get3A_899 = tpu.vector_load %arg7[%get3A_898] {strides = array<i32>} : memref<512xi32, #tpu.memory_space<vmem>>, vector<16xi32>,
    %gt3A_900 = arith.constant 0 : i32
    %gt3A_901 = vector.broadcast %gt3A_900 : i32 to vector<16xi32>
    %gt3A_902 = arith.cmpi sgt, %get3A_899, %gt3A_901 : vector<16xi32>
    %jit3A_903 = arith.constant 1.000000e+00 : f32
    %jit3A_904 = arith.constant 0.000000e+00 : f32
    %broadcast_in_dim3A_905 = vector.broadcast %jit3A_903 : f32 to vector<16xf32>
    %broadcast_in_dim3A_906 = vector.broadcast %jit3A_904 : f32 to vector<16xf32>
    %select_n3A_907 = arith.select %gt3A_902, %broadcast_in_dim3A_905, %broadcast_in_dim3A_906 : vector<16xi1>, vector<16xf32>
    %get3A_908 = arith.constant 480 : index
    %get3A_909 = tpu.vector_load %arg8[%get3A_908] {strides = array<i32>} : memref<512xi32, #tpu.memory_space<vmem>>, vector<16xi32>,
    %broadcast_in_dim3A_910 = arith.constant 960 : i32
    %broadcast_in_dim3A_911 = vector.broadcast %broadcast_in_dim3A_910 : i32 to vector<16xi32>
    %sub3A_912 = arith.subi %get3A_909, %broadcast_in_dim3A_911 : vector<16xi32>
    %ge3A_913 = arith.constant 0 : i32
    %ge3A_914 = vector.broadcast %ge3A_913 : i32 to vector<16xi32>
    %ge3A_915 = arith.cmpi sge, %sub3A_912, %ge3A_914 : vector<16xi32>
    %lt3A_916 = arith.constant 40 : i32
    %lt3A_917 = vector.broadcast %lt3A_916 : i32 to vector<16xi32>
    %lt3A_918 = arith.cmpi slt, %sub3A_912, %lt3A_917 : vector<16xi32>
    %and3A_919 = arith.andi %ge3A_915, %lt3A_918 : vector<16xi1>
    %jit3A_920 = arith.constant 0 : i32
    %broadcast_in_dim3A_921 = vector.broadcast %jit3A_920 : i32 to vector<16xi32>
    %select_n3A_922 = arith.select %and3A_919, %sub3A_912, %broadcast_in_dim3A_921 : vector<16xi1>, vector<16xi32>
    %add3A_923 = arith.constant 96 : i32
    %add3A_924 = vector.broadcast %add3A_923 : i32 to vector<16xi32>
    %add3A_925 = arith.addi %add3A_924, %iota3A : vector<16xi32>
    %gather3A_926 = tpu.vector_load_idx %arg10[%select_n3A_922, %add3A_925] : memref<40x128xf32, #tpu.memory_space<vmem>>[vector<16xi32>, vector<16xi32>], vector<16xf32>,
    %mul3A_927 = arith.mulf %select_n3A_907, %gather3A_926 : vector<16xf32>
    %jit3A_928 = arith.constant 0.000000e+00 : f32
    %broadcast_in_dim3A_929 = vector.broadcast %jit3A_928 : f32 to vector<16xf32>
    %select_n3A_930 = arith.select %and3A_919, %mul3A_927, %broadcast_in_dim3A_929 : vector<16xi1>, vector<16xf32>
    %mul3A_931 = arith.mulf %select_n3A_907, %scan3A_680#6 : vector<16xf32>
    %add3A_932 = arith.addf %add3A_634, %mul3A_931 : vector<16xf32>
    %add3A_933 = arith.addf %add3A_635, %select_n3A_930 : vector<16xf32>
    %get3A_934 = arith.constant 496 : index
    %get3A_935 = tpu.vector_load %arg7[%get3A_934] {strides = array<i32>} : memref<512xi32, #tpu.memory_space<vmem>>, vector<16xi32>,
    %gt3A_936 = arith.constant 0 : i32
    %gt3A_937 = vector.broadcast %gt3A_936 : i32 to vector<16xi32>
    %gt3A_938 = arith.cmpi sgt, %get3A_935, %gt3A_937 : vector<16xi32>
    %jit3A_939 = arith.constant 1.000000e+00 : f32
    %jit3A_940 = arith.constant 0.000000e+00 : f32
    %broadcast_in_dim3A_941 = vector.broadcast %jit3A_939 : f32 to vector<16xf32>
    %broadcast_in_dim3A_942 = vector.broadcast %jit3A_940 : f32 to vector<16xf32>
    %select_n3A_943 = arith.select %gt3A_938, %broadcast_in_dim3A_941, %broadcast_in_dim3A_942 : vector<16xi1>, vector<16xf32>
    %get3A_944 = arith.constant 496 : index
    %get3A_945 = tpu.vector_load %arg8[%get3A_944] {strides = array<i32>} : memref<512xi32, #tpu.memory_space<vmem>>, vector<16xi32>,
    %broadcast_in_dim3A_946 = arith.constant 960 : i32
    %broadcast_in_dim3A_947 = vector.broadcast %broadcast_in_dim3A_946 : i32 to vector<16xi32>
    %sub3A_948 = arith.subi %get3A_945, %broadcast_in_dim3A_947 : vector<16xi32>
    %ge3A_949 = arith.constant 0 : i32
    %ge3A_950 = vector.broadcast %ge3A_949 : i32 to vector<16xi32>
    %ge3A_951 = arith.cmpi sge, %sub3A_948, %ge3A_950 : vector<16xi32>
    %lt3A_952 = arith.constant 40 : i32
    %lt3A_953 = vector.broadcast %lt3A_952 : i32 to vector<16xi32>
    %lt3A_954 = arith.cmpi slt, %sub3A_948, %lt3A_953 : vector<16xi32>
    %and3A_955 = arith.andi %ge3A_951, %lt3A_954 : vector<16xi1>
    %jit3A_956 = arith.constant 0 : i32
    %broadcast_in_dim3A_957 = vector.broadcast %jit3A_956 : i32 to vector<16xi32>
    %select_n3A_958 = arith.select %and3A_955, %sub3A_948, %broadcast_in_dim3A_957 : vector<16xi1>, vector<16xi32>
    %add3A_959 = arith.constant 112 : i32
    %add3A_960 = vector.broadcast %add3A_959 : i32 to vector<16xi32>
    %add3A_961 = arith.addi %add3A_960, %iota3A : vector<16xi32>
    %gather3A_962 = tpu.vector_load_idx %arg10[%select_n3A_958, %add3A_961] : memref<40x128xf32, #tpu.memory_space<vmem>>[vector<16xi32>, vector<16xi32>], vector<16xf32>,
    %mul3A_963 = arith.mulf %select_n3A_943, %gather3A_962 : vector<16xf32>
    %jit3A_964 = arith.constant 0.000000e+00 : f32
    %broadcast_in_dim3A_965 = vector.broadcast %jit3A_964 : f32 to vector<16xf32>
    %select_n3A_966 = arith.select %and3A_955, %mul3A_963, %broadcast_in_dim3A_965 : vector<16xi1>, vector<16xf32>
    %mul3A_967 = arith.mulf %select_n3A_943, %scan3A_680#7 : vector<16xf32>
    %add3A_968 = arith.addf %add3A_670, %mul3A_967 : vector<16xf32>
    %add3A_969 = arith.addf %add3A_671, %select_n3A_966 : vector<16xf32>
    %add3A_970 = arith.addf %add3A_716, %add3A_752 : vector<16xf32>
    %add3A_971 = arith.addf %add3A_970, %add3A_788 : vector<16xf32>
    %add3A_972 = arith.addf %add3A_971, %add3A_824 : vector<16xf32>
    %add3A_973 = arith.addf %add3A_972, %add3A_860 : vector<16xf32>
    %add3A_974 = arith.addf %add3A_973, %add3A_896 : vector<16xf32>
    %add3A_975 = arith.addf %add3A_974, %add3A_932 : vector<16xf32>
    %add3A_976 = arith.addf %add3A_975, %add3A_968 : vector<16xf32>
    %add3A_977 = arith.addf %add3A_717, %add3A_753 : vector<16xf32>
    %add3A_978 = arith.addf %add3A_977, %add3A_789 : vector<16xf32>
    %add3A_979 = arith.addf %add3A_978, %add3A_825 : vector<16xf32>
    %add3A_980 = arith.addf %add3A_979, %add3A_861 : vector<16xf32>
    %add3A_981 = arith.addf %add3A_980, %add3A_897 : vector<16xf32>
    %add3A_982 = arith.addf %add3A_981, %add3A_933 : vector<16xf32>
    %add3A_983 = arith.addf %add3A_982, %add3A_969 : vector<16xf32>
    %mul3A_984 = arith.constant -1.001001E-4 : f32
    %mul3A_985 = vector.broadcast %mul3A_984 : f32 to vector<16xf32>
    %mul3A_986 = arith.mulf %mul3A_985, %add3A_976 : vector<16xf32>
    %mul3A_987 = arith.constant 0.899899899 : f32
    %mul3A_988 = vector.broadcast %mul3A_987 : f32 to vector<16xf32>
    %mul3A_989 = arith.mulf %mul3A_988, %add3A_983 : vector<16xf32>
    %sub3A_990 = arith.subf %mul3A_986, %mul3A_989 : vector<16xf32>
    %mul3A_991 = arith.constant -1.0157584 : f32
    %mul3A_992 = vector.broadcast %mul3A_991 : f32 to vector<16xf32>
    %mul3A_993 = arith.mulf %mul3A_992, %add3A_367 : vector<16xf32>
    %add3A_994 = arith.addf %sub3A_990, %mul3A_993 : vector<16xf32>
    %swap3A = arith.constant 0 : index
    %swap3A_995 = tpu.vector_load %arg11[%swap3A] {strides = array<i32>} : memref<16xf32, #tpu.memory_space<vmem>>, vector<16xf32>,
    tpu.vector_store %arg11[%swap3A], %add3A_994 {strides = array<i32>} : memref<16xf32, #tpu.memory_space<vmem>>, vector<16xf32>,
    %mul3A_996 = arith.constant 16 : i32
    %mul3A_997 = arith.muli %add3A, %mul3A_996 : i32
    "tpu.region"() ({
      %run_scoped3A = tpu.sem_alloc : memref<!tpu.dma_semaphore, #tpu.memory_space<semaphore_mem>>
      %dma_start3A_1002 = tpu.memref_slice %arg5[%mul3A_997] : memref<512xf32, #tpu.memory_space<hbm>> -> memref<16xf32, #tpu.memory_space<hbm>>
      %dma_start3A_1003 = tpu.memref_slice %arg5[%mul3A_997] : memref<512xf32, #tpu.memory_space<hbm>> -> memref<16xf32, #tpu.memory_space<hbm>>
      tpu.enqueue_dma source(%arg11 : memref<16xf32, #tpu.memory_space<vmem>>) target(%dma_start3A_1003 : memref<16xf32, #tpu.memory_space<hbm>>) target_semaphore(%run_scoped3A : memref<!tpu.dma_semaphore, #tpu.memory_space<semaphore_mem>>)
      %dma_wait3A_1004 = tpu.memref_slice %arg5[%mul3A_997] : memref<512xf32, #tpu.memory_space<hbm>> -> memref<16xf32, #tpu.memory_space<hbm>>
      %dma_wait3A_1005 = tpu.memref_slice %arg5[%mul3A_997] : memref<512xf32, #tpu.memory_space<hbm>> -> memref<16xf32, #tpu.memory_space<hbm>>
      tpu.wait_dma2 semaphore(%run_scoped3A : memref<!tpu.dma_semaphore, #tpu.memory_space<semaphore_mem>>) src(%arg11 : memref<16xf32, #tpu.memory_space<vmem>>) dst(%dma_wait3A_1005 : memref<16xf32, #tpu.memory_space<hbm>>)
      tpu.yield
    }) : () -> ()
    %swap3A_998 = arith.constant 0 : index
    %swap3A_999 = tpu.vector_load %arg12[%swap3A_998] {strides = array<i32>} : memref<16xf32, #tpu.memory_space<vmem>>, vector<16xf32>,
    tpu.vector_store %arg12[%swap3A_998], %add3A_367 {strides = array<i32>} : memref<16xf32, #tpu.memory_space<vmem>>, vector<16xf32>,
    %mul3A_1000 = arith.constant 16 : i32
    %mul3A_1001 = arith.muli %add3A, %mul3A_1000 : i32
    "tpu.region"() ({
      %run_scoped3A = tpu.sem_alloc : memref<!tpu.dma_semaphore, #tpu.memory_space<semaphore_mem>>
      %dma_start3A_1002 = tpu.memref_slice %arg6[%mul3A_1001] : memref<512xf32, #tpu.memory_space<hbm>> -> memref<16xf32, #tpu.memory_space<hbm>>
      %dma_start3A_1003 = tpu.memref_slice %arg6[%mul3A_1001] : memref<512xf32, #tpu.memory_space<hbm>> -> memref<16xf32, #tpu.memory_space<hbm>>
      tpu.enqueue_dma source(%arg12 : memref<16xf32, #tpu.memory_space<vmem>>) target(%dma_start3A_1003 : memref<16xf32, #tpu.memory_space<hbm>>) target_semaphore(%run_scoped3A : memref<!tpu.dma_semaphore, #tpu.memory_space<semaphore_mem>>)
      %dma_wait3A_1004 = tpu.memref_slice %arg6[%mul3A_1001] : memref<512xf32, #tpu.memory_space<hbm>> -> memref<16xf32, #tpu.memory_space<hbm>>
      %dma_wait3A_1005 = tpu.memref_slice %arg6[%mul3A_1001] : memref<512xf32, #tpu.memory_space<hbm>> -> memref<16xf32, #tpu.memory_space<hbm>>
      tpu.wait_dma2 semaphore(%run_scoped3A : memref<!tpu.dma_semaphore, #tpu.memory_space<semaphore_mem>>) src(%arg12 : memref<16xf32, #tpu.memory_space<vmem>>) dst(%dma_wait3A_1005 : memref<16xf32, #tpu.memory_space<hbm>>)
      tpu.yield
    }) : () -> ()
    return
  }
}

module attributes {stable_mosaic.version = 14 : i64} {
  func.func @tc_kernel(%arg0: i32, %arg1: i32, %arg2: memref<1x280x4096xf32, #tpu.memory_space<vmem>>, %arg3: memref<1x1x4096xi32, #tpu.memory_space<vmem>>, %arg4: memref<1x1x4096xi32, #tpu.memory_space<vmem>>, %arg5: memref<1x1x4096xf32, #tpu.memory_space<vmem>>, %arg6: memref<1x1x4096xf32, #tpu.memory_space<vmem>>) attributes {dimension_semantics = [#tpu.dimension_semantics<arbitrary>, #tpu.dimension_semantics<arbitrary>], iteration_bounds = array<i64: 4, 3>, scalar_prefetch = 0 : i64, scratch_operands = 0 : i64, tpu.core_type = #tpu.core_type<tc>, window_params = [{transform_indices = @transform_0, window_bounds = array<i64: 1, 280, 4096>}, {transform_indices = @transform_1, window_bounds = array<i64: 1, 1, 4096>}, {transform_indices = @transform_2, window_bounds = array<i64: 1, 1, 4096>}, {transform_indices = @transform_3, window_bounds = array<i64: 1, 1, 4096>}, {transform_indices = @transform_4, window_bounds = array<i64: 1, 1, 4096>}]} {
    %get3A = arith.constant 0 : index
    %get3A_0 = arith.constant 0 : index
    %get3A_1 = arith.constant 0 : index
    %get3A_2 = vector.load %arg2[%get3A, %get3A_0, %get3A_1] : memref<1x280x4096xf32, #tpu.memory_space<vmem>>, vector<1x280x4096xf32>
    %get3A_3 = vector.shape_cast %get3A_2 : vector<1x280x4096xf32> to vector<280x4096xf32>
    %get3A_4 = arith.constant 0 : index
    %get3A_5 = arith.constant 0 : index
    %get3A_6 = arith.constant 0 : index
    %get3A_7 = vector.load %arg3[%get3A_4, %get3A_5, %get3A_6] : memref<1x1x4096xi32, #tpu.memory_space<vmem>>, vector<1x1x4096xi32>
    %get3A_8 = vector.shape_cast %get3A_7 : vector<1x1x4096xi32> to vector<4096xi32>
    %get3A_9 = arith.constant 0 : index
    %get3A_10 = arith.constant 0 : index
    %get3A_11 = arith.constant 0 : index
    %get3A_12 = vector.load %arg4[%get3A_9, %get3A_10, %get3A_11] : memref<1x1x4096xi32, #tpu.memory_space<vmem>>, vector<1x1x4096xi32>
    %get3A_13 = vector.shape_cast %get3A_12 : vector<1x1x4096xi32> to vector<4096xi32>
    %reduce_sum3A = arith.constant dense<0.000000e+00> : vector<4096xf32>
    %reduce_sum3A_14 = vector.multi_reduction <add>, %get3A_3, %reduce_sum3A [0] : vector<280x4096xf32> to vector<4096xf32>
    %iota3A = tpu.iota {dimensions = array<i32: 0>} : vector<280x4096xi32>
    %mul3A = arith.constant 280 : i32
    %mul3A_15 = arith.muli %arg1, %mul3A : i32
    %add3A = vector.broadcast %mul3A_15 : i32 to vector<280x4096xi32>
    %add3A_16 = arith.addi %iota3A, %add3A : vector<280x4096xi32>
    %broadcast_in_dim3A = vector.shape_cast %get3A_8 : vector<4096xi32> to vector<1x4096xi32>
    %eq3A = vector.broadcast %broadcast_in_dim3A : vector<1x4096xi32> to vector<280x4096xi32>
    %eq3A_17 = arith.cmpi eq, %add3A_16, %eq3A : vector<280x4096xi32>
    %jit3A = arith.constant 0.000000e+00 : f32
    %broadcast_in_dim3A_18 = vector.broadcast %jit3A : f32 to vector<280x4096xf32>
    %select_n3A = arith.select %eq3A_17, %get3A_3, %broadcast_in_dim3A_18 : vector<280x4096xi1>, vector<280x4096xf32>
    %reduce_sum3A_19 = arith.constant dense<0.000000e+00> : vector<4096xf32>
    %reduce_sum3A_20 = vector.multi_reduction <add>, %select_n3A, %reduce_sum3A_19 [0] : vector<280x4096xf32> to vector<4096xf32>
    %gt3A = arith.constant 0 : i32
    %gt3A_21 = vector.broadcast %gt3A : i32 to vector<4096xi32>
    %gt3A_22 = arith.cmpi sgt, %get3A_13, %gt3A_21 : vector<4096xi32>
    %jit3A_23 = arith.constant 1.000000e+00 : f32
    %jit3A_24 = arith.constant 0.000000e+00 : f32
    %broadcast_in_dim3A_25 = vector.broadcast %jit3A_23 : f32 to vector<4096xf32>
    %broadcast_in_dim3A_26 = vector.broadcast %jit3A_24 : f32 to vector<4096xf32>
    %select_n3A_27 = arith.select %gt3A_22, %broadcast_in_dim3A_25, %broadcast_in_dim3A_26 : vector<4096xi1>, vector<4096xf32>
    %eq3A_28 = arith.constant 0 : i32
    %eq3A_29 = arith.cmpi eq, %arg1, %eq3A_28 : i32
    %convert_element_type3A = arith.extui %eq3A_29 : i1 to i32
    %cond3A = arith.constant 0 : i32
    %cond3A_30 = arith.cmpi ne, %convert_element_type3A, %cond3A : i32
    scf.if %cond3A_30 {
      %mul3A_36 = arith.mulf %select_n3A_27, %reduce_sum3A_14 : vector<4096xf32>
      %swap3A = arith.constant 0 : index
      %swap3A_37 = arith.constant 0 : index
      %swap3A_38 = arith.constant 0 : index
      %swap3A_39 = vector.load %arg5[%swap3A, %swap3A_37, %swap3A_38] : memref<1x1x4096xf32, #tpu.memory_space<vmem>>, vector<1x1x4096xf32>
      %swap3A_40 = vector.shape_cast %swap3A_39 : vector<1x1x4096xf32> to vector<4096xf32>
      %swap3A_41 = vector.shape_cast %mul3A_36 : vector<4096xf32> to vector<1x1x4096xf32>
      tpu.vector_store %arg5[%swap3A, %swap3A_37, %swap3A_38], %swap3A_41 {strides = array<i32>} : memref<1x1x4096xf32, #tpu.memory_space<vmem>>, vector<1x1x4096xf32>,
      %mul3A_42 = arith.mulf %select_n3A_27, %reduce_sum3A_20 : vector<4096xf32>
      %swap3A_43 = arith.constant 0 : index
      %swap3A_44 = arith.constant 0 : index
      %swap3A_45 = arith.constant 0 : index
      %swap3A_46 = vector.load %arg6[%swap3A_43, %swap3A_44, %swap3A_45] : memref<1x1x4096xf32, #tpu.memory_space<vmem>>, vector<1x1x4096xf32>
      %swap3A_47 = vector.shape_cast %swap3A_46 : vector<1x1x4096xf32> to vector<4096xf32>
      %swap3A_48 = vector.shape_cast %mul3A_42 : vector<4096xf32> to vector<1x1x4096xf32>
      tpu.vector_store %arg6[%swap3A_43, %swap3A_44, %swap3A_45], %swap3A_48 {strides = array<i32>} : memref<1x1x4096xf32, #tpu.memory_space<vmem>>, vector<1x1x4096xf32>,
    } else {
    }
    %gt3A_31 = arith.constant 0 : i32
    %gt3A_32 = arith.cmpi sgt, %arg1, %gt3A_31 : i32
    %convert_element_type3A_33 = arith.extui %gt3A_32 : i1 to i32
    %cond3A_34 = arith.constant 0 : i32
    %cond3A_35 = arith.cmpi ne, %convert_element_type3A_33, %cond3A_34 : i32
    scf.if %cond3A_35 {
      %get3A_36 = arith.constant 0 : index
      %get3A_37 = arith.constant 0 : index
      %get3A_38 = arith.constant 0 : index
      %get3A_39 = vector.load %arg5[%get3A_36, %get3A_37, %get3A_38] : memref<1x1x4096xf32, #tpu.memory_space<vmem>>, vector<1x1x4096xf32>
      %get3A_40 = vector.shape_cast %get3A_39 : vector<1x1x4096xf32> to vector<4096xf32>
      %mul3A_41 = arith.mulf %select_n3A_27, %reduce_sum3A_14 : vector<4096xf32>
      %add3A_42 = arith.addf %get3A_40, %mul3A_41 : vector<4096xf32>
      %swap3A = arith.constant 0 : index
      %swap3A_43 = arith.constant 0 : index
      %swap3A_44 = arith.constant 0 : index
      %swap3A_45 = vector.load %arg5[%swap3A, %swap3A_43, %swap3A_44] : memref<1x1x4096xf32, #tpu.memory_space<vmem>>, vector<1x1x4096xf32>
      %swap3A_46 = vector.shape_cast %swap3A_45 : vector<1x1x4096xf32> to vector<4096xf32>
      %swap3A_47 = vector.shape_cast %add3A_42 : vector<4096xf32> to vector<1x1x4096xf32>
      tpu.vector_store %arg5[%swap3A, %swap3A_43, %swap3A_44], %swap3A_47 {strides = array<i32>} : memref<1x1x4096xf32, #tpu.memory_space<vmem>>, vector<1x1x4096xf32>,
      %get3A_48 = arith.constant 0 : index
      %get3A_49 = arith.constant 0 : index
      %get3A_50 = arith.constant 0 : index
      %get3A_51 = vector.load %arg6[%get3A_48, %get3A_49, %get3A_50] : memref<1x1x4096xf32, #tpu.memory_space<vmem>>, vector<1x1x4096xf32>
      %get3A_52 = vector.shape_cast %get3A_51 : vector<1x1x4096xf32> to vector<4096xf32>
      %mul3A_53 = arith.mulf %select_n3A_27, %reduce_sum3A_20 : vector<4096xf32>
      %add3A_54 = arith.addf %get3A_52, %mul3A_53 : vector<4096xf32>
      %swap3A_55 = arith.constant 0 : index
      %swap3A_56 = arith.constant 0 : index
      %swap3A_57 = arith.constant 0 : index
      %swap3A_58 = vector.load %arg6[%swap3A_55, %swap3A_56, %swap3A_57] : memref<1x1x4096xf32, #tpu.memory_space<vmem>>, vector<1x1x4096xf32>
      %swap3A_59 = vector.shape_cast %swap3A_58 : vector<1x1x4096xf32> to vector<4096xf32>
      %swap3A_60 = vector.shape_cast %add3A_54 : vector<4096xf32> to vector<1x1x4096xf32>
      tpu.vector_store %arg6[%swap3A_55, %swap3A_56, %swap3A_57], %swap3A_60 {strides = array<i32>} : memref<1x1x4096xf32, #tpu.memory_space<vmem>>, vector<1x1x4096xf32>,
    } else {
    }
    return
  }
  func.func @transform_0(%arg0: i32, %arg1: i32) -> (i32, i32, i32) {
    %c0_i32 = arith.constant 0 : i32
    %c0_i32_0 = arith.constant 0 : i32
    return %arg0, %arg1, %c0_i32 : i32, i32, i32
  }
  func.func @transform_1(%arg0: i32, %arg1: i32) -> (i32, i32, i32) {
    %c0_i32 = arith.constant 0 : i32
    %c0_i32_0 = arith.constant 0 : i32
    %c0_i32_1 = arith.constant 0 : i32
    return %arg0, %c0_i32, %c0_i32_0 : i32, i32, i32
  }
  func.func @transform_2(%arg0: i32, %arg1: i32) -> (i32, i32, i32) {
    %c0_i32 = arith.constant 0 : i32
    %c0_i32_0 = arith.constant 0 : i32
    %c0_i32_1 = arith.constant 0 : i32
    return %arg0, %c0_i32, %c0_i32_0 : i32, i32, i32
  }
  func.func @transform_3(%arg0: i32, %arg1: i32) -> (i32, i32, i32) {
    %c0_i32 = arith.constant 0 : i32
    %c0_i32_0 = arith.constant 0 : i32
    %c0_i32_1 = arith.constant 0 : i32
    return %arg0, %c0_i32, %c0_i32_0 : i32, i32, i32
  }
  func.func @transform_4(%arg0: i32, %arg1: i32) -> (i32, i32, i32) {
    %c0_i32 = arith.constant 0 : i32
    %c0_i32_0 = arith.constant 0 : i32
    %c0_i32_1 = arith.constant 0 : i32
    return %arg0, %c0_i32, %c0_i32_0 : i32, i32, i32
  }
}

</mosaic_0001>

<sc_bundles>
// kernel: kernel.4.cloned.1.call-start
scs
__scs_entry_jumppad:
0x0: {  	(pc) =	sbr.rel $0x88, $3  }
0x1: {  	(tag) =	ssettag $0x0;
	lr =	simm.s32 $0x1  }
0x2: {  	[smem:$0x3F9E] =	sst lr;
	_ =	strace $0xD0000000  }
0x3: {  	_ = 	snop  }
0x4: {  	_ = 	snop  }
0x5: {  	_ = 	snop  }
0x6: {  	_ = 	snop  }
0x7: {  	_ = 	snop  }
__scs_overlays_trampoline_lowered:
0x8: {  	[smem:$0x3FAD] =	sst s0  }
0x9: {  	[smem:$0x3FAE] =	sst s1  }
0xa: {  	[smem:$0x3FAF] =	sst s2  }
0xb: {  	[smem:$0x3FB0] =	sst s3  }
0xc: {  	[smem:$0x3FB1] =	sst s4  }
0xd: {  	[smem:$0x3FB2] =	sst s5  }
0xe: {  	[smem:$0x3FB3] =	sst s6  }
0xf: {  	[smem:$0x3FB4] =	sst s7  }
0x10: {  	[smem:$0x3FB5] =	sst s8  }
0x11: {  	[smem:$0x3FB6] =	sst s9;
	s0 =	simm.s32 @!p0 $0x0  }
0x12: {  	s1 =	sld [smem:$0x3F9C];
	s0 =	simm.s32 @p0 $0x1  }
0x13: {  	[smem:$0x3FB7] =	sst s0;
	s0 =	simm.s32 @!p1 $0x0  }
0x14: {  	s2 =	sld [smem:$0x3F9B];
	s0 =	simm.s32 @p1 $0x1  }
0x15: {  	[smem:$0x3FB8] =	sst s0;
	s0 =	simm.s32 @!p2 $0x0  }
0x16: {  	s3 =	sld [smem:$0x3FDB];
	s0 =	simm.s32 @p2 $0x1  }
0x17: {  	s4 =	simm.s32 $0x1BF5;
	[smem:$0x3FBA] =	sst s0  }
0x18: {  	s0 =	sld [smem:$0x3F9D];
	_ =	swait.ge [sflag:s4], $0x0  }
0x19: {  	s7 =	sld [smem:$0x3F9E]  }
0x1a: {  	s8 =	sadd.s32 $0xFFFFE003, lr  }
0x1b: {  	s9 =	sadd.s32 $0xFFFFFEF7, lr;
	s5 =	simm.s32 $0xFFFFFFFF;
	p2 =	slt.u32 s8, $0xFFFFF086  }
0x1c: {  	p1 =	slt.u32 s9, $0xF7A;
	s5 =	simm.s32 @!p2 $0x0  }
0x1d: {  	s5 =	simm.s32 @p1 $0x1;
	p0 =	seq.s32 s7, s2  }
0x1e: {  	s7 =	smul.u32 @!p0 $0xF7A, s2;
	p2 =	seq.s32 @!p0 s5, $0x0  }
0x1f: {  	s9 =	smul.u32 $0xF7A, s1;
	s8 =	simm.s32 @!p0 $0x1BF5;
	p2 =	por !p2, p0  }
0x20: {  	[sflag:s8] =	ssyncset.s32 @!p0 $0xFFFFF086;
	s6 =	sadd.s32 @!p0 s3, s7;
	s7 =	simm.s32 @!p0 $0x108  }
0x21: {  	s3 =	sadd.s32 s3, s9;
	s6 =	sadd.s32 @!p0 $0x88, s6;
	s7 =	simm.s32 @p2 $0x1082  }
0x22: {  	[simem:s7], [sflag:s8] =	dma.local @!p0 [hbm:s6], $0xF7A  }
0x23: {  	s9 =	sor.u32 $0xD0000000, s2;
	s6 =	simm.s32 $0x108;
	_ =	swait.ge @!p0 [sflag:s8], $0x0  }
0x24: {  	s3 =	sadd.s32 $0x88, s3;
	s6 =	simm.s32 @!p1 $0x1082;
	[sflag:s4] =	ssyncset.s32 $0xFFFFF086  }
0x25: {  	[simem:s6], [sflag:s4] =	dma.local [hbm:s3], $0xF7A  }
0x26: {  	[smem:$0x3F9E] =	sst s1;
	(tag) =	ssettag s2;
	_ =	strace s9  }
0x27: {  	s1 =	sld [smem:$0x3FAE]  }
0x28: {  	s2 =	sld [smem:$0x3FAF]  }
0x29: {  	s4 =	sld [smem:$0x3FB1]  }
0x2a: {  	p0 =	seq.s32 s5, $0x0;
	s5 =	sld [smem:$0x3FB2]  }
0x2b: {  	s6 =	sld [smem:$0x3FB3]  }
0x2c: {  	s7 =	sld [smem:$0x3FB4]  }
0x2d: {  	s3 =	simm.s32 $0x108;
	s8 =	sld [smem:$0x3FB5]  }
0x2e: {  	s3 =	simm.s32 @!p0 $0x1082;
	s9 =	sld [smem:$0x3FB6]  }
0x2f: {  	lr =	sadd.s32 s0, s3;
	s0 =	sld [smem:$0x3FAD]  }
0x30: {  	s3 =	sld [smem:$0x3FB0]  }
0x31: {  	[smem:$0x3FB9] =	sst s10  }
0x32: {  	s10 =	sld [smem:$0x3FB7];
	_ =	sdelay $0x3  }
0x33: {  	p0 =	seq.s32 s10, $0x1;
	s10 =	sld [smem:$0x3FB9];
	_ =	sdelay $0x3  }
0x34: {  	[smem:$0x3FB9] =	sst s10  }
0x35: {  	s10 =	sld [smem:$0x3FB8];
	_ =	sdelay $0x3  }
0x36: {  	p1 =	seq.s32 s10, $0x1;
	s10 =	sld [smem:$0x3FB9];
	_ =	sdelay $0x3  }
0x37: {  	[smem:$0x3FB9] =	sst s10  }
0x38: {  	s10 =	sld [smem:$0x3FBA]  }
0x39: {  	_ = 	snop;
	(pc) =	sbr.ind lr, $3  }
0x3a: {  	_ = 	snop  }
0x3b: {  	_ = 	snop  }
0x3c: {  	p2 =	seq.s32 s10, $0x1;
	s10 =	sld [smem:$0x3FB9]  }
0x3d: {  	_ =	shalt  }
0x3e: {  	_ =	shalt  }
0x3f: {  	_ =	shalt  }
0x40: {  	_ =	shalt  }
0x41: {  	_ =	shalt  }
0x42: {  	_ =	shalt  }
0x43: {  	_ =	shalt  }
0x44: {  	_ =	shalt  }
0x45: {  	_ =	shalt  }
0x46: {  	_ =	shalt  }
0x47: {  	_ =	shalt  }
0x48: {  	_ =	shalt  }
0x49: {  	_ =	shalt  }
0x4a: {  	_ =	shalt  }
0x4b: {  	_ =	shalt  }
0x4c: {  	_ =	shalt  }
0x4d: {  	_ =	shalt  }
0x4e: {  	_ =	shalt  }
0x4f: {  	_ =	shalt  }
0x50: {  	_ =	shalt  }
0x51: {  	_ =	shalt  }
0x52: {  	_ =	shalt  }
0x53: {  	_ =	shalt  }
0x54: {  	_ =	shalt  }
0x55: {  	_ =	shalt  }
0x56: {  	_ =	shalt  }
0x57: {  	_ =	shalt  }
0x58: {  	_ =	shalt  }
0x59: {  	_ =	shalt  }
0x5a: {  	_ =	shalt  }
0x5b: {  	_ =	shalt  }
0x5c: {  	_ =	shalt  }
0x5d: {  	_ =	shalt  }
0x5e: {  	_ =	shalt  }
0x5f: {  	_ =	shalt  }
0x60: {  	_ =	shalt  }
0x61: {  	_ =	shalt  }
0x62: {  	_ =	shalt  }
0x63: {  	_ =	shalt  }
0x64: {  	_ =	shalt  }
0x65: {  	_ =	shalt  }
0x66: {  	_ =	shalt  }
0x67: {  	_ =	shalt  }
0x68: {  	_ =	shalt  }
0x69: {  	_ =	shalt  }
0x6a: {  	_ =	shalt  }
0x6b: {  	_ =	shalt  }
0x6c: {  	_ =	shalt  }
0x6d: {  	_ =	shalt  }
0x6e: {  	_ =	shalt  }
0x6f: {  	_ =	shalt  }
0x70: {  	_ =	shalt  }
0x71: {  	_ =	shalt  }
0x72: {  	_ =	shalt  }
0x73: {  	_ =	shalt  }
0x74: {  	_ =	shalt  }
0x75: {  	_ =	shalt  }
0x76: {  	_ =	shalt  }
0x77: {  	_ =	shalt  }
0x78: {  	_ =	shalt  }
0x79: {  	_ =	shalt  }
0x7a: {  	_ =	shalt  }
0x7b: {  	_ =	shalt  }
0x7c: {  	_ =	shalt  }
0x7d: {  	_ =	shalt  }
0x7e: {  	_ =	shalt  }
0x7f: {  	_ =	shalt  }
0x80: {  	_ =	shalt  }
0x81: {  	_ =	shalt  }
0x82: {  	_ =	shalt  }
0x83: {  	_ =	shalt  }
0x84: {  	_ =	shalt  }
0x85: {  	_ =	shalt  }
0x86: {  	_ =	shalt  }
0x87: {  	_ =	shalt  }
.Lfunc_end0:
.L_simem_size_0:
called_computation_lowered:
.L_overlay_start_0:
0x88: {  	s2 =	sld [smem:$0x3FD9]  }
0x89: {  	s3 =	sld [smem:$0x3FFE];
	_ =	sdelay $0x1  }
0x8a: {  	s1 =	srdreg.scid  }
0x8b: {  	s0 =	sand.u32 $0x1, s1  }
0x8c: {  	s17 =	sshll.u32 s0, $0xA;
	s2 =	sadd.s32 s3, s2  }
0x8d: {  	s2 =	sadd.s32 s2, s17  }
0x8e: {  	[smem:$0x3FC5] =	sst s2  }
0x8f: {  	_ = 	snop  }
0x90: {  	s2 =	sld [smem:$0x3FC9];
	(tm) =	ssettm $0x1  }
0x91: {  	s18 =	sld [smem:$0x3FFB];
	_ =	sdelay $0x3  }
0x92: {  	_ =	strace s18  }
0x93: {  	s3 =	sld [smem:$0x3FFC];
	_ =	sdelay $0x3  }
0x94: {  	_ =	strace s3  }
0x95: {  	s3 =	sld [smem:$0x3FFD];
	_ =	sdelay $0x3  }
0x96: {  	_ =	strace s3  }
0x97: {  	_ =	strace $0x8FFFFFFF  }
0x98: {  	s19 =	sld [smem:$0x3FDB];
	_ =	sdelay $0x1  }
0x99: {  	s4 =	simm.s32 $_scs_section_size  }
0x9a: {  	s5 =	simm.s32 $_size__tile_overlayer_lowered;
	s6 =	simm.s32 $_tile_overlayer_lowered  }
0x9b: {  	s22 =	simm.s32 $0x1BFF;
	s21 =	sshll.u32 s6, $0x1;
	s3 =	sadd.s32 s4, s19  }
0x9c: {  	s7 =	simm.s32 $0x0;
	s20 =	sshll.u32 s5, $0x1;
	s5 =	sadd.s32 s21, s3  }
0x9d: {  	[timem:s7], [sflag:s22] =	dma.local [hbm:s5], s20  }
0x9e: {  	_ =	swait.ge [sflag:s22], s20  }
0x9f: {  	s4 =	ssub.s32 $0x0, s20;
	[sflag:s22] =	ssyncset.done $0x0  }
0xa0: {  	[sflag:s22] =	ssyncadd.s32 s4;
	_ =	sdelay $0x1  }
0xa1: {  	s23 =	simm.s32 $0x1B8B  }
0xa2: {  	_ =	swait.ge [sflag:s23], $0x1  }
0xa3: {  	[sflag:s23] =	ssyncset.done $0x0  }
0xa4: {  	s25 =	simm.s32 $0x1B8E;
	s24 =	sld [smem:$0x3FFE];
	[sflag:s23] =	ssyncadd.s32 $0xFFFFFFFF  }
0xa5: {  	s26 =	simm.s32 $execute0_lowered;
	[smem:$0x3FD2] =	sst s25  }
0xa6: {  	s5 =	sshll.u32 s26, $0x1;
	_ =	strace $0x80000046;
	[dreg:$0x1] =	wrdreg $0xFFFFFFFF  }
0xa7: {  	s28 =	simm.s32 $_size_execute0_lowered;
	s3 =	sadd.s32 s3, s5;
	[dreg:$0x0] =	wrdreg $0x0  }
0xa8: {  	s5 =	sshll.u32 s28, $0x1;
	[dreg:$0x2] =	wrdreg s3  }
0xa9: {  	[dreg:$0x3] =	wrdreg s5  }
0xaa: {  	[dreg:$0x4] =	wrdreg $0xC0  }
0xab: {  	_ =	task [dreg:s7], $0x5FFFF  }
0xac: {  	[dreg:$0x1] =	wrdreg $0xFFFFFFFF  }
0xad: {  	[dreg:$0x0] =	wrdreg $0x60  }
0xae: {  	[dreg:$0x2] =	wrdreg s2  }
0xaf: {  	[dreg:$0x3] =	wrdreg s24  }
0xb0: {  	[dreg:$0x4] =	wrdreg $0x9  }
0xb1: {  	_ =	task.clear_ibuf [dreg:s7], $0x5FFFF;
	_ =	strace $0x90000046  }
0xb2: {  	s29 =	simm.s32 $0x9;
	_ =	strace $0x80000048  }
0xb3: {  	_ =	swait.ge [sflag:s29], $0x1  }
0xb4: {  	[sflag:s29] =	ssyncadd.s32 $0xFFFFFFFF  }
0xb5: {  	_ =	strace $0x90000048  }
0xb6: {  	_ =	sfence  }
0xb7: {  	s30 =	sld [smem:$0x0];
	_ =	sdelay $0x2  }
0xb8: {  	s31 =	sshll.u32 s1, $0xD;
	s1 =	sshrl.u32 s1, $0x2  }
0xb9: {  	s3 =	sand.u32 $0x4000, s31;
	s1 =	sadd.s32 s1, s30  }
0xba: {  	s0 =	sor.u32 s3, s0;
	s1 =	sshll.u32 s1, $0x11  }
0xbb: {  	s0 =	sor.u32 s1, s0  }
0xbc: {  	s0 =	sadd.s32 $0x8F2B, s0  }
0xbd: {  	[sflag:s0] =	ssyncadd.remote.s32 $0x1  }
0xbe: {  	_ =	sfence.sel $0xFFFF  }
0xbf: {  	[dreg:$0x0] =	wrdreg $0xFFFFFFFF;
	(pc) =	sbr.abs _section_cstart, $3  }
0xc0: {  	[dreg:$0x1] =	wrdreg $0xFFFFFFFF  }
0xc1: {  	_ =	task.clear_ibuf [dreg:s7], $0x2FFFF;
	_ =	strace $0x9FFFFFFF  }
0xc2: {  	(tm) =	ssettm $0x7FFFFFFF  }
0xc3: {  	_ =	shalt  }
tec
execute0_lowered:
.L_overlay_start_1:
0x0: {  	(tag) =	ssettag $0x1  }
0x1: {  	s1 =	rddreg [dreg:$0x0]  }
0x2: {  	s0 =	rddreg [dreg:$0x1];
	s3 =	simm.s32 $0x0  }
0x3: {  	s2 =	srdreg.scid;
	s4 =	stileid.u32;
	s18 =	simm.s32 $0x3  }
0x4: {  	s28 =	simm.s32 $0x400;
	s29 =	simm.s32 $0x1800;
	s30 =	simm.s32 $0x1  }
0x5: {  	s31 =	simm.s32 $0x2;
	s2 =	sand.u32 $0x1, s2;
	s4 =	sshll.u32 s4, $0x1  }
0x6: {  	[smem:$0x7FF] =	sst s3;
	s5 =	sadd.s32 $0x800, s0;
	s4 =	sor.u32 s2, s4  }
0x7: {  	_ =	strace $0x80000047;
	s2 =	ssub.s32 $0x2, s2;
	s6 =	sshll.u32 s4, $0x1  }
0x8: {  	s7 =	sshrl.u32 s2, $0x1;
	s8 =	sshll.u32 s4, $0x4;
	s25 =	sshll.u32 s4, $0x7  }
0x9: {  	s12 =	sshll.u32 s4, $0xA;
	s6 =	sadd.s32 s6, s0;
	s2 =	ssub.s32 s2, s7  }
0xa: {  	s19 =	sadd.s32 s5, s8;
	s20 =	sor.u32 $0x200, s8;
	s9 =	sadd.s32 s0, s8  }
0xb: {  	v52 =	vlaneseq.u32;
	s22 =	sor.u32 $0x400, s8;
	s24 =	sor.u32 $0x600, s8;
	[dreg:$0x3] =	wrdreg s19  }
0xc: {  	v0 =	vor.u32 $0x20, v52;
	s26 =	sadd.s32 s25, s1;
	[dreg:$0x4] =	wrdreg s9;
	s21 =	sadd.s32 s5, s20  }
0xd: {  	v60 =	vor.u32 $0x30, v52;
	[tilespmem:$0x1FFB0] =	vst v0;
	s7 =	sadd.s32 s0, s20;
	s23 =	sadd.s32 s5, s22;
	s9 =	sadd.s32 s0, s22  }
0xe: {  	v61 =	vor.u32 $0x40, v52;
	[tilespmem:$0x1FFC0] =	vst v60;
	s10 =	sadd.s32 s5, s24;
	s11 =	sadd.s32 s0, s24;
	s13 =	sadd.s32 $0x69000, s26  }
0xf: {  	v62 =	vor.u32 $0x50, v52;
	[tilespmem:$0x1FFD0] =	vst v61;
	s14 =	sadd.s32 $0x6E000, s26;
	s15 =	sadd.s32 $0x1000, s6;
	[dreg:$0x5] =	wrdreg s21  }
0x10: {  	v63 =	vor.u32 $0x10, v52;
	[tilespmem:$0x1FFE0] =	vst v62;
	s16 =	sadd.s32 $0x1200, s6;
	s17 =	smax.u32 s2, $0x1;
	[dreg:$0x6] =	wrdreg s7  }
0x11: {  	v6 =	vimm.f32 $0.0e+00;
	[tilespmem:$0x1FFF0] =	vst v63;
	s26 =	simm.s32 $0x8000;
	s19 =	simm.s32 $0x0;
	[dreg:$0x7] =	wrdreg s23  }
.LBB2_1:
0x12: {  	s0 =	rddreg [dreg:$0x3]  }
0x13: {  	[tilespmem:s3], [sflag:$0x3] =	stream.linear.gather [hbm4b:s0+s3], $0x80, $0x38;
	[tilespmem:$0x2D00] =	vst v63  }
0x14: {  	_ =	swait.ge [sflag:s18], $0x80  }
0x15: {  	[sflag:s18] =	ssyncset.done $0x0  }
0x16: {  	s2 =	simm.s32 $0x200;
	s5 =	rddreg [dreg:$0x4];
	[sflag:s18] =	ssyncadd.s32 $0xFFFFFF80  }
0x17: {  	[tilespmem:s2], [sflag:$0x3] =	stream.linear.gather [hbm4b:s5+s3], $0x80, $0x38;
	[tilespmem:$0x2D00] =	vst v63  }
0x18: {  	_ =	swait.ge [sflag:s18], $0x80  }
0x19: {  	[sflag:s18] =	ssyncset.done $0x0  }
0x1a: {  	s7 =	simm.s32 $0x80;
	s6 =	rddreg [dreg:$0x5];
	[sflag:s18] =	ssyncadd.s32 $0xFFFFFF80  }
0x1b: {  	[tilespmem:s7], [sflag:$0x3] =	stream.linear.gather [hbm4b:s6+s3], $0x80, $0x38;
	[tilespmem:$0x2D00] =	vst v63  }
0x1c: {  	_ =	swait.ge [sflag:s18], $0x80  }
0x1d: {  	[sflag:s18] =	ssyncset.done $0x0  }
0x1e: {  	s20 =	simm.s32 $0x280;
	s8 =	rddreg [dreg:$0x6];
	[sflag:s18] =	ssyncadd.s32 $0xFFFFFF80  }
0x1f: {  	[tilespmem:s20], [sflag:$0x3] =	stream.linear.gather [hbm4b:s8+s3], $0x80, $0x38;
	[tilespmem:$0x2D00] =	vst v63  }
0x20: {  	_ =	swait.ge [sflag:s18], $0x80  }
0x21: {  	[sflag:s18] =	ssyncset.done $0x0  }
0x22: {  	s22 =	simm.s32 $0x100;
	s21 =	rddreg [dreg:$0x7];
	[sflag:s18] =	ssyncadd.s32 $0xFFFFFF80  }
0x23: {  	[tilespmem:s22], [sflag:$0x3] =	stream.linear.gather [hbm4b:s21+s3], $0x80, $0x38;
	[tilespmem:$0x2D00] =	vst v63  }
0x24: {  	_ =	swait.ge [sflag:s18], $0x80  }
0x25: {  	[sflag:s18] =	ssyncset.done $0x0  }
0x26: {  	s23 =	simm.s32 $0x300;
	[sflag:s18] =	ssyncadd.s32 $0xFFFFFF80  }
0x27: {  	[tilespmem:s23], [sflag:$0x3] =	stream.linear.gather [hbm4b:s9+s3], $0x80, $0x38;
	[tilespmem:$0x2D00] =	vst v63  }
0x28: {  	_ =	swait.ge [sflag:s18], $0x80  }
0x29: {  	[sflag:s18] =	ssyncset.done $0x0  }
0x2a: {  	s24 =	simm.s32 $0x180;
	[sflag:s18] =	ssyncadd.s32 $0xFFFFFF80  }
0x2b: {  	[tilespmem:s24], [sflag:$0x3] =	stream.linear.gather [hbm4b:s10+s3], $0x80, $0x38;
	[tilespmem:$0x2D00] =	vst v63  }
0x2c: {  	_ =	swait.ge [sflag:s18], $0x80  }
0x2d: {  	[sflag:s18] =	ssyncset.done $0x0  }
0x2e: {  	s25 =	simm.s32 $0x380;
	[sflag:s18] =	ssyncadd.s32 $0xFFFFFF80  }
0x2f: {  	[tilespmem:s25], [sflag:$0x3] =	stream.linear.gather [hbm4b:s11+s3], $0x80, $0x38;
	[tilespmem:$0x2D00] =	vst v63  }
0x30: {  	_ =	swait.ge [sflag:s18], $0x80  }
0x31: {  	[sflag:s18] =	ssyncset.done $0x0  }
0x32: {  	[sflag:s18] =	ssyncadd.s32 $0xFFFFFF80  }
0x33: {  	v0 =	vld [tilespmem:$0x0]  }
0x34: {  	v22 =	vld [tilespmem:$0x10]  }
0x35: {  	v23 =	vld [tilespmem:$0x20]  }
0x36: {  	v24 =	vld [tilespmem:$0x30]  }
0x37: {  	v25 =	vld [tilespmem:$0x40]  }
0x38: {  	v26 =	vld [tilespmem:$0x50]  }
0x39: {  	v27 =	vld [tilespmem:$0x60]  }
0x3a: {  	v28 =	vld [tilespmem:$0x70]  }
0x3b: {  	v29 =	vld [tilespmem:$0x80]  }
0x3c: {  	v30 =	vld [tilespmem:$0x90]  }
0x3d: {  	v31 =	vld [tilespmem:$0xA0]  }
0x3e: {  	v32 =	vld [tilespmem:$0xB0]  }
0x3f: {  	v33 =	vld [tilespmem:$0xC0]  }
0x40: {  	v34 =	vld [tilespmem:$0xD0]  }
0x41: {  	v35 =	vld [tilespmem:$0xE0]  }
0x42: {  	v36 =	vld [tilespmem:$0xF0]  }
0x43: {  	v37 =	vld [tilespmem:$0x100]  }
0x44: {  	v38 =	vld [tilespmem:$0x110]  }
0x45: {  	v39 =	vld [tilespmem:$0x120]  }
0x46: {  	v40 =	vld [tilespmem:$0x130]  }
0x47: {  	v41 =	vld [tilespmem:$0x140]  }
0x48: {  	v42 =	vld [tilespmem:$0x150]  }
0x49: {  	v43 =	vld [tilespmem:$0x160]  }
0x4a: {  	v54 =	vimm.f32 $0.0e+00;
	v44 =	vld [tilespmem:$0x170]  }
0x4b: {  	v55 =	vimm.f32 $0.0e+00;
	[tilespmem:$0x1FF20] =	vst v54;
	v45 =	vld [tilespmem:$0x180]  }
0x4c: {  	v56 =	vimm.f32 $0.0e+00;
	[tilespmem:$0x1FF30] =	vst v55;
	v46 =	vld [tilespmem:$0x190]  }
0x4d: {  	v57 =	vimm.f32 $0.0e+00;
	[tilespmem:$0x1FF40] =	vst v56;
	v47 =	vld [tilespmem:$0x1A0]  }
0x4e: {  	v58 =	vimm.f32 $0.0e+00;
	[tilespmem:$0x1FF50] =	vst v57;
	v48 =	vld [tilespmem:$0x1B0]  }
0x4f: {  	v59 =	vimm.f32 $0.0e+00;
	[tilespmem:$0x1FF60] =	vst v58;
	v49 =	vld [tilespmem:$0x1C0]  }
0x50: {  	v60 =	vimm.f32 $0.0e+00;
	[tilespmem:$0x1FF70] =	vst v59;
	v50 =	vld [tilespmem:$0x1D0]  }
0x51: {  	v61 =	vimm.f32 $0.0e+00;
	[tilespmem:$0x1FF80] =	vst v60;
	v51 =	vld [tilespmem:$0x1E0]  }
0x52: {  	v62 =	vimm.f32 $0.0e+00;
	[tilespmem:$0x1FF90] =	vst v61;
	v53 =	vld [tilespmem:$0x1F0];
	[tilespmem:s28], [sflag:$0x1] =	stream.strided.gather [hbm4b:s13+s28], $0x1400, s26, s28, $0x38  }
0x53: {  	[tilespmem:$0x1FFA0] =	vst v62  }
0x54: {  	[tilespmem:s29], [sflag:$0x2] =	stream.strided.gather [hbm4b:s14+s28], $0x1400, s26, s28, $0x38;
	[tilespmem:$0x2D00] =	vst v63  }
0x55: {  	[tilespmem:$0x1FD20] =	vst v0  }
0x56: {  	[tilespmem:$0x1FD30] =	vst v22  }
0x57: {  	[tilespmem:$0x1FD40] =	vst v23  }
0x58: {  	[tilespmem:$0x1FD50] =	vst v24  }
0x59: {  	[tilespmem:$0x1FD60] =	vst v25  }
0x5a: {  	[tilespmem:$0x1FD70] =	vst v26  }
0x5b: {  	[tilespmem:$0x1FD80] =	vst v27  }
0x5c: {  	[tilespmem:$0x1FD90] =	vst v28  }
0x5d: {  	[tilespmem:$0x1FDA0] =	vst v29  }
0x5e: {  	[tilespmem:$0x1FDB0] =	vst v30  }
0x5f: {  	[tilespmem:$0x1FDC0] =	vst v31  }
0x60: {  	[tilespmem:$0x1FDD0] =	vst v32  }
0x61: {  	[tilespmem:$0x1FDE0] =	vst v33  }
0x62: {  	[tilespmem:$0x1FDF0] =	vst v34  }
0x63: {  	[tilespmem:$0x1FE00] =	vst v35  }
0x64: {  	[tilespmem:$0x1FE10] =	vst v36  }
0x65: {  	[tilespmem:$0x1FE20] =	vst v37  }
0x66: {  	[tilespmem:$0x1FE30] =	vst v38  }
0x67: {  	[tilespmem:$0x1FE40] =	vst v39  }
0x68: {  	[tilespmem:$0x1FE50] =	vst v40  }
0x69: {  	[tilespmem:$0x1FE60] =	vst v41  }
0x6a: {  	[tilespmem:$0x1FE70] =	vst v42  }
0x6b: {  	[tilespmem:$0x1FE80] =	vst v43  }
0x6c: {  	[tilespmem:$0x1FE90] =	vst v44  }
0x6d: {  	[tilespmem:$0x1FEA0] =	vst v45  }
0x6e: {  	[tilespmem:$0x1FEB0] =	vst v46  }
0x6f: {  	[tilespmem:$0x1FEC0] =	vst v47  }
0x70: {  	[tilespmem:$0x1FED0] =	vst v48  }
0x71: {  	[tilespmem:$0x1FEE0] =	vst v49  }
0x72: {  	v54 =	vimm.f32 $0.0e+00;
	[tilespmem:$0x1FEF0] =	vst v50  }
0x73: {  	v55 =	vimm.f32 $0.0e+00;
	v56 =	vimm.f32 $0.0e+00;
	[tilespmem:$0x1FF00] =	vst v51;
	v47 =	vimm.f32 $0.0e+00  }
0x74: {  	s20 =	simm.s32 $0x0;
	[tilespmem:$0x1FF10] =	vst v53;
	v51 =	vimm.f32 $0.0e+00;
	v53 =	vimm.f32 $0.0e+00;
	v50 =	vimm.f32 $0.0e+00  }
.LBB2_2:
0x75: {  	[tilespmem:$0x1FCF0] =	vst v51  }
0x76: {  	[tilespmem:$0x1FD00] =	vst v50  }
0x77: {  	[tilespmem:$0x1FD10] =	vst v47  }
0x78: {  	_ =	swait.ge [sflag:s30], $0x1400  }
0x79: {  	[sflag:s30] =	ssyncset.done $0x0  }
0x7a: {  	s0 =	simm.s32 $0x0;
	[sflag:s30] =	ssyncadd.s32 $0xFFFFEC00  }
0x7b: {  	v32 =	vld [tilespmem:s0+$0x580]  }
0x7c: {  	v33 =	vld [tilespmem:s0+$0x590]  }
0x7d: {  	v34 =	vld [tilespmem:s0+$0x5A0]  }
0x7e: {  	v35 =	vld [tilespmem:s0+$0x5B0]  }
0x7f: {  	v12 =	vld [tilespmem:s0+$0x5C0]  }
0x80: {  	v15 =	vld [tilespmem:s0+$0x5D0]  }
0x81: {  	v43 =	vld [tilespmem:s0+$0x500]  }
0x82: {  	v58 =	vld [tilespmem:s0+$0x510]  }
0x83: {  	v39 =	vld [tilespmem:s0+$0x520]  }
0x84: {  	v44 =	vld [tilespmem:s0+$0x530]  }
0x85: {  	v31 =	vld [tilespmem:s0+$0x540]  }
0x86: {  	v0 =	vld [tilespmem:s0+$0x480]  }
0x87: {  	v1 =	vld [tilespmem:s0+$0x490]  }
0x88: {  	v2 =	vld [tilespmem:s0+$0x400]  }
0x89: {  	v3 =	vld [tilespmem:s0+$0x410]  }
0x8a: {  	v4 =	vld [tilespmem:s0+$0x420]  }
0x8b: {  	v5 =	vld [tilespmem:s0+$0x430]  }
0x8c: {  	v7 =	vld [tilespmem:s0+$0x4A0]  }
0x8d: {  	v8 =	vld [tilespmem:s0+$0x4B0]  }
0x8e: {  	v36 =	vld [tilespmem:s0+$0x550]  }
0x8f: {  	v38 =	vimm.f32 $0.0e+00;
	v59 =	vld [tilespmem:s0+$0x4C0]  }
0x90: {  	v60 =	vld [tilespmem:s0+$0x4D0];
	v2 =	vadd.f32 v2, v38;
	v3 =	vadd.f32 v3, v38  }
0x91: {  	v42 =	vimm.f32 $0.0e+00;
	v61 =	vld [tilespmem:s0+$0x440];
	v9 =	vadd.f32 v4, v38;
	v10 =	vadd.f32 v5, v38  }
0x92: {  	v40 =	vimm.f32 $0.0e+00;
	v62 =	vld [tilespmem:s0+$0x450];
	v4 =	vadd.f32 v0, v2;
	v5 =	vadd.f32 v1, v3  }
0x93: {  	s2 =	simm.s32 $0x800;
	v41 =	vimm.f32 $0.0e+00;
	v9 =	vadd.f32 v7, v9;
	v10 =	vadd.f32 v8, v10;
	v0 =	vld [tilespmem:s0+$0x460]  }
.LBB2_3:
0x94: {  	p0 =	sne.s32 s2, $0x4800;
	v1 =	vld [tilespmem:s0+$0x470];
	v2 =	vadd.f32 v43, v4;
	v3 =	vadd.f32 v58, v5  }
0x95: {  	v4 =	vld [tilespmem:s0+$0x4E0];
	v5 =	vadd.f32 v39, v9;
	v7 =	vadd.f32 v44, v10  }
0x96: {  	v8 =	vld [tilespmem:s0+$0x4F0];
	v2 =	vadd.f32 v32, v2;
	v3 =	vadd.f32 v33, v3  }
0x97: {  	v9 =	vld [tilespmem:s0+$0x560];
	v5 =	vadd.f32 v34, v5;
	v7 =	vadd.f32 v35, v7  }
0x98: {  	v10 =	vadd.f32 v61, v38;
	v11 =	vadd.f32 v62, v42;
	v13 =	vld [tilespmem:s0+$0x570]  }
0x99: {  	v0 =	vadd.f32 v0, v40;
	v1 =	vadd.f32 v1, v41;
	v14 =	vld [tilespmem:s0+$0x5E0]  }
0x9a: {  	v10 =	vadd.f32 v59, v10;
	v11 =	vadd.f32 v60, v11;
	v16 =	vld [tilespmem:s0+$0x5F0];
	s0 =	sshra.s32 s2, $0x2  }
0x9b: {  	v0 =	vadd.f32 v4, v0;
	v32 =	vld [tilespmem:s0+$0x580];
	v1 =	vadd.f32 v8, v1  }
0x9c: {  	v4 =	vadd.f32 v31, v10;
	v8 =	vadd.f32 v36, v11;
	v33 =	vld [tilespmem:s0+$0x590]  }
0x9d: {  	v0 =	vadd.f32 v9, v0;
	v34 =	vld [tilespmem:s0+$0x5A0];
	v1 =	vadd.f32 v13, v1  }
0x9e: {  	v38 =	vadd.f32 v12, v4;
	v42 =	vadd.f32 v15, v8;
	v35 =	vld [tilespmem:s0+$0x5B0]  }
0x9f: {  	v40 =	vadd.f32 v14, v0;
	v12 =	vld [tilespmem:s0+$0x5C0];
	v41 =	vadd.f32 v16, v1  }
0xa0: {  	v15 =	vld [tilespmem:s0+$0x5D0]  }
0xa1: {  	v43 =	vld [tilespmem:s0+$0x500]  }
0xa2: {  	v58 =	vld [tilespmem:s0+$0x510]  }
0xa3: {  	v39 =	vld [tilespmem:s0+$0x520]  }
0xa4: {  	v44 =	vld [tilespmem:s0+$0x530]  }
0xa5: {  	v31 =	vld [tilespmem:s0+$0x540]  }
0xa6: {  	v36 =	vld [tilespmem:s0+$0x550]  }
0xa7: {  	v0 =	vld [tilespmem:s0+$0x480]  }
0xa8: {  	v1 =	vld [tilespmem:s0+$0x490]  }
0xa9: {  	v4 =	vld [tilespmem:s0+$0x400]  }
0xaa: {  	v8 =	vld [tilespmem:s0+$0x410]  }
0xab: {  	v9 =	vld [tilespmem:s0+$0x420]  }
0xac: {  	v10 =	vld [tilespmem:s0+$0x430]  }
0xad: {  	v11 =	vld [tilespmem:s0+$0x4A0]  }
0xae: {  	v13 =	vld [tilespmem:s0+$0x4B0]  }
.Ltmp0:
0xaf: {  	v59 =	vld [tilespmem:s0+$0x4C0];
	(pc) =	sbr.rel @p0 .LBB2_3-.Ltmp0, $4  }
0xb0: {  	v2 =	vadd.f32 v4, v2;
	v3 =	vadd.f32 v8, v3;
	v60 =	vld [tilespmem:s0+$0x4D0]  }
0xb1: {  	v8 =	vadd.f32 v9, v5;
	v7 =	vadd.f32 v10, v7;
	v61 =	vld [tilespmem:s0+$0x440]  }
0xb2: {  	v4 =	vadd.f32 v0, v2;
	v5 =	vadd.f32 v1, v3;
	v62 =	vld [tilespmem:s0+$0x450]  }
0xb3: {  	s2 =	sadd.s32 $0x800, s2;
	v9 =	vadd.f32 v11, v8;
	v0 =	vld [tilespmem:s0+$0x460];
	v10 =	vadd.f32 v13, v7  }
0xb4: {  	v19 =	vld [tilespmem:s0+$0x470]  }
0xb5: {  	v30 =	vld [tilespmem:s0+$0x4E0]  }
0xb6: {  	s2 =	sshrl.u32 s20, $0x1;
	v37 =	vld [tilespmem:s0+$0x4F0]  }
0xb7: {  	s22 =	sshll.u32 s20, $0x1;
	v46 =	vld [tilespmem:s0+$0x560];
	s23 =	sshll.u32 s2, $0x2;
	s21 =	sshll.u32 s2, $0x7  }
0xb8: {  	s8 =	ssub.s32 s22, s23;
	v1 =	vld [tilespmem:s21+$0x200]  }
0xb9: {  	v11 =	vld [tilespmem:s21+$0x220];
	s2 =	smul.u32 $0x28, s8  }
0xba: {  	v47 =	vld [tilespmem:s0+$0x570]  }
0xbb: {  	v50 =	vld [tilespmem:s0+$0x5E0];
	s2 =	sadd.s32 $0x348, s2  }
0xbc: {  	v51 =	vld [tilespmem:s0+$0x5F0];
	v2 =	vmov s2  }
0xbd: {  	v18 =	vld [tilespmem:$0x1FFC0];
	v1 =	vsub.s32 v1, v2  }
0xbe: {  	v3 =	vld [tilespmem:s21+$0x210];
	v11 =	vsub.s32 v11, v2;
	v7 =	vshll.u32 v1, $0x7;
	vm4 =	vlt.u32 v1, $0x28  }
0xbf: {  	v16 =	vshll.u32 v11, $0x7;
	vm7 =	vlt.u32 v11, $0x28;
	v11 =	vld [tilespmem:$0x1FFB0];
	v1 =	vor.u32 v52, v7  }
0xc0: {  	v7 =	vld [tilespmem:s21+$0x230];
	v1 =	vsel vm4, v1, v52  }
0xc1: {  	v20 =	vld [tilespmem:$0x1FFD0]  }
0xc2: {  	v14 =	vld [tilespmem:s21+$0x240]  }
0xc3: {  	v8 =	vld [tilespmem:s21+$0x0];
	v3 =	vsub.s32 v3, v2  }
0xc4: {  	v17 =	vld [tilespmem:s21+$0x250];
	v13 =	vshll.u32 v3, $0x7;
	vm6 =	vlt.u32 v3, $0x28  }
0xc5: {  	v3 =	vor.u32 v63, v13;
	v7 =	vsub.s32 v7, v2;
	v13 =	vld.idx.msk [tilespmem:v1+s28+$0x0], $0xffff;
	v1 =	vor.u32 v11, v16  }
0xc6: {  	v22 =	vld [tilespmem:s21+$0x10];
	v3 =	vsel vm6, v3, v63;
	v1 =	vsel vm7, v1, v11;
	v11 =	vshll.u32 v7, $0x7  }
0xc7: {  	v16 =	vld [tilespmem:s21+$0x260];
	vm3 =	vlt.u32 v7, $0x28;
	v7 =	vor.u32 v18, v11  }
0xc8: {  	v11 =	vsub.s32 v14, v2;
	v7 =	vsel vm3, v7, v18;
	v18 =	vld [tilespmem:s21+$0x270]  }
0xc9: {  	v14 =	vshll.u32 v11, $0x7;
	vm5 =	vlt.u32 v11, $0x28;
	v11 =	vsub.s32 v17, v2;
	v17 =	vld [tilespmem:$0x1FFE0]  }
0xca: {  	v27 =	vld [tilespmem:s21+$0x20]  }
0xcb: {  	v48 =	vor.u32 $0x60, v52;
	s24 =	sadd.s32 $0x2, s22;
	v23 =	vld.idx.msk [tilespmem:v3+s28+$0x0], $0xffff;
	v3 =	vor.u32 v20, v14  }
0xcc: {  	v24 =	vld [tilespmem:s21+$0x30];
	s0 =	sand.u32 $0x2, s24;
	v14 =	vshll.u32 v11, $0x7;
	vm0 =	vlt.u32 v11, $0x28;
	v11 =	vsub.s32 v16, v2  }
0xcd: {  	v49 =	vor.u32 $0x70, v52;
	s25 =	sshrl.u32 s24, $0x2;
	v29 =	vld [tilespmem:s21+$0x40];
	s0 =	smul.u32 $0x28, s0;
	v3 =	vsel vm5, v3, v20;
	vm1 =	vlt.u32 v11, $0x28  }
0xce: {  	s2 =	smul.u32 $0x3E8, s25;
	v20 =	vld.idx.msk [tilespmem:v1+s28+$0x0], $0xffff;
	v1 =	vor.u32 v17, v14;
	v14 =	vshll.u32 v11, $0x7;
	v2 =	vsub.s32 v18, v2  }
0xcf: {  	v26 =	vld.idx.msk [tilespmem:v7+s28+$0x0], $0xffff;
	v1 =	vsel vm0, v1, v17;
	v7 =	vor.u32 v48, v14;
	v11 =	vshll.u32 v2, $0x7  }
0xd0: {  	v25 =	vld [tilespmem:s21+$0x50];
	s0 =	sadd.s32 s0, s2;
	vm2 =	vlt.u32 v2, $0x28;
	v7 =	vsel vm1, v7, v48;
	v2 =	vor.u32 v49, v11  }
0xd1: {  	v21 =	vld [tilespmem:s21+$0x60];
	s0 =	sshll.u32 s0, $0xC;
	v2 =	vsel vm2, v2, v49  }
0xd2: {  	s0 =	sor.u32 s12, s0;
	v14 =	vld [tilespmem:s21+$0x70]  }
0xd3: {  	s0 =	sadd.s32 $0x348000, s0;
	v28 =	vld.idx.msk [tilespmem:v3+s28+$0x0], $0xffff  }
0xd4: {  	s0 =	sshrl.u32 s0, $0x3;
	v18 =	vld.idx.msk [tilespmem:v1+s28+$0x0], $0xffff  }
0xd5: {  	s0 =	sadd.s32 s1, s0;
	v16 =	vld.idx.msk [tilespmem:v7+s28+$0x0], $0xffff  }
0xd6: {  	v7 =	vld.idx.msk [tilespmem:v2+s28+$0x0], $0xffff;
	[tilespmem:s28], [sflag:$0x1] =	stream.strided.gather [hbm4b:s0+s28], $0x1400, s26, s28, $0x38  }
0xd7: {  	_ =	swait.ge [sflag:s31], $0x1400  }
0xd8: {  	[sflag:s31] =	ssyncset.done $0x0  }
0xd9: {  	s7 =	simm.s32 $0x0;
	[sflag:s31] =	ssyncadd.s32 $0xFFFFEC00  }
0xda: {  	v63 =	vld [tilespmem:s7+$0x1980]  }
0xdb: {  	v1 =	vld [tilespmem:s7+$0x1990]  }
0xdc: {  	v2 =	vld [tilespmem:s7+$0x19A0]  }
0xdd: {  	v3 =	vld [tilespmem:s7+$0x19B0]  }
0xde: {  	v45 =	vld [tilespmem:s7+$0x19C0]  }
0xdf: {  	v57 =	vld [tilespmem:s7+$0x19D0]  }
0xe0: {  	v11 =	vld [tilespmem:s7+$0x1900]  }
0xe1: {  	v17 =	vld [tilespmem:s7+$0x1910]  }
0xe2: {  	v43 =	vadd.f32 v43, v4;
	v5 =	vadd.f32 v58, v5;
	v4 =	vld [tilespmem:s7+$0x1920]  }
0xe3: {  	v39 =	vadd.f32 v39, v9;
	v10 =	vadd.f32 v44, v10;
	v9 =	vld [tilespmem:s7+$0x1930]  }
0xe4: {  	v44 =	vadd.f32 v32, v43;
	v58 =	vld [tilespmem:s7+$0x1940]  }
0xe5: {  	v43 =	vadd.f32 v33, v5;
	v32 =	vadd.f32 v35, v10;
	v10 =	vld [tilespmem:s7+$0x1880]  }
0xe6: {  	v5 =	vadd.f32 v61, v38;
	v39 =	vadd.f32 v34, v39;
	v34 =	vld [tilespmem:s7+$0x1890]  }
0xe7: {  	v42 =	vadd.f32 v62, v42;
	v0 =	vadd.f32 v0, v40;
	v52 =	vld [tilespmem:s7+$0x1800]  }
0xe8: {  	v5 =	vadd.f32 v59, v5;
	v19 =	vadd.f32 v19, v41;
	v61 =	vld [tilespmem:s7+$0x1810]  }
0xe9: {  	v33 =	vadd.f32 v60, v42;
	v0 =	vadd.f32 v30, v0;
	v30 =	vld [tilespmem:s7+$0x1820]  }
0xea: {  	v5 =	vadd.f32 v31, v5;
	v19 =	vadd.f32 v37, v19;
	v62 =	vld [tilespmem:s7+$0x1830]  }
0xeb: {  	v31 =	vadd.f32 v36, v33;
	v0 =	vadd.f32 v46, v0;
	v46 =	vld [tilespmem:s7+$0x18A0]  }
0xec: {  	v19 =	vadd.f32 v47, v19;
	v47 =	vld [tilespmem:s7+$0x18B0]  }
0xed: {  	v33 =	vadd.f32 v15, v31;
	v15 =	vadd.f32 v50, v0;
	v0 =	vld [tilespmem:s7+$0x1950]  }
0xee: {  	v36 =	vadd.f32 v12, v5;
	v5 =	vimm.f32 $0.0e+00;
	v12 =	vadd.f32 v51, v19;
	v42 =	vld [tilespmem:s7+$0x18C0]  }
0xef: {  	v59 =	vld [tilespmem:s7+$0x18D0];
	v19 =	vadd.f32 v52, v5;
	v52 =	vadd.f32 v61, v5  }
0xf0: {  	s24 =	sor.u32 $0x10, s21;
	s4 =	sor.u32 $0x50, s21;
	v40 =	vimm.f32 $0.0e+00;
	v60 =	vld [tilespmem:s7+$0x1840];
	v30 =	vadd.f32 v30, v5;
	v37 =	vadd.f32 v62, v5  }
0xf1: {  	s5 =	sor.u32 $0x60, s21;
	s6 =	sor.u32 $0x70, s21;
	s8 =	simm.s32 $0x800;
	v41 =	vimm.f32 $0.0e+00;
	v61 =	vld [tilespmem:s7+$0x1850];
	v31 =	vadd.f32 v10, v19;
	v34 =	vadd.f32 v34, v52  }
0xf2: {  	s25 =	sor.u32 $0x20, s21;
	s2 =	sor.u32 $0x40, s21;
	s0 =	sor.u32 $0x30, s21;
	v62 =	vld [tilespmem:s7+$0x1860];
	v38 =	vadd.f32 v46, v30;
	v35 =	vadd.f32 v47, v37;
	v10 =	vimm.f32 $0.0e+00  }
.LBB2_5:
0xf3: {  	p0 =	sne.s32 s8, $0x4800;
	v19 =	vld [tilespmem:s7+$0x1870];
	v11 =	vadd.f32 v11, v31;
	v17 =	vadd.f32 v17, v34  }
0xf4: {  	v30 =	vld [tilespmem:s7+$0x18E0];
	v4 =	vadd.f32 v4, v38;
	v9 =	vadd.f32 v9, v35  }
0xf5: {  	v31 =	vld [tilespmem:s7+$0x18F0];
	v34 =	vadd.f32 v63, v11;
	v35 =	vadd.f32 v1, v17  }
0xf6: {  	v11 =	vld [tilespmem:s7+$0x1960];
	v37 =	vadd.f32 v2, v4;
	v38 =	vadd.f32 v3, v9  }
0xf7: {  	v1 =	vadd.f32 v60, v5;
	v2 =	vadd.f32 v61, v40;
	v3 =	vld [tilespmem:s7+$0x1970]  }
0xf8: {  	v4 =	vadd.f32 v62, v41;
	v5 =	vadd.f32 v19, v10;
	v9 =	vld [tilespmem:s7+$0x19E0]  }
0xf9: {  	v10 =	vadd.f32 v42, v1;
	v2 =	vadd.f32 v59, v2;
	v17 =	vld [tilespmem:s7+$0x19F0];
	s7 =	sshra.s32 s8, $0x2  }
0xfa: {  	v4 =	vadd.f32 v30, v4;
	v63 =	vld [tilespmem:s7+$0x1980];
	v5 =	vadd.f32 v31, v5  }
0xfb: {  	v10 =	vadd.f32 v58, v10;
	v0 =	vadd.f32 v0, v2;
	v1 =	vld [tilespmem:s7+$0x1990]  }
0xfc: {  	v4 =	vadd.f32 v11, v4;
	v2 =	vld [tilespmem:s7+$0x19A0];
	v11 =	vadd.f32 v3, v5  }
0xfd: {  	v5 =	vadd.f32 v45, v10;
	v40 =	vadd.f32 v57, v0;
	v3 =	vld [tilespmem:s7+$0x19B0]  }
0xfe: {  	v41 =	vadd.f32 v9, v4;
	v45 =	vld [tilespmem:s7+$0x19C0];
	v10 =	vadd.f32 v17, v11  }
0xff: {  	v57 =	vld [tilespmem:s7+$0x19D0]  }
0x100: {  	v11 =	vld [tilespmem:s7+$0x1900]  }
0x101: {  	v17 =	vld [tilespmem:s7+$0x1910]  }
0x102: {  	v4 =	vld [tilespmem:s7+$0x1920]  }
0x103: {  	v9 =	vld [tilespmem:s7+$0x1930]  }
0x104: {  	v58 =	vld [tilespmem:s7+$0x1940]  }
0x105: {  	v0 =	vld [tilespmem:s7+$0x1950]  }
0x106: {  	v19 =	vld [tilespmem:s7+$0x1880]  }
0x107: {  	v30 =	vld [tilespmem:s7+$0x1890]  }
0x108: {  	v31 =	vld [tilespmem:s7+$0x1800]  }
0x109: {  	v46 =	vld [tilespmem:s7+$0x1810]  }
0x10a: {  	v47 =	vld [tilespmem:s7+$0x1820]  }
0x10b: {  	v50 =	vld [tilespmem:s7+$0x1830]  }
0x10c: {  	v51 =	vld [tilespmem:s7+$0x18A0]  }
0x10d: {  	v52 =	vld [tilespmem:s7+$0x18B0]  }
.Ltmp1:
0x10e: {  	v42 =	vld [tilespmem:s7+$0x18C0];
	(pc) =	sbr.rel @p0 .LBB2_5-.Ltmp1, $4  }
0x10f: {  	v31 =	vadd.f32 v31, v34;
	v34 =	vadd.f32 v46, v35;
	v59 =	vld [tilespmem:s7+$0x18D0]  }
0x110: {  	v35 =	vadd.f32 v47, v37;
	v37 =	vadd.f32 v50, v38;
	v60 =	vld [tilespmem:s7+$0x1840]  }
0x111: {  	v31 =	vadd.f32 v19, v31;
	v34 =	vadd.f32 v30, v34;
	v61 =	vld [tilespmem:s7+$0x1850]  }
0x112: {  	s8 =	sadd.s32 $0x800, s8;
	v38 =	vadd.f32 v51, v35;
	v62 =	vld [tilespmem:s7+$0x1860];
	v35 =	vadd.f32 v52, v37  }
0x113: {  	v11 =	vadd.f32 v11, v31;
	v17 =	vadd.f32 v17, v34  }
0x114: {  	v19 =	vld [tilespmem:s7+$0x1870];
	vm8 =	vgt.s32 v8, $0x0;
	vm9 =	vgt.s32 v22, $0x0;
	vm13 =	vgt.s32 v27, $0x0  }
0x115: {  	v50 =	vld [tilespmem:s7+$0x18E0];
	vm14 =	vgt.s32 v24, $0x0;
	vm15 =	vgt.s32 v29, $0x0;
	vm10 =	vgt.s32 v21, $0x0  }
0x116: {  	v51 =	vld [tilespmem:s7+$0x18F0];
	vm11 =	vgt.s32 v14, $0x0;
	v4 =	vadd.f32 v4, v38;
	v9 =	vadd.f32 v9, v35  }
0x117: {  	v46 =	vld [tilespmem:$0x1FFA0];
	v30 =	vsel vm13, $0x3F800000, v6;
	v31 =	vadd.f32 v63, v11;
	v34 =	vadd.f32 v1, v17  }
0x118: {  	v47 =	vld [tilespmem:$0x1FF50];
	v52 =	vadd.f32 v60, v5;
	v17 =	vsel vm9, $0x3F800000, v6;
	v35 =	vadd.f32 v2, v4  }
0x119: {  	v60 =	vld [tilespmem:s7+$0x1960];
	vm9 =	vgt.s32 v25, $0x0;
	v38 =	vadd.f32 v3, v9;
	v4 =	vadd.f32 v61, v40  }
0x11a: {  	v63 =	vld [tilespmem:s7+$0x19F0];
	v9 =	vsel vm8, $0x3F800000, v6;
	v5 =	vadd.f32 v62, v41;
	v2 =	vadd.f32 v42, v52  }
0x11b: {  	v61 =	vld [tilespmem:s7+$0x1970];
	v13 =	vmul.f32 v13, v9;
	v41 =	vmul.f32 v20, v30;
	v10 =	vadd.f32 v19, v10  }
0x11c: {  	v62 =	vld [tilespmem:s7+$0x19E0];
	v4 =	vadd.f32 v59, v4;
	v19 =	vmul.f32 v23, v17;
	v5 =	vadd.f32 v50, v5  }
0x11d: {  	v52 =	vld [tilespmem:$0x1FF90];
	v2 =	vadd.f32 v58, v2;
	v42 =	vnsel vm7, $0x0, v41;
	v58 =	vsel vm9, $0x3F800000, v6  }
0x11e: {  	s8 =	sor.u32 $0x1, s22;
	v1 =	vadd.f32 v51, v10;
	v0 =	vadd.f32 v0, v4;
	v37 =	vnsel vm6, $0x0, v19;
	v51 =	vld [tilespmem:s6+$0x200]  }
0x11f: {  	s7 =	ssub.s32 s8, s23;
	v59 =	vmul.f32 v58, v33;
	v11 =	vmul.f32 v18, v58;
	v33 =	vld [tilespmem:$0x1FF70];
	v3 =	vadd.f32 v60, v5  }
0x120: {  	s7 =	smul.u32 $0x28, s7;
	v58 =	vld [tilespmem:$0x1FFC0];
	v40 =	vadd.f32 v45, v2;
	v2 =	vnsel vm4, $0x0, v13;
	v20 =	vadd.f32 v37, v53  }
0x121: {  	v45 =	vsel vm15, $0x3F800000, v6;
	v60 =	vld [tilespmem:s21+$0x200];
	v4 =	vadd.f32 v61, v1;
	v1 =	vadd.f32 v57, v0  }
0x122: {  	s7 =	sadd.s32 $0x348, s7;
	v0 =	vmul.f32 v9, v44;
	v13 =	vadd.f32 v2, v54;
	v50 =	vmul.f32 v28, v45;
	v54 =	vld [tilespmem:$0x1FF40]  }
0x123: {  	v10 =	vmul.f32 v45, v36;
	v57 =	vld [tilespmem:$0x1FF30];
	v61 =	vmov s7;
	v11 =	vnsel vm0, $0x0, v11  }
0x124: {  	v36 =	vld [tilespmem:s25+$0x200];
	v5 =	vadd.f32 v62, v3;
	v3 =	vmul.f32 v17, v43;
	v43 =	vsel vm14, $0x3F800000, v6  }
0x125: {  	v45 =	vld [tilespmem:$0x1FF20];
	v62 =	vsel vm10, $0x3F800000, v6;
	v8 =	vadd.f32 v0, v56;
	v0 =	vmul.f32 v30, v39  }
0x126: {  	v4 =	vadd.f32 v63, v4;
	v44 =	vmul.f32 v26, v43;
	v56 =	vld [tilespmem:$0x1FF80];
	v16 =	vmul.f32 v16, v62  }
0x127: {  	v63 =	vld [tilespmem:s24+$0x200];
	v15 =	vmul.f32 v62, v15;
	v22 =	vadd.f32 v3, v55;
	v3 =	vmul.f32 v43, v32  }
0x128: {  	v39 =	vld [tilespmem:s5+$0x200];
	v55 =	vnsel vm5, $0x0, v50;
	v17 =	vsub.s32 v51, v61;
	v19 =	vadd.f32 v59, v33  }
0x129: {  	v30 =	vld [tilespmem:$0x1FD10];
	v23 =	vadd.f32 v0, v46;
	v0 =	vadd.f32 v42, v47;
	v53 =	vnsel vm3, $0x0, v44  }
0x12a: {  	v43 =	vld [tilespmem:s0+$0x200];
	v37 =	vshll.u32 v17, $0x7;
	vm5 =	vlt.u32 v17, $0x28;
	v42 =	vsel vm11, $0x3F800000, v6  }
0x12b: {  	v50 =	vld [tilespmem:$0x1FCF0];
	v16 =	vnsel vm1, $0x0, v16;
	v21 =	vsub.s32 v60, v61;
	v2 =	vadd.f32 v3, v52  }
0x12c: {  	v51 =	vld [tilespmem:$0x1FD00];
	v3 =	vadd.f32 v53, v54;
	v9 =	vadd.f32 v55, v57;
	v41 =	vor.u32 v49, v37  }
0x12d: {  	v44 =	vld [tilespmem:s2+$0x200];
	v7 =	vmul.f32 v7, v42;
	v12 =	vmul.f32 v42, v12;
	v11 =	vadd.f32 v11, v45  }
0x12e: {  	v46 =	vld [tilespmem:$0x1FF60];
	v26 =	vsub.s32 v36, v61;
	vm0 =	vlt.u32 v21, $0x28;
	v21 =	vshll.u32 v21, $0x7  }
0x12f: {  	v47 =	vld [tilespmem:s4+$0x200];
	v17 =	vsel vm5, v41, v49;
	vm15 =	vlt.u32 v26, $0x28;
	v26 =	vshll.u32 v26, $0x7  }
0x130: {  	v52 =	vld [tilespmem:s6+$0x0];
	v10 =	vadd.f32 v10, v56;
	v7 =	vnsel vm2, $0x0, v7;
	v14 =	vsub.s32 v39, v61  }
0x131: {  	v54 =	vld [tilespmem:$0x1FFE0];
	v25 =	vsub.s32 v63, v61;
	vm7 =	vlt.u32 v14, $0x28;
	v14 =	vshll.u32 v14, $0x7  }
0x132: {  	v53 =	vld [tilespmem:s5+$0x0];
	v16 =	vadd.f32 v16, v50;
	v12 =	vadd.f32 v12, v51;
	v14 =	vor.u32 v48, v14  }
0x133: {  	v57 =	vld [tilespmem:$0x1FFD0];
	v7 =	vadd.f32 v7, v30;
	v27 =	vsub.s32 v43, v61;
	v14 =	vsel vm7, v14, v48  }
0x134: {  	v63 =	vld [tilespmem:$0x1FFB0];
	vm9 =	vlt.u32 v25, $0x28;
	v15 =	vadd.f32 v15, v46;
	v24 =	vsub.s32 v47, v61  }
0x135: {  	v18 =	vsub.s32 v44, v61;
	vm3 =	vlt.u32 v27, $0x28;
	v28 =	vshll.u32 v24, $0x7;
	v17 =	vld.idx.msk [tilespmem:v17+s29+$0x0], $0xffff  }
0x136: {  	v27 =	vshll.u32 v27, $0x7;
	vm13 =	vlt.u32 v24, $0x28;
	v55 =	vor.u32 v54, v28  }
0x137: {  	v59 =	vld [tilespmem:s4+$0x0];
	vm2 =	vlt.u32 v18, $0x28;
	vm12 =	vgt.s32 v52, $0x0;
	v24 =	vsel vm13, v55, v54  }
0x138: {  	v18 =	vshll.u32 v18, $0x7;
	v27 =	vor.u32 v58, v27;
	vm14 =	vgt.s32 v53, $0x0;
	v14 =	vld.idx.msk [tilespmem:v14+s29+$0x0], $0xffff  }
0x139: {  	v32 =	vld [tilespmem:s0+$0x0];
	v56 =	vsel vm12, $0x3F800000, v6;
	v18 =	vor.u32 v57, v18;
	v26 =	vor.u32 v63, v26  }
0x13a: {  	v4 =	vmul.f32 v56, v4;
	v30 =	vsel vm15, v26, v63;
	v63 =	vld [tilespmem:$0x1FFF0];
	v17 =	vmul.f32 v56, v17  }
0x13b: {  	v41 =	vld [tilespmem:s24+$0x0];
	v52 =	vlaneseq.u32;
	v27 =	vsel vm3, v27, v58;
	v18 =	vsel vm2, v18, v57  }
0x13c: {  	v50 =	vadd.f32 v4, v12;
	v4 =	vsel vm14, $0x3F800000, v6;
	v24 =	vld.idx.msk [tilespmem:v24+s29+$0x0], $0xffff;
	v17 =	vnsel vm5, $0x0, v17  }
0x13d: {  	s23 =	sadd.s32 $0x3, s22;
	v47 =	vadd.f32 v17, v7;
	v7 =	vld [tilespmem:s2+$0x0];
	v14 =	vmul.f32 v4, v14;
	v4 =	vmul.f32 v4, v5  }
0x13e: {  	s0 =	sand.u32 $0x3, s23;
	v37 =	vld [tilespmem:s25+$0x0];
	v25 =	vshll.u32 v25, $0x7;
	vm10 =	vgt.s32 v59, $0x0;
	v21 =	vor.u32 v52, v21  }
0x13f: {  	s0 =	smul.u32 $0x28, s0;
	s25 =	sshrl.u32 s23, $0x2;
	v12 =	vor.u32 v63, v25;
	v5 =	vsel vm10, $0x3F800000, v6;
	v4 =	vadd.f32 v4, v15  }
0x140: {  	vm12 =	vgt.s32 v32, $0x0;
	v18 =	vld.idx.msk [tilespmem:v18+s29+$0x0], $0xffff;
	v12 =	vsel vm9, v12, v63;
	s2 =	smul.u32 $0x3E8, s25;
	v1 =	vmul.f32 v5, v1  }
0x141: {  	v33 =	vld.idx.msk [tilespmem:v27+s29+$0x0], $0xffff;
	v14 =	vnsel vm7, $0x0, v14;
	v36 =	vmul.f32 v5, v24;
	[tilespmem:$0x1FF60] =	vst v4;
	v4 =	vsel vm0, v21, v52  }
0x142: {  	vm14 =	vgt.s32 v41, $0x0;
	s0 =	sadd.s32 s0, s2;
	v51 =	vadd.f32 v14, v16;
	vm11 =	vgt.s32 v7, $0x0;
	v7 =	vld.idx.msk [tilespmem:v30+s29+$0x0], $0xffff  }
0x143: {  	s0 =	sshll.u32 s0, $0xC;
	v1 =	vadd.f32 v1, v19;
	v14 =	vnsel vm13, $0x0, v36;
	vm13 =	vgt.s32 v37, $0x0  }
0x144: {  	v43 =	vld [tilespmem:s21+$0x0];
	s0 =	sor.u32 s12, s0;
	v5 =	vsel vm11, $0x3F800000, v6;
	v11 =	vadd.f32 v14, v11;
	v45 =	vsel vm13, $0x3F800000, v6  }
0x145: {  	v12 =	vld.idx.msk [tilespmem:v12+s29+$0x0], $0xffff;
	s0 =	sadd.s32 $0x348000, s0;
	v39 =	vmul.f32 v5, v18;
	v42 =	vmul.f32 v5, v40;
	v5 =	vsel vm12, $0x3F800000, v6  }
0x146: {  	v55 =	vsel vm14, $0x3F800000, v6;
	[tilespmem:$0x1FF70] =	vst v1;
	s0 =	sshrl.u32 s0, $0x3;
	v56 =	vmul.f32 v45, v35;
	v44 =	vmul.f32 v5, v33;
	v4 =	vld.idx.msk [tilespmem:v4+s29+$0x0], $0xffff  }
0x147: {  	s20 =	sadd.s32 $0x1, s20;
	s0 =	sadd.s32 s1, s0;
	[tilespmem:$0x1FF20] =	vst v11;
	v11 =	vnsel vm2, $0x0, v39;
	v1 =	vadd.f32 v42, v10;
	v7 =	vmul.f32 v45, v7  }
0x148: {  	v5 =	vmul.f32 v5, v38;
	v59 =	vadd.f32 v56, v23;
	v9 =	vadd.f32 v11, v9;
	[tilespmem:s29], [sflag:$0x2] =	stream.strided.gather [hbm4b:s0+s28], $0x1400, s26, s28, $0x38;
	[tilespmem:$0x2D00] =	vst v63  }
0x149: {  	p0 =	sne.s32 s20, $0x7;
	v46 =	vnsel vm3, $0x0, v44;
	[tilespmem:$0x1FF80] =	vst v1;
	v54 =	vnsel vm15, $0x0, v7;
	vm15 =	vgt.s32 v43, $0x0  }
.Ltmp2:
0x14a: {  	v53 =	vadd.f32 v5, v2;
	v5 =	vmul.f32 v55, v12;
	[tilespmem:$0x1FFA0] =	vst v59;
	v7 =	vsel vm15, $0x3F800000, v6;
	(pc) =	sbr.rel @p0 .LBB2_2-.Ltmp2, $4  }
0x14b: {  	v57 =	vmul.f32 v55, v34;
	v1 =	vadd.f32 v46, v3;
	[tilespmem:$0x1FF30] =	vst v9;
	v58 =	vmul.f32 v7, v4  }
0x14c: {  	[tilespmem:$0x1FF90] =	vst v53;
	v61 =	vnsel vm9, $0x0, v5;
	v0 =	vadd.f32 v54, v0;
	v60 =	vmul.f32 v7, v31  }
0x14d: {  	v55 =	vadd.f32 v57, v22;
	[tilespmem:$0x1FF40] =	vst v1;
	v53 =	vadd.f32 v61, v20;
	v62 =	vnsel vm0, $0x0, v58  }
0x14e: {  	[tilespmem:$0x1FF50] =	vst v0;
	v56 =	vadd.f32 v60, v8;
	v54 =	vadd.f32 v62, v13  }
0x14f: {  	_ =	swait.ge [sflag:s30], $0x1400  }
0x150: {  	[sflag:s30] =	ssyncset.done $0x0  }
0x151: {  	s0 =	simm.s32 $0x0;
	[sflag:s30] =	ssyncadd.s32 $0xFFFFEC00  }
0x152: {  	v21 =	vld [tilespmem:s0+$0x580]  }
0x153: {  	v24 =	vld [tilespmem:s0+$0x590]  }
0x154: {  	v42 =	vld [tilespmem:s0+$0x5A0]  }
0x155: {  	v45 =	vld [tilespmem:s0+$0x5B0]  }
0x156: {  	v39 =	vld [tilespmem:s0+$0x5C0]  }
0x157: {  	v40 =	vld [tilespmem:s0+$0x5D0]  }
0x158: {  	v44 =	vld [tilespmem:s0+$0x500]  }
0x159: {  	v36 =	vld [tilespmem:s0+$0x510]  }
0x15a: {  	v43 =	vld [tilespmem:s0+$0x520]  }
0x15b: {  	v35 =	vld [tilespmem:s0+$0x530]  }
0x15c: {  	v41 =	vld [tilespmem:s0+$0x540]  }
0x15d: {  	v1 =	vld [tilespmem:s0+$0x480]  }
0x15e: {  	v2 =	vld [tilespmem:s0+$0x490]  }
0x15f: {  	v0 =	vld [tilespmem:s0+$0x400]  }
0x160: {  	v3 =	vld [tilespmem:s0+$0x410]  }
0x161: {  	v4 =	vld [tilespmem:s0+$0x420]  }
0x162: {  	v5 =	vld [tilespmem:s0+$0x430]  }
0x163: {  	v7 =	vld [tilespmem:s0+$0x4A0]  }
0x164: {  	v8 =	vld [tilespmem:s0+$0x4B0]  }
0x165: {  	v28 =	vld [tilespmem:s0+$0x550]  }
0x166: {  	v31 =	vimm.f32 $0.0e+00;
	v38 =	vld [tilespmem:s0+$0x4C0]  }
0x167: {  	v62 =	vld [tilespmem:s0+$0x4D0];
	v9 =	vadd.f32 v0, v31;
	v10 =	vadd.f32 v3, v31  }
0x168: {  	v34 =	vimm.f32 $0.0e+00;
	v11 =	vadd.f32 v4, v31;
	v12 =	vadd.f32 v5, v31;
	v0 =	vld [tilespmem:s0+$0x440]  }
0x169: {  	v32 =	vimm.f32 $0.0e+00;
	v3 =	vadd.f32 v1, v9;
	v4 =	vadd.f32 v2, v10;
	v1 =	vld [tilespmem:s0+$0x450]  }
0x16a: {  	s2 =	simm.s32 $0x800;
	v33 =	vimm.f32 $0.0e+00;
	v5 =	vadd.f32 v7, v11;
	v9 =	vadd.f32 v8, v12;
	v2 =	vld [tilespmem:s0+$0x460]  }
.LBB2_8:
0x16b: {  	p0 =	sne.s32 s2, $0x4800;
	v7 =	vld [tilespmem:s0+$0x470];
	v3 =	vadd.f32 v44, v3;
	v4 =	vadd.f32 v36, v4  }
0x16c: {  	v8 =	vld [tilespmem:s0+$0x4E0];
	v5 =	vadd.f32 v43, v5;
	v9 =	vadd.f32 v35, v9  }
0x16d: {  	v10 =	vld [tilespmem:s0+$0x4F0];
	v3 =	vadd.f32 v21, v3;
	v4 =	vadd.f32 v24, v4  }
0x16e: {  	v11 =	vld [tilespmem:s0+$0x560];
	v5 =	vadd.f32 v42, v5;
	v9 =	vadd.f32 v45, v9  }
0x16f: {  	v0 =	vadd.f32 v0, v31;
	v1 =	vadd.f32 v1, v34;
	v12 =	vld [tilespmem:s0+$0x570]  }
0x170: {  	v2 =	vadd.f32 v2, v32;
	v7 =	vadd.f32 v7, v33;
	v13 =	vld [tilespmem:s0+$0x5E0]  }
0x171: {  	v0 =	vadd.f32 v38, v0;
	v1 =	vadd.f32 v62, v1;
	v14 =	vld [tilespmem:s0+$0x5F0];
	s0 =	sshra.s32 s2, $0x2  }
0x172: {  	v2 =	vadd.f32 v8, v2;
	v21 =	vld [tilespmem:s0+$0x580];
	v7 =	vadd.f32 v10, v7  }
0x173: {  	v0 =	vadd.f32 v41, v0;
	v1 =	vadd.f32 v28, v1;
	v24 =	vld [tilespmem:s0+$0x590]  }
0x174: {  	v2 =	vadd.f32 v11, v2;
	v42 =	vld [tilespmem:s0+$0x5A0];
	v7 =	vadd.f32 v12, v7  }
0x175: {  	v31 =	vadd.f32 v39, v0;
	v34 =	vadd.f32 v40, v1;
	v45 =	vld [tilespmem:s0+$0x5B0]  }
0x176: {  	v32 =	vadd.f32 v13, v2;
	v39 =	vld [tilespmem:s0+$0x5C0];
	v33 =	vadd.f32 v14, v7  }
0x177: {  	v40 =	vld [tilespmem:s0+$0x5D0]  }
0x178: {  	v44 =	vld [tilespmem:s0+$0x500]  }
0x179: {  	v36 =	vld [tilespmem:s0+$0x510]  }
0x17a: {  	v43 =	vld [tilespmem:s0+$0x520]  }
0x17b: {  	v35 =	vld [tilespmem:s0+$0x530]  }
0x17c: {  	v41 =	vld [tilespmem:s0+$0x540]  }
0x17d: {  	v28 =	vld [tilespmem:s0+$0x550]  }
0x17e: {  	v2 =	vld [tilespmem:s0+$0x480]  }
0x17f: {  	v7 =	vld [tilespmem:s0+$0x490]  }
0x180: {  	v0 =	vld [tilespmem:s0+$0x400]  }
0x181: {  	v1 =	vld [tilespmem:s0+$0x410]  }
0x182: {  	v8 =	vld [tilespmem:s0+$0x420]  }
0x183: {  	v10 =	vld [tilespmem:s0+$0x430]  }
0x184: {  	v11 =	vld [tilespmem:s0+$0x4A0]  }
0x185: {  	v12 =	vld [tilespmem:s0+$0x4B0]  }
.Ltmp3:
0x186: {  	v38 =	vld [tilespmem:s0+$0x4C0];
	(pc) =	sbr.rel @p0 .LBB2_8-.Ltmp3, $4  }
0x187: {  	v3 =	vadd.f32 v0, v3;
	v4 =	vadd.f32 v1, v4;
	v62 =	vld [tilespmem:s0+$0x4D0]  }
0x188: {  	v5 =	vadd.f32 v8, v5;
	v8 =	vadd.f32 v10, v9;
	v0 =	vld [tilespmem:s0+$0x440]  }
0x189: {  	v3 =	vadd.f32 v2, v3;
	v4 =	vadd.f32 v7, v4;
	v1 =	vld [tilespmem:s0+$0x450]  }
0x18a: {  	s2 =	sadd.s32 $0x800, s2;
	v5 =	vadd.f32 v11, v5;
	v2 =	vld [tilespmem:s0+$0x460];
	v9 =	vadd.f32 v12, v8  }
0x18b: {  	v14 =	vld [tilespmem:$0x390];
	_ =	sdelay $0x2  }
0x18c: {  	v16 =	vld [tilespmem:$0x380];
	_ =	sdelay $0x1  }
0x18d: {  	v13 =	vor.u32 $0xFFFE3410, v52;
	v12 =	vadd.s32 $0xFFFFFC68, v14;
	v20 =	vshll.u32 v14, $0x7  }
0x18e: {  	vm5 =	vlt.u32 v12, $0x28;
	v12 =	vadd.s32 v13, v20  }
0x18f: {  	v12 =	vsel vm5, v12, v63  }
0x190: {  	v8 =	vor.u32 $0xFFFE3400, v52;
	v7 =	vadd.s32 $0xFFFFFC68, v16;
	v18 =	vshll.u32 v16, $0x7  }
0x191: {  	v61 =	vld [tilespmem:$0x3B0];
	vm4 =	vlt.u32 v7, $0x28;
	v7 =	vadd.s32 v8, v18  }
0x192: {  	v59 =	vld [tilespmem:$0x3C0];
	v7 =	vsel vm4, v7, v52  }
0x193: {  	v8 =	vld [tilespmem:$0x3A0]  }
0x194: {  	v12 =	vld.idx.msk [tilespmem:v12+s28+$0x0], $0xffff  }
0x195: {  	v13 =	vld [tilespmem:$0x180]  }
0x196: {  	v25 =	vld [tilespmem:$0x1FFB0]  }
0x197: {  	v7 =	vld.idx.msk [tilespmem:v7+s28+$0x0], $0xffff;
	_ =	sdelay $0x1  }
0x198: {  	v22 =	vor.u32 $0xFFFE3420, v52;
	[tilespmem:$0x1FBF0] =	vst v12;
	v12 =	vld [tilespmem:$0x1FFC0]  }
0x199: {  	v23 =	vor.u32 $0xFFFE3430, v52;
	[tilespmem:$0x1FBC0] =	vst v13;
	v13 =	vadd.s32 $0xFFFFFC68, v8;
	v15 =	vshll.u32 v8, $0x7  }
0x19a: {  	v26 =	vshll.u32 v59, $0x7;
	vm6 =	vlt.u32 v13, $0x28;
	v22 =	vadd.s32 v22, v15  }
0x19b: {  	v13 =	vshll.u32 v61, $0x7;
	v22 =	vsel vm6, v22, v25;
	[tilespmem:$0x1FBD0] =	vst v7;
	v7 =	vadd.s32 $0xFFFFFC68, v61  }
0x19c: {  	v25 =	vor.u32 $0xFFFE3440, v52;
	vm7 =	vlt.u32 v7, $0x28;
	v7 =	vadd.s32 v23, v13  }
0x19d: {  	[tilespmem:$0x1FC00] =	vst v26;
	v7 =	vsel vm7, v7, v12;
	v12 =	vadd.s32 v25, v26;
	v26 =	vld [tilespmem:$0x1A0];
	_ =	sdelay $0x2  }
0x19e: {  	v23 =	vld [tilespmem:$0x190]  }
0x19f: {  	v57 =	vld [tilespmem:$0x3D0]  }
0x1a0: {  	[tilespmem:$0x1FC10] =	vst v26;
	v26 =	vld [tilespmem:$0x1FFD0];
	_ =	sdelay $0x2  }
0x1a1: {  	[tilespmem:$0x1FBE0] =	vst v23;
	v23 =	vadd.s32 $0xFFFFFC68, v59  }
0x1a2: {  	v27 =	vshll.u32 v57, $0x7;
	v25 =	vor.u32 $0xFFFE3450, v52;
	vm1 =	vlt.u32 v23, $0x28  }
0x1a3: {  	v26 =	vsel vm1, v12, v26;
	v12 =	vadd.s32 v25, v27;
	v25 =	vld [tilespmem:$0x1B0];
	_ =	sdelay $0x1  }
0x1a4: {  	v58 =	vld [tilespmem:$0x3E0]  }
0x1a5: {  	v22 =	vld.idx.msk [tilespmem:v22+s28+$0x0], $0xffff;
	_ =	sdelay $0x1  }
0x1a6: {  	[tilespmem:$0x1FC40] =	vst v25;
	v25 =	vld [tilespmem:$0x1FFE0]  }
0x1a7: {  	v7 =	vld.idx.msk [tilespmem:v7+s28+$0x0], $0xffff;
	_ =	sdelay $0x1  }
0x1a8: {  	[tilespmem:$0x1FC30] =	vst v22;
	v22 =	vadd.s32 $0xFFFFFC68, v58;
	v23 =	vadd.s32 $0xFFFFFC68, v57  }
0x1a9: {  	[tilespmem:$0x1FC20] =	vst v27;
	vm3 =	vlt.u32 v23, $0x28;
	v23 =	vor.u32 $0xFFFE3460, v52;
	v27 =	vshll.u32 v58, $0x7  }
0x1aa: {  	v60 =	vld [tilespmem:$0x3F0];
	vm2 =	vlt.u32 v22, $0x28;
	v25 =	vsel vm3, v12, v25;
	v12 =	vadd.s32 v23, v27  }
0x1ab: {  	[tilespmem:$0x1FC60] =	vst v7;
	v7 =	vsel vm2, v12, v48;
	v12 =	vld [tilespmem:$0x1C0];
	_ =	sdelay $0x4  }
0x1ac: {  	v22 =	vadd.s32 $0xFFFFFC68, v60;
	v23 =	vor.u32 $0xFFFE3470, v52;
	[tilespmem:$0x1FC70] =	vst v12;
	v12 =	vshll.u32 v60, $0x7;
	v7 =	vld.idx.msk [tilespmem:v7+s28+$0x0], $0xffff  }
0x1ad: {  	vm0 =	vlt.u32 v22, $0x28;
	v22 =	vadd.s32 v23, v12;
	v23 =	vld [tilespmem:$0x1D0];
	_ =	sdelay $0x3  }
0x1ae: {  	v22 =	vsel vm0, v22, v49;
	[tilespmem:$0x1FCC0] =	vst v7;
	v7 =	vld [tilespmem:$0x1F0]  }
0x1af: {  	[tilespmem:$0x1FC90] =	vst v23;
	v23 =	vld.idx.msk [tilespmem:v25+s28+$0x0], $0xffff;
	_ =	sdelay $0x1  }
0x1b0: {  	v10 =	vld [tilespmem:s0+$0x470]  }
0x1b1: {  	v26 =	vld.idx.msk [tilespmem:v26+s28+$0x0], $0xffff  }
0x1b2: {  	[tilespmem:$0x1FCD0] =	vst v7;
	v7 =	vld.idx.msk [tilespmem:v22+s28+$0x0], $0xffff  }
0x1b3: {  	[tilespmem:$0x1FCA0] =	vst v23;
	v23 =	vld [tilespmem:$0x1E0]  }
0x1b4: {  	v11 =	vld [tilespmem:s0+$0x4E0]  }
0x1b5: {  	v17 =	vld [tilespmem:s0+$0x4F0];
	[tilespmem:$0x1FC50] =	vst v27  }
0x1b6: {  	v19 =	vld [tilespmem:s0+$0x560];
	[tilespmem:$0x1FC80] =	vst v26  }
0x1b7: {  	v30 =	vld [tilespmem:s0+$0x570];
	[tilespmem:$0x1FCE0] =	vst v7  }
0x1b8: {  	v37 =	vld [tilespmem:s0+$0x5E0];
	[tilespmem:$0x1FCB0] =	vst v23  }
0x1b9: {  	v46 =	vld [tilespmem:s0+$0x5F0];
	_ =	swait.ge [sflag:s31], $0x1400  }
0x1ba: {  	[sflag:s31] =	ssyncset.done $0x0  }
0x1bb: {  	s0 =	simm.s32 $0x0;
	[sflag:s31] =	ssyncadd.s32 $0xFFFFEC00  }
0x1bc: {  	v25 =	vld [tilespmem:s0+$0x1980]  }
0x1bd: {  	v26 =	vld [tilespmem:s0+$0x1990]  }
0x1be: {  	v27 =	vld [tilespmem:s0+$0x19A0]  }
0x1bf: {  	v29 =	vld [tilespmem:s0+$0x19B0]  }
0x1c0: {  	v22 =	vld [tilespmem:s0+$0x19C0]  }
0x1c1: {  	v23 =	vld [tilespmem:s0+$0x19D0]  }
0x1c2: {  	v7 =	vld [tilespmem:s0+$0x1900]  }
0x1c3: {  	v63 =	vld [tilespmem:s0+$0x1910]  }
0x1c4: {  	v4 =	vadd.f32 v36, v4;
	v36 =	vld [tilespmem:s0+$0x1920]  }
0x1c5: {  	v3 =	vadd.f32 v44, v3;
	v9 =	vadd.f32 v35, v9;
	v35 =	vld [tilespmem:s0+$0x1930]  }
0x1c6: {  	v5 =	vadd.f32 v43, v5;
	v44 =	vadd.f32 v24, v4;
	v24 =	vld [tilespmem:s0+$0x1940]  }
0x1c7: {  	v21 =	vadd.f32 v21, v3;
	v0 =	vadd.f32 v0, v31;
	v4 =	vld [tilespmem:s0+$0x1880]  }
0x1c8: {  	v43 =	vadd.f32 v42, v5;
	v42 =	vadd.f32 v45, v9;
	v5 =	vld [tilespmem:s0+$0x1890]  }
0x1c9: {  	v1 =	vadd.f32 v1, v34;
	v2 =	vadd.f32 v2, v32;
	v9 =	vld [tilespmem:s0+$0x1800]  }
0x1ca: {  	v0 =	vadd.f32 v38, v0;
	v3 =	vadd.f32 v10, v33;
	v10 =	vld [tilespmem:s0+$0x1810]  }
0x1cb: {  	v1 =	vadd.f32 v62, v1;
	v2 =	vadd.f32 v11, v2;
	v11 =	vld [tilespmem:s0+$0x1820]  }
0x1cc: {  	v0 =	vadd.f32 v41, v0;
	v3 =	vadd.f32 v17, v3;
	v17 =	vld [tilespmem:s0+$0x1830]  }
0x1cd: {  	v1 =	vadd.f32 v28, v1;
	v2 =	vadd.f32 v19, v2;
	v19 =	vld [tilespmem:s0+$0x18A0]  }
0x1ce: {  	v3 =	vadd.f32 v30, v3;
	v30 =	vld [tilespmem:s0+$0x18B0]  }
0x1cf: {  	v45 =	vadd.f32 v39, v0;
	v41 =	vadd.f32 v40, v1;
	v28 =	vld [tilespmem:s0+$0x1950]  }
0x1d0: {  	v31 =	vimm.f32 $0.0e+00;
	v40 =	vadd.f32 v37, v2;
	v39 =	vadd.f32 v46, v3;
	v0 =	vld [tilespmem:s0+$0x18C0]  }
0x1d1: {  	v2 =	vld [tilespmem:s0+$0x18D0];
	v1 =	vadd.f32 v9, v31;
	v9 =	vadd.f32 v10, v31  }
0x1d2: {  	v34 =	vimm.f32 $0.0e+00;
	v3 =	vld [tilespmem:s0+$0x1840];
	v62 =	vadd.f32 v11, v31;
	v17 =	vadd.f32 v17, v31  }
0x1d3: {  	v32 =	vimm.f32 $0.0e+00;
	v11 =	vadd.f32 v4, v1;
	v10 =	vadd.f32 v5, v9;
	v4 =	vld [tilespmem:s0+$0x1850]  }
0x1d4: {  	s2 =	simm.s32 $0x800;
	v33 =	vimm.f32 $0.0e+00;
	v1 =	vadd.f32 v19, v62;
	v9 =	vadd.f32 v30, v17;
	v5 =	vld [tilespmem:s0+$0x1860]  }
.LBB2_10:
0x1d5: {  	p0 =	sne.s32 s2, $0x4800;
	v17 =	vld [tilespmem:s0+$0x1870];
	v7 =	vadd.f32 v7, v11;
	v10 =	vadd.f32 v63, v10  }
0x1d6: {  	v11 =	vld [tilespmem:s0+$0x18E0];
	v1 =	vadd.f32 v36, v1;
	v9 =	vadd.f32 v35, v9  }
0x1d7: {  	v19 =	vld [tilespmem:s0+$0x18F0];
	v30 =	vadd.f32 v25, v7;
	v10 =	vadd.f32 v26, v10  }
0x1d8: {  	v7 =	vld [tilespmem:s0+$0x1960];
	v1 =	vadd.f32 v27, v1;
	v9 =	vadd.f32 v29, v9  }
0x1d9: {  	v3 =	vadd.f32 v3, v31;
	v4 =	vadd.f32 v4, v34;
	v29 =	vld [tilespmem:s0+$0x1970]  }
0x1da: {  	v5 =	vadd.f32 v5, v33;
	v17 =	vadd.f32 v17, v32;
	v32 =	vld [tilespmem:s0+$0x19E0]  }
0x1db: {  	v0 =	vadd.f32 v0, v3;
	v2 =	vadd.f32 v2, v4;
	v3 =	vld [tilespmem:s0+$0x19F0];
	s0 =	sshra.s32 s2, $0x2  }
0x1dc: {  	v4 =	vadd.f32 v11, v5;
	v25 =	vld [tilespmem:s0+$0x1980];
	v5 =	vadd.f32 v19, v17  }
0x1dd: {  	v0 =	vadd.f32 v24, v0;
	v2 =	vadd.f32 v28, v2;
	v26 =	vld [tilespmem:s0+$0x1990]  }
0x1de: {  	v4 =	vadd.f32 v7, v4;
	v27 =	vld [tilespmem:s0+$0x19A0];
	v5 =	vadd.f32 v29, v5  }
0x1df: {  	v31 =	vadd.f32 v22, v0;
	v34 =	vadd.f32 v23, v2;
	v29 =	vld [tilespmem:s0+$0x19B0]  }
0x1e0: {  	v33 =	vadd.f32 v32, v4;
	v22 =	vld [tilespmem:s0+$0x19C0];
	v32 =	vadd.f32 v3, v5  }
0x1e1: {  	v23 =	vld [tilespmem:s0+$0x19D0]  }
0x1e2: {  	v7 =	vld [tilespmem:s0+$0x1900]  }
0x1e3: {  	v63 =	vld [tilespmem:s0+$0x1910]  }
0x1e4: {  	v36 =	vld [tilespmem:s0+$0x1920]  }
0x1e5: {  	v35 =	vld [tilespmem:s0+$0x1930]  }
0x1e6: {  	v24 =	vld [tilespmem:s0+$0x1940]  }
0x1e7: {  	v28 =	vld [tilespmem:s0+$0x1950]  }
0x1e8: {  	v5 =	vld [tilespmem:s0+$0x1880]  }
0x1e9: {  	v17 =	vld [tilespmem:s0+$0x1890]  }
0x1ea: {  	v2 =	vld [tilespmem:s0+$0x1800]  }
0x1eb: {  	v3 =	vld [tilespmem:s0+$0x1810]  }
0x1ec: {  	v4 =	vld [tilespmem:s0+$0x1820]  }
0x1ed: {  	v11 =	vld [tilespmem:s0+$0x1830]  }
0x1ee: {  	v19 =	vld [tilespmem:s0+$0x18A0]  }
0x1ef: {  	v37 =	vld [tilespmem:s0+$0x18B0]  }
.Ltmp4:
0x1f0: {  	v0 =	vld [tilespmem:s0+$0x18C0];
	(pc) =	sbr.rel @p0 .LBB2_10-.Ltmp4, $4  }
0x1f1: {  	v30 =	vadd.f32 v2, v30;
	v10 =	vadd.f32 v3, v10;
	v2 =	vld [tilespmem:s0+$0x18D0]  }
0x1f2: {  	v1 =	vadd.f32 v4, v1;
	v9 =	vadd.f32 v11, v9;
	v3 =	vld [tilespmem:s0+$0x1840]  }
0x1f3: {  	v11 =	vadd.f32 v5, v30;
	v10 =	vadd.f32 v17, v10;
	v4 =	vld [tilespmem:s0+$0x1850]  }
0x1f4: {  	s2 =	sadd.s32 $0x800, s2;
	v1 =	vadd.f32 v19, v1;
	v5 =	vld [tilespmem:s0+$0x1860];
	v9 =	vadd.f32 v37, v9  }
0x1f5: {  	v17 =	vld [tilespmem:$0x1FD20]  }
0x1f6: {  	v30 =	vld [tilespmem:$0x1FD30];
	_ =	sdelay $0x1  }
0x1f7: {  	v38 =	vld [tilespmem:$0x1FD40];
	_ =	sdelay $0x1  }
0x1f8: {  	v46 =	vld [tilespmem:$0x1FD50]  }
0x1f9: {  	vm8 =	vgt.s32 v17, $0x0;
	vm9 =	vgt.s32 v30, $0x0  }
0x1fa: {  	v62 =	vld [tilespmem:$0x1FD60];
	v37 =	vsel vm8, $0x3F800000, v6;
	v19 =	vsel vm9, $0x3F800000, v6  }
0x1fb: {  	vm14 =	vgt.s32 v38, $0x0;
	v17 =	vadd.f32 v19, v37  }
0x1fc: {  	v30 =	vld [tilespmem:$0x1FD70];
	v19 =	vsel vm14, $0x3F800000, v6  }
0x1fd: {  	vm15 =	vgt.s32 v46, $0x0;
	v17 =	vadd.f32 v19, v17  }
0x1fe: {  	v37 =	vld [tilespmem:$0x1FD80];
	v19 =	vsel vm15, $0x3F800000, v6  }
0x1ff: {  	vm12 =	vgt.s32 v62, $0x0;
	v17 =	vadd.f32 v19, v17  }
0x200: {  	v38 =	vld [tilespmem:$0x1FD90];
	v19 =	vsel vm12, $0x3F800000, v6  }
0x201: {  	vm13 =	vgt.s32 v30, $0x0;
	v17 =	vadd.f32 v19, v17  }
0x202: {  	v46 =	vld [tilespmem:$0x1FDA0];
	v19 =	vsel vm13, $0x3F800000, v6  }
0x203: {  	vm14 =	vgt.s32 v37, $0x0;
	v17 =	vadd.f32 v19, v17  }
0x204: {  	v62 =	vld [tilespmem:$0x1FDB0];
	v19 =	vsel vm14, $0x3F800000, v6  }
0x205: {  	vm15 =	vgt.s32 v38, $0x0;
	v17 =	vadd.f32 v19, v17  }
0x206: {  	v30 =	vld [tilespmem:$0x1FDC0];
	v19 =	vsel vm15, $0x3F800000, v6  }
0x207: {  	vm12 =	vgt.s32 v46, $0x0;
	v17 =	vadd.f32 v19, v17  }
0x208: {  	v37 =	vld [tilespmem:$0x1FDD0];
	v19 =	vsel vm12, $0x3F800000, v6  }
0x209: {  	vm13 =	vgt.s32 v62, $0x0;
	v17 =	vadd.f32 v19, v17  }
0x20a: {  	v38 =	vld [tilespmem:$0x1FDE0];
	v19 =	vsel vm13, $0x3F800000, v6  }
0x20b: {  	vm14 =	vgt.s32 v30, $0x0;
	v17 =	vadd.f32 v19, v17  }
0x20c: {  	v46 =	vld [tilespmem:$0x1FDF0];
	v19 =	vsel vm14, $0x3F800000, v6  }
0x20d: {  	vm15 =	vgt.s32 v37, $0x0;
	v17 =	vadd.f32 v19, v17  }
0x20e: {  	v62 =	vld [tilespmem:$0x1FE00];
	v19 =	vsel vm15, $0x3F800000, v6  }
0x20f: {  	vm12 =	vgt.s32 v38, $0x0;
	v17 =	vadd.f32 v19, v17  }
0x210: {  	v30 =	vld [tilespmem:$0x1FE10];
	v19 =	vsel vm12, $0x3F800000, v6  }
0x211: {  	vm13 =	vgt.s32 v46, $0x0;
	v17 =	vadd.f32 v19, v17  }
0x212: {  	v37 =	vld [tilespmem:$0x1FE20];
	v19 =	vsel vm13, $0x3F800000, v6  }
0x213: {  	vm14 =	vgt.s32 v62, $0x0;
	v17 =	vadd.f32 v19, v17  }
0x214: {  	v38 =	vld [tilespmem:$0x1FE30];
	v19 =	vsel vm14, $0x3F800000, v6  }
0x215: {  	vm15 =	vgt.s32 v30, $0x0;
	v17 =	vadd.f32 v19, v17  }
0x216: {  	v46 =	vld [tilespmem:$0x1FE40];
	v19 =	vsel vm15, $0x3F800000, v6  }
0x217: {  	vm12 =	vgt.s32 v37, $0x0;
	v17 =	vadd.f32 v19, v17  }
0x218: {  	v62 =	vld [tilespmem:$0x1FE50];
	v19 =	vsel vm12, $0x3F800000, v6  }
0x219: {  	vm13 =	vgt.s32 v38, $0x0;
	v17 =	vadd.f32 v19, v17  }
0x21a: {  	v19 =	vsel vm13, $0x3F800000, v6  }
0x21b: {  	vm14 =	vgt.s32 v46, $0x0;
	v17 =	vadd.f32 v19, v17  }
0x21c: {  	v19 =	vsel vm14, $0x3F800000, v6  }
0x21d: {  	v7 =	vadd.f32 v7, v11;
	vm15 =	vgt.s32 v62, $0x0;
	v17 =	vadd.f32 v19, v17  }
0x21e: {  	v30 =	vld [tilespmem:$0x1FE60];
	v19 =	vsel vm15, $0x3F800000, v6  }
0x21f: {  	v17 =	vadd.f32 v19, v17;
	v19 =	vadd.f32 v25, v7;
	v7 =	vld [tilespmem:$0x1FE80]  }
0x220: {  	v38 =	vld [tilespmem:$0x1FE70];
	_ =	sdelay $0x1  }
0x221: {  	v9 =	vadd.f32 v35, v9  }
0x222: {  	v46 =	vld [tilespmem:s0+$0x1870];
	vm12 =	vgt.s32 v30, $0x0  }
0x223: {  	v37 =	vsel vm12, $0x3F800000, v6;
	vm14 =	vgt.s32 v7, $0x0;
	v7 =	vadd.f32 v29, v9;
	v29 =	vld [tilespmem:$0x1FE90]  }
0x224: {  	v10 =	vadd.f32 v63, v10;
	vm13 =	vgt.s32 v38, $0x0;
	v11 =	vadd.f32 v37, v17  }
0x225: {  	v35 =	vld [tilespmem:$0x1FEA0];
	v17 =	vsel vm13, $0x3F800000, v6  }
0x226: {  	v25 =	vadd.f32 v26, v10;
	v10 =	vld [tilespmem:s0+$0x18E0];
	v11 =	vadd.f32 v17, v11  }
0x227: {  	v1 =	vadd.f32 v36, v1;
	v36 =	vld [tilespmem:s0+$0x1960];
	v4 =	vadd.f32 v4, v34;
	v62 =	vsel vm14, $0x3F800000, v6  }
0x228: {  	v17 =	vadd.f32 v46, v32;
	v46 =	vld [tilespmem:$0x1FEB0];
	v63 =	vadd.f32 v62, v11;
	vm15 =	vgt.s32 v29, $0x0  }
0x229: {  	v5 =	vadd.f32 v5, v33;
	v29 =	vld [tilespmem:$0x1FEC0];
	v34 =	vsel vm15, $0x3F800000, v6  }
0x22a: {  	v2 =	vadd.f32 v2, v4;
	v9 =	vadd.f32 v34, v63;
	v63 =	vld [tilespmem:s0+$0x19E0]  }
0x22b: {  	v3 =	vadd.f32 v3, v31;
	vm12 =	vgt.s32 v35, $0x0;
	v5 =	vadd.f32 v10, v5  }
0x22c: {  	v1 =	vadd.f32 v27, v1;
	v2 =	vadd.f32 v28, v2;
	v38 =	vsel vm12, $0x3F800000, v6;
	v32 =	vld [tilespmem:$0x1FED0]  }
0x22d: {  	v30 =	vld [tilespmem:s0+$0x18F0];
	v5 =	vadd.f32 v36, v5;
	vm13 =	vgt.s32 v46, $0x0;
	v4 =	vadd.f32 v38, v9  }
0x22e: {  	v0 =	vadd.f32 v0, v3;
	v3 =	vadd.f32 v23, v2;
	v27 =	vsel vm13, $0x3F800000, v6;
	v34 =	vld [tilespmem:$0x1FEE0]  }
0x22f: {  	vm14 =	vgt.s32 v29, $0x0;
	v4 =	vadd.f32 v27, v4;
	v2 =	vadd.f32 v63, v5;
	v5 =	vld [tilespmem:$0x1FBC0]  }
0x230: {  	v31 =	vsel vm14, $0x3F800000, v6  }
0x231: {  	vm15 =	vgt.s32 v32, $0x0;
	v4 =	vadd.f32 v31, v4  }
0x232: {  	v35 =	vld [tilespmem:$0x1FBE0];
	v33 =	vsel vm15, $0x3F800000, v6  }
0x233: {  	v37 =	vld [tilespmem:s0+$0x1970];
	vm12 =	vgt.s32 v34, $0x0;
	v4 =	vadd.f32 v33, v4  }
0x234: {  	v62 =	vadd.f32 v30, v17;
	v30 =	vld [tilespmem:s0+$0x19F0];
	vm13 =	vgt.s32 v5, $0x0;
	v5 =	vsel vm12, $0x3F800000, v6  }
0x235: {  	v4 =	vadd.f32 v5, v4;
	v5 =	vld [tilespmem:$0x1FEF0]  }
0x236: {  	v36 =	vld [tilespmem:$0x1FBD0];
	_ =	sdelay $0x1  }
0x237: {  	v32 =	vld [tilespmem:$0x1FC60];
	vm15 =	vgt.s32 v35, $0x0  }
0x238: {  	v0 =	vadd.f32 v24, v0;
	v35 =	vld [tilespmem:$0x1FF90];
	v10 =	vsel vm15, $0x3F800000, v6;
	v9 =	vadd.f32 v37, v62  }
0x239: {  	v38 =	vld [tilespmem:$0x1FBF0];
	v46 =	vmul.f32 v10, v44;
	vm14 =	vgt.s32 v5, $0x0;
	v5 =	vsel vm13, $0x3F800000, v6  }
0x23a: {  	v24 =	vadd.f32 v22, v0;
	v62 =	vld [tilespmem:$0x1FC30];
	v0 =	vadd.f32 v30, v9;
	v9 =	vmul.f32 v36, v5  }
0x23b: {  	v44 =	vld [tilespmem:$0x1FC90];
	v17 =	vadd.f32 v46, v55;
	v37 =	vsel vm14, $0x3F800000, v6  }
0x23c: {  	v46 =	vld [tilespmem:$0x1FCB0];
	v22 =	vadd.f32 v37, v4;
	v4 =	vmul.f32 v5, v21;
	v9 =	vnsel vm4, $0x0, v9  }
0x23d: {  	v9 =	vadd.f32 v9, v54;
	v54 =	vld [tilespmem:$0x1FC10]  }
0x23e: {  	v8 =	vadd.s32 $0xFFFFFC40, v8;
	v11 =	vmul.f32 v38, v10;
	v4 =	vadd.f32 v4, v56;
	v56 =	vld [tilespmem:$0x1FC40]  }
0x23f: {  	v16 =	vadd.s32 $0xFFFFFC40, v16;
	v14 =	vadd.s32 $0xFFFFFC40, v14;
	vm8 =	vlt.u32 v8, $0x28;
	v30 =	vld [tilespmem:$0x1FFA0]  }
0x240: {  	vm15 =	vlt.u32 v14, $0x28;
	v31 =	vld [tilespmem:$0x1FC70];
	v38 =	vor.u32 $0xFFFE2000, v52;
	v11 =	vnsel vm5, $0x0, v11  }
0x241: {  	v34 =	vld [tilespmem:$0x1FF50];
	v11 =	vadd.f32 v11, v53;
	vm12 =	vlt.u32 v16, $0x28;
	vm14 =	vgt.s32 v46, $0x0  }
0x242: {  	v53 =	vld [tilespmem:$0x1FC80];
	vm13 =	vgt.s32 v44, $0x0;
	v14 =	vsel vm14, $0x3F800000, v6;
	vm9 =	vgt.s32 v54, $0x0  }
0x243: {  	v44 =	vld [tilespmem:$0x1FCC0];
	vm10 =	vgt.s32 v56, $0x0;
	v56 =	vmul.f32 v14, v40;
	v21 =	vsel vm9, $0x3F800000, v6  }
0x244: {  	v37 =	vld [tilespmem:$0x1FF40];
	v27 =	vsel vm10, $0x3F800000, v6;
	v23 =	vmul.f32 v62, v21;
	v63 =	vmul.f32 v21, v43  }
0x245: {  	vm11 =	vgt.s32 v31, $0x0;
	v54 =	vld [tilespmem:$0x1FCA0];
	v28 =	vmul.f32 v32, v27;
	v33 =	vmul.f32 v27, v42  }
0x246: {  	v40 =	vld [tilespmem:$0x1FF30];
	v43 =	vadd.s32 v38, v18;
	v62 =	vadd.s32 $0xFFFFFC40, v59;
	v1 =	vmul.f32 v1, v21  }
0x247: {  	v7 =	vmul.f32 v7, v27;
	v16 =	vsel vm12, v43, v52;
	v26 =	vadd.f32 v63, v30;
	v63 =	vld [tilespmem:$0x1FFF0]  }
0x248: {  	v42 =	vld [tilespmem:$0x1FF80];
	vm10 =	vlt.u32 v62, $0x28;
	v23 =	vnsel vm6, $0x0, v23;
	v30 =	vsel vm11, $0x3F800000, v6  }
0x249: {  	v38 =	vld [tilespmem:$0x1FFB0];
	v29 =	vadd.f32 v33, v35;
	v28 =	vnsel vm7, $0x0, v28;
	v23 =	vadd.f32 v23, v34  }
0x24a: {  	v43 =	vld [tilespmem:$0x1FF60];
	v36 =	vmul.f32 v30, v45;
	v28 =	vadd.f32 v28, v37;
	v45 =	vor.u32 $0xFFFE2010, v52  }
0x24b: {  	v32 =	vmul.f32 v53, v30;
	v37 =	vld [tilespmem:$0x1FCD0];
	v53 =	vadd.s32 $0xFFFFFC40, v61;
	v18 =	vadd.s32 v45, v20  }
0x24c: {  	v46 =	vld [tilespmem:$0x1FCE0];
	v20 =	vsel vm13, $0x3F800000, v6;
	v45 =	vor.u32 $0xFFFE2020, v52;
	v18 =	vsel vm15, v18, v63  }
0x24d: {  	vm9 =	vlt.u32 v53, $0x28;
	v31 =	vadd.f32 v36, v42;
	v55 =	vmul.f32 v20, v41;
	v41 =	vld [tilespmem:$0x1FF70]  }
0x24e: {  	v33 =	vmul.f32 v54, v20;
	v32 =	vnsel vm1, $0x0, v32;
	v42 =	vld [tilespmem:$0x1FF20];
	v36 =	vmul.f32 v44, v14  }
0x24f: {  	v15 =	vadd.s32 v45, v15;
	v54 =	vor.u32 $0xFFFE2030, v52;
	v32 =	vadd.f32 v32, v40;
	v16 =	vld.idx.msk [tilespmem:v16+s29+$0x0], $0xffff  }
0x250: {  	v35 =	vadd.f32 v56, v43;
	v15 =	vsel vm8, v15, v38;
	v56 =	vld [tilespmem:$0x1FFC0];
	vm7 =	vgt.s32 v37, $0x0  }
0x251: {  	v13 =	vadd.s32 v54, v13;
	v36 =	vnsel vm2, $0x0, v36;
	v8 =	vsel vm7, $0x3F800000, v6;
	v18 =	vld.idx.msk [tilespmem:v18+s29+$0x0], $0xffff  }
0x252: {  	v38 =	vor.u32 $0xFFFE2040, v52;
	v36 =	vadd.f32 v36, v51;
	v51 =	vmul.f32 v8, v39;
	v39 =	vld [tilespmem:$0x1FC00]  }
0x253: {  	v40 =	vld [tilespmem:$0x1FFD0];
	v33 =	vnsel vm3, $0x0, v33;
	v34 =	vadd.f32 v55, v41;
	v37 =	vmul.f32 v46, v8  }
0x254: {  	v43 =	vld [tilespmem:$0x1FC20];
	v33 =	vadd.f32 v33, v42;
	v16 =	vmul.f32 v16, v5;
	v5 =	vmul.f32 v19, v5  }
0x255: {  	v44 =	vld [tilespmem:$0x1FFE0];
	v41 =	vadd.s32 $0xFFFFFC40, v57;
	v42 =	vor.u32 $0xFFFE2050, v52;
	v13 =	vsel vm9, v13, v56  }
0x256: {  	v4 =	vadd.f32 v5, v4;
	v5 =	vnsel vm12, $0x0, v16;
	v61 =	vmul.f32 v18, v10  }
0x257: {  	vm11 =	vlt.u32 v41, $0x28;
	v5 =	vadd.f32 v5, v9;
	v9 =	vadd.s32 v38, v39  }
0x258: {  	v15 =	vld.idx.msk [tilespmem:v15+s29+$0x0], $0xffff;
	v55 =	vnsel vm0, $0x0, v37;
	v9 =	vsel vm10, v9, v40;
	v16 =	vnsel vm15, $0x0, v61  }
0x259: {  	v19 =	vadd.f32 v55, v47;
	v47 =	vld [tilespmem:$0x1FC50];
	v11 =	vadd.f32 v16, v11;
	v16 =	vadd.s32 v42, v43  }
0x25a: {  	v16 =	vsel vm11, v16, v44  }
0x25b: {  	v1 =	vadd.f32 v1, v26;
	v7 =	vadd.f32 v7, v29;
	v13 =	vld.idx.msk [tilespmem:v13+s29+$0x0], $0xffff  }
0x25c: {  	v45 =	vadd.s32 $0xFFFFFC40, v58;
	v46 =	vor.u32 $0xFFFE2060, v52;
	v10 =	vmul.f32 v25, v10  }
0x25d: {  	v37 =	vadd.f32 v51, v50;
	v50 =	vor.u32 $0xFFFE2070, v52;
	vm12 =	vlt.u32 v45, $0x28;
	v9 =	vld.idx.msk [tilespmem:v9+s29+$0x0], $0xffff  }
0x25e: {  	v15 =	vmul.f32 v15, v21;
	v10 =	vadd.f32 v10, v17;
	v17 =	vadd.s32 v46, v47  }
0x25f: {  	v12 =	vadd.s32 v50, v12;
	v17 =	vsel vm12, v17, v48;
	v48 =	vadd.s32 $0xFFFFFC40, v60;
	v16 =	vld.idx.msk [tilespmem:v16+s29+$0x0], $0xffff  }
0x260: {  	v15 =	vnsel vm8, $0x0, v15;
	vm13 =	vlt.u32 v48, $0x28;
	v13 =	vmul.f32 v13, v27  }
0x261: {  	v15 =	vadd.f32 v15, v23;
	v12 =	vsel vm13, v12, v49;
	v5 =	vadd.f32 v11, v5  }
0x262: {  	v4 =	vadd.f32 v10, v4;
	v13 =	vnsel vm9, $0x0, v13;
	v9 =	vmul.f32 v9, v30  }
0x263: {  	v51 =	vmul.f32 v24, v30;
	v13 =	vadd.f32 v13, v28;
	v5 =	vadd.f32 v15, v5  }
0x264: {  	v1 =	vadd.f32 v1, v4;
	v53 =	vld.idx.msk [tilespmem:v17+s29+$0x0], $0xffff;
	v4 =	vnsel vm10, $0x0, v9;
	v56 =	vmul.f32 v16, v20  }
0x265: {  	v3 =	vmul.f32 v3, v20;
	v5 =	vadd.f32 v13, v5;
	v4 =	vadd.f32 v4, v32  }
0x266: {  	v54 =	vadd.f32 v51, v31;
	v1 =	vadd.f32 v7, v1;
	v55 =	vld.idx.msk [tilespmem:v12+s29+$0x0], $0xffff;
	v7 =	vnsel vm11, $0x0, v56  }
0x267: {  	v4 =	vadd.f32 v4, v5;
	v7 =	vadd.f32 v7, v33  }
0x268: {  	v2 =	vmul.f32 v2, v14;
	v3 =	vadd.f32 v3, v34  }
0x269: {  	v1 =	vadd.f32 v54, v1;
	v10 =	vmul.f32 v53, v14;
	v57 =	vadd.f32 v7, v4;
	v7 =	vld [tilespmem:$0x1FF00]  }
0x26a: {  	v2 =	vadd.f32 v2, v35;
	v0 =	vmul.f32 v0, v8  }
0x26b: {  	v61 =	vld [tilespmem:$0x1FF10];
	v1 =	vadd.f32 v3, v1;
	v5 =	vnsel vm12, $0x0, v10;
	v9 =	vmul.f32 v55, v8  }
0x26c: {  	v5 =	vadd.f32 v5, v36  }
0x26d: {  	v0 =	vadd.f32 v0, v37;
	v1 =	vadd.f32 v2, v1;
	v4 =	vnsel vm13, $0x0, v9  }
0x26e: {  	v4 =	vadd.f32 v4, v19;
	v58 =	vadd.f32 v5, v57;
	vm14 =	vgt.s32 v7, $0x0  }
0x26f: {  	v0 =	vadd.f32 v0, v1;
	v59 =	vsel vm14, $0x3F800000, v6  }
0x270: {  	vm15 =	vgt.s32 v61, $0x0;
	v60 =	vadd.f32 v4, v58;
	v3 =	vadd.f32 v59, v22  }
0x271: {  	v2 =	vsel vm15, $0x3F800000, v6  }
0x272: {  	v0 =	vmul.f32 $-1.001001000e-04, v0;
	v1 =	vmul.f32 $-8.998998990e-01, v60;
	v2 =	vadd.f32 v2, v3;
	_ =	sdelay $0x1  }
0x273: {  	v0 =	vadd.f32 v1, v0;
	v62 =	vmul.f32 $-1.015758400e+00, v2;
	_ =	sdelay $0x1  }
0x274: {  	v0 =	vadd.f32 v62, v0;
	_ =	sdelay $0x1  }
0x275: {  	s24 =	simm.s32 $0x2C00;
	[tilespmem:$0x2C00] =	vst v0  }
0x276: {  	[hbm4b:s15+s3] =	stream.linear.scatter [tilespmem:s24], [sflag:$0x3], $0x10, $0x38;
	[tilespmem:$0x2D00] =	vst v63  }
0x277: {  	_ =	swait.ge [sflag:s18], $0x10  }
0x278: {  	s19 =	sadd.s32 $0x1, s19;
	[sflag:s18] =	ssyncset.done $0x0  }
0x279: {  	p0 =	sne.s32 s19, s17;
	[sflag:s18] =	ssyncadd.s32 $0xFFFFFFF0  }
.Ltmp5:
0x27a: {  	s25 =	simm.s32 $0x2C80;
	[tilespmem:$0x2C80] =	vst v2;
	(pc) =	sbr.rel @p0 .LBB2_1-.Ltmp5, $4  }
0x27b: {  	[hbm4b:s16+s3] =	stream.linear.scatter [tilespmem:s25], [sflag:$0x3], $0x10, $0x38;
	[tilespmem:$0x2D00] =	vst v63  }
0x27c: {  	_ =	swait.ge [sflag:s18], $0x10  }
0x27d: {  	[sflag:s18] =	ssyncset.done $0x0  }
0x27e: {  	[sflag:s18] =	ssyncadd.s32 $0xFFFFFFF0  }
0x27f: {  	_ =	sfence.sel $0x180000  }
0x280: {  	[bflag:$0x0] =	sbarrier.arrive $0xFFFF  }
0x281: {  	_ =	strace $0x90000047  }
0x282: {  	s0 =	stileid.u32;
	[bflag:$0x2] =	sbarrier.arrive $0xFFFF  }
0x283: {  	p0 =	sne.s32 s0, $0x0;
	s0 =	rddreg [dreg:$0x2]  }
0x284: {  	s0 =	sadd.s32 @!p0 $0x100000, s0  }
0x285: {  	[sflag:s0] =	ssyncadd.tile.s32 @!p0 $0x1;
	_ =	shalt  }
.Lfunc_end2:
_tile_overlayer_lowered:
.L_overlay_start_2:
0x286: {  	(tag) =	ssettag $0x2  }
0x287: {  	s0 =	rddreg [dreg:$0x0];
	s2 =	stileid.u32  }
0x288: {  	s1 =	rddreg [dreg:$0x1];
	p0 =	sne.s32 s2, $0x0  }
0x289: {  	s3 =	rddreg [dreg:$0x2];
	[bflag:$0x3] =	sbarrier.arrive $0xFFFF;
	s2 =	simm.s32 @!p0 $0x1C03  }
0x28a: {  	[timem:s3], [sflag:s2] =	dma.local @!p0 [hbm:s0], s1  }
0x28b: {  	s0 =	simm.s32 @!p0 $0x3  }
0x28c: {  	_ =	swait.ge @!p0 [sflag:s0], s1  }
0x28d: {  	s1 =	ssub.s32 @!p0 $0x0, s1;
	[sflag:s0] =	ssyncset.done @!p0 $0x0  }
0x28e: {  	[sflag:s0] =	ssyncadd.s32 @!p0 s1  }
0x28f: {  	[bflag:$0x3] =	sbarrier.arrive $0xFFFF  }
0x290: {  	_ =	shalt  }

</sc_bundles>
